<compile_context>
chip_gen: v7x
topology: tpu7x:2x2x1
jax: 0.10.2.dev20260603
libtpu: 0.0.44.dev20260713+nightly
codegen_flags: <defaults>
</compile_context>

<pallas_src>
import functools

import jax
import jax.numpy as jnp
import numpy as np
from jax import lax
from jax.experimental import pallas as pl
from jax.experimental.pallas import tpu as pltpu
from jax.experimental.pallas import tpu_sc as plsc

N = 10000
E = 320000
F = 128
HEADS = 16
CH = 8
NC = 2
NS = 16
NW = NC * NS
EPW = E // NW
K = 40
NCH_E = EPW // K

_j = np.arange(F)
_PERM = (_j % HEADS) * CH + (_j // HEADS)

_ROW_BLK = 1000
_GRID = N // _ROW_BLK


def _perm_np():
    return _PERM



def _proj_body(x_ref, wl_ref, wr_ref, bl_ref, br_ref, xl_ref, xr_ref):
    xb = x_ref[...]
    xl_ref[...] = lax.dot_general(
        xb, wl_ref[...], (((1,), (1,)), ((), ())),
        preferred_element_type=jnp.float32) + bl_ref[...]
    xr_ref[...] = lax.dot_general(
        xb, wr_ref[...], (((1,), (1,)), ((), ())),
        preferred_element_type=jnp.float32) + br_ref[...]


def _tc_proj(x, wl, wr, bl, br):
    return pl.pallas_call(
        _proj_body,
        grid=(_GRID,),
        in_specs=[
            pl.BlockSpec((_ROW_BLK, F), lambda i: (i, 0)),
            pl.BlockSpec((F, F), lambda i: (0, 0)),
            pl.BlockSpec((F, F), lambda i: (0, 0)),
            pl.BlockSpec((1, F), lambda i: (0, 0)),
            pl.BlockSpec((1, F), lambda i: (0, 0)),
        ],
        out_specs=[
            pl.BlockSpec((_ROW_BLK, F), lambda i: (i, 0)),
            pl.BlockSpec((_ROW_BLK, F), lambda i: (i, 0)),
        ],
        out_shape=[
            jax.ShapeDtypeStruct((N, F), jnp.float32),
            jax.ShapeDtypeStruct((N, F), jnp.float32),
        ],
    )(x, wl, wr, bl, br)


def _mid_body(acc_ref, den_ref, t_ref, b1_ref, wl_ref, wr_ref, bl_ref,
              br_ref, xl_ref, xr_ref):
    a = acc_ref[0] + acc_ref[1]
    d = den_ref[0] + den_ref[1]
    denb = lax.dot_general(d, t_ref[...], (((1,), (0,)), ((), ())),
                           preferred_element_type=jnp.float32)
    h = a / (denb + 1e-16) + b1_ref[...]
    h = jnp.maximum(h, 0.0) + (jnp.exp(jnp.minimum(h, 0.0)) - 1.0)
    xl_ref[...] = lax.dot_general(
        h, wl_ref[...], (((1,), (1,)), ((), ())),
        preferred_element_type=jnp.float32) + bl_ref[...]
    xr_ref[...] = lax.dot_general(
        h, wr_ref[...], (((1,), (1,)), ((), ())),
        preferred_element_type=jnp.float32) + br_ref[...]


def _tc_mid(acc2, den2, t, b1, wl, wr, bl, br):
    return pl.pallas_call(
        _mid_body,
        grid=(_GRID,),
        in_specs=[
            pl.BlockSpec((NC, _ROW_BLK, F), lambda i: (0, i, 0)),
            pl.BlockSpec((NC, _ROW_BLK, HEADS), lambda i: (0, i, 0)),
            pl.BlockSpec((HEADS, F), lambda i: (0, 0)),
            pl.BlockSpec((1, F), lambda i: (0, 0)),
            pl.BlockSpec((F, F), lambda i: (0, 0)),
            pl.BlockSpec((F, F), lambda i: (0, 0)),
            pl.BlockSpec((1, F), lambda i: (0, 0)),
            pl.BlockSpec((1, F), lambda i: (0, 0)),
        ],
        out_specs=[
            pl.BlockSpec((_ROW_BLK, F), lambda i: (i, 0)),
            pl.BlockSpec((_ROW_BLK, F), lambda i: (i, 0)),
        ],
        out_shape=[
            jax.ShapeDtypeStruct((N, F), jnp.float32),
            jax.ShapeDtypeStruct((N, F), jnp.float32),
        ],
    )(acc2, den2, t, b1, wl, wr, bl, br)


def _final_body(acc_ref, den_ref, t_ref, b2_ref, p_ref, out_ref):
    a = acc_ref[0] + acc_ref[1]
    d = den_ref[0] + den_ref[1]
    denb = lax.dot_general(d, t_ref[...], (((1,), (0,)), ((), ())),
                           preferred_element_type=jnp.float32)
    o = a / (denb + 1e-16) + b2_ref[...]
    o = o - jnp.max(o, axis=-1, keepdims=True)
    o = o - jnp.log(jnp.sum(jnp.exp(o), axis=-1, keepdims=True))
    out_ref[...] = lax.dot_general(o, p_ref[...], (((1,), (0,)), ((), ())),
                                   preferred_element_type=jnp.float32)


def _tc_final(acc2, den2, t, b2, p):
    return pl.pallas_call(
        _final_body,
        grid=(_GRID,),
        in_specs=[
            pl.BlockSpec((NC, _ROW_BLK, F), lambda i: (0, i, 0)),
            pl.BlockSpec((NC, _ROW_BLK, HEADS), lambda i: (0, i, 0)),
            pl.BlockSpec((HEADS, F), lambda i: (0, 0)),
            pl.BlockSpec((1, F), lambda i: (0, 0)),
            pl.BlockSpec((F, F), lambda i: (0, 0)),
        ],
        out_specs=pl.BlockSpec((_ROW_BLK, F), lambda i: (i, 0)),
        out_shape=jax.ShapeDtypeStruct((N, F), jnp.float32),
    )(acc2, den2, t, b2, p)



SROWS = 11280
NCH_Z = SROWS // K
KP = K + HEADS
NPAIR = NCH_E // 2


def _sc_edge_body(xl_hbm, xr_hbm, att_hbm, src_hbm, dst_hbm, out_hbm,
         ad_s,
         srcb0, srcb1, dstb0, dstb1, didxb0, didxb1, sdst0, sdst1,
         xlb0, xlb1, xrb0, xrb1, msgb0, msgb1, denb, attb,
         gl0, gl1, gr0, gr1, ms0, ms1):
    cid = lax.axis_index("c")
    sid = lax.axis_index("s")
    wid = cid * NS + sid
    base = wid * EPW

    pltpu.sync_copy(att_hbm, attb)
    att_vs = [attb[pl.ds(c * HEADS, HEADS)] for c in range(CH)]
    zero16 = jnp.zeros((HEADS,), jnp.float32)

    def zrow(i, carry):
        for c in range(CH):
            xlb0[i, pl.ds(c * HEADS, HEADS)] = zero16
        return carry

    lax.fori_loop(0, K, zrow, 0)

    def zchunk(j, carry):
        ch = sid + NS * j

        @pl.when(ch < NCH_Z)
        def _():
            pltpu.sync_copy(xlb0, ad_s.at[pl.ds(ch * K, K)])
        return carry

    lax.fori_loop(0, (NCH_Z + NS - 1) // NS, zchunk, 0)
    plsc.subcore_barrier()

    bufs = ((srcb0, dstb0, didxb0, sdst0, xlb0, xrb0, msgb0, gl0, gr0, ms0),
            (srcb1, dstb1, didxb1, sdst1, xlb1, xrb1, msgb1, gl1, gr1, ms1))

    def issue_gather(s, c):
        srcb, dstb, didxb, _, xlb, xrb, _, gl, gr, _ = bufs[s]
        eoff = base + c * K
        pltpu.sync_copy(src_hbm.at[pl.ds(eoff, K)], srcb)
        pltpu.sync_copy(dst_hbm.at[pl.ds(eoff, K)], dstb.at[pl.ds(0, K)])
        pltpu.async_copy(xl_hbm.at[srcb], xlb, gl)
        pltpu.async_copy(xr_hbm.at[dstb.at[pl.ds(0, K)]], xrb, gr)
        for g in (0, 1):
            dv = dstb[pl.ds(g * HEADS, HEADS)]
            didxb[pl.ds(g * HEADS, HEADS)] = N + (dv >> 3)
        dv = dstb[pl.ds(K - HEADS, HEADS)]
        didxb[pl.ds(K - HEADS, HEADS)] = N + (dv >> 3)

    def wait_gather(s):
        srcb, dstb, _, _, xlb, xrb, _, gl, gr, _ = bufs[s]
        pltpu.make_async_copy(xl_hbm.at[srcb], xlb, gl).wait()
        pltpu.make_async_copy(xr_hbm.at[dstb.at[pl.ds(0, K)]], xrb, gr).wait()

    def wait_msg_scatter(s):
        _, _, _, sdst, _, _, msgb, _, _, ms = bufs[s]
        pltpu.make_async_copy(msgb, ad_s.at[sdst], ms).wait()

    def process(s, j):
        srcb, dstb, didxb, sdst, xlb, xrb, msgb, _, _, ms = bufs[s]
        wait_gather(s)

        @plsc.parallel_loop(0, K, unroll=8)
        def edge_body(i):
            xls = [xlb[i, pl.ds(c * HEADS, HEADS)] for c in range(CH)]
            alpha = None
            for c in range(CH):
                sv = xls[c] + xrb[i, pl.ds(c * HEADS, HEADS)]
                ev = jnp.maximum(sv, sv * 0.2)
                tv = ev * att_vs[c]
                alpha = tv if alpha is None else alpha + tv
            ex = jnp.exp(alpha)
            for c in range(CH):
                msgb[i, pl.ds(c * HEADS, HEADS)] = xls[c] * ex
            d = dstb[pl.ds(i, HEADS)][0]
            slot = jnp.bitwise_and(d, CH - 1) * HEADS
            for c in range(CH):
                denb[i, pl.ds(c * HEADS, HEADS)] = zero16
            denb[i, pl.ds(slot, HEADS)] = ex
        sdst[pl.ds(0, HEADS)] = dstb[pl.ds(0, HEADS)]
        sdst[pl.ds(HEADS, HEADS)] = dstb[pl.ds(HEADS, HEADS)]
        sdst[pl.ds(K - HEADS, HEADS)] = dstb[pl.ds(K - HEADS, HEADS)]
        pltpu.sync_copy(denb, ad_s.at[didxb], add=True)
        pltpu.async_copy(msgb, ad_s.at[sdst], ms, add=True)

    issue_gather(0, 0)

    def pair_body(j, carry):
        @pl.when(j > 0)
        def _():
            wait_msg_scatter(1)
        issue_gather(1, 2 * j + 1)

        @pl.when(j > 0)
        def _():
            wait_msg_scatter(0)
        process(0, j)

        @pl.when(j < NPAIR - 1)
        def _():
            issue_gather(0, 2 * j + 2)
        process(1, j)
        return carry

    lax.fori_loop(0, NPAIR, pair_body, 0)
    wait_msg_scatter(0)
    wait_msg_scatter(1)
    plsc.subcore_barrier()

    def out_body(j, carry):
        ch = sid + NS * j

        @pl.when(ch < NCH_Z)
        def _():
            sl = pl.ds(ch * K, K)
            pltpu.sync_copy(ad_s.at[sl], xlb0)
            pltpu.sync_copy(xlb0, out_hbm.at[pl.ds(cid * SROWS + ch * K, K)])
        return carry

    lax.fori_loop(0, (NCH_Z + NS - 1) // NS, out_body, 0)



@functools.lru_cache(maxsize=1)
def _build_sc_edge_pass():
  return pl.kernel(
    _sc_edge_body,
    out_type=jax.ShapeDtypeStruct((NC * SROWS, F), jnp.float32),
    mesh=plsc.VectorSubcoreMesh(core_axis_name="c", subcore_axis_name="s",
                                num_cores=NC, num_subcores=NS),
    scratch_types=[
        pltpu.VMEM_SHARED((SROWS, F), jnp.float32),
        pltpu.VMEM((K,), jnp.int32), pltpu.VMEM((K,), jnp.int32),
        pltpu.VMEM((KP,), jnp.int32), pltpu.VMEM((KP,), jnp.int32),
        pltpu.VMEM((K,), jnp.int32), pltpu.VMEM((K,), jnp.int32),
        pltpu.VMEM((K,), jnp.int32), pltpu.VMEM((K,), jnp.int32),
        pltpu.VMEM((K, F), jnp.float32), pltpu.VMEM((K, F), jnp.float32),
        pltpu.VMEM((K, F), jnp.float32), pltpu.VMEM((K, F), jnp.float32),
        pltpu.VMEM((K, F), jnp.float32), pltpu.VMEM((K, F), jnp.float32),
        pltpu.VMEM((K, F), jnp.float32),
        pltpu.VMEM((F,), jnp.float32),
        pltpu.SemaphoreType.DMA, pltpu.SemaphoreType.DMA,
        pltpu.SemaphoreType.DMA, pltpu.SemaphoreType.DMA,
        pltpu.SemaphoreType.DMA, pltpu.SemaphoreType.DMA,
    ],
  )



def kernel(x, edge_index, Wl1, bl1, Wr1, br1, att1, bias1,
           Wl2, bl2, Wr2, br2, att2, bias2):
    perm = _PERM
    src = edge_index[0]
    dst = edge_index[1]

    wl1p = Wl1[perm]
    wr1p = Wr1[perm]
    bl1p = bl1[perm].reshape(1, F)
    br1p = br1[perm].reshape(1, F)
    att1cm = att1[0].T.reshape(F)
    b1cm = bias1[perm].reshape(1, F)

    wl2p = Wl2[perm][:, perm]
    wr2p = Wr2[perm][:, perm]
    bl2p = bl2[perm].reshape(1, F)
    br2p = br2[perm].reshape(1, F)
    att2cm = att2[0].T.reshape(F)
    b2cm = bias2[perm].reshape(1, F)

    t_np = np.zeros((HEADS, F), np.float32)
    t_np[_j % HEADS, _j] = 1.0
    t_mat = jnp.asarray(t_np)
    p_np = np.zeros((F, F), np.float32)
    p_np[_j, perm] = 1.0
    p_mat = jnp.asarray(p_np)
    def unpack(r):
        rr = r.reshape(NC, SROWS, F)
        acc2 = rr[:, :N, :]
        den2 = rr[:, N:N + N // CH, :].reshape(NC, N, HEADS)
        return acc2, den2

    sc_edge_pass = _build_sc_edge_pass()
    xl1, xr1 = _tc_proj(x, wl1p, wr1p, bl1p, br1p)
    acc2, den2 = unpack(sc_edge_pass(xl1, xr1, att1cm, src, dst))
    xl2, xr2 = _tc_mid(acc2, den2, t_mat, b1cm, wl2p, wr2p, bl2p, br2p)
    acc2b, den2b = unpack(sc_edge_pass(xl2, xr2, att2cm, src, dst))
    return _tc_final(acc2b, den2b, t_mat, b2cm, p_mat)

# --- scband reference (transcript-rebuilt; emitter-appended) ---
"""Pipeline reference for scband-gatv2-46299747451297 (READ-ONLY COPY).

The authoritative reference and input builder live on the scoring server;
editing this copy changes nothing except your own understanding.
"""

import jax, jax.numpy as jnp
import numpy as np

N = 10000
E = 320000
DIM_IN = 128
DIM_H = 8
DIM_OUT = 8
HEADS = 16


def setup_inputs(seed: int = 0):
    key = jax.random.key(seed)
    ks = jax.random.split(key, 16)
    x = jax.random.normal(ks[0], (N, DIM_IN), dtype=jnp.float32)
    edge_index = jax.random.randint(ks[1], (2, E), 0, N, dtype=jnp.int32)
    s1 = 1.0 / np.sqrt(DIM_IN)
    hid = DIM_H * HEADS
    s2 = 1.0 / np.sqrt(hid)
    Wl1 = jax.random.uniform(ks[2], (HEADS * DIM_H, DIM_IN), jnp.float32, -s1, s1)
    bl1 = jnp.zeros((HEADS * DIM_H,), jnp.float32)
    Wr1 = jax.random.uniform(ks[3], (HEADS * DIM_H, DIM_IN), jnp.float32, -s1, s1)
    br1 = jnp.zeros((HEADS * DIM_H,), jnp.float32)
    att1 = jax.random.normal(ks[4], (1, HEADS, DIM_H), jnp.float32) * (1.0 / np.sqrt(DIM_H))
    bias1 = jnp.zeros((HEADS * DIM_H,), jnp.float32)
    Wl2 = jax.random.uniform(ks[5], (HEADS * DIM_OUT, hid), jnp.float32, -s2, s2)
    bl2 = jnp.zeros((HEADS * DIM_OUT,), jnp.float32)
    Wr2 = jax.random.uniform(ks[6], (HEADS * DIM_OUT, hid), jnp.float32, -s2, s2)
    br2 = jnp.zeros((HEADS * DIM_OUT,), jnp.float32)
    att2 = jax.random.normal(ks[7], (1, HEADS, DIM_OUT), jnp.float32) * (1.0 / np.sqrt(DIM_OUT))
    bias2 = jnp.zeros((HEADS * DIM_OUT,), jnp.float32)
    return {"x": x, "edge_index": edge_index,
            "Wl1": Wl1, "bl1": bl1, "Wr1": Wr1, "br1": br1, "att1": att1, "bias1": bias1,
            "Wl2": Wl2, "bl2": bl2, "Wr2": Wr2, "br2": br2, "att2": att2, "bias2": bias2}


def _gatv2_conv(x, src, dst, Wl, bl, Wr, br, att, bias):
    n = x.shape[0]
    H = att.shape[1]
    C = att.shape[2]
    xl = (x @ Wl.T + bl).reshape(n, H, C)
    xr = (x @ Wr.T + br).reshape(n, H, C)
    e = xl[src] + xr[dst]
    e = jax.nn.leaky_relu(e, negative_slope=0.2)
    alpha = jnp.sum(e * att, axis=-1)
    amax = jax.ops.segment_max(alpha, dst, num_segments=n)
    amax = jax.lax.stop_gradient(amax)
    ex = jnp.exp(alpha - amax[dst])
    denom = jax.ops.segment_sum(ex, dst, num_segments=n)
    a = ex / (denom[dst] + 1e-16)
    msg = xl[src] * a[:, :, None]
    out = jax.ops.segment_sum(msg, dst, num_segments=n)
    return out.reshape(n, H * C) + bias


def reference(x, edge_index, Wl1, bl1, Wr1, br1, att1, bias1, Wl2, bl2, Wr2, br2, att2, bias2):
    src = edge_index[0]
    dst = edge_index[1]
    h = _gatv2_conv(x, src, dst, Wl1, bl1, Wr1, br1, att1, bias1)
    h = jax.nn.elu(h)
    h = _gatv2_conv(h, src, dst, Wl2, bl2, Wr2, br2, att2, bias2)
    return jax.nn.log_softmax(h, axis=1)

if __name__ == "__main__":
    import jax
    _d = setup_inputs()
    print(jax.jit(kernel)(*tuple(_d.values())))

</pallas_src>

<mosaic_0001>
#map = affine_map<(d0, d1) -> (0, 0)>
#map1 = affine_map<(d0, d1) -> (0)>
module attributes {stable_mosaic.version = 14 : i64} {
  func.func @_sc_edge_body(%arg0: i32, %arg1: i32, %arg2: memref<10000x128xf32, #tpu.memory_space<hbm>>, %arg3: memref<10000x128xf32, #tpu.memory_space<hbm>>, %arg4: memref<128xf32, #tpu.memory_space<hbm>>, %arg5: memref<320000xi32, #tpu.memory_space<hbm>>, %arg6: memref<320000xi32, #tpu.memory_space<hbm>>, %arg7: memref<22560x128xf32, #tpu.memory_space<hbm>>, %arg8: memref<11280x128xf32, #tpu.memory_space<vmem_shared>>, %arg9: memref<40xi32, #tpu.memory_space<vmem>>, %arg10: memref<40xi32, #tpu.memory_space<vmem>>, %arg11: memref<56xi32, #tpu.memory_space<vmem>>, %arg12: memref<56xi32, #tpu.memory_space<vmem>>, %arg13: memref<40xi32, #tpu.memory_space<vmem>>, %arg14: memref<40xi32, #tpu.memory_space<vmem>>, %arg15: memref<40xi32, #tpu.memory_space<vmem>>, %arg16: memref<40xi32, #tpu.memory_space<vmem>>, %arg17: memref<40x128xf32, #tpu.memory_space<vmem>>, %arg18: memref<40x128xf32, #tpu.memory_space<vmem>>, %arg19: memref<40x128xf32, #tpu.memory_space<vmem>>, %arg20: memref<40x128xf32, #tpu.memory_space<vmem>>, %arg21: memref<40x128xf32, #tpu.memory_space<vmem>>, %arg22: memref<40x128xf32, #tpu.memory_space<vmem>>, %arg23: memref<40x128xf32, #tpu.memory_space<vmem>>, %arg24: memref<128xf32, #tpu.memory_space<vmem>>, %arg25: memref<!tpu.dma_semaphore, #tpu.memory_space<semaphore_mem>>, %arg26: memref<!tpu.dma_semaphore, #tpu.memory_space<semaphore_mem>>, %arg27: memref<!tpu.dma_semaphore, #tpu.memory_space<semaphore_mem>>, %arg28: memref<!tpu.dma_semaphore, #tpu.memory_space<semaphore_mem>>, %arg29: memref<!tpu.dma_semaphore, #tpu.memory_space<semaphore_mem>>, %arg30: memref<!tpu.dma_semaphore, #tpu.memory_space<semaphore_mem>>) attributes {dimension_semantics = [#tpu.dimension_semantics<core_parallel>, #tpu.dimension_semantics<subcore_parallel>], iteration_bounds = array<i64: 2, 16>, scalar_prefetch = 0 : i64, scratch_operands = 23 : i64, tpu.core_type = #tpu.core_type<sc_vector_subcore>, window_params = [{transform_indices = #map}, {transform_indices = #map}, {transform_indices = #map1}, {transform_indices = #map1}, {transform_indices = #map1}, {transform_indices = #map}]} {
    %mul3A = arith.constant 16 : i32
    %mul3A_0 = arith.muli %arg0, %mul3A : i32
    %add3A = arith.addi %mul3A_0, %arg1 : i32
    %mul3A_1 = arith.constant 10000 : i32
    %mul3A_2 = arith.muli %add3A, %mul3A_1 : i32
    "tpu.region"() ({
      %run_scoped3A = tpu.sem_alloc : memref<!tpu.dma_semaphore, #tpu.memory_space<semaphore_mem>>
      tpu.enqueue_dma source(%arg4 : memref<128xf32, #tpu.memory_space<hbm>>) target(%arg24 : memref<128xf32, #tpu.memory_space<vmem>>) target_semaphore(%run_scoped3A : memref<!tpu.dma_semaphore, #tpu.memory_space<semaphore_mem>>)
      tpu.wait_dma2 semaphore(%run_scoped3A : memref<!tpu.dma_semaphore, #tpu.memory_space<semaphore_mem>>) src(%arg4 : memref<128xf32, #tpu.memory_space<hbm>>) dst(%arg24 : memref<128xf32, #tpu.memory_space<vmem>>)
      tpu.yield
    }) : () -> ()
    %get3A = arith.constant 0 : index
    %get3A_3 = tpu.vector_load %arg24[%get3A] {strides = array<i32>} : memref<128xf32, #tpu.memory_space<vmem>>, vector<16xf32>,
    %get3A_4 = vector.shape_cast %get3A_3 : vector<16xf32> to vector<16xf32>
    %get3A_5 = arith.constant 16 : index
    %get3A_6 = tpu.vector_load %arg24[%get3A_5] {strides = array<i32>} : memref<128xf32, #tpu.memory_space<vmem>>, vector<16xf32>,
    %get3A_7 = vector.shape_cast %get3A_6 : vector<16xf32> to vector<16xf32>
    %get3A_8 = arith.constant 32 : index
    %get3A_9 = tpu.vector_load %arg24[%get3A_8] {strides = array<i32>} : memref<128xf32, #tpu.memory_space<vmem>>, vector<16xf32>,
    %get3A_10 = vector.shape_cast %get3A_9 : vector<16xf32> to vector<16xf32>
    %get3A_11 = arith.constant 48 : index
    %get3A_12 = tpu.vector_load %arg24[%get3A_11] {strides = array<i32>} : memref<128xf32, #tpu.memory_space<vmem>>, vector<16xf32>,
    %get3A_13 = vector.shape_cast %get3A_12 : vector<16xf32> to vector<16xf32>
    %get3A_14 = arith.constant 64 : index
    %get3A_15 = tpu.vector_load %arg24[%get3A_14] {strides = array<i32>} : memref<128xf32, #tpu.memory_space<vmem>>, vector<16xf32>,
    %get3A_16 = vector.shape_cast %get3A_15 : vector<16xf32> to vector<16xf32>
    %get3A_17 = arith.constant 80 : index
    %get3A_18 = tpu.vector_load %arg24[%get3A_17] {strides = array<i32>} : memref<128xf32, #tpu.memory_space<vmem>>, vector<16xf32>,
    %get3A_19 = vector.shape_cast %get3A_18 : vector<16xf32> to vector<16xf32>
    %get3A_20 = arith.constant 96 : index
    %get3A_21 = tpu.vector_load %arg24[%get3A_20] {strides = array<i32>} : memref<128xf32, #tpu.memory_space<vmem>>, vector<16xf32>,
    %get3A_22 = vector.shape_cast %get3A_21 : vector<16xf32> to vector<16xf32>
    %get3A_23 = arith.constant 112 : index
    %get3A_24 = tpu.vector_load %arg24[%get3A_23] {strides = array<i32>} : memref<128xf32, #tpu.memory_space<vmem>>, vector<16xf32>,
    %get3A_25 = vector.shape_cast %get3A_24 : vector<16xf32> to vector<16xf32>
    %broadcast_in_dim3A = arith.constant 0.000000e+00 : f32
    %broadcast_in_dim3A_26 = vector.broadcast %broadcast_in_dim3A : f32 to vector<16xf32>
    %scan3A = arith.constant 0 : i32
    %scan3A_27 = arith.constant 0 : i32
    %scan3A_28 = arith.constant 40 : i32
    %scan3A_29 = arith.addi %scan3A_27, %scan3A_28 : i32
    %scan3A_30 = arith.constant 1 : i32
    scf.for %scan3A_102 = %scan3A_27 to %scan3A_29 step %scan3A_30  : i32 {
      %swap3A_103 = arith.index_cast %scan3A_102 : i32 to index
      %swap3A_104 = arith.constant 0 : index
      %swap3A_105 = tpu.vector_load %arg17[%swap3A_103, %swap3A_104] {strides = array<i32>} : memref<40x128xf32, #tpu.memory_space<vmem>>, vector<1x16xf32>,
      %swap3A_106 = vector.shape_cast %swap3A_105 : vector<1x16xf32> to vector<16xf32>
      %swap3A_107 = vector.shape_cast %broadcast_in_dim3A_26 : vector<16xf32> to vector<1x16xf32>
      tpu.vector_store %arg17[%swap3A_103, %swap3A_104], %swap3A_107 {strides = array<i32>} : memref<40x128xf32, #tpu.memory_space<vmem>>, vector<1x16xf32>,
      %swap3A_108 = arith.index_cast %scan3A_102 : i32 to index
      %swap3A_109 = arith.constant 16 : index
      %swap3A_110 = tpu.vector_load %arg17[%swap3A_108, %swap3A_109] {strides = array<i32>} : memref<40x128xf32, #tpu.memory_space<vmem>>, vector<1x16xf32>,
      %swap3A_111 = vector.shape_cast %swap3A_110 : vector<1x16xf32> to vector<16xf32>
      %swap3A_112 = vector.shape_cast %broadcast_in_dim3A_26 : vector<16xf32> to vector<1x16xf32>
      tpu.vector_store %arg17[%swap3A_108, %swap3A_109], %swap3A_112 {strides = array<i32>} : memref<40x128xf32, #tpu.memory_space<vmem>>, vector<1x16xf32>,
      %swap3A_113 = arith.index_cast %scan3A_102 : i32 to index
      %swap3A_114 = arith.constant 32 : index
      %swap3A_115 = tpu.vector_load %arg17[%swap3A_113, %swap3A_114] {strides = array<i32>} : memref<40x128xf32, #tpu.memory_space<vmem>>, vector<1x16xf32>,
      %swap3A_116 = vector.shape_cast %swap3A_115 : vector<1x16xf32> to vector<16xf32>
      %swap3A_117 = vector.shape_cast %broadcast_in_dim3A_26 : vector<16xf32> to vector<1x16xf32>
      tpu.vector_store %arg17[%swap3A_113, %swap3A_114], %swap3A_117 {strides = array<i32>} : memref<40x128xf32, #tpu.memory_space<vmem>>, vector<1x16xf32>,
      %swap3A_118 = arith.index_cast %scan3A_102 : i32 to index
      %swap3A_119 = arith.constant 48 : index
      %swap3A_120 = tpu.vector_load %arg17[%swap3A_118, %swap3A_119] {strides = array<i32>} : memref<40x128xf32, #tpu.memory_space<vmem>>, vector<1x16xf32>,
      %swap3A_121 = vector.shape_cast %swap3A_120 : vector<1x16xf32> to vector<16xf32>
      %swap3A_122 = vector.shape_cast %broadcast_in_dim3A_26 : vector<16xf32> to vector<1x16xf32>
      tpu.vector_store %arg17[%swap3A_118, %swap3A_119], %swap3A_122 {strides = array<i32>} : memref<40x128xf32, #tpu.memory_space<vmem>>, vector<1x16xf32>,
      %swap3A_123 = arith.index_cast %scan3A_102 : i32 to index
      %swap3A_124 = arith.constant 64 : index
      %swap3A_125 = tpu.vector_load %arg17[%swap3A_123, %swap3A_124] {strides = array<i32>} : memref<40x128xf32, #tpu.memory_space<vmem>>, vector<1x16xf32>,
      %swap3A_126 = vector.shape_cast %swap3A_125 : vector<1x16xf32> to vector<16xf32>
      %swap3A_127 = vector.shape_cast %broadcast_in_dim3A_26 : vector<16xf32> to vector<1x16xf32>
      tpu.vector_store %arg17[%swap3A_123, %swap3A_124], %swap3A_127 {strides = array<i32>} : memref<40x128xf32, #tpu.memory_space<vmem>>, vector<1x16xf32>,
      %swap3A_128 = arith.index_cast %scan3A_102 : i32 to index
      %swap3A_129 = arith.constant 80 : index
      %swap3A_130 = tpu.vector_load %arg17[%swap3A_128, %swap3A_129] {strides = array<i32>} : memref<40x128xf32, #tpu.memory_space<vmem>>, vector<1x16xf32>,
      %swap3A_131 = vector.shape_cast %swap3A_130 : vector<1x16xf32> to vector<16xf32>
      %swap3A_132 = vector.shape_cast %broadcast_in_dim3A_26 : vector<16xf32> to vector<1x16xf32>
      tpu.vector_store %arg17[%swap3A_128, %swap3A_129], %swap3A_132 {strides = array<i32>} : memref<40x128xf32, #tpu.memory_space<vmem>>, vector<1x16xf32>,
      %swap3A_133 = arith.index_cast %scan3A_102 : i32 to index
      %swap3A_134 = arith.constant 96 : index
      %swap3A_135 = tpu.vector_load %arg17[%swap3A_133, %swap3A_134] {strides = array<i32>} : memref<40x128xf32, #tpu.memory_space<vmem>>, vector<1x16xf32>,
      %swap3A_136 = vector.shape_cast %swap3A_135 : vector<1x16xf32> to vector<16xf32>
      %swap3A_137 = vector.shape_cast %broadcast_in_dim3A_26 : vector<16xf32> to vector<1x16xf32>
      tpu.vector_store %arg17[%swap3A_133, %swap3A_134], %swap3A_137 {strides = array<i32>} : memref<40x128xf32, #tpu.memory_space<vmem>>, vector<1x16xf32>,
      %swap3A_138 = arith.index_cast %scan3A_102 : i32 to index
      %swap3A_139 = arith.constant 112 : index
      %swap3A_140 = tpu.vector_load %arg17[%swap3A_138, %swap3A_139] {strides = array<i32>} : memref<40x128xf32, #tpu.memory_space<vmem>>, vector<1x16xf32>,
      %swap3A_141 = vector.shape_cast %swap3A_140 : vector<1x16xf32> to vector<16xf32>
      %swap3A_142 = vector.shape_cast %broadcast_in_dim3A_26 : vector<16xf32> to vector<1x16xf32>
      tpu.vector_store %arg17[%swap3A_138, %swap3A_139], %swap3A_142 {strides = array<i32>} : memref<40x128xf32, #tpu.memory_space<vmem>>, vector<1x16xf32>,
    }
    %scan3A_31 = arith.constant 40 : i32
    %scan3A_32 = arith.constant 0 : i32
    %scan3A_33 = arith.constant 0 : i32
    %scan3A_34 = arith.constant 18 : i32
    %scan3A_35 = arith.addi %scan3A_33, %scan3A_34 : i32
    %scan3A_36 = arith.constant 1 : i32
    scf.for %scan3A_102 = %scan3A_33 to %scan3A_35 step %scan3A_36  : i32 {
      %mul3A_103 = arith.constant 16 : i32
      %mul3A_104 = arith.muli %mul3A_103, %scan3A_102 : i32
      %add3A_105 = arith.addi %arg1, %mul3A_104 : i32
      %lt3A = arith.constant 282 : i32
      %lt3A_106 = arith.cmpi slt, %add3A_105, %lt3A : i32
      %convert_element_type3A = arith.extui %lt3A_106 : i1 to i32
      %cond3A = arith.constant 0 : i32
      %cond3A_107 = arith.cmpi ne, %convert_element_type3A, %cond3A : i32
      scf.if %cond3A_107 {
        %mul3A_108 = arith.constant 40 : i32
        %mul3A_109 = arith.muli %add3A_105, %mul3A_108 : i32
        "tpu.region"() ({
          %run_scoped3A = tpu.sem_alloc : memref<!tpu.dma_semaphore, #tpu.memory_space<semaphore_mem>>
          %dma_start3A_110 = arith.constant 0 : i32
          %dma_start3A_111 = tpu.memref_slice %arg8[%mul3A_109, %dma_start3A_110] : memref<11280x128xf32, #tpu.memory_space<vmem_shared>> -> memref<40x128xf32, #tpu.memory_space<vmem_shared>>
          %dma_start3A_112 = arith.constant 0 : i32
          %dma_start3A_113 = tpu.memref_slice %arg8[%mul3A_109, %dma_start3A_112] : memref<11280x128xf32, #tpu.memory_space<vmem_shared>> -> memref<40x128xf32, #tpu.memory_space<vmem_shared>>
          tpu.enqueue_dma source(%arg17 : memref<40x128xf32, #tpu.memory_space<vmem>>) target(%dma_start3A_113 : memref<40x128xf32, #tpu.memory_space<vmem_shared>>) target_semaphore(%run_scoped3A : memref<!tpu.dma_semaphore, #tpu.memory_space<semaphore_mem>>)
          %dma_wait3A_114 = arith.constant 0 : i32
          %dma_wait3A_115 = tpu.memref_slice %arg8[%mul3A_109, %dma_wait3A_114] : memref<11280x128xf32, #tpu.memory_space<vmem_shared>> -> memref<40x128xf32, #tpu.memory_space<vmem_shared>>
          %dma_wait3A_116 = arith.constant 0 : i32
          %dma_wait3A_117 = tpu.memref_slice %arg8[%mul3A_109, %dma_wait3A_116] : memref<11280x128xf32, #tpu.memory_space<vmem_shared>> -> memref<40x128xf32, #tpu.memory_space<vmem_shared>>
          tpu.wait_dma2 semaphore(%run_scoped3A : memref<!tpu.dma_semaphore, #tpu.memory_space<semaphore_mem>>) src(%arg17 : memref<40x128xf32, #tpu.memory_space<vmem>>) dst(%dma_wait3A_117 : memref<40x128xf32, #tpu.memory_space<vmem_shared>>)
          tpu.yield
        }) : () -> ()
      } else {
      }
    }
    %scan3A_37 = arith.constant 18 : i32
    %barrier3A = arith.constant 0 : index
    tpu.barrier barrier_id(%barrier3A)
    %add3A_38 = arith.constant 0 : i32
    %add3A_39 = arith.addi %mul3A_2, %add3A_38 : i32
    "tpu.region"() ({
      %run_scoped3A = tpu.sem_alloc : memref<!tpu.dma_semaphore, #tpu.memory_space<semaphore_mem>>
      %dma_start3A_102 = tpu.memref_slice %arg5[%add3A_39] : memref<320000xi32, #tpu.memory_space<hbm>> -> memref<40xi32, #tpu.memory_space<hbm>>
      %dma_start3A_103 = tpu.memref_slice %arg5[%add3A_39] : memref<320000xi32, #tpu.memory_space<hbm>> -> memref<40xi32, #tpu.memory_space<hbm>>
      tpu.enqueue_dma source(%dma_start3A_103 : memref<40xi32, #tpu.memory_space<hbm>>) target(%arg9 : memref<40xi32, #tpu.memory_space<vmem>>) target_semaphore(%run_scoped3A : memref<!tpu.dma_semaphore, #tpu.memory_space<semaphore_mem>>)
      %dma_wait3A_104 = tpu.memref_slice %arg5[%add3A_39] : memref<320000xi32, #tpu.memory_space<hbm>> -> memref<40xi32, #tpu.memory_space<hbm>>
      %dma_wait3A_105 = tpu.memref_slice %arg5[%add3A_39] : memref<320000xi32, #tpu.memory_space<hbm>> -> memref<40xi32, #tpu.memory_space<hbm>>
      tpu.wait_dma2 semaphore(%run_scoped3A : memref<!tpu.dma_semaphore, #tpu.memory_space<semaphore_mem>>) src(%dma_wait3A_105 : memref<40xi32, #tpu.memory_space<hbm>>) dst(%arg9 : memref<40xi32, #tpu.memory_space<vmem>>)
      tpu.yield
    }) : () -> ()
    "tpu.region"() ({
      %run_scoped3A = tpu.sem_alloc : memref<!tpu.dma_semaphore, #tpu.memory_space<semaphore_mem>>
      %dma_start3A_102 = arith.constant 0 : i32
      %dma_start3A_103 = tpu.memref_slice %arg11[%dma_start3A_102] : memref<56xi32, #tpu.memory_space<vmem>> -> memref<40xi32, #tpu.memory_space<vmem>>
      %dma_start3A_104 = tpu.memref_slice %arg6[%add3A_39] : memref<320000xi32, #tpu.memory_space<hbm>> -> memref<40xi32, #tpu.memory_space<hbm>>
      %dma_start3A_105 = arith.constant 0 : i32
      %dma_start3A_106 = tpu.memref_slice %arg11[%dma_start3A_105] : memref<56xi32, #tpu.memory_space<vmem>> -> memref<40xi32, #tpu.memory_space<vmem>>
      %dma_start3A_107 = tpu.memref_slice %arg6[%add3A_39] : memref<320000xi32, #tpu.memory_space<hbm>> -> memref<40xi32, #tpu.memory_space<hbm>>
      tpu.enqueue_dma source(%dma_start3A_107 : memref<40xi32, #tpu.memory_space<hbm>>) target(%dma_start3A_106 : memref<40xi32, #tpu.memory_space<vmem>>) target_semaphore(%run_scoped3A : memref<!tpu.dma_semaphore, #tpu.memory_space<semaphore_mem>>)
      %dma_wait3A_108 = arith.constant 0 : i32
      %dma_wait3A_109 = tpu.memref_slice %arg11[%dma_wait3A_108] : memref<56xi32, #tpu.memory_space<vmem>> -> memref<40xi32, #tpu.memory_space<vmem>>
      %dma_wait3A_110 = tpu.memref_slice %arg6[%add3A_39] : memref<320000xi32, #tpu.memory_space<hbm>> -> memref<40xi32, #tpu.memory_space<hbm>>
      %dma_wait3A_111 = arith.constant 0 : i32
      %dma_wait3A_112 = tpu.memref_slice %arg11[%dma_wait3A_111] : memref<56xi32, #tpu.memory_space<vmem>> -> memref<40xi32, #tpu.memory_space<vmem>>
      %dma_wait3A_113 = tpu.memref_slice %arg6[%add3A_39] : memref<320000xi32, #tpu.memory_space<hbm>> -> memref<40xi32, #tpu.memory_space<hbm>>
      tpu.wait_dma2 semaphore(%run_scoped3A : memref<!tpu.dma_semaphore, #tpu.memory_space<semaphore_mem>>) src(%dma_wait3A_113 : memref<40xi32, #tpu.memory_space<hbm>>) dst(%dma_wait3A_112 : memref<40xi32, #tpu.memory_space<vmem>>)
      tpu.yield
    }) : () -> ()
    %dma_start3A = arith.constant 0 : i32
    %dma_start3A_40 = arith.constant 0 : i32
    %dma_start3A_41 = tpu.memref_slice %arg2[%dma_start3A, %dma_start3A_40] : memref<10000x128xf32, #tpu.memory_space<hbm>> -> memref<10000x128xf32, #tpu.memory_space<hbm>>
    tpu.enqueue_indirect_dma source(%dma_start3A_41 : memref<10000x128xf32, #tpu.memory_space<hbm>>) target(%arg17 : memref<40x128xf32, #tpu.memory_space<vmem>>) offsets(%arg9 : memref<40xi32, #tpu.memory_space<vmem>>) semaphore(%arg25 : memref<!tpu.dma_semaphore, #tpu.memory_space<semaphore_mem>>)
    %dma_start3A_42 = arith.constant 0 : i32
    %dma_start3A_43 = tpu.memref_slice %arg11[%dma_start3A_42] : memref<56xi32, #tpu.memory_space<vmem>> -> memref<40xi32, #tpu.memory_space<vmem>>
    %dma_start3A_44 = arith.constant 0 : i32
    %dma_start3A_45 = arith.constant 0 : i32
    %dma_start3A_46 = tpu.memref_slice %arg3[%dma_start3A_44, %dma_start3A_45] : memref<10000x128xf32, #tpu.memory_space<hbm>> -> memref<10000x128xf32, #tpu.memory_space<hbm>>
    tpu.enqueue_indirect_dma source(%dma_start3A_46 : memref<10000x128xf32, #tpu.memory_space<hbm>>) target(%arg19 : memref<40x128xf32, #tpu.memory_space<vmem>>) offsets(%dma_start3A_43 : memref<40xi32, #tpu.memory_space<vmem>>) semaphore(%arg27 : memref<!tpu.dma_semaphore, #tpu.memory_space<semaphore_mem>>)
    %get3A_47 = arith.constant 0 : index
    %get3A_48 = tpu.vector_load %arg11[%get3A_47] {strides = array<i32>} : memref<56xi32, #tpu.memory_space<vmem>>, vector<16xi32>,
    %get3A_49 = vector.shape_cast %get3A_48 : vector<16xi32> to vector<16xi32>
    %shift_right_arithmetic3A = arith.constant 3 : i32
    %shift_right_arithmetic3A_50 = vector.broadcast %shift_right_arithmetic3A : i32 to vector<16xi32>
    %shift_right_arithmetic3A_51 = arith.shrsi %get3A_49, %shift_right_arithmetic3A_50 : vector<16xi32>
    %add3A_52 = arith.constant 10000 : i32
    %add3A_53 = vector.broadcast %add3A_52 : i32 to vector<16xi32>
    %add3A_54 = arith.addi %add3A_53, %shift_right_arithmetic3A_51 : vector<16xi32>
    %swap3A = arith.constant 0 : index
    %swap3A_55 = tpu.vector_load %arg13[%swap3A] {strides = array<i32>} : memref<40xi32, #tpu.memory_space<vmem>>, vector<16xi32>,
    %swap3A_56 = vector.shape_cast %swap3A_55 : vector<16xi32> to vector<16xi32>
    %swap3A_57 = vector.shape_cast %add3A_54 : vector<16xi32> to vector<16xi32>
    tpu.vector_store %arg13[%swap3A], %swap3A_57 {strides = array<i32>} : memref<40xi32, #tpu.memory_space<vmem>>, vector<16xi32>,
    %get3A_58 = arith.constant 16 : index
    %get3A_59 = tpu.vector_load %arg11[%get3A_58] {strides = array<i32>} : memref<56xi32, #tpu.memory_space<vmem>>, vector<16xi32>,
    %get3A_60 = vector.shape_cast %get3A_59 : vector<16xi32> to vector<16xi32>
    %shift_right_arithmetic3A_61 = arith.constant 3 : i32
    %shift_right_arithmetic3A_62 = vector.broadcast %shift_right_arithmetic3A_61 : i32 to vector<16xi32>
    %shift_right_arithmetic3A_63 = arith.shrsi %get3A_60, %shift_right_arithmetic3A_62 : vector<16xi32>
    %add3A_64 = arith.constant 10000 : i32
    %add3A_65 = vector.broadcast %add3A_64 : i32 to vector<16xi32>
    %add3A_66 = arith.addi %add3A_65, %shift_right_arithmetic3A_63 : vector<16xi32>
    %swap3A_67 = arith.constant 16 : index
    %swap3A_68 = tpu.vector_load %arg13[%swap3A_67] {strides = array<i32>} : memref<40xi32, #tpu.memory_space<vmem>>, vector<16xi32>,
    %swap3A_69 = vector.shape_cast %swap3A_68 : vector<16xi32> to vector<16xi32>
    %swap3A_70 = vector.shape_cast %add3A_66 : vector<16xi32> to vector<16xi32>
    tpu.vector_store %arg13[%swap3A_67], %swap3A_70 {strides = array<i32>} : memref<40xi32, #tpu.memory_space<vmem>>, vector<16xi32>,
    %get3A_71 = arith.constant 24 : index
    %get3A_72 = tpu.vector_load %arg11[%get3A_71] {strides = array<i32>} : memref<56xi32, #tpu.memory_space<vmem>>, vector<16xi32>,
    %get3A_73 = vector.shape_cast %get3A_72 : vector<16xi32> to vector<16xi32>
    %shift_right_arithmetic3A_74 = arith.constant 3 : i32
    %shift_right_arithmetic3A_75 = vector.broadcast %shift_right_arithmetic3A_74 : i32 to vector<16xi32>
    %shift_right_arithmetic3A_76 = arith.shrsi %get3A_73, %shift_right_arithmetic3A_75 : vector<16xi32>
    %add3A_77 = arith.constant 10000 : i32
    %add3A_78 = vector.broadcast %add3A_77 : i32 to vector<16xi32>
    %add3A_79 = arith.addi %add3A_78, %shift_right_arithmetic3A_76 : vector<16xi32>
    %swap3A_80 = arith.constant 24 : index
    %swap3A_81 = tpu.vector_load %arg13[%swap3A_80] {strides = array<i32>} : memref<40xi32, #tpu.memory_space<vmem>>, vector<16xi32>,
    %swap3A_82 = vector.shape_cast %swap3A_81 : vector<16xi32> to vector<16xi32>
    %swap3A_83 = vector.shape_cast %add3A_79 : vector<16xi32> to vector<16xi32>
    tpu.vector_store %arg13[%swap3A_80], %swap3A_83 {strides = array<i32>} : memref<40xi32, #tpu.memory_space<vmem>>, vector<16xi32>,
    %scan3A_84 = arith.constant 0 : i32
    %scan3A_85 = arith.constant 0 : i32
    %scan3A_86 = arith.constant 125 : i32
    %scan3A_87 = arith.addi %scan3A_85, %scan3A_86 : i32
    %scan3A_88 = arith.constant 1 : i32
    scf.for %scan3A_102 = %scan3A_85 to %scan3A_87 step %scan3A_88  : i32 {
      %gt3A = arith.constant 0 : i32
      %gt3A_103 = arith.cmpi sgt, %scan3A_102, %gt3A : i32
      %convert_element_type3A = arith.extui %gt3A_103 : i1 to i32
      %cond3A = arith.constant 0 : i32
      %cond3A_104 = arith.cmpi ne, %convert_element_type3A, %cond3A : i32
      scf.if %cond3A_104 {
        %dma_wait3A_237 = arith.constant 0 : i32
        %dma_wait3A_238 = arith.constant 0 : i32
        %dma_wait3A_239 = tpu.memref_slice %arg8[%dma_wait3A_237, %dma_wait3A_238] : memref<11280x128xf32, #tpu.memory_space<vmem_shared>> -> memref<11280x128xf32, #tpu.memory_space<vmem_shared>>
        tpu.wait_indirect_dma semaphore(%arg30 : memref<!tpu.dma_semaphore, #tpu.memory_space<semaphore_mem>>) src(%arg22 : memref<40x128xf32, #tpu.memory_space<vmem>>) dst(%dma_wait3A_239 : memref<11280x128xf32, #tpu.memory_space<vmem_shared>>)
      } else {
      }
      %mul3A_105 = arith.constant 2 : i32
      %mul3A_106 = arith.muli %mul3A_105, %scan3A_102 : i32
      %add3A_107 = arith.constant 1 : i32
      %add3A_108 = arith.addi %mul3A_106, %add3A_107 : i32
      %mul3A_109 = arith.constant 40 : i32
      %mul3A_110 = arith.muli %add3A_108, %mul3A_109 : i32
      %add3A_111 = arith.addi %mul3A_2, %mul3A_110 : i32
      "tpu.region"() ({
        %run_scoped3A = tpu.sem_alloc : memref<!tpu.dma_semaphore, #tpu.memory_space<semaphore_mem>>
        %dma_start3A_237 = tpu.memref_slice %arg5[%add3A_111] : memref<320000xi32, #tpu.memory_space<hbm>> -> memref<40xi32, #tpu.memory_space<hbm>>
        %dma_start3A_238 = tpu.memref_slice %arg5[%add3A_111] : memref<320000xi32, #tpu.memory_space<hbm>> -> memref<40xi32, #tpu.memory_space<hbm>>
        tpu.enqueue_dma source(%dma_start3A_238 : memref<40xi32, #tpu.memory_space<hbm>>) target(%arg10 : memref<40xi32, #tpu.memory_space<vmem>>) target_semaphore(%run_scoped3A : memref<!tpu.dma_semaphore, #tpu.memory_space<semaphore_mem>>)
        %dma_wait3A_239 = tpu.memref_slice %arg5[%add3A_111] : memref<320000xi32, #tpu.memory_space<hbm>> -> memref<40xi32, #tpu.memory_space<hbm>>
        %dma_wait3A_240 = tpu.memref_slice %arg5[%add3A_111] : memref<320000xi32, #tpu.memory_space<hbm>> -> memref<40xi32, #tpu.memory_space<hbm>>
        tpu.wait_dma2 semaphore(%run_scoped3A : memref<!tpu.dma_semaphore, #tpu.memory_space<semaphore_mem>>) src(%dma_wait3A_240 : memref<40xi32, #tpu.memory_space<hbm>>) dst(%arg10 : memref<40xi32, #tpu.memory_space<vmem>>)
        tpu.yield
      }) : () -> ()
      "tpu.region"() ({
        %run_scoped3A = tpu.sem_alloc : memref<!tpu.dma_semaphore, #tpu.memory_space<semaphore_mem>>
        %dma_start3A_237 = arith.constant 0 : i32
        %dma_start3A_238 = tpu.memref_slice %arg12[%dma_start3A_237] : memref<56xi32, #tpu.memory_space<vmem>> -> memref<40xi32, #tpu.memory_space<vmem>>
        %dma_start3A_239 = tpu.memref_slice %arg6[%add3A_111] : memref<320000xi32, #tpu.memory_space<hbm>> -> memref<40xi32, #tpu.memory_space<hbm>>
        %dma_start3A_240 = arith.constant 0 : i32
        %dma_start3A_241 = tpu.memref_slice %arg12[%dma_start3A_240] : memref<56xi32, #tpu.memory_space<vmem>> -> memref<40xi32, #tpu.memory_space<vmem>>
        %dma_start3A_242 = tpu.memref_slice %arg6[%add3A_111] : memref<320000xi32, #tpu.memory_space<hbm>> -> memref<40xi32, #tpu.memory_space<hbm>>
        tpu.enqueue_dma source(%dma_start3A_242 : memref<40xi32, #tpu.memory_space<hbm>>) target(%dma_start3A_241 : memref<40xi32, #tpu.memory_space<vmem>>) target_semaphore(%run_scoped3A : memref<!tpu.dma_semaphore, #tpu.memory_space<semaphore_mem>>)
        %dma_wait3A_243 = arith.constant 0 : i32
        %dma_wait3A_244 = tpu.memref_slice %arg12[%dma_wait3A_243] : memref<56xi32, #tpu.memory_space<vmem>> -> memref<40xi32, #tpu.memory_space<vmem>>
        %dma_wait3A_245 = tpu.memref_slice %arg6[%add3A_111] : memref<320000xi32, #tpu.memory_space<hbm>> -> memref<40xi32, #tpu.memory_space<hbm>>
        %dma_wait3A_246 = arith.constant 0 : i32
        %dma_wait3A_247 = tpu.memref_slice %arg12[%dma_wait3A_246] : memref<56xi32, #tpu.memory_space<vmem>> -> memref<40xi32, #tpu.memory_space<vmem>>
        %dma_wait3A_248 = tpu.memref_slice %arg6[%add3A_111] : memref<320000xi32, #tpu.memory_space<hbm>> -> memref<40xi32, #tpu.memory_space<hbm>>
        tpu.wait_dma2 semaphore(%run_scoped3A : memref<!tpu.dma_semaphore, #tpu.memory_space<semaphore_mem>>) src(%dma_wait3A_248 : memref<40xi32, #tpu.memory_space<hbm>>) dst(%dma_wait3A_247 : memref<40xi32, #tpu.memory_space<vmem>>)
        tpu.yield
      }) : () -> ()
      %dma_start3A_112 = arith.constant 0 : i32
      %dma_start3A_113 = arith.constant 0 : i32
      %dma_start3A_114 = tpu.memref_slice %arg2[%dma_start3A_112, %dma_start3A_113] : memref<10000x128xf32, #tpu.memory_space<hbm>> -> memref<10000x128xf32, #tpu.memory_space<hbm>>
      tpu.enqueue_indirect_dma source(%dma_start3A_114 : memref<10000x128xf32, #tpu.memory_space<hbm>>) target(%arg18 : memref<40x128xf32, #tpu.memory_space<vmem>>) offsets(%arg10 : memref<40xi32, #tpu.memory_space<vmem>>) semaphore(%arg26 : memref<!tpu.dma_semaphore, #tpu.memory_space<semaphore_mem>>)
      %dma_start3A_115 = arith.constant 0 : i32
      %dma_start3A_116 = tpu.memref_slice %arg12[%dma_start3A_115] : memref<56xi32, #tpu.memory_space<vmem>> -> memref<40xi32, #tpu.memory_space<vmem>>
      %dma_start3A_117 = arith.constant 0 : i32
      %dma_start3A_118 = arith.constant 0 : i32
      %dma_start3A_119 = tpu.memref_slice %arg3[%dma_start3A_117, %dma_start3A_118] : memref<10000x128xf32, #tpu.memory_space<hbm>> -> memref<10000x128xf32, #tpu.memory_space<hbm>>
      tpu.enqueue_indirect_dma source(%dma_start3A_119 : memref<10000x128xf32, #tpu.memory_space<hbm>>) target(%arg20 : memref<40x128xf32, #tpu.memory_space<vmem>>) offsets(%dma_start3A_116 : memref<40xi32, #tpu.memory_space<vmem>>) semaphore(%arg28 : memref<!tpu.dma_semaphore, #tpu.memory_space<semaphore_mem>>)
      %get3A_120 = arith.constant 0 : index
      %get3A_121 = tpu.vector_load %arg12[%get3A_120] {strides = array<i32>} : memref<56xi32, #tpu.memory_space<vmem>>, vector<16xi32>,
      %get3A_122 = vector.shape_cast %get3A_121 : vector<16xi32> to vector<16xi32>
      %shift_right_arithmetic3A_123 = arith.constant 3 : i32
      %shift_right_arithmetic3A_124 = vector.broadcast %shift_right_arithmetic3A_123 : i32 to vector<16xi32>
      %shift_right_arithmetic3A_125 = arith.shrsi %get3A_122, %shift_right_arithmetic3A_124 : vector<16xi32>
      %add3A_126 = arith.constant 10000 : i32
      %add3A_127 = vector.broadcast %add3A_126 : i32 to vector<16xi32>
      %add3A_128 = arith.addi %add3A_127, %shift_right_arithmetic3A_125 : vector<16xi32>
      %swap3A_129 = arith.constant 0 : index
      %swap3A_130 = tpu.vector_load %arg14[%swap3A_129] {strides = array<i32>} : memref<40xi32, #tpu.memory_space<vmem>>, vector<16xi32>,
      %swap3A_131 = vector.shape_cast %swap3A_130 : vector<16xi32> to vector<16xi32>
      %swap3A_132 = vector.shape_cast %add3A_128 : vector<16xi32> to vector<16xi32>
      tpu.vector_store %arg14[%swap3A_129], %swap3A_132 {strides = array<i32>} : memref<40xi32, #tpu.memory_space<vmem>>, vector<16xi32>,
      %get3A_133 = arith.constant 16 : index
      %get3A_134 = tpu.vector_load %arg12[%get3A_133] {strides = array<i32>} : memref<56xi32, #tpu.memory_space<vmem>>, vector<16xi32>,
      %get3A_135 = vector.shape_cast %get3A_134 : vector<16xi32> to vector<16xi32>
      %shift_right_arithmetic3A_136 = arith.constant 3 : i32
      %shift_right_arithmetic3A_137 = vector.broadcast %shift_right_arithmetic3A_136 : i32 to vector<16xi32>
      %shift_right_arithmetic3A_138 = arith.shrsi %get3A_135, %shift_right_arithmetic3A_137 : vector<16xi32>
      %add3A_139 = arith.constant 10000 : i32
      %add3A_140 = vector.broadcast %add3A_139 : i32 to vector<16xi32>
      %add3A_141 = arith.addi %add3A_140, %shift_right_arithmetic3A_138 : vector<16xi32>
      %swap3A_142 = arith.constant 16 : index
      %swap3A_143 = tpu.vector_load %arg14[%swap3A_142] {strides = array<i32>} : memref<40xi32, #tpu.memory_space<vmem>>, vector<16xi32>,
      %swap3A_144 = vector.shape_cast %swap3A_143 : vector<16xi32> to vector<16xi32>
      %swap3A_145 = vector.shape_cast %add3A_141 : vector<16xi32> to vector<16xi32>
      tpu.vector_store %arg14[%swap3A_142], %swap3A_145 {strides = array<i32>} : memref<40xi32, #tpu.memory_space<vmem>>, vector<16xi32>,
      %get3A_146 = arith.constant 24 : index
      %get3A_147 = tpu.vector_load %arg12[%get3A_146] {strides = array<i32>} : memref<56xi32, #tpu.memory_space<vmem>>, vector<16xi32>,
      %get3A_148 = vector.shape_cast %get3A_147 : vector<16xi32> to vector<16xi32>
      %shift_right_arithmetic3A_149 = arith.constant 3 : i32
      %shift_right_arithmetic3A_150 = vector.broadcast %shift_right_arithmetic3A_149 : i32 to vector<16xi32>
      %shift_right_arithmetic3A_151 = arith.shrsi %get3A_148, %shift_right_arithmetic3A_150 : vector<16xi32>
      %add3A_152 = arith.constant 10000 : i32
      %add3A_153 = vector.broadcast %add3A_152 : i32 to vector<16xi32>
      %add3A_154 = arith.addi %add3A_153, %shift_right_arithmetic3A_151 : vector<16xi32>
      %swap3A_155 = arith.constant 24 : index
      %swap3A_156 = tpu.vector_load %arg14[%swap3A_155] {strides = array<i32>} : memref<40xi32, #tpu.memory_space<vmem>>, vector<16xi32>,
      %swap3A_157 = vector.shape_cast %swap3A_156 : vector<16xi32> to vector<16xi32>
      %swap3A_158 = vector.shape_cast %add3A_154 : vector<16xi32> to vector<16xi32>
      tpu.vector_store %arg14[%swap3A_155], %swap3A_158 {strides = array<i32>} : memref<40xi32, #tpu.memory_space<vmem>>, vector<16xi32>,
      %gt3A_159 = arith.constant 0 : i32
      %gt3A_160 = arith.cmpi sgt, %scan3A_102, %gt3A_159 : i32
      %convert_element_type3A_161 = arith.extui %gt3A_160 : i1 to i32
      %cond3A_162 = arith.constant 0 : i32
      %cond3A_163 = arith.cmpi ne, %convert_element_type3A_161, %cond3A_162 : i32
      scf.if %cond3A_163 {
        %dma_wait3A_237 = arith.constant 0 : i32
        %dma_wait3A_238 = arith.constant 0 : i32
        %dma_wait3A_239 = tpu.memref_slice %arg8[%dma_wait3A_237, %dma_wait3A_238] : memref<11280x128xf32, #tpu.memory_space<vmem_shared>> -> memref<11280x128xf32, #tpu.memory_space<vmem_shared>>
        tpu.wait_indirect_dma semaphore(%arg29 : memref<!tpu.dma_semaphore, #tpu.memory_space<semaphore_mem>>) src(%arg21 : memref<40x128xf32, #tpu.memory_space<vmem>>) dst(%dma_wait3A_239 : memref<11280x128xf32, #tpu.memory_space<vmem_shared>>)
      } else {
      }
      %dma_wait3A_164 = arith.constant 0 : i32
      %dma_wait3A_165 = arith.constant 0 : i32
      %dma_wait3A_166 = tpu.memref_slice %arg2[%dma_wait3A_164, %dma_wait3A_165] : memref<10000x128xf32, #tpu.memory_space<hbm>> -> memref<10000x128xf32, #tpu.memory_space<hbm>>
      tpu.wait_indirect_dma semaphore(%arg25 : memref<!tpu.dma_semaphore, #tpu.memory_space<semaphore_mem>>) src(%dma_wait3A_166 : memref<10000x128xf32, #tpu.memory_space<hbm>>) dst(%arg17 : memref<40x128xf32, #tpu.memory_space<vmem>>)
      %dma_wait3A_167 = arith.constant 0 : i32
      %dma_wait3A_168 = tpu.memref_slice %arg11[%dma_wait3A_167] : memref<56xi32, #tpu.memory_space<vmem>> -> memref<40xi32, #tpu.memory_space<vmem>>
      %dma_wait3A_169 = arith.constant 0 : i32
      %dma_wait3A_170 = arith.constant 0 : i32
      %dma_wait3A_171 = tpu.memref_slice %arg3[%dma_wait3A_169, %dma_wait3A_170] : memref<10000x128xf32, #tpu.memory_space<hbm>> -> memref<10000x128xf32, #tpu.memory_space<hbm>>
      tpu.wait_indirect_dma semaphore(%arg27 : memref<!tpu.dma_semaphore, #tpu.memory_space<semaphore_mem>>) src(%dma_wait3A_171 : memref<10000x128xf32, #tpu.memory_space<hbm>>) dst(%arg19 : memref<40x128xf32, #tpu.memory_space<vmem>>)
      %parallel_loop3A = arith.constant 0 : i32
      %parallel_loop3A_172 = arith.constant 40 : i32
      %parallel_loop3A_173 = arith.constant 1 : i32
      scf.for %parallel_loop3A_237 = %parallel_loop3A to %parallel_loop3A_172 step %parallel_loop3A_173  : i32 {
        %parallel_loop3A_238 = arith.index_cast %parallel_loop3A_237 : i32 to index
        %parallel_loop3A_239 = arith.constant 0 : index
        %parallel_loop3A_240 = tpu.vector_load %arg17[%parallel_loop3A_238, %parallel_loop3A_239] {strides = array<i32>} : memref<40x128xf32, #tpu.memory_space<vmem>>, vector<1x16xf32>,
        %parallel_loop3A_241 = vector.shape_cast %parallel_loop3A_240 : vector<1x16xf32> to vector<16xf32>
        %parallel_loop3A_242 = arith.index_cast %parallel_loop3A_237 : i32 to index
        %parallel_loop3A_243 = arith.constant 16 : index
        %parallel_loop3A_244 = tpu.vector_load %arg17[%parallel_loop3A_242, %parallel_loop3A_243] {strides = array<i32>} : memref<40x128xf32, #tpu.memory_space<vmem>>, vector<1x16xf32>,
        %parallel_loop3A_245 = vector.shape_cast %parallel_loop3A_244 : vector<1x16xf32> to vector<16xf32>
        %parallel_loop3A_246 = arith.index_cast %parallel_loop3A_237 : i32 to index
        %parallel_loop3A_247 = arith.constant 32 : index
        %parallel_loop3A_248 = tpu.vector_load %arg17[%parallel_loop3A_246, %parallel_loop3A_247] {strides = array<i32>} : memref<40x128xf32, #tpu.memory_space<vmem>>, vector<1x16xf32>,
        %parallel_loop3A_249 = vector.shape_cast %parallel_loop3A_248 : vector<1x16xf32> to vector<16xf32>
        %parallel_loop3A_250 = arith.index_cast %parallel_loop3A_237 : i32 to index
        %parallel_loop3A_251 = arith.constant 48 : index
        %parallel_loop3A_252 = tpu.vector_load %arg17[%parallel_loop3A_250, %parallel_loop3A_251] {strides = array<i32>} : memref<40x128xf32, #tpu.memory_space<vmem>>, vector<1x16xf32>,
        %parallel_loop3A_253 = vector.shape_cast %parallel_loop3A_252 : vector<1x16xf32> to vector<16xf32>
        %parallel_loop3A_254 = arith.index_cast %parallel_loop3A_237 : i32 to index
        %parallel_loop3A_255 = arith.constant 64 : index
        %parallel_loop3A_256 = tpu.vector_load %arg17[%parallel_loop3A_254, %parallel_loop3A_255] {strides = array<i32>} : memref<40x128xf32, #tpu.memory_space<vmem>>, vector<1x16xf32>,
        %parallel_loop3A_257 = vector.shape_cast %parallel_loop3A_256 : vector<1x16xf32> to vector<16xf32>
        %parallel_loop3A_258 = arith.index_cast %parallel_loop3A_237 : i32 to index
        %parallel_loop3A_259 = arith.constant 80 : index
        %parallel_loop3A_260 = tpu.vector_load %arg17[%parallel_loop3A_258, %parallel_loop3A_259] {strides = array<i32>} : memref<40x128xf32, #tpu.memory_space<vmem>>, vector<1x16xf32>,
        %parallel_loop3A_261 = vector.shape_cast %parallel_loop3A_260 : vector<1x16xf32> to vector<16xf32>
        %parallel_loop3A_262 = arith.index_cast %parallel_loop3A_237 : i32 to index
        %parallel_loop3A_263 = arith.constant 96 : index
        %parallel_loop3A_264 = tpu.vector_load %arg17[%parallel_loop3A_262, %parallel_loop3A_263] {strides = array<i32>} : memref<40x128xf32, #tpu.memory_space<vmem>>, vector<1x16xf32>,
        %parallel_loop3A_265 = vector.shape_cast %parallel_loop3A_264 : vector<1x16xf32> to vector<16xf32>
        %parallel_loop3A_266 = arith.index_cast %parallel_loop3A_237 : i32 to index
        %parallel_loop3A_267 = arith.constant 112 : index
        %parallel_loop3A_268 = tpu.vector_load %arg17[%parallel_loop3A_266, %parallel_loop3A_267] {strides = array<i32>} : memref<40x128xf32, #tpu.memory_space<vmem>>, vector<1x16xf32>,
        %parallel_loop3A_269 = vector.shape_cast %parallel_loop3A_268 : vector<1x16xf32> to vector<16xf32>
        %parallel_loop3A_270 = arith.index_cast %parallel_loop3A_237 : i32 to index
        %parallel_loop3A_271 = arith.constant 0 : index
        %parallel_loop3A_272 = tpu.vector_load %arg19[%parallel_loop3A_270, %parallel_loop3A_271] {strides = array<i32>} : memref<40x128xf32, #tpu.memory_space<vmem>>, vector<1x16xf32>,
        %parallel_loop3A_273 = vector.shape_cast %parallel_loop3A_272 : vector<1x16xf32> to vector<16xf32>
        %parallel_loop3A_274 = arith.addf %parallel_loop3A_241, %parallel_loop3A_273 : vector<16xf32>
        %parallel_loop3A_275 = arith.constant 2.000000e-01 : f32
        %parallel_loop3A_276 = vector.broadcast %parallel_loop3A_275 : f32 to vector<16xf32>
        %parallel_loop3A_277 = arith.mulf %parallel_loop3A_274, %parallel_loop3A_276 : vector<16xf32>
        %parallel_loop3A_278 = arith.maximumf %parallel_loop3A_274, %parallel_loop3A_277 : vector<16xf32>
        %parallel_loop3A_279 = arith.mulf %parallel_loop3A_278, %get3A_4 : vector<16xf32>
        %parallel_loop3A_280 = arith.index_cast %parallel_loop3A_237 : i32 to index
        %parallel_loop3A_281 = arith.constant 16 : index
        %parallel_loop3A_282 = tpu.vector_load %arg19[%parallel_loop3A_280, %parallel_loop3A_281] {strides = array<i32>} : memref<40x128xf32, #tpu.memory_space<vmem>>, vector<1x16xf32>,
        %parallel_loop3A_283 = vector.shape_cast %parallel_loop3A_282 : vector<1x16xf32> to vector<16xf32>
        %parallel_loop3A_284 = arith.addf %parallel_loop3A_245, %parallel_loop3A_283 : vector<16xf32>
        %parallel_loop3A_285 = arith.constant 2.000000e-01 : f32
        %parallel_loop3A_286 = vector.broadcast %parallel_loop3A_285 : f32 to vector<16xf32>
        %parallel_loop3A_287 = arith.mulf %parallel_loop3A_284, %parallel_loop3A_286 : vector<16xf32>
        %parallel_loop3A_288 = arith.maximumf %parallel_loop3A_284, %parallel_loop3A_287 : vector<16xf32>
        %parallel_loop3A_289 = arith.mulf %parallel_loop3A_288, %get3A_7 : vector<16xf32>
        %parallel_loop3A_290 = arith.addf %parallel_loop3A_279, %parallel_loop3A_289 : vector<16xf32>
        %parallel_loop3A_291 = arith.index_cast %parallel_loop3A_237 : i32 to index
        %parallel_loop3A_292 = arith.constant 32 : index
        %parallel_loop3A_293 = tpu.vector_load %arg19[%parallel_loop3A_291, %parallel_loop3A_292] {strides = array<i32>} : memref<40x128xf32, #tpu.memory_space<vmem>>, vector<1x16xf32>,
        %parallel_loop3A_294 = vector.shape_cast %parallel_loop3A_293 : vector<1x16xf32> to vector<16xf32>
        %parallel_loop3A_295 = arith.addf %parallel_loop3A_249, %parallel_loop3A_294 : vector<16xf32>
        %parallel_loop3A_296 = arith.constant 2.000000e-01 : f32
        %parallel_loop3A_297 = vector.broadcast %parallel_loop3A_296 : f32 to vector<16xf32>
        %parallel_loop3A_298 = arith.mulf %parallel_loop3A_295, %parallel_loop3A_297 : vector<16xf32>
        %parallel_loop3A_299 = arith.maximumf %parallel_loop3A_295, %parallel_loop3A_298 : vector<16xf32>
        %parallel_loop3A_300 = arith.mulf %parallel_loop3A_299, %get3A_10 : vector<16xf32>
        %parallel_loop3A_301 = arith.addf %parallel_loop3A_290, %parallel_loop3A_300 : vector<16xf32>
        %parallel_loop3A_302 = arith.index_cast %parallel_loop3A_237 : i32 to index
        %parallel_loop3A_303 = arith.constant 48 : index
        %parallel_loop3A_304 = tpu.vector_load %arg19[%parallel_loop3A_302, %parallel_loop3A_303] {strides = array<i32>} : memref<40x128xf32, #tpu.memory_space<vmem>>, vector<1x16xf32>,
        %parallel_loop3A_305 = vector.shape_cast %parallel_loop3A_304 : vector<1x16xf32> to vector<16xf32>
        %parallel_loop3A_306 = arith.addf %parallel_loop3A_253, %parallel_loop3A_305 : vector<16xf32>
        %parallel_loop3A_307 = arith.constant 2.000000e-01 : f32
        %parallel_loop3A_308 = vector.broadcast %parallel_loop3A_307 : f32 to vector<16xf32>
        %parallel_loop3A_309 = arith.mulf %parallel_loop3A_306, %parallel_loop3A_308 : vector<16xf32>
        %parallel_loop3A_310 = arith.maximumf %parallel_loop3A_306, %parallel_loop3A_309 : vector<16xf32>
        %parallel_loop3A_311 = arith.mulf %parallel_loop3A_310, %get3A_13 : vector<16xf32>
        %parallel_loop3A_312 = arith.addf %parallel_loop3A_301, %parallel_loop3A_311 : vector<16xf32>
        %parallel_loop3A_313 = arith.index_cast %parallel_loop3A_237 : i32 to index
        %parallel_loop3A_314 = arith.constant 64 : index
        %parallel_loop3A_315 = tpu.vector_load %arg19[%parallel_loop3A_313, %parallel_loop3A_314] {strides = array<i32>} : memref<40x128xf32, #tpu.memory_space<vmem>>, vector<1x16xf32>,
        %parallel_loop3A_316 = vector.shape_cast %parallel_loop3A_315 : vector<1x16xf32> to vector<16xf32>
        %parallel_loop3A_317 = arith.addf %parallel_loop3A_257, %parallel_loop3A_316 : vector<16xf32>
        %parallel_loop3A_318 = arith.constant 2.000000e-01 : f32
        %parallel_loop3A_319 = vector.broadcast %parallel_loop3A_318 : f32 to vector<16xf32>
        %parallel_loop3A_320 = arith.mulf %parallel_loop3A_317, %parallel_loop3A_319 : vector<16xf32>
        %parallel_loop3A_321 = arith.maximumf %parallel_loop3A_317, %parallel_loop3A_320 : vector<16xf32>
        %parallel_loop3A_322 = arith.mulf %parallel_loop3A_321, %get3A_16 : vector<16xf32>
        %parallel_loop3A_323 = arith.addf %parallel_loop3A_312, %parallel_loop3A_322 : vector<16xf32>
        %parallel_loop3A_324 = arith.index_cast %parallel_loop3A_237 : i32 to index
        %parallel_loop3A_325 = arith.constant 80 : index
        %parallel_loop3A_326 = tpu.vector_load %arg19[%parallel_loop3A_324, %parallel_loop3A_325] {strides = array<i32>} : memref<40x128xf32, #tpu.memory_space<vmem>>, vector<1x16xf32>,
        %parallel_loop3A_327 = vector.shape_cast %parallel_loop3A_326 : vector<1x16xf32> to vector<16xf32>
        %parallel_loop3A_328 = arith.addf %parallel_loop3A_261, %parallel_loop3A_327 : vector<16xf32>
        %parallel_loop3A_329 = arith.constant 2.000000e-01 : f32
        %parallel_loop3A_330 = vector.broadcast %parallel_loop3A_329 : f32 to vector<16xf32>
        %parallel_loop3A_331 = arith.mulf %parallel_loop3A_328, %parallel_loop3A_330 : vector<16xf32>
        %parallel_loop3A_332 = arith.maximumf %parallel_loop3A_328, %parallel_loop3A_331 : vector<16xf32>
        %parallel_loop3A_333 = arith.mulf %parallel_loop3A_332, %get3A_19 : vector<16xf32>
        %parallel_loop3A_334 = arith.addf %parallel_loop3A_323, %parallel_loop3A_333 : vector<16xf32>
        %parallel_loop3A_335 = arith.index_cast %parallel_loop3A_237 : i32 to index
        %parallel_loop3A_336 = arith.constant 96 : index
        %parallel_loop3A_337 = tpu.vector_load %arg19[%parallel_loop3A_335, %parallel_loop3A_336] {strides = array<i32>} : memref<40x128xf32, #tpu.memory_space<vmem>>, vector<1x16xf32>,
        %parallel_loop3A_338 = vector.shape_cast %parallel_loop3A_337 : vector<1x16xf32> to vector<16xf32>
        %parallel_loop3A_339 = arith.addf %parallel_loop3A_265, %parallel_loop3A_338 : vector<16xf32>
        %parallel_loop3A_340 = arith.constant 2.000000e-01 : f32
        %parallel_loop3A_341 = vector.broadcast %parallel_loop3A_340 : f32 to vector<16xf32>
        %parallel_loop3A_342 = arith.mulf %parallel_loop3A_339, %parallel_loop3A_341 : vector<16xf32>
        %parallel_loop3A_343 = arith.maximumf %parallel_loop3A_339, %parallel_loop3A_342 : vector<16xf32>
        %parallel_loop3A_344 = arith.mulf %parallel_loop3A_343, %get3A_22 : vector<16xf32>
        %parallel_loop3A_345 = arith.addf %parallel_loop3A_334, %parallel_loop3A_344 : vector<16xf32>
        %parallel_loop3A_346 = arith.index_cast %parallel_loop3A_237 : i32 to index
        %parallel_loop3A_347 = arith.constant 112 : index
        %parallel_loop3A_348 = tpu.vector_load %arg19[%parallel_loop3A_346, %parallel_loop3A_347] {strides = array<i32>} : memref<40x128xf32, #tpu.memory_space<vmem>>, vector<1x16xf32>,
        %parallel_loop3A_349 = vector.shape_cast %parallel_loop3A_348 : vector<1x16xf32> to vector<16xf32>
        %parallel_loop3A_350 = arith.addf %parallel_loop3A_269, %parallel_loop3A_349 : vector<16xf32>
        %parallel_loop3A_351 = arith.constant 2.000000e-01 : f32
        %parallel_loop3A_352 = vector.broadcast %parallel_loop3A_351 : f32 to vector<16xf32>
        %parallel_loop3A_353 = arith.mulf %parallel_loop3A_350, %parallel_loop3A_352 : vector<16xf32>
        %parallel_loop3A_354 = arith.maximumf %parallel_loop3A_350, %parallel_loop3A_353 : vector<16xf32>
        %parallel_loop3A_355 = arith.mulf %parallel_loop3A_354, %get3A_25 : vector<16xf32>
        %parallel_loop3A_356 = arith.addf %parallel_loop3A_345, %parallel_loop3A_355 : vector<16xf32>
        %parallel_loop3A_357 = math.exp %parallel_loop3A_356 : vector<16xf32>
        %parallel_loop3A_358 = arith.mulf %parallel_loop3A_241, %parallel_loop3A_357 : vector<16xf32>
        %parallel_loop3A_359 = arith.index_cast %parallel_loop3A_237 : i32 to index
        %parallel_loop3A_360 = arith.constant 0 : index
        %parallel_loop3A_361 = tpu.vector_load %arg21[%parallel_loop3A_359, %parallel_loop3A_360] {strides = array<i32>} : memref<40x128xf32, #tpu.memory_space<vmem>>, vector<1x16xf32>,
        %parallel_loop3A_362 = vector.shape_cast %parallel_loop3A_361 : vector<1x16xf32> to vector<16xf32>
        %parallel_loop3A_363 = vector.shape_cast %parallel_loop3A_358 : vector<16xf32> to vector<1x16xf32>
        tpu.vector_store %arg21[%parallel_loop3A_359, %parallel_loop3A_360], %parallel_loop3A_363 {strides = array<i32>} : memref<40x128xf32, #tpu.memory_space<vmem>>, vector<1x16xf32>,
        %parallel_loop3A_364 = arith.mulf %parallel_loop3A_245, %parallel_loop3A_357 : vector<16xf32>
        %parallel_loop3A_365 = arith.index_cast %parallel_loop3A_237 : i32 to index
        %parallel_loop3A_366 = arith.constant 16 : index
        %parallel_loop3A_367 = tpu.vector_load %arg21[%parallel_loop3A_365, %parallel_loop3A_366] {strides = array<i32>} : memref<40x128xf32, #tpu.memory_space<vmem>>, vector<1x16xf32>,
        %parallel_loop3A_368 = vector.shape_cast %parallel_loop3A_367 : vector<1x16xf32> to vector<16xf32>
        %parallel_loop3A_369 = vector.shape_cast %parallel_loop3A_364 : vector<16xf32> to vector<1x16xf32>
        tpu.vector_store %arg21[%parallel_loop3A_365, %parallel_loop3A_366], %parallel_loop3A_369 {strides = array<i32>} : memref<40x128xf32, #tpu.memory_space<vmem>>, vector<1x16xf32>,
        %parallel_loop3A_370 = arith.mulf %parallel_loop3A_249, %parallel_loop3A_357 : vector<16xf32>
        %parallel_loop3A_371 = arith.index_cast %parallel_loop3A_237 : i32 to index
        %parallel_loop3A_372 = arith.constant 32 : index
        %parallel_loop3A_373 = tpu.vector_load %arg21[%parallel_loop3A_371, %parallel_loop3A_372] {strides = array<i32>} : memref<40x128xf32, #tpu.memory_space<vmem>>, vector<1x16xf32>,
        %parallel_loop3A_374 = vector.shape_cast %parallel_loop3A_373 : vector<1x16xf32> to vector<16xf32>
        %parallel_loop3A_375 = vector.shape_cast %parallel_loop3A_370 : vector<16xf32> to vector<1x16xf32>
        tpu.vector_store %arg21[%parallel_loop3A_371, %parallel_loop3A_372], %parallel_loop3A_375 {strides = array<i32>} : memref<40x128xf32, #tpu.memory_space<vmem>>, vector<1x16xf32>,
        %parallel_loop3A_376 = arith.mulf %parallel_loop3A_253, %parallel_loop3A_357 : vector<16xf32>
        %parallel_loop3A_377 = arith.index_cast %parallel_loop3A_237 : i32 to index
        %parallel_loop3A_378 = arith.constant 48 : index
        %parallel_loop3A_379 = tpu.vector_load %arg21[%parallel_loop3A_377, %parallel_loop3A_378] {strides = array<i32>} : memref<40x128xf32, #tpu.memory_space<vmem>>, vector<1x16xf32>,
        %parallel_loop3A_380 = vector.shape_cast %parallel_loop3A_379 : vector<1x16xf32> to vector<16xf32>
        %parallel_loop3A_381 = vector.shape_cast %parallel_loop3A_376 : vector<16xf32> to vector<1x16xf32>
        tpu.vector_store %arg21[%parallel_loop3A_377, %parallel_loop3A_378], %parallel_loop3A_381 {strides = array<i32>} : memref<40x128xf32, #tpu.memory_space<vmem>>, vector<1x16xf32>,
        %parallel_loop3A_382 = arith.mulf %parallel_loop3A_257, %parallel_loop3A_357 : vector<16xf32>
        %parallel_loop3A_383 = arith.index_cast %parallel_loop3A_237 : i32 to index
        %parallel_loop3A_384 = arith.constant 64 : index
        %parallel_loop3A_385 = tpu.vector_load %arg21[%parallel_loop3A_383, %parallel_loop3A_384] {strides = array<i32>} : memref<40x128xf32, #tpu.memory_space<vmem>>, vector<1x16xf32>,
        %parallel_loop3A_386 = vector.shape_cast %parallel_loop3A_385 : vector<1x16xf32> to vector<16xf32>
        %parallel_loop3A_387 = vector.shape_cast %parallel_loop3A_382 : vector<16xf32> to vector<1x16xf32>
        tpu.vector_store %arg21[%parallel_loop3A_383, %parallel_loop3A_384], %parallel_loop3A_387 {strides = array<i32>} : memref<40x128xf32, #tpu.memory_space<vmem>>, vector<1x16xf32>,
        %parallel_loop3A_388 = arith.mulf %parallel_loop3A_261, %parallel_loop3A_357 : vector<16xf32>
        %parallel_loop3A_389 = arith.index_cast %parallel_loop3A_237 : i32 to index
        %parallel_loop3A_390 = arith.constant 80 : index
        %parallel_loop3A_391 = tpu.vector_load %arg21[%parallel_loop3A_389, %parallel_loop3A_390] {strides = array<i32>} : memref<40x128xf32, #tpu.memory_space<vmem>>, vector<1x16xf32>,
        %parallel_loop3A_392 = vector.shape_cast %parallel_loop3A_391 : vector<1x16xf32> to vector<16xf32>
        %parallel_loop3A_393 = vector.shape_cast %parallel_loop3A_388 : vector<16xf32> to vector<1x16xf32>
        tpu.vector_store %arg21[%parallel_loop3A_389, %parallel_loop3A_390], %parallel_loop3A_393 {strides = array<i32>} : memref<40x128xf32, #tpu.memory_space<vmem>>, vector<1x16xf32>,
        %parallel_loop3A_394 = arith.mulf %parallel_loop3A_265, %parallel_loop3A_357 : vector<16xf32>
        %parallel_loop3A_395 = arith.index_cast %parallel_loop3A_237 : i32 to index
        %parallel_loop3A_396 = arith.constant 96 : index
        %parallel_loop3A_397 = tpu.vector_load %arg21[%parallel_loop3A_395, %parallel_loop3A_396] {strides = array<i32>} : memref<40x128xf32, #tpu.memory_space<vmem>>, vector<1x16xf32>,
        %parallel_loop3A_398 = vector.shape_cast %parallel_loop3A_397 : vector<1x16xf32> to vector<16xf32>
        %parallel_loop3A_399 = vector.shape_cast %parallel_loop3A_394 : vector<16xf32> to vector<1x16xf32>
        tpu.vector_store %arg21[%parallel_loop3A_395, %parallel_loop3A_396], %parallel_loop3A_399 {strides = array<i32>} : memref<40x128xf32, #tpu.memory_space<vmem>>, vector<1x16xf32>,
        %parallel_loop3A_400 = arith.mulf %parallel_loop3A_269, %parallel_loop3A_357 : vector<16xf32>
        %parallel_loop3A_401 = arith.index_cast %parallel_loop3A_237 : i32 to index
        %parallel_loop3A_402 = arith.constant 112 : index
        %parallel_loop3A_403 = tpu.vector_load %arg21[%parallel_loop3A_401, %parallel_loop3A_402] {strides = array<i32>} : memref<40x128xf32, #tpu.memory_space<vmem>>, vector<1x16xf32>,
        %parallel_loop3A_404 = vector.shape_cast %parallel_loop3A_403 : vector<1x16xf32> to vector<16xf32>
        %parallel_loop3A_405 = vector.shape_cast %parallel_loop3A_400 : vector<16xf32> to vector<1x16xf32>
        tpu.vector_store %arg21[%parallel_loop3A_401, %parallel_loop3A_402], %parallel_loop3A_405 {strides = array<i32>} : memref<40x128xf32, #tpu.memory_space<vmem>>, vector<1x16xf32>,
        %parallel_loop3A_406 = arith.index_cast %parallel_loop3A_237 : i32 to index
        %parallel_loop3A_407 = tpu.vector_load %arg11[%parallel_loop3A_406] {strides = array<i32>} : memref<56xi32, #tpu.memory_space<vmem>>, vector<16xi32>,
        %parallel_loop3A_408 = vector.shape_cast %parallel_loop3A_407 : vector<16xi32> to vector<16xi32>
        %parallel_loop3A_409 = vector.extract_strided_slice %parallel_loop3A_408 {offsets = [0], sizes = [1], strides = [1]} : vector<16xi32> to vector<1xi32>
        %parallel_loop3A_410 = vector.extract %parallel_loop3A_409[0] : i32 from vector<1xi32>
        %parallel_loop3A_411 = arith.constant 7 : i32
        %parallel_loop3A_412 = arith.andi %parallel_loop3A_410, %parallel_loop3A_411 : i32
        %parallel_loop3A_413 = arith.constant 16 : i32
        %parallel_loop3A_414 = arith.muli %parallel_loop3A_412, %parallel_loop3A_413 : i32
        %parallel_loop3A_415 = arith.index_cast %parallel_loop3A_237 : i32 to index
        %parallel_loop3A_416 = arith.constant 0 : index
        %parallel_loop3A_417 = tpu.vector_load %arg23[%parallel_loop3A_415, %parallel_loop3A_416] {strides = array<i32>} : memref<40x128xf32, #tpu.memory_space<vmem>>, vector<1x16xf32>,
        %parallel_loop3A_418 = vector.shape_cast %parallel_loop3A_417 : vector<1x16xf32> to vector<16xf32>
        %parallel_loop3A_419 = vector.shape_cast %broadcast_in_dim3A_26 : vector<16xf32> to vector<1x16xf32>
        tpu.vector_store %arg23[%parallel_loop3A_415, %parallel_loop3A_416], %parallel_loop3A_419 {strides = array<i32>} : memref<40x128xf32, #tpu.memory_space<vmem>>, vector<1x16xf32>,
        %parallel_loop3A_420 = arith.index_cast %parallel_loop3A_237 : i32 to index
        %parallel_loop3A_421 = arith.constant 16 : index
        %parallel_loop3A_422 = tpu.vector_load %arg23[%parallel_loop3A_420, %parallel_loop3A_421] {strides = array<i32>} : memref<40x128xf32, #tpu.memory_space<vmem>>, vector<1x16xf32>,
        %parallel_loop3A_423 = vector.shape_cast %parallel_loop3A_422 : vector<1x16xf32> to vector<16xf32>
        %parallel_loop3A_424 = vector.shape_cast %broadcast_in_dim3A_26 : vector<16xf32> to vector<1x16xf32>
        tpu.vector_store %arg23[%parallel_loop3A_420, %parallel_loop3A_421], %parallel_loop3A_424 {strides = array<i32>} : memref<40x128xf32, #tpu.memory_space<vmem>>, vector<1x16xf32>,
        %parallel_loop3A_425 = arith.index_cast %parallel_loop3A_237 : i32 to index
        %parallel_loop3A_426 = arith.constant 32 : index
        %parallel_loop3A_427 = tpu.vector_load %arg23[%parallel_loop3A_425, %parallel_loop3A_426] {strides = array<i32>} : memref<40x128xf32, #tpu.memory_space<vmem>>, vector<1x16xf32>,
        %parallel_loop3A_428 = vector.shape_cast %parallel_loop3A_427 : vector<1x16xf32> to vector<16xf32>
        %parallel_loop3A_429 = vector.shape_cast %broadcast_in_dim3A_26 : vector<16xf32> to vector<1x16xf32>
        tpu.vector_store %arg23[%parallel_loop3A_425, %parallel_loop3A_426], %parallel_loop3A_429 {strides = array<i32>} : memref<40x128xf32, #tpu.memory_space<vmem>>, vector<1x16xf32>,
        %parallel_loop3A_430 = arith.index_cast %parallel_loop3A_237 : i32 to index
        %parallel_loop3A_431 = arith.constant 48 : index
        %parallel_loop3A_432 = tpu.vector_load %arg23[%parallel_loop3A_430, %parallel_loop3A_431] {strides = array<i32>} : memref<40x128xf32, #tpu.memory_space<vmem>>, vector<1x16xf32>,
        %parallel_loop3A_433 = vector.shape_cast %parallel_loop3A_432 : vector<1x16xf32> to vector<16xf32>
        %parallel_loop3A_434 = vector.shape_cast %broadcast_in_dim3A_26 : vector<16xf32> to vector<1x16xf32>
        tpu.vector_store %arg23[%parallel_loop3A_430, %parallel_loop3A_431], %parallel_loop3A_434 {strides = array<i32>} : memref<40x128xf32, #tpu.memory_space<vmem>>, vector<1x16xf32>,
        %parallel_loop3A_435 = arith.index_cast %parallel_loop3A_237 : i32 to index
        %parallel_loop3A_436 = arith.constant 64 : index
        %parallel_loop3A_437 = tpu.vector_load %arg23[%parallel_loop3A_435, %parallel_loop3A_436] {strides = array<i32>} : memref<40x128xf32, #tpu.memory_space<vmem>>, vector<1x16xf32>,
        %parallel_loop3A_438 = vector.shape_cast %parallel_loop3A_437 : vector<1x16xf32> to vector<16xf32>
        %parallel_loop3A_439 = vector.shape_cast %broadcast_in_dim3A_26 : vector<16xf32> to vector<1x16xf32>
        tpu.vector_store %arg23[%parallel_loop3A_435, %parallel_loop3A_436], %parallel_loop3A_439 {strides = array<i32>} : memref<40x128xf32, #tpu.memory_space<vmem>>, vector<1x16xf32>,
        %parallel_loop3A_440 = arith.index_cast %parallel_loop3A_237 : i32 to index
        %parallel_loop3A_441 = arith.constant 80 : index
        %parallel_loop3A_442 = tpu.vector_load %arg23[%parallel_loop3A_440, %parallel_loop3A_441] {strides = array<i32>} : memref<40x128xf32, #tpu.memory_space<vmem>>, vector<1x16xf32>,
        %parallel_loop3A_443 = vector.shape_cast %parallel_loop3A_442 : vector<1x16xf32> to vector<16xf32>
        %parallel_loop3A_444 = vector.shape_cast %broadcast_in_dim3A_26 : vector<16xf32> to vector<1x16xf32>
        tpu.vector_store %arg23[%parallel_loop3A_440, %parallel_loop3A_441], %parallel_loop3A_444 {strides = array<i32>} : memref<40x128xf32, #tpu.memory_space<vmem>>, vector<1x16xf32>,
        %parallel_loop3A_445 = arith.index_cast %parallel_loop3A_237 : i32 to index
        %parallel_loop3A_446 = arith.constant 96 : index
        %parallel_loop3A_447 = tpu.vector_load %arg23[%parallel_loop3A_445, %parallel_loop3A_446] {strides = array<i32>} : memref<40x128xf32, #tpu.memory_space<vmem>>, vector<1x16xf32>,
        %parallel_loop3A_448 = vector.shape_cast %parallel_loop3A_447 : vector<1x16xf32> to vector<16xf32>
        %parallel_loop3A_449 = vector.shape_cast %broadcast_in_dim3A_26 : vector<16xf32> to vector<1x16xf32>
        tpu.vector_store %arg23[%parallel_loop3A_445, %parallel_loop3A_446], %parallel_loop3A_449 {strides = array<i32>} : memref<40x128xf32, #tpu.memory_space<vmem>>, vector<1x16xf32>,
        %parallel_loop3A_450 = arith.index_cast %parallel_loop3A_237 : i32 to index
        %parallel_loop3A_451 = arith.constant 112 : index
        %parallel_loop3A_452 = tpu.vector_load %arg23[%parallel_loop3A_450, %parallel_loop3A_451] {strides = array<i32>} : memref<40x128xf32, #tpu.memory_space<vmem>>, vector<1x16xf32>,
        %parallel_loop3A_453 = vector.shape_cast %parallel_loop3A_452 : vector<1x16xf32> to vector<16xf32>
        %parallel_loop3A_454 = vector.shape_cast %broadcast_in_dim3A_26 : vector<16xf32> to vector<1x16xf32>
        tpu.vector_store %arg23[%parallel_loop3A_450, %parallel_loop3A_451], %parallel_loop3A_454 {strides = array<i32>} : memref<40x128xf32, #tpu.memory_space<vmem>>, vector<1x16xf32>,
        %parallel_loop3A_455 = arith.index_cast %parallel_loop3A_237 : i32 to index
        %parallel_loop3A_456 = arith.index_cast %parallel_loop3A_414 : i32 to index
        %parallel_loop3A_457 = tpu.vector_load %arg23[%parallel_loop3A_455, %parallel_loop3A_456] {strides = array<i32>} : memref<40x128xf32, #tpu.memory_space<vmem>>, vector<1x16xf32>,
        %parallel_loop3A_458 = vector.shape_cast %parallel_loop3A_457 : vector<1x16xf32> to vector<16xf32>
        %parallel_loop3A_459 = vector.shape_cast %parallel_loop3A_357 : vector<16xf32> to vector<1x16xf32>
        tpu.vector_store %arg23[%parallel_loop3A_455, %parallel_loop3A_456], %parallel_loop3A_459 {strides = array<i32>} : memref<40x128xf32, #tpu.memory_space<vmem>>, vector<1x16xf32>,
      } {sc.loop_unroll_factor = 8 : i64, sc.parallel_access}
      %get3A_174 = arith.constant 0 : index
      %get3A_175 = tpu.vector_load %arg11[%get3A_174] {strides = array<i32>} : memref<56xi32, #tpu.memory_space<vmem>>, vector<16xi32>,
      %get3A_176 = vector.shape_cast %get3A_175 : vector<16xi32> to vector<16xi32>
      %swap3A_177 = arith.constant 0 : index
      %swap3A_178 = tpu.vector_load %arg15[%swap3A_177] {strides = array<i32>} : memref<40xi32, #tpu.memory_space<vmem>>, vector<16xi32>,
      %swap3A_179 = vector.shape_cast %swap3A_178 : vector<16xi32> to vector<16xi32>
      %swap3A_180 = vector.shape_cast %get3A_176 : vector<16xi32> to vector<16xi32>
      tpu.vector_store %arg15[%swap3A_177], %swap3A_180 {strides = array<i32>} : memref<40xi32, #tpu.memory_space<vmem>>, vector<16xi32>,
      %get3A_181 = arith.constant 16 : index
      %get3A_182 = tpu.vector_load %arg11[%get3A_181] {strides = array<i32>} : memref<56xi32, #tpu.memory_space<vmem>>, vector<16xi32>,
      %get3A_183 = vector.shape_cast %get3A_182 : vector<16xi32> to vector<16xi32>
      %swap3A_184 = arith.constant 16 : index
      %swap3A_185 = tpu.vector_load %arg15[%swap3A_184] {strides = array<i32>} : memref<40xi32, #tpu.memory_space<vmem>>, vector<16xi32>,
      %swap3A_186 = vector.shape_cast %swap3A_185 : vector<16xi32> to vector<16xi32>
      %swap3A_187 = vector.shape_cast %get3A_183 : vector<16xi32> to vector<16xi32>
      tpu.vector_store %arg15[%swap3A_184], %swap3A_187 {strides = array<i32>} : memref<40xi32, #tpu.memory_space<vmem>>, vector<16xi32>,
      %get3A_188 = arith.constant 24 : index
      %get3A_189 = tpu.vector_load %arg11[%get3A_188] {strides = array<i32>} : memref<56xi32, #tpu.memory_space<vmem>>, vector<16xi32>,
      %get3A_190 = vector.shape_cast %get3A_189 : vector<16xi32> to vector<16xi32>
      %swap3A_191 = arith.constant 24 : index
      %swap3A_192 = tpu.vector_load %arg15[%swap3A_191] {strides = array<i32>} : memref<40xi32, #tpu.memory_space<vmem>>, vector<16xi32>,
      %swap3A_193 = vector.shape_cast %swap3A_192 : vector<16xi32> to vector<16xi32>
      %swap3A_194 = vector.shape_cast %get3A_190 : vector<16xi32> to vector<16xi32>
      tpu.vector_store %arg15[%swap3A_191], %swap3A_194 {strides = array<i32>} : memref<40xi32, #tpu.memory_space<vmem>>, vector<16xi32>,
      "tpu.region"() ({
        %run_scoped3A = tpu.sem_alloc : memref<!tpu.dma_semaphore, #tpu.memory_space<semaphore_mem>>
        %dma_start3A_237 = arith.constant 0 : i32
        %dma_start3A_238 = arith.constant 0 : i32
        %dma_start3A_239 = tpu.memref_slice %arg8[%dma_start3A_237, %dma_start3A_238] : memref<11280x128xf32, #tpu.memory_space<vmem_shared>> -> memref<11280x128xf32, #tpu.memory_space<vmem_shared>>
        tpu.enqueue_indirect_dma source(%arg23 : memref<40x128xf32, #tpu.memory_space<vmem>>) target(%dma_start3A_239 : memref<11280x128xf32, #tpu.memory_space<vmem_shared>>) offsets(%arg13 : memref<40xi32, #tpu.memory_space<vmem>>) semaphore(%run_scoped3A : memref<!tpu.dma_semaphore, #tpu.memory_space<semaphore_mem>>) {add = true}
        %dma_wait3A_240 = arith.constant 0 : i32
        %dma_wait3A_241 = arith.constant 0 : i32
        %dma_wait3A_242 = tpu.memref_slice %arg8[%dma_wait3A_240, %dma_wait3A_241] : memref<11280x128xf32, #tpu.memory_space<vmem_shared>> -> memref<11280x128xf32, #tpu.memory_space<vmem_shared>>
        tpu.wait_indirect_dma semaphore(%run_scoped3A : memref<!tpu.dma_semaphore, #tpu.memory_space<semaphore_mem>>) src(%arg23 : memref<40x128xf32, #tpu.memory_space<vmem>>) dst(%dma_wait3A_242 : memref<11280x128xf32, #tpu.memory_space<vmem_shared>>)
        tpu.yield
      }) : () -> ()
      %dma_start3A_195 = arith.constant 0 : i32
      %dma_start3A_196 = arith.constant 0 : i32
      %dma_start3A_197 = tpu.memref_slice %arg8[%dma_start3A_195, %dma_start3A_196] : memref<11280x128xf32, #tpu.memory_space<vmem_shared>> -> memref<11280x128xf32, #tpu.memory_space<vmem_shared>>
      tpu.enqueue_indirect_dma source(%arg21 : memref<40x128xf32, #tpu.memory_space<vmem>>) target(%dma_start3A_197 : memref<11280x128xf32, #tpu.memory_space<vmem_shared>>) offsets(%arg15 : memref<40xi32, #tpu.memory_space<vmem>>) semaphore(%arg29 : memref<!tpu.dma_semaphore, #tpu.memory_space<semaphore_mem>>) {add = true}
      %lt3A = arith.constant 124 : i32
      %lt3A_198 = arith.cmpi slt, %scan3A_102, %lt3A : i32
      %convert_element_type3A_199 = arith.extui %lt3A_198 : i1 to i32
      %cond3A_200 = arith.constant 0 : i32
      %cond3A_201 = arith.cmpi ne, %convert_element_type3A_199, %cond3A_200 : i32
      scf.if %cond3A_201 {
        %mul3A_237 = arith.constant 2 : i32
        %mul3A_238 = arith.muli %mul3A_237, %scan3A_102 : i32
        %add3A_239 = arith.constant 2 : i32
        %add3A_240 = arith.addi %mul3A_238, %add3A_239 : i32
        %mul3A_241 = arith.constant 40 : i32
        %mul3A_242 = arith.muli %add3A_240, %mul3A_241 : i32
        %add3A_243 = arith.addi %mul3A_2, %mul3A_242 : i32
        "tpu.region"() ({
          %run_scoped3A = tpu.sem_alloc : memref<!tpu.dma_semaphore, #tpu.memory_space<semaphore_mem>>
          %dma_start3A_291 = tpu.memref_slice %arg5[%add3A_243] : memref<320000xi32, #tpu.memory_space<hbm>> -> memref<40xi32, #tpu.memory_space<hbm>>
          %dma_start3A_292 = tpu.memref_slice %arg5[%add3A_243] : memref<320000xi32, #tpu.memory_space<hbm>> -> memref<40xi32, #tpu.memory_space<hbm>>
          tpu.enqueue_dma source(%dma_start3A_292 : memref<40xi32, #tpu.memory_space<hbm>>) target(%arg9 : memref<40xi32, #tpu.memory_space<vmem>>) target_semaphore(%run_scoped3A : memref<!tpu.dma_semaphore, #tpu.memory_space<semaphore_mem>>)
          %dma_wait3A_293 = tpu.memref_slice %arg5[%add3A_243] : memref<320000xi32, #tpu.memory_space<hbm>> -> memref<40xi32, #tpu.memory_space<hbm>>
          %dma_wait3A_294 = tpu.memref_slice %arg5[%add3A_243] : memref<320000xi32, #tpu.memory_space<hbm>> -> memref<40xi32, #tpu.memory_space<hbm>>
          tpu.wait_dma2 semaphore(%run_scoped3A : memref<!tpu.dma_semaphore, #tpu.memory_space<semaphore_mem>>) src(%dma_wait3A_294 : memref<40xi32, #tpu.memory_space<hbm>>) dst(%arg9 : memref<40xi32, #tpu.memory_space<vmem>>)
          tpu.yield
        }) : () -> ()
        "tpu.region"() ({
          %run_scoped3A = tpu.sem_alloc : memref<!tpu.dma_semaphore, #tpu.memory_space<semaphore_mem>>
          %dma_start3A_291 = arith.constant 0 : i32
          %dma_start3A_292 = tpu.memref_slice %arg11[%dma_start3A_291] : memref<56xi32, #tpu.memory_space<vmem>> -> memref<40xi32, #tpu.memory_space<vmem>>
          %dma_start3A_293 = tpu.memref_slice %arg6[%add3A_243] : memref<320000xi32, #tpu.memory_space<hbm>> -> memref<40xi32, #tpu.memory_space<hbm>>
          %dma_start3A_294 = arith.constant 0 : i32
          %dma_start3A_295 = tpu.memref_slice %arg11[%dma_start3A_294] : memref<56xi32, #tpu.memory_space<vmem>> -> memref<40xi32, #tpu.memory_space<vmem>>
          %dma_start3A_296 = tpu.memref_slice %arg6[%add3A_243] : memref<320000xi32, #tpu.memory_space<hbm>> -> memref<40xi32, #tpu.memory_space<hbm>>
          tpu.enqueue_dma source(%dma_start3A_296 : memref<40xi32, #tpu.memory_space<hbm>>) target(%dma_start3A_295 : memref<40xi32, #tpu.memory_space<vmem>>) target_semaphore(%run_scoped3A : memref<!tpu.dma_semaphore, #tpu.memory_space<semaphore_mem>>)
          %dma_wait3A_297 = arith.constant 0 : i32
          %dma_wait3A_298 = tpu.memref_slice %arg11[%dma_wait3A_297] : memref<56xi32, #tpu.memory_space<vmem>> -> memref<40xi32, #tpu.memory_space<vmem>>
          %dma_wait3A_299 = tpu.memref_slice %arg6[%add3A_243] : memref<320000xi32, #tpu.memory_space<hbm>> -> memref<40xi32, #tpu.memory_space<hbm>>
          %dma_wait3A_300 = arith.constant 0 : i32
          %dma_wait3A_301 = tpu.memref_slice %arg11[%dma_wait3A_300] : memref<56xi32, #tpu.memory_space<vmem>> -> memref<40xi32, #tpu.memory_space<vmem>>
          %dma_wait3A_302 = tpu.memref_slice %arg6[%add3A_243] : memref<320000xi32, #tpu.memory_space<hbm>> -> memref<40xi32, #tpu.memory_space<hbm>>
          tpu.wait_dma2 semaphore(%run_scoped3A : memref<!tpu.dma_semaphore, #tpu.memory_space<semaphore_mem>>) src(%dma_wait3A_302 : memref<40xi32, #tpu.memory_space<hbm>>) dst(%dma_wait3A_301 : memref<40xi32, #tpu.memory_space<vmem>>)
          tpu.yield
        }) : () -> ()
        %dma_start3A_244 = arith.constant 0 : i32
        %dma_start3A_245 = arith.constant 0 : i32
        %dma_start3A_246 = tpu.memref_slice %arg2[%dma_start3A_244, %dma_start3A_245] : memref<10000x128xf32, #tpu.memory_space<hbm>> -> memref<10000x128xf32, #tpu.memory_space<hbm>>
        tpu.enqueue_indirect_dma source(%dma_start3A_246 : memref<10000x128xf32, #tpu.memory_space<hbm>>) target(%arg17 : memref<40x128xf32, #tpu.memory_space<vmem>>) offsets(%arg9 : memref<40xi32, #tpu.memory_space<vmem>>) semaphore(%arg25 : memref<!tpu.dma_semaphore, #tpu.memory_space<semaphore_mem>>)
        %dma_start3A_247 = arith.constant 0 : i32
        %dma_start3A_248 = tpu.memref_slice %arg11[%dma_start3A_247] : memref<56xi32, #tpu.memory_space<vmem>> -> memref<40xi32, #tpu.memory_space<vmem>>
        %dma_start3A_249 = arith.constant 0 : i32
        %dma_start3A_250 = arith.constant 0 : i32
        %dma_start3A_251 = tpu.memref_slice %arg3[%dma_start3A_249, %dma_start3A_250] : memref<10000x128xf32, #tpu.memory_space<hbm>> -> memref<10000x128xf32, #tpu.memory_space<hbm>>
        tpu.enqueue_indirect_dma source(%dma_start3A_251 : memref<10000x128xf32, #tpu.memory_space<hbm>>) target(%arg19 : memref<40x128xf32, #tpu.memory_space<vmem>>) offsets(%dma_start3A_248 : memref<40xi32, #tpu.memory_space<vmem>>) semaphore(%arg27 : memref<!tpu.dma_semaphore, #tpu.memory_space<semaphore_mem>>)
        %get3A_252 = arith.constant 0 : index
        %get3A_253 = tpu.vector_load %arg11[%get3A_252] {strides = array<i32>} : memref<56xi32, #tpu.memory_space<vmem>>, vector<16xi32>,
        %get3A_254 = vector.shape_cast %get3A_253 : vector<16xi32> to vector<16xi32>
        %shift_right_arithmetic3A_255 = arith.constant 3 : i32
        %shift_right_arithmetic3A_256 = vector.broadcast %shift_right_arithmetic3A_255 : i32 to vector<16xi32>
        %shift_right_arithmetic3A_257 = arith.shrsi %get3A_254, %shift_right_arithmetic3A_256 : vector<16xi32>
        %add3A_258 = arith.constant 10000 : i32
        %add3A_259 = vector.broadcast %add3A_258 : i32 to vector<16xi32>
        %add3A_260 = arith.addi %add3A_259, %shift_right_arithmetic3A_257 : vector<16xi32>
        %swap3A_261 = arith.constant 0 : index
        %swap3A_262 = tpu.vector_load %arg13[%swap3A_261] {strides = array<i32>} : memref<40xi32, #tpu.memory_space<vmem>>, vector<16xi32>,
        %swap3A_263 = vector.shape_cast %swap3A_262 : vector<16xi32> to vector<16xi32>
        %swap3A_264 = vector.shape_cast %add3A_260 : vector<16xi32> to vector<16xi32>
        tpu.vector_store %arg13[%swap3A_261], %swap3A_264 {strides = array<i32>} : memref<40xi32, #tpu.memory_space<vmem>>, vector<16xi32>,
        %get3A_265 = arith.constant 16 : index
        %get3A_266 = tpu.vector_load %arg11[%get3A_265] {strides = array<i32>} : memref<56xi32, #tpu.memory_space<vmem>>, vector<16xi32>,
        %get3A_267 = vector.shape_cast %get3A_266 : vector<16xi32> to vector<16xi32>
        %shift_right_arithmetic3A_268 = arith.constant 3 : i32
        %shift_right_arithmetic3A_269 = vector.broadcast %shift_right_arithmetic3A_268 : i32 to vector<16xi32>
        %shift_right_arithmetic3A_270 = arith.shrsi %get3A_267, %shift_right_arithmetic3A_269 : vector<16xi32>
        %add3A_271 = arith.constant 10000 : i32
        %add3A_272 = vector.broadcast %add3A_271 : i32 to vector<16xi32>
        %add3A_273 = arith.addi %add3A_272, %shift_right_arithmetic3A_270 : vector<16xi32>
        %swap3A_274 = arith.constant 16 : index
        %swap3A_275 = tpu.vector_load %arg13[%swap3A_274] {strides = array<i32>} : memref<40xi32, #tpu.memory_space<vmem>>, vector<16xi32>,
        %swap3A_276 = vector.shape_cast %swap3A_275 : vector<16xi32> to vector<16xi32>
        %swap3A_277 = vector.shape_cast %add3A_273 : vector<16xi32> to vector<16xi32>
        tpu.vector_store %arg13[%swap3A_274], %swap3A_277 {strides = array<i32>} : memref<40xi32, #tpu.memory_space<vmem>>, vector<16xi32>,
        %get3A_278 = arith.constant 24 : index
        %get3A_279 = tpu.vector_load %arg11[%get3A_278] {strides = array<i32>} : memref<56xi32, #tpu.memory_space<vmem>>, vector<16xi32>,
        %get3A_280 = vector.shape_cast %get3A_279 : vector<16xi32> to vector<16xi32>
        %shift_right_arithmetic3A_281 = arith.constant 3 : i32
        %shift_right_arithmetic3A_282 = vector.broadcast %shift_right_arithmetic3A_281 : i32 to vector<16xi32>
        %shift_right_arithmetic3A_283 = arith.shrsi %get3A_280, %shift_right_arithmetic3A_282 : vector<16xi32>
        %add3A_284 = arith.constant 10000 : i32
        %add3A_285 = vector.broadcast %add3A_284 : i32 to vector<16xi32>
        %add3A_286 = arith.addi %add3A_285, %shift_right_arithmetic3A_283 : vector<16xi32>
        %swap3A_287 = arith.constant 24 : index
        %swap3A_288 = tpu.vector_load %arg13[%swap3A_287] {strides = array<i32>} : memref<40xi32, #tpu.memory_space<vmem>>, vector<16xi32>,
        %swap3A_289 = vector.shape_cast %swap3A_288 : vector<16xi32> to vector<16xi32>
        %swap3A_290 = vector.shape_cast %add3A_286 : vector<16xi32> to vector<16xi32>
        tpu.vector_store %arg13[%swap3A_287], %swap3A_290 {strides = array<i32>} : memref<40xi32, #tpu.memory_space<vmem>>, vector<16xi32>,
      } else {
      }
      %dma_wait3A_202 = arith.constant 0 : i32
      %dma_wait3A_203 = arith.constant 0 : i32
      %dma_wait3A_204 = tpu.memref_slice %arg2[%dma_wait3A_202, %dma_wait3A_203] : memref<10000x128xf32, #tpu.memory_space<hbm>> -> memref<10000x128xf32, #tpu.memory_space<hbm>>
      tpu.wait_indirect_dma semaphore(%arg26 : memref<!tpu.dma_semaphore, #tpu.memory_space<semaphore_mem>>) src(%dma_wait3A_204 : memref<10000x128xf32, #tpu.memory_space<hbm>>) dst(%arg18 : memref<40x128xf32, #tpu.memory_space<vmem>>)
      %dma_wait3A_205 = arith.constant 0 : i32
      %dma_wait3A_206 = tpu.memref_slice %arg12[%dma_wait3A_205] : memref<56xi32, #tpu.memory_space<vmem>> -> memref<40xi32, #tpu.memory_space<vmem>>
      %dma_wait3A_207 = arith.constant 0 : i32
      %dma_wait3A_208 = arith.constant 0 : i32
      %dma_wait3A_209 = tpu.memref_slice %arg3[%dma_wait3A_207, %dma_wait3A_208] : memref<10000x128xf32, #tpu.memory_space<hbm>> -> memref<10000x128xf32, #tpu.memory_space<hbm>>
      tpu.wait_indirect_dma semaphore(%arg28 : memref<!tpu.dma_semaphore, #tpu.memory_space<semaphore_mem>>) src(%dma_wait3A_209 : memref<10000x128xf32, #tpu.memory_space<hbm>>) dst(%arg20 : memref<40x128xf32, #tpu.memory_space<vmem>>)
      %parallel_loop3A_210 = arith.constant 0 : i32
      %parallel_loop3A_211 = arith.constant 40 : i32
      %parallel_loop3A_212 = arith.constant 1 : i32
      scf.for %parallel_loop3A_237 = %parallel_loop3A_210 to %parallel_loop3A_211 step %parallel_loop3A_212  : i32 {
        %parallel_loop3A_238 = arith.index_cast %parallel_loop3A_237 : i32 to index
        %parallel_loop3A_239 = arith.constant 0 : index
        %parallel_loop3A_240 = tpu.vector_load %arg18[%parallel_loop3A_238, %parallel_loop3A_239] {strides = array<i32>} : memref<40x128xf32, #tpu.memory_space<vmem>>, vector<1x16xf32>,
        %parallel_loop3A_241 = vector.shape_cast %parallel_loop3A_240 : vector<1x16xf32> to vector<16xf32>
        %parallel_loop3A_242 = arith.index_cast %parallel_loop3A_237 : i32 to index
        %parallel_loop3A_243 = arith.constant 16 : index
        %parallel_loop3A_244 = tpu.vector_load %arg18[%parallel_loop3A_242, %parallel_loop3A_243] {strides = array<i32>} : memref<40x128xf32, #tpu.memory_space<vmem>>, vector<1x16xf32>,
        %parallel_loop3A_245 = vector.shape_cast %parallel_loop3A_244 : vector<1x16xf32> to vector<16xf32>
        %parallel_loop3A_246 = arith.index_cast %parallel_loop3A_237 : i32 to index
        %parallel_loop3A_247 = arith.constant 32 : index
        %parallel_loop3A_248 = tpu.vector_load %arg18[%parallel_loop3A_246, %parallel_loop3A_247] {strides = array<i32>} : memref<40x128xf32, #tpu.memory_space<vmem>>, vector<1x16xf32>,
        %parallel_loop3A_249 = vector.shape_cast %parallel_loop3A_248 : vector<1x16xf32> to vector<16xf32>
        %parallel_loop3A_250 = arith.index_cast %parallel_loop3A_237 : i32 to index
        %parallel_loop3A_251 = arith.constant 48 : index
        %parallel_loop3A_252 = tpu.vector_load %arg18[%parallel_loop3A_250, %parallel_loop3A_251] {strides = array<i32>} : memref<40x128xf32, #tpu.memory_space<vmem>>, vector<1x16xf32>,
        %parallel_loop3A_253 = vector.shape_cast %parallel_loop3A_252 : vector<1x16xf32> to vector<16xf32>
        %parallel_loop3A_254 = arith.index_cast %parallel_loop3A_237 : i32 to index
        %parallel_loop3A_255 = arith.constant 64 : index
        %parallel_loop3A_256 = tpu.vector_load %arg18[%parallel_loop3A_254, %parallel_loop3A_255] {strides = array<i32>} : memref<40x128xf32, #tpu.memory_space<vmem>>, vector<1x16xf32>,
        %parallel_loop3A_257 = vector.shape_cast %parallel_loop3A_256 : vector<1x16xf32> to vector<16xf32>
        %parallel_loop3A_258 = arith.index_cast %parallel_loop3A_237 : i32 to index
        %parallel_loop3A_259 = arith.constant 80 : index
        %parallel_loop3A_260 = tpu.vector_load %arg18[%parallel_loop3A_258, %parallel_loop3A_259] {strides = array<i32>} : memref<40x128xf32, #tpu.memory_space<vmem>>, vector<1x16xf32>,
        %parallel_loop3A_261 = vector.shape_cast %parallel_loop3A_260 : vector<1x16xf32> to vector<16xf32>
        %parallel_loop3A_262 = arith.index_cast %parallel_loop3A_237 : i32 to index
        %parallel_loop3A_263 = arith.constant 96 : index
        %parallel_loop3A_264 = tpu.vector_load %arg18[%parallel_loop3A_262, %parallel_loop3A_263] {strides = array<i32>} : memref<40x128xf32, #tpu.memory_space<vmem>>, vector<1x16xf32>,
        %parallel_loop3A_265 = vector.shape_cast %parallel_loop3A_264 : vector<1x16xf32> to vector<16xf32>
        %parallel_loop3A_266 = arith.index_cast %parallel_loop3A_237 : i32 to index
        %parallel_loop3A_267 = arith.constant 112 : index
        %parallel_loop3A_268 = tpu.vector_load %arg18[%parallel_loop3A_266, %parallel_loop3A_267] {strides = array<i32>} : memref<40x128xf32, #tpu.memory_space<vmem>>, vector<1x16xf32>,
        %parallel_loop3A_269 = vector.shape_cast %parallel_loop3A_268 : vector<1x16xf32> to vector<16xf32>
        %parallel_loop3A_270 = arith.index_cast %parallel_loop3A_237 : i32 to index
        %parallel_loop3A_271 = arith.constant 0 : index
        %parallel_loop3A_272 = tpu.vector_load %arg20[%parallel_loop3A_270, %parallel_loop3A_271] {strides = array<i32>} : memref<40x128xf32, #tpu.memory_space<vmem>>, vector<1x16xf32>,
        %parallel_loop3A_273 = vector.shape_cast %parallel_loop3A_272 : vector<1x16xf32> to vector<16xf32>
        %parallel_loop3A_274 = arith.addf %parallel_loop3A_241, %parallel_loop3A_273 : vector<16xf32>
        %parallel_loop3A_275 = arith.constant 2.000000e-01 : f32
        %parallel_loop3A_276 = vector.broadcast %parallel_loop3A_275 : f32 to vector<16xf32>
        %parallel_loop3A_277 = arith.mulf %parallel_loop3A_274, %parallel_loop3A_276 : vector<16xf32>
        %parallel_loop3A_278 = arith.maximumf %parallel_loop3A_274, %parallel_loop3A_277 : vector<16xf32>
        %parallel_loop3A_279 = arith.mulf %parallel_loop3A_278, %get3A_4 : vector<16xf32>
        %parallel_loop3A_280 = arith.index_cast %parallel_loop3A_237 : i32 to index
        %parallel_loop3A_281 = arith.constant 16 : index
        %parallel_loop3A_282 = tpu.vector_load %arg20[%parallel_loop3A_280, %parallel_loop3A_281] {strides = array<i32>} : memref<40x128xf32, #tpu.memory_space<vmem>>, vector<1x16xf32>,
        %parallel_loop3A_283 = vector.shape_cast %parallel_loop3A_282 : vector<1x16xf32> to vector<16xf32>
        %parallel_loop3A_284 = arith.addf %parallel_loop3A_245, %parallel_loop3A_283 : vector<16xf32>
        %parallel_loop3A_285 = arith.constant 2.000000e-01 : f32
        %parallel_loop3A_286 = vector.broadcast %parallel_loop3A_285 : f32 to vector<16xf32>
        %parallel_loop3A_287 = arith.mulf %parallel_loop3A_284, %parallel_loop3A_286 : vector<16xf32>
        %parallel_loop3A_288 = arith.maximumf %parallel_loop3A_284, %parallel_loop3A_287 : vector<16xf32>
        %parallel_loop3A_289 = arith.mulf %parallel_loop3A_288, %get3A_7 : vector<16xf32>
        %parallel_loop3A_290 = arith.addf %parallel_loop3A_279, %parallel_loop3A_289 : vector<16xf32>
        %parallel_loop3A_291 = arith.index_cast %parallel_loop3A_237 : i32 to index
        %parallel_loop3A_292 = arith.constant 32 : index
        %parallel_loop3A_293 = tpu.vector_load %arg20[%parallel_loop3A_291, %parallel_loop3A_292] {strides = array<i32>} : memref<40x128xf32, #tpu.memory_space<vmem>>, vector<1x16xf32>,
        %parallel_loop3A_294 = vector.shape_cast %parallel_loop3A_293 : vector<1x16xf32> to vector<16xf32>
        %parallel_loop3A_295 = arith.addf %parallel_loop3A_249, %parallel_loop3A_294 : vector<16xf32>
        %parallel_loop3A_296 = arith.constant 2.000000e-01 : f32
        %parallel_loop3A_297 = vector.broadcast %parallel_loop3A_296 : f32 to vector<16xf32>
        %parallel_loop3A_298 = arith.mulf %parallel_loop3A_295, %parallel_loop3A_297 : vector<16xf32>
        %parallel_loop3A_299 = arith.maximumf %parallel_loop3A_295, %parallel_loop3A_298 : vector<16xf32>
        %parallel_loop3A_300 = arith.mulf %parallel_loop3A_299, %get3A_10 : vector<16xf32>
        %parallel_loop3A_301 = arith.addf %parallel_loop3A_290, %parallel_loop3A_300 : vector<16xf32>
        %parallel_loop3A_302 = arith.index_cast %parallel_loop3A_237 : i32 to index
        %parallel_loop3A_303 = arith.constant 48 : index
        %parallel_loop3A_304 = tpu.vector_load %arg20[%parallel_loop3A_302, %parallel_loop3A_303] {strides = array<i32>} : memref<40x128xf32, #tpu.memory_space<vmem>>, vector<1x16xf32>,
        %parallel_loop3A_305 = vector.shape_cast %parallel_loop3A_304 : vector<1x16xf32> to vector<16xf32>
        %parallel_loop3A_306 = arith.addf %parallel_loop3A_253, %parallel_loop3A_305 : vector<16xf32>
        %parallel_loop3A_307 = arith.constant 2.000000e-01 : f32
        %parallel_loop3A_308 = vector.broadcast %parallel_loop3A_307 : f32 to vector<16xf32>
        %parallel_loop3A_309 = arith.mulf %parallel_loop3A_306, %parallel_loop3A_308 : vector<16xf32>
        %parallel_loop3A_310 = arith.maximumf %parallel_loop3A_306, %parallel_loop3A_309 : vector<16xf32>
        %parallel_loop3A_311 = arith.mulf %parallel_loop3A_310, %get3A_13 : vector<16xf32>
        %parallel_loop3A_312 = arith.addf %parallel_loop3A_301, %parallel_loop3A_311 : vector<16xf32>
        %parallel_loop3A_313 = arith.index_cast %parallel_loop3A_237 : i32 to index
        %parallel_loop3A_314 = arith.constant 64 : index
        %parallel_loop3A_315 = tpu.vector_load %arg20[%parallel_loop3A_313, %parallel_loop3A_314] {strides = array<i32>} : memref<40x128xf32, #tpu.memory_space<vmem>>, vector<1x16xf32>,
        %parallel_loop3A_316 = vector.shape_cast %parallel_loop3A_315 : vector<1x16xf32> to vector<16xf32>
        %parallel_loop3A_317 = arith.addf %parallel_loop3A_257, %parallel_loop3A_316 : vector<16xf32>
        %parallel_loop3A_318 = arith.constant 2.000000e-01 : f32
        %parallel_loop3A_319 = vector.broadcast %parallel_loop3A_318 : f32 to vector<16xf32>
        %parallel_loop3A_320 = arith.mulf %parallel_loop3A_317, %parallel_loop3A_319 : vector<16xf32>
        %parallel_loop3A_321 = arith.maximumf %parallel_loop3A_317, %parallel_loop3A_320 : vector<16xf32>
        %parallel_loop3A_322 = arith.mulf %parallel_loop3A_321, %get3A_16 : vector<16xf32>
        %parallel_loop3A_323 = arith.addf %parallel_loop3A_312, %parallel_loop3A_322 : vector<16xf32>
        %parallel_loop3A_324 = arith.index_cast %parallel_loop3A_237 : i32 to index
        %parallel_loop3A_325 = arith.constant 80 : index
        %parallel_loop3A_326 = tpu.vector_load %arg20[%parallel_loop3A_324, %parallel_loop3A_325] {strides = array<i32>} : memref<40x128xf32, #tpu.memory_space<vmem>>, vector<1x16xf32>,
        %parallel_loop3A_327 = vector.shape_cast %parallel_loop3A_326 : vector<1x16xf32> to vector<16xf32>
        %parallel_loop3A_328 = arith.addf %parallel_loop3A_261, %parallel_loop3A_327 : vector<16xf32>
        %parallel_loop3A_329 = arith.constant 2.000000e-01 : f32
        %parallel_loop3A_330 = vector.broadcast %parallel_loop3A_329 : f32 to vector<16xf32>
        %parallel_loop3A_331 = arith.mulf %parallel_loop3A_328, %parallel_loop3A_330 : vector<16xf32>
        %parallel_loop3A_332 = arith.maximumf %parallel_loop3A_328, %parallel_loop3A_331 : vector<16xf32>
        %parallel_loop3A_333 = arith.mulf %parallel_loop3A_332, %get3A_19 : vector<16xf32>
        %parallel_loop3A_334 = arith.addf %parallel_loop3A_323, %parallel_loop3A_333 : vector<16xf32>
        %parallel_loop3A_335 = arith.index_cast %parallel_loop3A_237 : i32 to index
        %parallel_loop3A_336 = arith.constant 96 : index
        %parallel_loop3A_337 = tpu.vector_load %arg20[%parallel_loop3A_335, %parallel_loop3A_336] {strides = array<i32>} : memref<40x128xf32, #tpu.memory_space<vmem>>, vector<1x16xf32>,
        %parallel_loop3A_338 = vector.shape_cast %parallel_loop3A_337 : vector<1x16xf32> to vector<16xf32>
        %parallel_loop3A_339 = arith.addf %parallel_loop3A_265, %parallel_loop3A_338 : vector<16xf32>
        %parallel_loop3A_340 = arith.constant 2.000000e-01 : f32
        %parallel_loop3A_341 = vector.broadcast %parallel_loop3A_340 : f32 to vector<16xf32>
        %parallel_loop3A_342 = arith.mulf %parallel_loop3A_339, %parallel_loop3A_341 : vector<16xf32>
        %parallel_loop3A_343 = arith.maximumf %parallel_loop3A_339, %parallel_loop3A_342 : vector<16xf32>
        %parallel_loop3A_344 = arith.mulf %parallel_loop3A_343, %get3A_22 : vector<16xf32>
        %parallel_loop3A_345 = arith.addf %parallel_loop3A_334, %parallel_loop3A_344 : vector<16xf32>
        %parallel_loop3A_346 = arith.index_cast %parallel_loop3A_237 : i32 to index
        %parallel_loop3A_347 = arith.constant 112 : index
        %parallel_loop3A_348 = tpu.vector_load %arg20[%parallel_loop3A_346, %parallel_loop3A_347] {strides = array<i32>} : memref<40x128xf32, #tpu.memory_space<vmem>>, vector<1x16xf32>,
        %parallel_loop3A_349 = vector.shape_cast %parallel_loop3A_348 : vector<1x16xf32> to vector<16xf32>
        %parallel_loop3A_350 = arith.addf %parallel_loop3A_269, %parallel_loop3A_349 : vector<16xf32>
        %parallel_loop3A_351 = arith.constant 2.000000e-01 : f32
        %parallel_loop3A_352 = vector.broadcast %parallel_loop3A_351 : f32 to vector<16xf32>
        %parallel_loop3A_353 = arith.mulf %parallel_loop3A_350, %parallel_loop3A_352 : vector<16xf32>
        %parallel_loop3A_354 = arith.maximumf %parallel_loop3A_350, %parallel_loop3A_353 : vector<16xf32>
        %parallel_loop3A_355 = arith.mulf %parallel_loop3A_354, %get3A_25 : vector<16xf32>
        %parallel_loop3A_356 = arith.addf %parallel_loop3A_345, %parallel_loop3A_355 : vector<16xf32>
        %parallel_loop3A_357 = math.exp %parallel_loop3A_356 : vector<16xf32>
        %parallel_loop3A_358 = arith.mulf %parallel_loop3A_241, %parallel_loop3A_357 : vector<16xf32>
        %parallel_loop3A_359 = arith.index_cast %parallel_loop3A_237 : i32 to index
        %parallel_loop3A_360 = arith.constant 0 : index
        %parallel_loop3A_361 = tpu.vector_load %arg22[%parallel_loop3A_359, %parallel_loop3A_360] {strides = array<i32>} : memref<40x128xf32, #tpu.memory_space<vmem>>, vector<1x16xf32>,
        %parallel_loop3A_362 = vector.shape_cast %parallel_loop3A_361 : vector<1x16xf32> to vector<16xf32>
        %parallel_loop3A_363 = vector.shape_cast %parallel_loop3A_358 : vector<16xf32> to vector<1x16xf32>
        tpu.vector_store %arg22[%parallel_loop3A_359, %parallel_loop3A_360], %parallel_loop3A_363 {strides = array<i32>} : memref<40x128xf32, #tpu.memory_space<vmem>>, vector<1x16xf32>,
        %parallel_loop3A_364 = arith.mulf %parallel_loop3A_245, %parallel_loop3A_357 : vector<16xf32>
        %parallel_loop3A_365 = arith.index_cast %parallel_loop3A_237 : i32 to index
        %parallel_loop3A_366 = arith.constant 16 : index
        %parallel_loop3A_367 = tpu.vector_load %arg22[%parallel_loop3A_365, %parallel_loop3A_366] {strides = array<i32>} : memref<40x128xf32, #tpu.memory_space<vmem>>, vector<1x16xf32>,
        %parallel_loop3A_368 = vector.shape_cast %parallel_loop3A_367 : vector<1x16xf32> to vector<16xf32>
        %parallel_loop3A_369 = vector.shape_cast %parallel_loop3A_364 : vector<16xf32> to vector<1x16xf32>
        tpu.vector_store %arg22[%parallel_loop3A_365, %parallel_loop3A_366], %parallel_loop3A_369 {strides = array<i32>} : memref<40x128xf32, #tpu.memory_space<vmem>>, vector<1x16xf32>,
        %parallel_loop3A_370 = arith.mulf %parallel_loop3A_249, %parallel_loop3A_357 : vector<16xf32>
        %parallel_loop3A_371 = arith.index_cast %parallel_loop3A_237 : i32 to index
        %parallel_loop3A_372 = arith.constant 32 : index
        %parallel_loop3A_373 = tpu.vector_load %arg22[%parallel_loop3A_371, %parallel_loop3A_372] {strides = array<i32>} : memref<40x128xf32, #tpu.memory_space<vmem>>, vector<1x16xf32>,
        %parallel_loop3A_374 = vector.shape_cast %parallel_loop3A_373 : vector<1x16xf32> to vector<16xf32>
        %parallel_loop3A_375 = vector.shape_cast %parallel_loop3A_370 : vector<16xf32> to vector<1x16xf32>
        tpu.vector_store %arg22[%parallel_loop3A_371, %parallel_loop3A_372], %parallel_loop3A_375 {strides = array<i32>} : memref<40x128xf32, #tpu.memory_space<vmem>>, vector<1x16xf32>,
        %parallel_loop3A_376 = arith.mulf %parallel_loop3A_253, %parallel_loop3A_357 : vector<16xf32>
        %parallel_loop3A_377 = arith.index_cast %parallel_loop3A_237 : i32 to index
        %parallel_loop3A_378 = arith.constant 48 : index
        %parallel_loop3A_379 = tpu.vector_load %arg22[%parallel_loop3A_377, %parallel_loop3A_378] {strides = array<i32>} : memref<40x128xf32, #tpu.memory_space<vmem>>, vector<1x16xf32>,
        %parallel_loop3A_380 = vector.shape_cast %parallel_loop3A_379 : vector<1x16xf32> to vector<16xf32>
        %parallel_loop3A_381 = vector.shape_cast %parallel_loop3A_376 : vector<16xf32> to vector<1x16xf32>
        tpu.vector_store %arg22[%parallel_loop3A_377, %parallel_loop3A_378], %parallel_loop3A_381 {strides = array<i32>} : memref<40x128xf32, #tpu.memory_space<vmem>>, vector<1x16xf32>,
        %parallel_loop3A_382 = arith.mulf %parallel_loop3A_257, %parallel_loop3A_357 : vector<16xf32>
        %parallel_loop3A_383 = arith.index_cast %parallel_loop3A_237 : i32 to index
        %parallel_loop3A_384 = arith.constant 64 : index
        %parallel_loop3A_385 = tpu.vector_load %arg22[%parallel_loop3A_383, %parallel_loop3A_384] {strides = array<i32>} : memref<40x128xf32, #tpu.memory_space<vmem>>, vector<1x16xf32>,
        %parallel_loop3A_386 = vector.shape_cast %parallel_loop3A_385 : vector<1x16xf32> to vector<16xf32>
        %parallel_loop3A_387 = vector.shape_cast %parallel_loop3A_382 : vector<16xf32> to vector<1x16xf32>
        tpu.vector_store %arg22[%parallel_loop3A_383, %parallel_loop3A_384], %parallel_loop3A_387 {strides = array<i32>} : memref<40x128xf32, #tpu.memory_space<vmem>>, vector<1x16xf32>,
        %parallel_loop3A_388 = arith.mulf %parallel_loop3A_261, %parallel_loop3A_357 : vector<16xf32>
        %parallel_loop3A_389 = arith.index_cast %parallel_loop3A_237 : i32 to index
        %parallel_loop3A_390 = arith.constant 80 : index
        %parallel_loop3A_391 = tpu.vector_load %arg22[%parallel_loop3A_389, %parallel_loop3A_390] {strides = array<i32>} : memref<40x128xf32, #tpu.memory_space<vmem>>, vector<1x16xf32>,
        %parallel_loop3A_392 = vector.shape_cast %parallel_loop3A_391 : vector<1x16xf32> to vector<16xf32>
        %parallel_loop3A_393 = vector.shape_cast %parallel_loop3A_388 : vector<16xf32> to vector<1x16xf32>
        tpu.vector_store %arg22[%parallel_loop3A_389, %parallel_loop3A_390], %parallel_loop3A_393 {strides = array<i32>} : memref<40x128xf32, #tpu.memory_space<vmem>>, vector<1x16xf32>,
        %parallel_loop3A_394 = arith.mulf %parallel_loop3A_265, %parallel_loop3A_357 : vector<16xf32>
        %parallel_loop3A_395 = arith.index_cast %parallel_loop3A_237 : i32 to index
        %parallel_loop3A_396 = arith.constant 96 : index
        %parallel_loop3A_397 = tpu.vector_load %arg22[%parallel_loop3A_395, %parallel_loop3A_396] {strides = array<i32>} : memref<40x128xf32, #tpu.memory_space<vmem>>, vector<1x16xf32>,
        %parallel_loop3A_398 = vector.shape_cast %parallel_loop3A_397 : vector<1x16xf32> to vector<16xf32>
        %parallel_loop3A_399 = vector.shape_cast %parallel_loop3A_394 : vector<16xf32> to vector<1x16xf32>
        tpu.vector_store %arg22[%parallel_loop3A_395, %parallel_loop3A_396], %parallel_loop3A_399 {strides = array<i32>} : memref<40x128xf32, #tpu.memory_space<vmem>>, vector<1x16xf32>,
        %parallel_loop3A_400 = arith.mulf %parallel_loop3A_269, %parallel_loop3A_357 : vector<16xf32>
        %parallel_loop3A_401 = arith.index_cast %parallel_loop3A_237 : i32 to index
        %parallel_loop3A_402 = arith.constant 112 : index
        %parallel_loop3A_403 = tpu.vector_load %arg22[%parallel_loop3A_401, %parallel_loop3A_402] {strides = array<i32>} : memref<40x128xf32, #tpu.memory_space<vmem>>, vector<1x16xf32>,
        %parallel_loop3A_404 = vector.shape_cast %parallel_loop3A_403 : vector<1x16xf32> to vector<16xf32>
        %parallel_loop3A_405 = vector.shape_cast %parallel_loop3A_400 : vector<16xf32> to vector<1x16xf32>
        tpu.vector_store %arg22[%parallel_loop3A_401, %parallel_loop3A_402], %parallel_loop3A_405 {strides = array<i32>} : memref<40x128xf32, #tpu.memory_space<vmem>>, vector<1x16xf32>,
        %parallel_loop3A_406 = arith.index_cast %parallel_loop3A_237 : i32 to index
        %parallel_loop3A_407 = tpu.vector_load %arg12[%parallel_loop3A_406] {strides = array<i32>} : memref<56xi32, #tpu.memory_space<vmem>>, vector<16xi32>,
        %parallel_loop3A_408 = vector.shape_cast %parallel_loop3A_407 : vector<16xi32> to vector<16xi32>
        %parallel_loop3A_409 = vector.extract_strided_slice %parallel_loop3A_408 {offsets = [0], sizes = [1], strides = [1]} : vector<16xi32> to vector<1xi32>
        %parallel_loop3A_410 = vector.extract %parallel_loop3A_409[0] : i32 from vector<1xi32>
        %parallel_loop3A_411 = arith.constant 7 : i32
        %parallel_loop3A_412 = arith.andi %parallel_loop3A_410, %parallel_loop3A_411 : i32
        %parallel_loop3A_413 = arith.constant 16 : i32
        %parallel_loop3A_414 = arith.muli %parallel_loop3A_412, %parallel_loop3A_413 : i32
        %parallel_loop3A_415 = arith.index_cast %parallel_loop3A_237 : i32 to index
        %parallel_loop3A_416 = arith.constant 0 : index
        %parallel_loop3A_417 = tpu.vector_load %arg23[%parallel_loop3A_415, %parallel_loop3A_416] {strides = array<i32>} : memref<40x128xf32, #tpu.memory_space<vmem>>, vector<1x16xf32>,
        %parallel_loop3A_418 = vector.shape_cast %parallel_loop3A_417 : vector<1x16xf32> to vector<16xf32>
        %parallel_loop3A_419 = vector.shape_cast %broadcast_in_dim3A_26 : vector<16xf32> to vector<1x16xf32>
        tpu.vector_store %arg23[%parallel_loop3A_415, %parallel_loop3A_416], %parallel_loop3A_419 {strides = array<i32>} : memref<40x128xf32, #tpu.memory_space<vmem>>, vector<1x16xf32>,
        %parallel_loop3A_420 = arith.index_cast %parallel_loop3A_237 : i32 to index
        %parallel_loop3A_421 = arith.constant 16 : index
        %parallel_loop3A_422 = tpu.vector_load %arg23[%parallel_loop3A_420, %parallel_loop3A_421] {strides = array<i32>} : memref<40x128xf32, #tpu.memory_space<vmem>>, vector<1x16xf32>,
        %parallel_loop3A_423 = vector.shape_cast %parallel_loop3A_422 : vector<1x16xf32> to vector<16xf32>
        %parallel_loop3A_424 = vector.shape_cast %broadcast_in_dim3A_26 : vector<16xf32> to vector<1x16xf32>
        tpu.vector_store %arg23[%parallel_loop3A_420, %parallel_loop3A_421], %parallel_loop3A_424 {strides = array<i32>} : memref<40x128xf32, #tpu.memory_space<vmem>>, vector<1x16xf32>,
        %parallel_loop3A_425 = arith.index_cast %parallel_loop3A_237 : i32 to index
        %parallel_loop3A_426 = arith.constant 32 : index
        %parallel_loop3A_427 = tpu.vector_load %arg23[%parallel_loop3A_425, %parallel_loop3A_426] {strides = array<i32>} : memref<40x128xf32, #tpu.memory_space<vmem>>, vector<1x16xf32>,
        %parallel_loop3A_428 = vector.shape_cast %parallel_loop3A_427 : vector<1x16xf32> to vector<16xf32>
        %parallel_loop3A_429 = vector.shape_cast %broadcast_in_dim3A_26 : vector<16xf32> to vector<1x16xf32>
        tpu.vector_store %arg23[%parallel_loop3A_425, %parallel_loop3A_426], %parallel_loop3A_429 {strides = array<i32>} : memref<40x128xf32, #tpu.memory_space<vmem>>, vector<1x16xf32>,
        %parallel_loop3A_430 = arith.index_cast %parallel_loop3A_237 : i32 to index
        %parallel_loop3A_431 = arith.constant 48 : index
        %parallel_loop3A_432 = tpu.vector_load %arg23[%parallel_loop3A_430, %parallel_loop3A_431] {strides = array<i32>} : memref<40x128xf32, #tpu.memory_space<vmem>>, vector<1x16xf32>,
        %parallel_loop3A_433 = vector.shape_cast %parallel_loop3A_432 : vector<1x16xf32> to vector<16xf32>
        %parallel_loop3A_434 = vector.shape_cast %broadcast_in_dim3A_26 : vector<16xf32> to vector<1x16xf32>
        tpu.vector_store %arg23[%parallel_loop3A_430, %parallel_loop3A_431], %parallel_loop3A_434 {strides = array<i32>} : memref<40x128xf32, #tpu.memory_space<vmem>>, vector<1x16xf32>,
        %parallel_loop3A_435 = arith.index_cast %parallel_loop3A_237 : i32 to index
        %parallel_loop3A_436 = arith.constant 64 : index
        %parallel_loop3A_437 = tpu.vector_load %arg23[%parallel_loop3A_435, %parallel_loop3A_436] {strides = array<i32>} : memref<40x128xf32, #tpu.memory_space<vmem>>, vector<1x16xf32>,
        %parallel_loop3A_438 = vector.shape_cast %parallel_loop3A_437 : vector<1x16xf32> to vector<16xf32>
        %parallel_loop3A_439 = vector.shape_cast %broadcast_in_dim3A_26 : vector<16xf32> to vector<1x16xf32>
        tpu.vector_store %arg23[%parallel_loop3A_435, %parallel_loop3A_436], %parallel_loop3A_439 {strides = array<i32>} : memref<40x128xf32, #tpu.memory_space<vmem>>, vector<1x16xf32>,
        %parallel_loop3A_440 = arith.index_cast %parallel_loop3A_237 : i32 to index
        %parallel_loop3A_441 = arith.constant 80 : index
        %parallel_loop3A_442 = tpu.vector_load %arg23[%parallel_loop3A_440, %parallel_loop3A_441] {strides = array<i32>} : memref<40x128xf32, #tpu.memory_space<vmem>>, vector<1x16xf32>,
        %parallel_loop3A_443 = vector.shape_cast %parallel_loop3A_442 : vector<1x16xf32> to vector<16xf32>
        %parallel_loop3A_444 = vector.shape_cast %broadcast_in_dim3A_26 : vector<16xf32> to vector<1x16xf32>
        tpu.vector_store %arg23[%parallel_loop3A_440, %parallel_loop3A_441], %parallel_loop3A_444 {strides = array<i32>} : memref<40x128xf32, #tpu.memory_space<vmem>>, vector<1x16xf32>,
        %parallel_loop3A_445 = arith.index_cast %parallel_loop3A_237 : i32 to index
        %parallel_loop3A_446 = arith.constant 96 : index
        %parallel_loop3A_447 = tpu.vector_load %arg23[%parallel_loop3A_445, %parallel_loop3A_446] {strides = array<i32>} : memref<40x128xf32, #tpu.memory_space<vmem>>, vector<1x16xf32>,
        %parallel_loop3A_448 = vector.shape_cast %parallel_loop3A_447 : vector<1x16xf32> to vector<16xf32>
        %parallel_loop3A_449 = vector.shape_cast %broadcast_in_dim3A_26 : vector<16xf32> to vector<1x16xf32>
        tpu.vector_store %arg23[%parallel_loop3A_445, %parallel_loop3A_446], %parallel_loop3A_449 {strides = array<i32>} : memref<40x128xf32, #tpu.memory_space<vmem>>, vector<1x16xf32>,
        %parallel_loop3A_450 = arith.index_cast %parallel_loop3A_237 : i32 to index
        %parallel_loop3A_451 = arith.constant 112 : index
        %parallel_loop3A_452 = tpu.vector_load %arg23[%parallel_loop3A_450, %parallel_loop3A_451] {strides = array<i32>} : memref<40x128xf32, #tpu.memory_space<vmem>>, vector<1x16xf32>,
        %parallel_loop3A_453 = vector.shape_cast %parallel_loop3A_452 : vector<1x16xf32> to vector<16xf32>
        %parallel_loop3A_454 = vector.shape_cast %broadcast_in_dim3A_26 : vector<16xf32> to vector<1x16xf32>
        tpu.vector_store %arg23[%parallel_loop3A_450, %parallel_loop3A_451], %parallel_loop3A_454 {strides = array<i32>} : memref<40x128xf32, #tpu.memory_space<vmem>>, vector<1x16xf32>,
        %parallel_loop3A_455 = arith.index_cast %parallel_loop3A_237 : i32 to index
        %parallel_loop3A_456 = arith.index_cast %parallel_loop3A_414 : i32 to index
        %parallel_loop3A_457 = tpu.vector_load %arg23[%parallel_loop3A_455, %parallel_loop3A_456] {strides = array<i32>} : memref<40x128xf32, #tpu.memory_space<vmem>>, vector<1x16xf32>,
        %parallel_loop3A_458 = vector.shape_cast %parallel_loop3A_457 : vector<1x16xf32> to vector<16xf32>
        %parallel_loop3A_459 = vector.shape_cast %parallel_loop3A_357 : vector<16xf32> to vector<1x16xf32>
        tpu.vector_store %arg23[%parallel_loop3A_455, %parallel_loop3A_456], %parallel_loop3A_459 {strides = array<i32>} : memref<40x128xf32, #tpu.memory_space<vmem>>, vector<1x16xf32>,
      } {sc.loop_unroll_factor = 8 : i64, sc.parallel_access}
      %get3A_213 = arith.constant 0 : index
      %get3A_214 = tpu.vector_load %arg12[%get3A_213] {strides = array<i32>} : memref<56xi32, #tpu.memory_space<vmem>>, vector<16xi32>,
      %get3A_215 = vector.shape_cast %get3A_214 : vector<16xi32> to vector<16xi32>
      %swap3A_216 = arith.constant 0 : index
      %swap3A_217 = tpu.vector_load %arg16[%swap3A_216] {strides = array<i32>} : memref<40xi32, #tpu.memory_space<vmem>>, vector<16xi32>,
      %swap3A_218 = vector.shape_cast %swap3A_217 : vector<16xi32> to vector<16xi32>
      %swap3A_219 = vector.shape_cast %get3A_215 : vector<16xi32> to vector<16xi32>
      tpu.vector_store %arg16[%swap3A_216], %swap3A_219 {strides = array<i32>} : memref<40xi32, #tpu.memory_space<vmem>>, vector<16xi32>,
      %get3A_220 = arith.constant 16 : index
      %get3A_221 = tpu.vector_load %arg12[%get3A_220] {strides = array<i32>} : memref<56xi32, #tpu.memory_space<vmem>>, vector<16xi32>,
      %get3A_222 = vector.shape_cast %get3A_221 : vector<16xi32> to vector<16xi32>
      %swap3A_223 = arith.constant 16 : index
      %swap3A_224 = tpu.vector_load %arg16[%swap3A_223] {strides = array<i32>} : memref<40xi32, #tpu.memory_space<vmem>>, vector<16xi32>,
      %swap3A_225 = vector.shape_cast %swap3A_224 : vector<16xi32> to vector<16xi32>
      %swap3A_226 = vector.shape_cast %get3A_222 : vector<16xi32> to vector<16xi32>
      tpu.vector_store %arg16[%swap3A_223], %swap3A_226 {strides = array<i32>} : memref<40xi32, #tpu.memory_space<vmem>>, vector<16xi32>,
      %get3A_227 = arith.constant 24 : index
      %get3A_228 = tpu.vector_load %arg12[%get3A_227] {strides = array<i32>} : memref<56xi32, #tpu.memory_space<vmem>>, vector<16xi32>,
      %get3A_229 = vector.shape_cast %get3A_228 : vector<16xi32> to vector<16xi32>
      %swap3A_230 = arith.constant 24 : index
      %swap3A_231 = tpu.vector_load %arg16[%swap3A_230] {strides = array<i32>} : memref<40xi32, #tpu.memory_space<vmem>>, vector<16xi32>,
      %swap3A_232 = vector.shape_cast %swap3A_231 : vector<16xi32> to vector<16xi32>
      %swap3A_233 = vector.shape_cast %get3A_229 : vector<16xi32> to vector<16xi32>
      tpu.vector_store %arg16[%swap3A_230], %swap3A_233 {strides = array<i32>} : memref<40xi32, #tpu.memory_space<vmem>>, vector<16xi32>,
      "tpu.region"() ({
        %run_scoped3A = tpu.sem_alloc : memref<!tpu.dma_semaphore, #tpu.memory_space<semaphore_mem>>
        %dma_start3A_237 = arith.constant 0 : i32
        %dma_start3A_238 = arith.constant 0 : i32
        %dma_start3A_239 = tpu.memref_slice %arg8[%dma_start3A_237, %dma_start3A_238] : memref<11280x128xf32, #tpu.memory_space<vmem_shared>> -> memref<11280x128xf32, #tpu.memory_space<vmem_shared>>
        tpu.enqueue_indirect_dma source(%arg23 : memref<40x128xf32, #tpu.memory_space<vmem>>) target(%dma_start3A_239 : memref<11280x128xf32, #tpu.memory_space<vmem_shared>>) offsets(%arg14 : memref<40xi32, #tpu.memory_space<vmem>>) semaphore(%run_scoped3A : memref<!tpu.dma_semaphore, #tpu.memory_space<semaphore_mem>>) {add = true}
        %dma_wait3A_240 = arith.constant 0 : i32
        %dma_wait3A_241 = arith.constant 0 : i32
        %dma_wait3A_242 = tpu.memref_slice %arg8[%dma_wait3A_240, %dma_wait3A_241] : memref<11280x128xf32, #tpu.memory_space<vmem_shared>> -> memref<11280x128xf32, #tpu.memory_space<vmem_shared>>
        tpu.wait_indirect_dma semaphore(%run_scoped3A : memref<!tpu.dma_semaphore, #tpu.memory_space<semaphore_mem>>) src(%arg23 : memref<40x128xf32, #tpu.memory_space<vmem>>) dst(%dma_wait3A_242 : memref<11280x128xf32, #tpu.memory_space<vmem_shared>>)
        tpu.yield
      }) : () -> ()
      %dma_start3A_234 = arith.constant 0 : i32
      %dma_start3A_235 = arith.constant 0 : i32
      %dma_start3A_236 = tpu.memref_slice %arg8[%dma_start3A_234, %dma_start3A_235] : memref<11280x128xf32, #tpu.memory_space<vmem_shared>> -> memref<11280x128xf32, #tpu.memory_space<vmem_shared>>
      tpu.enqueue_indirect_dma source(%arg22 : memref<40x128xf32, #tpu.memory_space<vmem>>) target(%dma_start3A_236 : memref<11280x128xf32, #tpu.memory_space<vmem_shared>>) offsets(%arg16 : memref<40xi32, #tpu.memory_space<vmem>>) semaphore(%arg30 : memref<!tpu.dma_semaphore, #tpu.memory_space<semaphore_mem>>) {add = true}
    }
    %scan3A_89 = arith.constant 125 : i32
    %dma_wait3A = arith.constant 0 : i32
    %dma_wait3A_90 = arith.constant 0 : i32
    %dma_wait3A_91 = tpu.memref_slice %arg8[%dma_wait3A, %dma_wait3A_90] : memref<11280x128xf32, #tpu.memory_space<vmem_shared>> -> memref<11280x128xf32, #tpu.memory_space<vmem_shared>>
    tpu.wait_indirect_dma semaphore(%arg29 : memref<!tpu.dma_semaphore, #tpu.memory_space<semaphore_mem>>) src(%arg21 : memref<40x128xf32, #tpu.memory_space<vmem>>) dst(%dma_wait3A_91 : memref<11280x128xf32, #tpu.memory_space<vmem_shared>>)
    %dma_wait3A_92 = arith.constant 0 : i32
    %dma_wait3A_93 = arith.constant 0 : i32
    %dma_wait3A_94 = tpu.memref_slice %arg8[%dma_wait3A_92, %dma_wait3A_93] : memref<11280x128xf32, #tpu.memory_space<vmem_shared>> -> memref<11280x128xf32, #tpu.memory_space<vmem_shared>>
    tpu.wait_indirect_dma semaphore(%arg30 : memref<!tpu.dma_semaphore, #tpu.memory_space<semaphore_mem>>) src(%arg22 : memref<40x128xf32, #tpu.memory_space<vmem>>) dst(%dma_wait3A_94 : memref<11280x128xf32, #tpu.memory_space<vmem_shared>>)
    %barrier3A_95 = arith.constant 0 : index
    tpu.barrier barrier_id(%barrier3A_95)
    %scan3A_96 = arith.constant 0 : i32
    %scan3A_97 = arith.constant 0 : i32
    %scan3A_98 = arith.constant 18 : i32
    %scan3A_99 = arith.addi %scan3A_97, %scan3A_98 : i32
    %scan3A_100 = arith.constant 1 : i32
    scf.for %scan3A_102 = %scan3A_97 to %scan3A_99 step %scan3A_100  : i32 {
      %mul3A_103 = arith.constant 16 : i32
      %mul3A_104 = arith.muli %mul3A_103, %scan3A_102 : i32
      %add3A_105 = arith.addi %arg1, %mul3A_104 : i32
      %lt3A = arith.constant 282 : i32
      %lt3A_106 = arith.cmpi slt, %add3A_105, %lt3A : i32
      %convert_element_type3A = arith.extui %lt3A_106 : i1 to i32
      %cond3A = arith.constant 0 : i32
      %cond3A_107 = arith.cmpi ne, %convert_element_type3A, %cond3A : i32
      scf.if %cond3A_107 {
        %mul3A_108 = arith.constant 40 : i32
        %mul3A_109 = arith.muli %add3A_105, %mul3A_108 : i32
        "tpu.region"() ({
          %run_scoped3A = tpu.sem_alloc : memref<!tpu.dma_semaphore, #tpu.memory_space<semaphore_mem>>
          %dma_start3A_115 = arith.constant 0 : i32
          %dma_start3A_116 = tpu.memref_slice %arg8[%mul3A_109, %dma_start3A_115] : memref<11280x128xf32, #tpu.memory_space<vmem_shared>> -> memref<40x128xf32, #tpu.memory_space<vmem_shared>>
          %dma_start3A_117 = arith.constant 0 : i32
          %dma_start3A_118 = tpu.memref_slice %arg8[%mul3A_109, %dma_start3A_117] : memref<11280x128xf32, #tpu.memory_space<vmem_shared>> -> memref<40x128xf32, #tpu.memory_space<vmem_shared>>
          tpu.enqueue_dma source(%dma_start3A_118 : memref<40x128xf32, #tpu.memory_space<vmem_shared>>) target(%arg17 : memref<40x128xf32, #tpu.memory_space<vmem>>) target_semaphore(%run_scoped3A : memref<!tpu.dma_semaphore, #tpu.memory_space<semaphore_mem>>)
          %dma_wait3A_119 = arith.constant 0 : i32
          %dma_wait3A_120 = tpu.memref_slice %arg8[%mul3A_109, %dma_wait3A_119] : memref<11280x128xf32, #tpu.memory_space<vmem_shared>> -> memref<40x128xf32, #tpu.memory_space<vmem_shared>>
          %dma_wait3A_121 = arith.constant 0 : i32
          %dma_wait3A_122 = tpu.memref_slice %arg8[%mul3A_109, %dma_wait3A_121] : memref<11280x128xf32, #tpu.memory_space<vmem_shared>> -> memref<40x128xf32, #tpu.memory_space<vmem_shared>>
          tpu.wait_dma2 semaphore(%run_scoped3A : memref<!tpu.dma_semaphore, #tpu.memory_space<semaphore_mem>>) src(%dma_wait3A_122 : memref<40x128xf32, #tpu.memory_space<vmem_shared>>) dst(%arg17 : memref<40x128xf32, #tpu.memory_space<vmem>>)
          tpu.yield
        }) : () -> ()
        %mul3A_110 = arith.constant 11280 : i32
        %mul3A_111 = arith.muli %arg0, %mul3A_110 : i32
        %mul3A_112 = arith.constant 40 : i32
        %mul3A_113 = arith.muli %add3A_105, %mul3A_112 : i32
        %add3A_114 = arith.addi %mul3A_111, %mul3A_113 : i32
        "tpu.region"() ({
          %run_scoped3A = tpu.sem_alloc : memref<!tpu.dma_semaphore, #tpu.memory_space<semaphore_mem>>
          %dma_start3A_115 = arith.constant 0 : i32
          %dma_start3A_116 = tpu.memref_slice %arg7[%add3A_114, %dma_start3A_115] : memref<22560x128xf32, #tpu.memory_space<hbm>> -> memref<40x128xf32, #tpu.memory_space<hbm>>
          %dma_start3A_117 = arith.constant 0 : i32
          %dma_start3A_118 = tpu.memref_slice %arg7[%add3A_114, %dma_start3A_117] : memref<22560x128xf32, #tpu.memory_space<hbm>> -> memref<40x128xf32, #tpu.memory_space<hbm>>
          tpu.enqueue_dma source(%arg17 : memref<40x128xf32, #tpu.memory_space<vmem>>) target(%dma_start3A_118 : memref<40x128xf32, #tpu.memory_space<hbm>>) target_semaphore(%run_scoped3A : memref<!tpu.dma_semaphore, #tpu.memory_space<semaphore_mem>>)
          %dma_wait3A_119 = arith.constant 0 : i32
          %dma_wait3A_120 = tpu.memref_slice %arg7[%add3A_114, %dma_wait3A_119] : memref<22560x128xf32, #tpu.memory_space<hbm>> -> memref<40x128xf32, #tpu.memory_space<hbm>>
          %dma_wait3A_121 = arith.constant 0 : i32
          %dma_wait3A_122 = tpu.memref_slice %arg7[%add3A_114, %dma_wait3A_121] : memref<22560x128xf32, #tpu.memory_space<hbm>> -> memref<40x128xf32, #tpu.memory_space<hbm>>
          tpu.wait_dma2 semaphore(%run_scoped3A : memref<!tpu.dma_semaphore, #tpu.memory_space<semaphore_mem>>) src(%arg17 : memref<40x128xf32, #tpu.memory_space<vmem>>) dst(%dma_wait3A_122 : memref<40x128xf32, #tpu.memory_space<hbm>>)
          tpu.yield
        }) : () -> ()
      } else {
      }
    }
    %scan3A_101 = arith.constant 18 : i32
    return
  }
}

#map = affine_map<(d0, d1) -> (0, 0)>
#map1 = affine_map<(d0, d1) -> (0)>
module attributes {stable_mosaic.version = 14 : i64} {
  func.func @_sc_edge_body(%arg0: i32, %arg1: i32, %arg2: memref<10000x128xf32, #tpu.memory_space<hbm>>, %arg3: memref<10000x128xf32, #tpu.memory_space<hbm>>, %arg4: memref<128xf32, #tpu.memory_space<hbm>>, %arg5: memref<320000xi32, #tpu.memory_space<hbm>>, %arg6: memref<320000xi32, #tpu.memory_space<hbm>>, %arg7: memref<22560x128xf32, #tpu.memory_space<hbm>>, %arg8: memref<11280x128xf32, #tpu.memory_space<vmem_shared>>, %arg9: memref<40xi32, #tpu.memory_space<vmem>>, %arg10: memref<40xi32, #tpu.memory_space<vmem>>, %arg11: memref<56xi32, #tpu.memory_space<vmem>>, %arg12: memref<56xi32, #tpu.memory_space<vmem>>, %arg13: memref<40xi32, #tpu.memory_space<vmem>>, %arg14: memref<40xi32, #tpu.memory_space<vmem>>, %arg15: memref<40xi32, #tpu.memory_space<vmem>>, %arg16: memref<40xi32, #tpu.memory_space<vmem>>, %arg17: memref<40x128xf32, #tpu.memory_space<vmem>>, %arg18: memref<40x128xf32, #tpu.memory_space<vmem>>, %arg19: memref<40x128xf32, #tpu.memory_space<vmem>>, %arg20: memref<40x128xf32, #tpu.memory_space<vmem>>, %arg21: memref<40x128xf32, #tpu.memory_space<vmem>>, %arg22: memref<40x128xf32, #tpu.memory_space<vmem>>, %arg23: memref<40x128xf32, #tpu.memory_space<vmem>>, %arg24: memref<128xf32, #tpu.memory_space<vmem>>, %arg25: memref<!tpu.dma_semaphore, #tpu.memory_space<semaphore_mem>>, %arg26: memref<!tpu.dma_semaphore, #tpu.memory_space<semaphore_mem>>, %arg27: memref<!tpu.dma_semaphore, #tpu.memory_space<semaphore_mem>>, %arg28: memref<!tpu.dma_semaphore, #tpu.memory_space<semaphore_mem>>, %arg29: memref<!tpu.dma_semaphore, #tpu.memory_space<semaphore_mem>>, %arg30: memref<!tpu.dma_semaphore, #tpu.memory_space<semaphore_mem>>) attributes {dimension_semantics = [#tpu.dimension_semantics<core_parallel>, #tpu.dimension_semantics<subcore_parallel>], iteration_bounds = array<i64: 2, 16>, scalar_prefetch = 0 : i64, scratch_operands = 23 : i64, tpu.core_type = #tpu.core_type<sc_vector_subcore>, window_params = [{transform_indices = #map}, {transform_indices = #map}, {transform_indices = #map1}, {transform_indices = #map1}, {transform_indices = #map1}, {transform_indices = #map}]} {
    %mul3A = arith.constant 16 : i32
    %mul3A_0 = arith.muli %arg0, %mul3A : i32
    %add3A = arith.addi %mul3A_0, %arg1 : i32
    %mul3A_1 = arith.constant 10000 : i32
    %mul3A_2 = arith.muli %add3A, %mul3A_1 : i32
    "tpu.region"() ({
      %run_scoped3A = tpu.sem_alloc : memref<!tpu.dma_semaphore, #tpu.memory_space<semaphore_mem>>
      tpu.enqueue_dma source(%arg4 : memref<128xf32, #tpu.memory_space<hbm>>) target(%arg24 : memref<128xf32, #tpu.memory_space<vmem>>) target_semaphore(%run_scoped3A : memref<!tpu.dma_semaphore, #tpu.memory_space<semaphore_mem>>)
      tpu.wait_dma2 semaphore(%run_scoped3A : memref<!tpu.dma_semaphore, #tpu.memory_space<semaphore_mem>>) src(%arg4 : memref<128xf32, #tpu.memory_space<hbm>>) dst(%arg24 : memref<128xf32, #tpu.memory_space<vmem>>)
      tpu.yield
    }) : () -> ()
    %get3A = arith.constant 0 : index
    %get3A_3 = tpu.vector_load %arg24[%get3A] {strides = array<i32>} : memref<128xf32, #tpu.memory_space<vmem>>, vector<16xf32>,
    %get3A_4 = vector.shape_cast %get3A_3 : vector<16xf32> to vector<16xf32>
    %get3A_5 = arith.constant 16 : index
    %get3A_6 = tpu.vector_load %arg24[%get3A_5] {strides = array<i32>} : memref<128xf32, #tpu.memory_space<vmem>>, vector<16xf32>,
    %get3A_7 = vector.shape_cast %get3A_6 : vector<16xf32> to vector<16xf32>
    %get3A_8 = arith.constant 32 : index
    %get3A_9 = tpu.vector_load %arg24[%get3A_8] {strides = array<i32>} : memref<128xf32, #tpu.memory_space<vmem>>, vector<16xf32>,
    %get3A_10 = vector.shape_cast %get3A_9 : vector<16xf32> to vector<16xf32>
    %get3A_11 = arith.constant 48 : index
    %get3A_12 = tpu.vector_load %arg24[%get3A_11] {strides = array<i32>} : memref<128xf32, #tpu.memory_space<vmem>>, vector<16xf32>,
    %get3A_13 = vector.shape_cast %get3A_12 : vector<16xf32> to vector<16xf32>
    %get3A_14 = arith.constant 64 : index
    %get3A_15 = tpu.vector_load %arg24[%get3A_14] {strides = array<i32>} : memref<128xf32, #tpu.memory_space<vmem>>, vector<16xf32>,
    %get3A_16 = vector.shape_cast %get3A_15 : vector<16xf32> to vector<16xf32>
    %get3A_17 = arith.constant 80 : index
    %get3A_18 = tpu.vector_load %arg24[%get3A_17] {strides = array<i32>} : memref<128xf32, #tpu.memory_space<vmem>>, vector<16xf32>,
    %get3A_19 = vector.shape_cast %get3A_18 : vector<16xf32> to vector<16xf32>
    %get3A_20 = arith.constant 96 : index
    %get3A_21 = tpu.vector_load %arg24[%get3A_20] {strides = array<i32>} : memref<128xf32, #tpu.memory_space<vmem>>, vector<16xf32>,
    %get3A_22 = vector.shape_cast %get3A_21 : vector<16xf32> to vector<16xf32>
    %get3A_23 = arith.constant 112 : index
    %get3A_24 = tpu.vector_load %arg24[%get3A_23] {strides = array<i32>} : memref<128xf32, #tpu.memory_space<vmem>>, vector<16xf32>,
    %get3A_25 = vector.shape_cast %get3A_24 : vector<16xf32> to vector<16xf32>
    %broadcast_in_dim3A = arith.constant 0.000000e+00 : f32
    %broadcast_in_dim3A_26 = vector.broadcast %broadcast_in_dim3A : f32 to vector<16xf32>
    %scan3A = arith.constant 0 : i32
    %scan3A_27 = arith.constant 0 : i32
    %scan3A_28 = arith.constant 40 : i32
    %scan3A_29 = arith.addi %scan3A_27, %scan3A_28 : i32
    %scan3A_30 = arith.constant 1 : i32
    scf.for %scan3A_102 = %scan3A_27 to %scan3A_29 step %scan3A_30  : i32 {
      %swap3A_103 = arith.index_cast %scan3A_102 : i32 to index
      %swap3A_104 = arith.constant 0 : index
      %swap3A_105 = tpu.vector_load %arg17[%swap3A_103, %swap3A_104] {strides = array<i32>} : memref<40x128xf32, #tpu.memory_space<vmem>>, vector<1x16xf32>,
      %swap3A_106 = vector.shape_cast %swap3A_105 : vector<1x16xf32> to vector<16xf32>
      %swap3A_107 = vector.shape_cast %broadcast_in_dim3A_26 : vector<16xf32> to vector<1x16xf32>
      tpu.vector_store %arg17[%swap3A_103, %swap3A_104], %swap3A_107 {strides = array<i32>} : memref<40x128xf32, #tpu.memory_space<vmem>>, vector<1x16xf32>,
      %swap3A_108 = arith.index_cast %scan3A_102 : i32 to index
      %swap3A_109 = arith.constant 16 : index
      %swap3A_110 = tpu.vector_load %arg17[%swap3A_108, %swap3A_109] {strides = array<i32>} : memref<40x128xf32, #tpu.memory_space<vmem>>, vector<1x16xf32>,
      %swap3A_111 = vector.shape_cast %swap3A_110 : vector<1x16xf32> to vector<16xf32>
      %swap3A_112 = vector.shape_cast %broadcast_in_dim3A_26 : vector<16xf32> to vector<1x16xf32>
      tpu.vector_store %arg17[%swap3A_108, %swap3A_109], %swap3A_112 {strides = array<i32>} : memref<40x128xf32, #tpu.memory_space<vmem>>, vector<1x16xf32>,
      %swap3A_113 = arith.index_cast %scan3A_102 : i32 to index
      %swap3A_114 = arith.constant 32 : index
      %swap3A_115 = tpu.vector_load %arg17[%swap3A_113, %swap3A_114] {strides = array<i32>} : memref<40x128xf32, #tpu.memory_space<vmem>>, vector<1x16xf32>,
      %swap3A_116 = vector.shape_cast %swap3A_115 : vector<1x16xf32> to vector<16xf32>
      %swap3A_117 = vector.shape_cast %broadcast_in_dim3A_26 : vector<16xf32> to vector<1x16xf32>
      tpu.vector_store %arg17[%swap3A_113, %swap3A_114], %swap3A_117 {strides = array<i32>} : memref<40x128xf32, #tpu.memory_space<vmem>>, vector<1x16xf32>,
      %swap3A_118 = arith.index_cast %scan3A_102 : i32 to index
      %swap3A_119 = arith.constant 48 : index
      %swap3A_120 = tpu.vector_load %arg17[%swap3A_118, %swap3A_119] {strides = array<i32>} : memref<40x128xf32, #tpu.memory_space<vmem>>, vector<1x16xf32>,
      %swap3A_121 = vector.shape_cast %swap3A_120 : vector<1x16xf32> to vector<16xf32>
      %swap3A_122 = vector.shape_cast %broadcast_in_dim3A_26 : vector<16xf32> to vector<1x16xf32>
      tpu.vector_store %arg17[%swap3A_118, %swap3A_119], %swap3A_122 {strides = array<i32>} : memref<40x128xf32, #tpu.memory_space<vmem>>, vector<1x16xf32>,
      %swap3A_123 = arith.index_cast %scan3A_102 : i32 to index
      %swap3A_124 = arith.constant 64 : index
      %swap3A_125 = tpu.vector_load %arg17[%swap3A_123, %swap3A_124] {strides = array<i32>} : memref<40x128xf32, #tpu.memory_space<vmem>>, vector<1x16xf32>,
      %swap3A_126 = vector.shape_cast %swap3A_125 : vector<1x16xf32> to vector<16xf32>
      %swap3A_127 = vector.shape_cast %broadcast_in_dim3A_26 : vector<16xf32> to vector<1x16xf32>
      tpu.vector_store %arg17[%swap3A_123, %swap3A_124], %swap3A_127 {strides = array<i32>} : memref<40x128xf32, #tpu.memory_space<vmem>>, vector<1x16xf32>,
      %swap3A_128 = arith.index_cast %scan3A_102 : i32 to index
      %swap3A_129 = arith.constant 80 : index
      %swap3A_130 = tpu.vector_load %arg17[%swap3A_128, %swap3A_129] {strides = array<i32>} : memref<40x128xf32, #tpu.memory_space<vmem>>, vector<1x16xf32>,
      %swap3A_131 = vector.shape_cast %swap3A_130 : vector<1x16xf32> to vector<16xf32>
      %swap3A_132 = vector.shape_cast %broadcast_in_dim3A_26 : vector<16xf32> to vector<1x16xf32>
      tpu.vector_store %arg17[%swap3A_128, %swap3A_129], %swap3A_132 {strides = array<i32>} : memref<40x128xf32, #tpu.memory_space<vmem>>, vector<1x16xf32>,
      %swap3A_133 = arith.index_cast %scan3A_102 : i32 to index
      %swap3A_134 = arith.constant 96 : index
      %swap3A_135 = tpu.vector_load %arg17[%swap3A_133, %swap3A_134] {strides = array<i32>} : memref<40x128xf32, #tpu.memory_space<vmem>>, vector<1x16xf32>,
      %swap3A_136 = vector.shape_cast %swap3A_135 : vector<1x16xf32> to vector<16xf32>
      %swap3A_137 = vector.shape_cast %broadcast_in_dim3A_26 : vector<16xf32> to vector<1x16xf32>
      tpu.vector_store %arg17[%swap3A_133, %swap3A_134], %swap3A_137 {strides = array<i32>} : memref<40x128xf32, #tpu.memory_space<vmem>>, vector<1x16xf32>,
      %swap3A_138 = arith.index_cast %scan3A_102 : i32 to index
      %swap3A_139 = arith.constant 112 : index
      %swap3A_140 = tpu.vector_load %arg17[%swap3A_138, %swap3A_139] {strides = array<i32>} : memref<40x128xf32, #tpu.memory_space<vmem>>, vector<1x16xf32>,
      %swap3A_141 = vector.shape_cast %swap3A_140 : vector<1x16xf32> to vector<16xf32>
      %swap3A_142 = vector.shape_cast %broadcast_in_dim3A_26 : vector<16xf32> to vector<1x16xf32>
      tpu.vector_store %arg17[%swap3A_138, %swap3A_139], %swap3A_142 {strides = array<i32>} : memref<40x128xf32, #tpu.memory_space<vmem>>, vector<1x16xf32>,
    }
    %scan3A_31 = arith.constant 40 : i32
    %scan3A_32 = arith.constant 0 : i32
    %scan3A_33 = arith.constant 0 : i32
    %scan3A_34 = arith.constant 18 : i32
    %scan3A_35 = arith.addi %scan3A_33, %scan3A_34 : i32
    %scan3A_36 = arith.constant 1 : i32
    scf.for %scan3A_102 = %scan3A_33 to %scan3A_35 step %scan3A_36  : i32 {
      %mul3A_103 = arith.constant 16 : i32
      %mul3A_104 = arith.muli %mul3A_103, %scan3A_102 : i32
      %add3A_105 = arith.addi %arg1, %mul3A_104 : i32
      %lt3A = arith.constant 282 : i32
      %lt3A_106 = arith.cmpi slt, %add3A_105, %lt3A : i32
      %convert_element_type3A = arith.extui %lt3A_106 : i1 to i32
      %cond3A = arith.constant 0 : i32
      %cond3A_107 = arith.cmpi ne, %convert_element_type3A, %cond3A : i32
      scf.if %cond3A_107 {
        %mul3A_108 = arith.constant 40 : i32
        %mul3A_109 = arith.muli %add3A_105, %mul3A_108 : i32
        "tpu.region"() ({
          %run_scoped3A = tpu.sem_alloc : memref<!tpu.dma_semaphore, #tpu.memory_space<semaphore_mem>>
          %dma_start3A_110 = arith.constant 0 : i32
          %dma_start3A_111 = tpu.memref_slice %arg8[%mul3A_109, %dma_start3A_110] : memref<11280x128xf32, #tpu.memory_space<vmem_shared>> -> memref<40x128xf32, #tpu.memory_space<vmem_shared>>
          %dma_start3A_112 = arith.constant 0 : i32
          %dma_start3A_113 = tpu.memref_slice %arg8[%mul3A_109, %dma_start3A_112] : memref<11280x128xf32, #tpu.memory_space<vmem_shared>> -> memref<40x128xf32, #tpu.memory_space<vmem_shared>>
          tpu.enqueue_dma source(%arg17 : memref<40x128xf32, #tpu.memory_space<vmem>>) target(%dma_start3A_113 : memref<40x128xf32, #tpu.memory_space<vmem_shared>>) target_semaphore(%run_scoped3A : memref<!tpu.dma_semaphore, #tpu.memory_space<semaphore_mem>>)
          %dma_wait3A_114 = arith.constant 0 : i32
          %dma_wait3A_115 = tpu.memref_slice %arg8[%mul3A_109, %dma_wait3A_114] : memref<11280x128xf32, #tpu.memory_space<vmem_shared>> -> memref<40x128xf32, #tpu.memory_space<vmem_shared>>
          %dma_wait3A_116 = arith.constant 0 : i32
          %dma_wait3A_117 = tpu.memref_slice %arg8[%mul3A_109, %dma_wait3A_116] : memref<11280x128xf32, #tpu.memory_space<vmem_shared>> -> memref<40x128xf32, #tpu.memory_space<vmem_shared>>
          tpu.wait_dma2 semaphore(%run_scoped3A : memref<!tpu.dma_semaphore, #tpu.memory_space<semaphore_mem>>) src(%arg17 : memref<40x128xf32, #tpu.memory_space<vmem>>) dst(%dma_wait3A_117 : memref<40x128xf32, #tpu.memory_space<vmem_shared>>)
          tpu.yield
        }) : () -> ()
      } else {
      }
    }
    %scan3A_37 = arith.constant 18 : i32
    %barrier3A = arith.constant 0 : index
    tpu.barrier barrier_id(%barrier3A)
    %add3A_38 = arith.constant 0 : i32
    %add3A_39 = arith.addi %mul3A_2, %add3A_38 : i32
    "tpu.region"() ({
      %run_scoped3A = tpu.sem_alloc : memref<!tpu.dma_semaphore, #tpu.memory_space<semaphore_mem>>
      %dma_start3A_102 = tpu.memref_slice %arg5[%add3A_39] : memref<320000xi32, #tpu.memory_space<hbm>> -> memref<40xi32, #tpu.memory_space<hbm>>
      %dma_start3A_103 = tpu.memref_slice %arg5[%add3A_39] : memref<320000xi32, #tpu.memory_space<hbm>> -> memref<40xi32, #tpu.memory_space<hbm>>
      tpu.enqueue_dma source(%dma_start3A_103 : memref<40xi32, #tpu.memory_space<hbm>>) target(%arg9 : memref<40xi32, #tpu.memory_space<vmem>>) target_semaphore(%run_scoped3A : memref<!tpu.dma_semaphore, #tpu.memory_space<semaphore_mem>>)
      %dma_wait3A_104 = tpu.memref_slice %arg5[%add3A_39] : memref<320000xi32, #tpu.memory_space<hbm>> -> memref<40xi32, #tpu.memory_space<hbm>>
      %dma_wait3A_105 = tpu.memref_slice %arg5[%add3A_39] : memref<320000xi32, #tpu.memory_space<hbm>> -> memref<40xi32, #tpu.memory_space<hbm>>
      tpu.wait_dma2 semaphore(%run_scoped3A : memref<!tpu.dma_semaphore, #tpu.memory_space<semaphore_mem>>) src(%dma_wait3A_105 : memref<40xi32, #tpu.memory_space<hbm>>) dst(%arg9 : memref<40xi32, #tpu.memory_space<vmem>>)
      tpu.yield
    }) : () -> ()
    "tpu.region"() ({
      %run_scoped3A = tpu.sem_alloc : memref<!tpu.dma_semaphore, #tpu.memory_space<semaphore_mem>>
      %dma_start3A_102 = arith.constant 0 : i32
      %dma_start3A_103 = tpu.memref_slice %arg11[%dma_start3A_102] : memref<56xi32, #tpu.memory_space<vmem>> -> memref<40xi32, #tpu.memory_space<vmem>>
      %dma_start3A_104 = tpu.memref_slice %arg6[%add3A_39] : memref<320000xi32, #tpu.memory_space<hbm>> -> memref<40xi32, #tpu.memory_space<hbm>>
      %dma_start3A_105 = arith.constant 0 : i32
      %dma_start3A_106 = tpu.memref_slice %arg11[%dma_start3A_105] : memref<56xi32, #tpu.memory_space<vmem>> -> memref<40xi32, #tpu.memory_space<vmem>>
      %dma_start3A_107 = tpu.memref_slice %arg6[%add3A_39] : memref<320000xi32, #tpu.memory_space<hbm>> -> memref<40xi32, #tpu.memory_space<hbm>>
      tpu.enqueue_dma source(%dma_start3A_107 : memref<40xi32, #tpu.memory_space<hbm>>) target(%dma_start3A_106 : memref<40xi32, #tpu.memory_space<vmem>>) target_semaphore(%run_scoped3A : memref<!tpu.dma_semaphore, #tpu.memory_space<semaphore_mem>>)
      %dma_wait3A_108 = arith.constant 0 : i32
      %dma_wait3A_109 = tpu.memref_slice %arg11[%dma_wait3A_108] : memref<56xi32, #tpu.memory_space<vmem>> -> memref<40xi32, #tpu.memory_space<vmem>>
      %dma_wait3A_110 = tpu.memref_slice %arg6[%add3A_39] : memref<320000xi32, #tpu.memory_space<hbm>> -> memref<40xi32, #tpu.memory_space<hbm>>
      %dma_wait3A_111 = arith.constant 0 : i32
      %dma_wait3A_112 = tpu.memref_slice %arg11[%dma_wait3A_111] : memref<56xi32, #tpu.memory_space<vmem>> -> memref<40xi32, #tpu.memory_space<vmem>>
      %dma_wait3A_113 = tpu.memref_slice %arg6[%add3A_39] : memref<320000xi32, #tpu.memory_space<hbm>> -> memref<40xi32, #tpu.memory_space<hbm>>
      tpu.wait_dma2 semaphore(%run_scoped3A : memref<!tpu.dma_semaphore, #tpu.memory_space<semaphore_mem>>) src(%dma_wait3A_113 : memref<40xi32, #tpu.memory_space<hbm>>) dst(%dma_wait3A_112 : memref<40xi32, #tpu.memory_space<vmem>>)
      tpu.yield
    }) : () -> ()
    %dma_start3A = arith.constant 0 : i32
    %dma_start3A_40 = arith.constant 0 : i32
    %dma_start3A_41 = tpu.memref_slice %arg2[%dma_start3A, %dma_start3A_40] : memref<10000x128xf32, #tpu.memory_space<hbm>> -> memref<10000x128xf32, #tpu.memory_space<hbm>>
    tpu.enqueue_indirect_dma source(%dma_start3A_41 : memref<10000x128xf32, #tpu.memory_space<hbm>>) target(%arg17 : memref<40x128xf32, #tpu.memory_space<vmem>>) offsets(%arg9 : memref<40xi32, #tpu.memory_space<vmem>>) semaphore(%arg25 : memref<!tpu.dma_semaphore, #tpu.memory_space<semaphore_mem>>)
    %dma_start3A_42 = arith.constant 0 : i32
    %dma_start3A_43 = tpu.memref_slice %arg11[%dma_start3A_42] : memref<56xi32, #tpu.memory_space<vmem>> -> memref<40xi32, #tpu.memory_space<vmem>>
    %dma_start3A_44 = arith.constant 0 : i32
    %dma_start3A_45 = arith.constant 0 : i32
    %dma_start3A_46 = tpu.memref_slice %arg3[%dma_start3A_44, %dma_start3A_45] : memref<10000x128xf32, #tpu.memory_space<hbm>> -> memref<10000x128xf32, #tpu.memory_space<hbm>>
    tpu.enqueue_indirect_dma source(%dma_start3A_46 : memref<10000x128xf32, #tpu.memory_space<hbm>>) target(%arg19 : memref<40x128xf32, #tpu.memory_space<vmem>>) offsets(%dma_start3A_43 : memref<40xi32, #tpu.memory_space<vmem>>) semaphore(%arg27 : memref<!tpu.dma_semaphore, #tpu.memory_space<semaphore_mem>>)
    %get3A_47 = arith.constant 0 : index
    %get3A_48 = tpu.vector_load %arg11[%get3A_47] {strides = array<i32>} : memref<56xi32, #tpu.memory_space<vmem>>, vector<16xi32>,
    %get3A_49 = vector.shape_cast %get3A_48 : vector<16xi32> to vector<16xi32>
    %shift_right_arithmetic3A = arith.constant 3 : i32
    %shift_right_arithmetic3A_50 = vector.broadcast %shift_right_arithmetic3A : i32 to vector<16xi32>
    %shift_right_arithmetic3A_51 = arith.shrsi %get3A_49, %shift_right_arithmetic3A_50 : vector<16xi32>
    %add3A_52 = arith.constant 10000 : i32
    %add3A_53 = vector.broadcast %add3A_52 : i32 to vector<16xi32>
    %add3A_54 = arith.addi %add3A_53, %shift_right_arithmetic3A_51 : vector<16xi32>
    %swap3A = arith.constant 0 : index
    %swap3A_55 = tpu.vector_load %arg13[%swap3A] {strides = array<i32>} : memref<40xi32, #tpu.memory_space<vmem>>, vector<16xi32>,
    %swap3A_56 = vector.shape_cast %swap3A_55 : vector<16xi32> to vector<16xi32>
    %swap3A_57 = vector.shape_cast %add3A_54 : vector<16xi32> to vector<16xi32>
    tpu.vector_store %arg13[%swap3A], %swap3A_57 {strides = array<i32>} : memref<40xi32, #tpu.memory_space<vmem>>, vector<16xi32>,
    %get3A_58 = arith.constant 16 : index
    %get3A_59 = tpu.vector_load %arg11[%get3A_58] {strides = array<i32>} : memref<56xi32, #tpu.memory_space<vmem>>, vector<16xi32>,
    %get3A_60 = vector.shape_cast %get3A_59 : vector<16xi32> to vector<16xi32>
    %shift_right_arithmetic3A_61 = arith.constant 3 : i32
    %shift_right_arithmetic3A_62 = vector.broadcast %shift_right_arithmetic3A_61 : i32 to vector<16xi32>
    %shift_right_arithmetic3A_63 = arith.shrsi %get3A_60, %shift_right_arithmetic3A_62 : vector<16xi32>
    %add3A_64 = arith.constant 10000 : i32
    %add3A_65 = vector.broadcast %add3A_64 : i32 to vector<16xi32>
    %add3A_66 = arith.addi %add3A_65, %shift_right_arithmetic3A_63 : vector<16xi32>
    %swap3A_67 = arith.constant 16 : index
    %swap3A_68 = tpu.vector_load %arg13[%swap3A_67] {strides = array<i32>} : memref<40xi32, #tpu.memory_space<vmem>>, vector<16xi32>,
    %swap3A_69 = vector.shape_cast %swap3A_68 : vector<16xi32> to vector<16xi32>
    %swap3A_70 = vector.shape_cast %add3A_66 : vector<16xi32> to vector<16xi32>
    tpu.vector_store %arg13[%swap3A_67], %swap3A_70 {strides = array<i32>} : memref<40xi32, #tpu.memory_space<vmem>>, vector<16xi32>,
    %get3A_71 = arith.constant 24 : index
    %get3A_72 = tpu.vector_load %arg11[%get3A_71] {strides = array<i32>} : memref<56xi32, #tpu.memory_space<vmem>>, vector<16xi32>,
    %get3A_73 = vector.shape_cast %get3A_72 : vector<16xi32> to vector<16xi32>
    %shift_right_arithmetic3A_74 = arith.constant 3 : i32
    %shift_right_arithmetic3A_75 = vector.broadcast %shift_right_arithmetic3A_74 : i32 to vector<16xi32>
    %shift_right_arithmetic3A_76 = arith.shrsi %get3A_73, %shift_right_arithmetic3A_75 : vector<16xi32>
    %add3A_77 = arith.constant 10000 : i32
    %add3A_78 = vector.broadcast %add3A_77 : i32 to vector<16xi32>
    %add3A_79 = arith.addi %add3A_78, %shift_right_arithmetic3A_76 : vector<16xi32>
    %swap3A_80 = arith.constant 24 : index
    %swap3A_81 = tpu.vector_load %arg13[%swap3A_80] {strides = array<i32>} : memref<40xi32, #tpu.memory_space<vmem>>, vector<16xi32>,
    %swap3A_82 = vector.shape_cast %swap3A_81 : vector<16xi32> to vector<16xi32>
    %swap3A_83 = vector.shape_cast %add3A_79 : vector<16xi32> to vector<16xi32>
    tpu.vector_store %arg13[%swap3A_80], %swap3A_83 {strides = array<i32>} : memref<40xi32, #tpu.memory_space<vmem>>, vector<16xi32>,
    %scan3A_84 = arith.constant 0 : i32
    %scan3A_85 = arith.constant 0 : i32
    %scan3A_86 = arith.constant 125 : i32
    %scan3A_87 = arith.addi %scan3A_85, %scan3A_86 : i32
    %scan3A_88 = arith.constant 1 : i32
    scf.for %scan3A_102 = %scan3A_85 to %scan3A_87 step %scan3A_88  : i32 {
      %gt3A = arith.constant 0 : i32
      %gt3A_103 = arith.cmpi sgt, %scan3A_102, %gt3A : i32
      %convert_element_type3A = arith.extui %gt3A_103 : i1 to i32
      %cond3A = arith.constant 0 : i32
      %cond3A_104 = arith.cmpi ne, %convert_element_type3A, %cond3A : i32
      scf.if %cond3A_104 {
        %dma_wait3A_237 = arith.constant 0 : i32
        %dma_wait3A_238 = arith.constant 0 : i32
        %dma_wait3A_239 = tpu.memref_slice %arg8[%dma_wait3A_237, %dma_wait3A_238] : memref<11280x128xf32, #tpu.memory_space<vmem_shared>> -> memref<11280x128xf32, #tpu.memory_space<vmem_shared>>
        tpu.wait_indirect_dma semaphore(%arg30 : memref<!tpu.dma_semaphore, #tpu.memory_space<semaphore_mem>>) src(%arg22 : memref<40x128xf32, #tpu.memory_space<vmem>>) dst(%dma_wait3A_239 : memref<11280x128xf32, #tpu.memory_space<vmem_shared>>)
      } else {
      }
      %mul3A_105 = arith.constant 2 : i32
      %mul3A_106 = arith.muli %mul3A_105, %scan3A_102 : i32
      %add3A_107 = arith.constant 1 : i32
      %add3A_108 = arith.addi %mul3A_106, %add3A_107 : i32
      %mul3A_109 = arith.constant 40 : i32
      %mul3A_110 = arith.muli %add3A_108, %mul3A_109 : i32
      %add3A_111 = arith.addi %mul3A_2, %mul3A_110 : i32
      "tpu.region"() ({
        %run_scoped3A = tpu.sem_alloc : memref<!tpu.dma_semaphore, #tpu.memory_space<semaphore_mem>>
        %dma_start3A_237 = tpu.memref_slice %arg5[%add3A_111] : memref<320000xi32, #tpu.memory_space<hbm>> -> memref<40xi32, #tpu.memory_space<hbm>>
        %dma_start3A_238 = tpu.memref_slice %arg5[%add3A_111] : memref<320000xi32, #tpu.memory_space<hbm>> -> memref<40xi32, #tpu.memory_space<hbm>>
        tpu.enqueue_dma source(%dma_start3A_238 : memref<40xi32, #tpu.memory_space<hbm>>) target(%arg10 : memref<40xi32, #tpu.memory_space<vmem>>) target_semaphore(%run_scoped3A : memref<!tpu.dma_semaphore, #tpu.memory_space<semaphore_mem>>)
        %dma_wait3A_239 = tpu.memref_slice %arg5[%add3A_111] : memref<320000xi32, #tpu.memory_space<hbm>> -> memref<40xi32, #tpu.memory_space<hbm>>
        %dma_wait3A_240 = tpu.memref_slice %arg5[%add3A_111] : memref<320000xi32, #tpu.memory_space<hbm>> -> memref<40xi32, #tpu.memory_space<hbm>>
        tpu.wait_dma2 semaphore(%run_scoped3A : memref<!tpu.dma_semaphore, #tpu.memory_space<semaphore_mem>>) src(%dma_wait3A_240 : memref<40xi32, #tpu.memory_space<hbm>>) dst(%arg10 : memref<40xi32, #tpu.memory_space<vmem>>)
        tpu.yield
      }) : () -> ()
      "tpu.region"() ({
        %run_scoped3A = tpu.sem_alloc : memref<!tpu.dma_semaphore, #tpu.memory_space<semaphore_mem>>
        %dma_start3A_237 = arith.constant 0 : i32
        %dma_start3A_238 = tpu.memref_slice %arg12[%dma_start3A_237] : memref<56xi32, #tpu.memory_space<vmem>> -> memref<40xi32, #tpu.memory_space<vmem>>
        %dma_start3A_239 = tpu.memref_slice %arg6[%add3A_111] : memref<320000xi32, #tpu.memory_space<hbm>> -> memref<40xi32, #tpu.memory_space<hbm>>
        %dma_start3A_240 = arith.constant 0 : i32
        %dma_start3A_241 = tpu.memref_slice %arg12[%dma_start3A_240] : memref<56xi32, #tpu.memory_space<vmem>> -> memref<40xi32, #tpu.memory_space<vmem>>
        %dma_start3A_242 = tpu.memref_slice %arg6[%add3A_111] : memref<320000xi32, #tpu.memory_space<hbm>> -> memref<40xi32, #tpu.memory_space<hbm>>
        tpu.enqueue_dma source(%dma_start3A_242 : memref<40xi32, #tpu.memory_space<hbm>>) target(%dma_start3A_241 : memref<40xi32, #tpu.memory_space<vmem>>) target_semaphore(%run_scoped3A : memref<!tpu.dma_semaphore, #tpu.memory_space<semaphore_mem>>)
        %dma_wait3A_243 = arith.constant 0 : i32
        %dma_wait3A_244 = tpu.memref_slice %arg12[%dma_wait3A_243] : memref<56xi32, #tpu.memory_space<vmem>> -> memref<40xi32, #tpu.memory_space<vmem>>
        %dma_wait3A_245 = tpu.memref_slice %arg6[%add3A_111] : memref<320000xi32, #tpu.memory_space<hbm>> -> memref<40xi32, #tpu.memory_space<hbm>>
        %dma_wait3A_246 = arith.constant 0 : i32
        %dma_wait3A_247 = tpu.memref_slice %arg12[%dma_wait3A_246] : memref<56xi32, #tpu.memory_space<vmem>> -> memref<40xi32, #tpu.memory_space<vmem>>
        %dma_wait3A_248 = tpu.memref_slice %arg6[%add3A_111] : memref<320000xi32, #tpu.memory_space<hbm>> -> memref<40xi32, #tpu.memory_space<hbm>>
        tpu.wait_dma2 semaphore(%run_scoped3A : memref<!tpu.dma_semaphore, #tpu.memory_space<semaphore_mem>>) src(%dma_wait3A_248 : memref<40xi32, #tpu.memory_space<hbm>>) dst(%dma_wait3A_247 : memref<40xi32, #tpu.memory_space<vmem>>)
        tpu.yield
      }) : () -> ()
      %dma_start3A_112 = arith.constant 0 : i32
      %dma_start3A_113 = arith.constant 0 : i32
      %dma_start3A_114 = tpu.memref_slice %arg2[%dma_start3A_112, %dma_start3A_113] : memref<10000x128xf32, #tpu.memory_space<hbm>> -> memref<10000x128xf32, #tpu.memory_space<hbm>>
      tpu.enqueue_indirect_dma source(%dma_start3A_114 : memref<10000x128xf32, #tpu.memory_space<hbm>>) target(%arg18 : memref<40x128xf32, #tpu.memory_space<vmem>>) offsets(%arg10 : memref<40xi32, #tpu.memory_space<vmem>>) semaphore(%arg26 : memref<!tpu.dma_semaphore, #tpu.memory_space<semaphore_mem>>)
      %dma_start3A_115 = arith.constant 0 : i32
      %dma_start3A_116 = tpu.memref_slice %arg12[%dma_start3A_115] : memref<56xi32, #tpu.memory_space<vmem>> -> memref<40xi32, #tpu.memory_space<vmem>>
      %dma_start3A_117 = arith.constant 0 : i32
      %dma_start3A_118 = arith.constant 0 : i32
      %dma_start3A_119 = tpu.memref_slice %arg3[%dma_start3A_117, %dma_start3A_118] : memref<10000x128xf32, #tpu.memory_space<hbm>> -> memref<10000x128xf32, #tpu.memory_space<hbm>>
      tpu.enqueue_indirect_dma source(%dma_start3A_119 : memref<10000x128xf32, #tpu.memory_space<hbm>>) target(%arg20 : memref<40x128xf32, #tpu.memory_space<vmem>>) offsets(%dma_start3A_116 : memref<40xi32, #tpu.memory_space<vmem>>) semaphore(%arg28 : memref<!tpu.dma_semaphore, #tpu.memory_space<semaphore_mem>>)
      %get3A_120 = arith.constant 0 : index
      %get3A_121 = tpu.vector_load %arg12[%get3A_120] {strides = array<i32>} : memref<56xi32, #tpu.memory_space<vmem>>, vector<16xi32>,
      %get3A_122 = vector.shape_cast %get3A_121 : vector<16xi32> to vector<16xi32>
      %shift_right_arithmetic3A_123 = arith.constant 3 : i32
      %shift_right_arithmetic3A_124 = vector.broadcast %shift_right_arithmetic3A_123 : i32 to vector<16xi32>
      %shift_right_arithmetic3A_125 = arith.shrsi %get3A_122, %shift_right_arithmetic3A_124 : vector<16xi32>
      %add3A_126 = arith.constant 10000 : i32
      %add3A_127 = vector.broadcast %add3A_126 : i32 to vector<16xi32>
      %add3A_128 = arith.addi %add3A_127, %shift_right_arithmetic3A_125 : vector<16xi32>
      %swap3A_129 = arith.constant 0 : index
      %swap3A_130 = tpu.vector_load %arg14[%swap3A_129] {strides = array<i32>} : memref<40xi32, #tpu.memory_space<vmem>>, vector<16xi32>,
      %swap3A_131 = vector.shape_cast %swap3A_130 : vector<16xi32> to vector<16xi32>
      %swap3A_132 = vector.shape_cast %add3A_128 : vector<16xi32> to vector<16xi32>
      tpu.vector_store %arg14[%swap3A_129], %swap3A_132 {strides = array<i32>} : memref<40xi32, #tpu.memory_space<vmem>>, vector<16xi32>,
      %get3A_133 = arith.constant 16 : index
      %get3A_134 = tpu.vector_load %arg12[%get3A_133] {strides = array<i32>} : memref<56xi32, #tpu.memory_space<vmem>>, vector<16xi32>,
      %get3A_135 = vector.shape_cast %get3A_134 : vector<16xi32> to vector<16xi32>
      %shift_right_arithmetic3A_136 = arith.constant 3 : i32
      %shift_right_arithmetic3A_137 = vector.broadcast %shift_right_arithmetic3A_136 : i32 to vector<16xi32>
      %shift_right_arithmetic3A_138 = arith.shrsi %get3A_135, %shift_right_arithmetic3A_137 : vector<16xi32>
      %add3A_139 = arith.constant 10000 : i32
      %add3A_140 = vector.broadcast %add3A_139 : i32 to vector<16xi32>
      %add3A_141 = arith.addi %add3A_140, %shift_right_arithmetic3A_138 : vector<16xi32>
      %swap3A_142 = arith.constant 16 : index
      %swap3A_143 = tpu.vector_load %arg14[%swap3A_142] {strides = array<i32>} : memref<40xi32, #tpu.memory_space<vmem>>, vector<16xi32>,
      %swap3A_144 = vector.shape_cast %swap3A_143 : vector<16xi32> to vector<16xi32>
      %swap3A_145 = vector.shape_cast %add3A_141 : vector<16xi32> to vector<16xi32>
      tpu.vector_store %arg14[%swap3A_142], %swap3A_145 {strides = array<i32>} : memref<40xi32, #tpu.memory_space<vmem>>, vector<16xi32>,
      %get3A_146 = arith.constant 24 : index
      %get3A_147 = tpu.vector_load %arg12[%get3A_146] {strides = array<i32>} : memref<56xi32, #tpu.memory_space<vmem>>, vector<16xi32>,
      %get3A_148 = vector.shape_cast %get3A_147 : vector<16xi32> to vector<16xi32>
      %shift_right_arithmetic3A_149 = arith.constant 3 : i32
      %shift_right_arithmetic3A_150 = vector.broadcast %shift_right_arithmetic3A_149 : i32 to vector<16xi32>
      %shift_right_arithmetic3A_151 = arith.shrsi %get3A_148, %shift_right_arithmetic3A_150 : vector<16xi32>
      %add3A_152 = arith.constant 10000 : i32
      %add3A_153 = vector.broadcast %add3A_152 : i32 to vector<16xi32>
      %add3A_154 = arith.addi %add3A_153, %shift_right_arithmetic3A_151 : vector<16xi32>
      %swap3A_155 = arith.constant 24 : index
      %swap3A_156 = tpu.vector_load %arg14[%swap3A_155] {strides = array<i32>} : memref<40xi32, #tpu.memory_space<vmem>>, vector<16xi32>,
      %swap3A_157 = vector.shape_cast %swap3A_156 : vector<16xi32> to vector<16xi32>
      %swap3A_158 = vector.shape_cast %add3A_154 : vector<16xi32> to vector<16xi32>
      tpu.vector_store %arg14[%swap3A_155], %swap3A_158 {strides = array<i32>} : memref<40xi32, #tpu.memory_space<vmem>>, vector<16xi32>,
      %gt3A_159 = arith.constant 0 : i32
      %gt3A_160 = arith.cmpi sgt, %scan3A_102, %gt3A_159 : i32
      %convert_element_type3A_161 = arith.extui %gt3A_160 : i1 to i32
      %cond3A_162 = arith.constant 0 : i32
      %cond3A_163 = arith.cmpi ne, %convert_element_type3A_161, %cond3A_162 : i32
      scf.if %cond3A_163 {
        %dma_wait3A_237 = arith.constant 0 : i32
        %dma_wait3A_238 = arith.constant 0 : i32
        %dma_wait3A_239 = tpu.memref_slice %arg8[%dma_wait3A_237, %dma_wait3A_238] : memref<11280x128xf32, #tpu.memory_space<vmem_shared>> -> memref<11280x128xf32, #tpu.memory_space<vmem_shared>>
        tpu.wait_indirect_dma semaphore(%arg29 : memref<!tpu.dma_semaphore, #tpu.memory_space<semaphore_mem>>) src(%arg21 : memref<40x128xf32, #tpu.memory_space<vmem>>) dst(%dma_wait3A_239 : memref<11280x128xf32, #tpu.memory_space<vmem_shared>>)
      } else {
      }
      %dma_wait3A_164 = arith.constant 0 : i32
      %dma_wait3A_165 = arith.constant 0 : i32
      %dma_wait3A_166 = tpu.memref_slice %arg2[%dma_wait3A_164, %dma_wait3A_165] : memref<10000x128xf32, #tpu.memory_space<hbm>> -> memref<10000x128xf32, #tpu.memory_space<hbm>>
      tpu.wait_indirect_dma semaphore(%arg25 : memref<!tpu.dma_semaphore, #tpu.memory_space<semaphore_mem>>) src(%dma_wait3A_166 : memref<10000x128xf32, #tpu.memory_space<hbm>>) dst(%arg17 : memref<40x128xf32, #tpu.memory_space<vmem>>)
      %dma_wait3A_167 = arith.constant 0 : i32
      %dma_wait3A_168 = tpu.memref_slice %arg11[%dma_wait3A_167] : memref<56xi32, #tpu.memory_space<vmem>> -> memref<40xi32, #tpu.memory_space<vmem>>
      %dma_wait3A_169 = arith.constant 0 : i32
      %dma_wait3A_170 = arith.constant 0 : i32
      %dma_wait3A_171 = tpu.memref_slice %arg3[%dma_wait3A_169, %dma_wait3A_170] : memref<10000x128xf32, #tpu.memory_space<hbm>> -> memref<10000x128xf32, #tpu.memory_space<hbm>>
      tpu.wait_indirect_dma semaphore(%arg27 : memref<!tpu.dma_semaphore, #tpu.memory_space<semaphore_mem>>) src(%dma_wait3A_171 : memref<10000x128xf32, #tpu.memory_space<hbm>>) dst(%arg19 : memref<40x128xf32, #tpu.memory_space<vmem>>)
      %parallel_loop3A = arith.constant 0 : i32
      %parallel_loop3A_172 = arith.constant 40 : i32
      %parallel_loop3A_173 = arith.constant 1 : i32
      scf.for %parallel_loop3A_237 = %parallel_loop3A to %parallel_loop3A_172 step %parallel_loop3A_173  : i32 {
        %parallel_loop3A_238 = arith.index_cast %parallel_loop3A_237 : i32 to index
        %parallel_loop3A_239 = arith.constant 0 : index
        %parallel_loop3A_240 = tpu.vector_load %arg17[%parallel_loop3A_238, %parallel_loop3A_239] {strides = array<i32>} : memref<40x128xf32, #tpu.memory_space<vmem>>, vector<1x16xf32>,
        %parallel_loop3A_241 = vector.shape_cast %parallel_loop3A_240 : vector<1x16xf32> to vector<16xf32>
        %parallel_loop3A_242 = arith.index_cast %parallel_loop3A_237 : i32 to index
        %parallel_loop3A_243 = arith.constant 16 : index
        %parallel_loop3A_244 = tpu.vector_load %arg17[%parallel_loop3A_242, %parallel_loop3A_243] {strides = array<i32>} : memref<40x128xf32, #tpu.memory_space<vmem>>, vector<1x16xf32>,
        %parallel_loop3A_245 = vector.shape_cast %parallel_loop3A_244 : vector<1x16xf32> to vector<16xf32>
        %parallel_loop3A_246 = arith.index_cast %parallel_loop3A_237 : i32 to index
        %parallel_loop3A_247 = arith.constant 32 : index
        %parallel_loop3A_248 = tpu.vector_load %arg17[%parallel_loop3A_246, %parallel_loop3A_247] {strides = array<i32>} : memref<40x128xf32, #tpu.memory_space<vmem>>, vector<1x16xf32>,
        %parallel_loop3A_249 = vector.shape_cast %parallel_loop3A_248 : vector<1x16xf32> to vector<16xf32>
        %parallel_loop3A_250 = arith.index_cast %parallel_loop3A_237 : i32 to index
        %parallel_loop3A_251 = arith.constant 48 : index
        %parallel_loop3A_252 = tpu.vector_load %arg17[%parallel_loop3A_250, %parallel_loop3A_251] {strides = array<i32>} : memref<40x128xf32, #tpu.memory_space<vmem>>, vector<1x16xf32>,
        %parallel_loop3A_253 = vector.shape_cast %parallel_loop3A_252 : vector<1x16xf32> to vector<16xf32>
        %parallel_loop3A_254 = arith.index_cast %parallel_loop3A_237 : i32 to index
        %parallel_loop3A_255 = arith.constant 64 : index
        %parallel_loop3A_256 = tpu.vector_load %arg17[%parallel_loop3A_254, %parallel_loop3A_255] {strides = array<i32>} : memref<40x128xf32, #tpu.memory_space<vmem>>, vector<1x16xf32>,
        %parallel_loop3A_257 = vector.shape_cast %parallel_loop3A_256 : vector<1x16xf32> to vector<16xf32>
        %parallel_loop3A_258 = arith.index_cast %parallel_loop3A_237 : i32 to index
        %parallel_loop3A_259 = arith.constant 80 : index
        %parallel_loop3A_260 = tpu.vector_load %arg17[%parallel_loop3A_258, %parallel_loop3A_259] {strides = array<i32>} : memref<40x128xf32, #tpu.memory_space<vmem>>, vector<1x16xf32>,
        %parallel_loop3A_261 = vector.shape_cast %parallel_loop3A_260 : vector<1x16xf32> to vector<16xf32>
        %parallel_loop3A_262 = arith.index_cast %parallel_loop3A_237 : i32 to index
        %parallel_loop3A_263 = arith.constant 96 : index
        %parallel_loop3A_264 = tpu.vector_load %arg17[%parallel_loop3A_262, %parallel_loop3A_263] {strides = array<i32>} : memref<40x128xf32, #tpu.memory_space<vmem>>, vector<1x16xf32>,
        %parallel_loop3A_265 = vector.shape_cast %parallel_loop3A_264 : vector<1x16xf32> to vector<16xf32>
        %parallel_loop3A_266 = arith.index_cast %parallel_loop3A_237 : i32 to index
        %parallel_loop3A_267 = arith.constant 112 : index
        %parallel_loop3A_268 = tpu.vector_load %arg17[%parallel_loop3A_266, %parallel_loop3A_267] {strides = array<i32>} : memref<40x128xf32, #tpu.memory_space<vmem>>, vector<1x16xf32>,
        %parallel_loop3A_269 = vector.shape_cast %parallel_loop3A_268 : vector<1x16xf32> to vector<16xf32>
        %parallel_loop3A_270 = arith.index_cast %parallel_loop3A_237 : i32 to index
        %parallel_loop3A_271 = arith.constant 0 : index
        %parallel_loop3A_272 = tpu.vector_load %arg19[%parallel_loop3A_270, %parallel_loop3A_271] {strides = array<i32>} : memref<40x128xf32, #tpu.memory_space<vmem>>, vector<1x16xf32>,
        %parallel_loop3A_273 = vector.shape_cast %parallel_loop3A_272 : vector<1x16xf32> to vector<16xf32>
        %parallel_loop3A_274 = arith.addf %parallel_loop3A_241, %parallel_loop3A_273 : vector<16xf32>
        %parallel_loop3A_275 = arith.constant 2.000000e-01 : f32
        %parallel_loop3A_276 = vector.broadcast %parallel_loop3A_275 : f32 to vector<16xf32>
        %parallel_loop3A_277 = arith.mulf %parallel_loop3A_274, %parallel_loop3A_276 : vector<16xf32>
        %parallel_loop3A_278 = arith.maximumf %parallel_loop3A_274, %parallel_loop3A_277 : vector<16xf32>
        %parallel_loop3A_279 = arith.mulf %parallel_loop3A_278, %get3A_4 : vector<16xf32>
        %parallel_loop3A_280 = arith.index_cast %parallel_loop3A_237 : i32 to index
        %parallel_loop3A_281 = arith.constant 16 : index
        %parallel_loop3A_282 = tpu.vector_load %arg19[%parallel_loop3A_280, %parallel_loop3A_281] {strides = array<i32>} : memref<40x128xf32, #tpu.memory_space<vmem>>, vector<1x16xf32>,
        %parallel_loop3A_283 = vector.shape_cast %parallel_loop3A_282 : vector<1x16xf32> to vector<16xf32>
        %parallel_loop3A_284 = arith.addf %parallel_loop3A_245, %parallel_loop3A_283 : vector<16xf32>
        %parallel_loop3A_285 = arith.constant 2.000000e-01 : f32
        %parallel_loop3A_286 = vector.broadcast %parallel_loop3A_285 : f32 to vector<16xf32>
        %parallel_loop3A_287 = arith.mulf %parallel_loop3A_284, %parallel_loop3A_286 : vector<16xf32>
        %parallel_loop3A_288 = arith.maximumf %parallel_loop3A_284, %parallel_loop3A_287 : vector<16xf32>
        %parallel_loop3A_289 = arith.mulf %parallel_loop3A_288, %get3A_7 : vector<16xf32>
        %parallel_loop3A_290 = arith.addf %parallel_loop3A_279, %parallel_loop3A_289 : vector<16xf32>
        %parallel_loop3A_291 = arith.index_cast %parallel_loop3A_237 : i32 to index
        %parallel_loop3A_292 = arith.constant 32 : index
        %parallel_loop3A_293 = tpu.vector_load %arg19[%parallel_loop3A_291, %parallel_loop3A_292] {strides = array<i32>} : memref<40x128xf32, #tpu.memory_space<vmem>>, vector<1x16xf32>,
        %parallel_loop3A_294 = vector.shape_cast %parallel_loop3A_293 : vector<1x16xf32> to vector<16xf32>
        %parallel_loop3A_295 = arith.addf %parallel_loop3A_249, %parallel_loop3A_294 : vector<16xf32>
        %parallel_loop3A_296 = arith.constant 2.000000e-01 : f32
        %parallel_loop3A_297 = vector.broadcast %parallel_loop3A_296 : f32 to vector<16xf32>
        %parallel_loop3A_298 = arith.mulf %parallel_loop3A_295, %parallel_loop3A_297 : vector<16xf32>
        %parallel_loop3A_299 = arith.maximumf %parallel_loop3A_295, %parallel_loop3A_298 : vector<16xf32>
        %parallel_loop3A_300 = arith.mulf %parallel_loop3A_299, %get3A_10 : vector<16xf32>
        %parallel_loop3A_301 = arith.addf %parallel_loop3A_290, %parallel_loop3A_300 : vector<16xf32>
        %parallel_loop3A_302 = arith.index_cast %parallel_loop3A_237 : i32 to index
        %parallel_loop3A_303 = arith.constant 48 : index
        %parallel_loop3A_304 = tpu.vector_load %arg19[%parallel_loop3A_302, %parallel_loop3A_303] {strides = array<i32>} : memref<40x128xf32, #tpu.memory_space<vmem>>, vector<1x16xf32>,
        %parallel_loop3A_305 = vector.shape_cast %parallel_loop3A_304 : vector<1x16xf32> to vector<16xf32>
        %parallel_loop3A_306 = arith.addf %parallel_loop3A_253, %parallel_loop3A_305 : vector<16xf32>
        %parallel_loop3A_307 = arith.constant 2.000000e-01 : f32
        %parallel_loop3A_308 = vector.broadcast %parallel_loop3A_307 : f32 to vector<16xf32>
        %parallel_loop3A_309 = arith.mulf %parallel_loop3A_306, %parallel_loop3A_308 : vector<16xf32>
        %parallel_loop3A_310 = arith.maximumf %parallel_loop3A_306, %parallel_loop3A_309 : vector<16xf32>
        %parallel_loop3A_311 = arith.mulf %parallel_loop3A_310, %get3A_13 : vector<16xf32>
        %parallel_loop3A_312 = arith.addf %parallel_loop3A_301, %parallel_loop3A_311 : vector<16xf32>
        %parallel_loop3A_313 = arith.index_cast %parallel_loop3A_237 : i32 to index
        %parallel_loop3A_314 = arith.constant 64 : index
        %parallel_loop3A_315 = tpu.vector_load %arg19[%parallel_loop3A_313, %parallel_loop3A_314] {strides = array<i32>} : memref<40x128xf32, #tpu.memory_space<vmem>>, vector<1x16xf32>,
        %parallel_loop3A_316 = vector.shape_cast %parallel_loop3A_315 : vector<1x16xf32> to vector<16xf32>
        %parallel_loop3A_317 = arith.addf %parallel_loop3A_257, %parallel_loop3A_316 : vector<16xf32>
        %parallel_loop3A_318 = arith.constant 2.000000e-01 : f32
        %parallel_loop3A_319 = vector.broadcast %parallel_loop3A_318 : f32 to vector<16xf32>
        %parallel_loop3A_320 = arith.mulf %parallel_loop3A_317, %parallel_loop3A_319 : vector<16xf32>
        %parallel_loop3A_321 = arith.maximumf %parallel_loop3A_317, %parallel_loop3A_320 : vector<16xf32>
        %parallel_loop3A_322 = arith.mulf %parallel_loop3A_321, %get3A_16 : vector<16xf32>
        %parallel_loop3A_323 = arith.addf %parallel_loop3A_312, %parallel_loop3A_322 : vector<16xf32>
        %parallel_loop3A_324 = arith.index_cast %parallel_loop3A_237 : i32 to index
        %parallel_loop3A_325 = arith.constant 80 : index
        %parallel_loop3A_326 = tpu.vector_load %arg19[%parallel_loop3A_324, %parallel_loop3A_325] {strides = array<i32>} : memref<40x128xf32, #tpu.memory_space<vmem>>, vector<1x16xf32>,
        %parallel_loop3A_327 = vector.shape_cast %parallel_loop3A_326 : vector<1x16xf32> to vector<16xf32>
        %parallel_loop3A_328 = arith.addf %parallel_loop3A_261, %parallel_loop3A_327 : vector<16xf32>
        %parallel_loop3A_329 = arith.constant 2.000000e-01 : f32
        %parallel_loop3A_330 = vector.broadcast %parallel_loop3A_329 : f32 to vector<16xf32>
        %parallel_loop3A_331 = arith.mulf %parallel_loop3A_328, %parallel_loop3A_330 : vector<16xf32>
        %parallel_loop3A_332 = arith.maximumf %parallel_loop3A_328, %parallel_loop3A_331 : vector<16xf32>
        %parallel_loop3A_333 = arith.mulf %parallel_loop3A_332, %get3A_19 : vector<16xf32>
        %parallel_loop3A_334 = arith.addf %parallel_loop3A_323, %parallel_loop3A_333 : vector<16xf32>
        %parallel_loop3A_335 = arith.index_cast %parallel_loop3A_237 : i32 to index
        %parallel_loop3A_336 = arith.constant 96 : index
        %parallel_loop3A_337 = tpu.vector_load %arg19[%parallel_loop3A_335, %parallel_loop3A_336] {strides = array<i32>} : memref<40x128xf32, #tpu.memory_space<vmem>>, vector<1x16xf32>,
        %parallel_loop3A_338 = vector.shape_cast %parallel_loop3A_337 : vector<1x16xf32> to vector<16xf32>
        %parallel_loop3A_339 = arith.addf %parallel_loop3A_265, %parallel_loop3A_338 : vector<16xf32>
        %parallel_loop3A_340 = arith.constant 2.000000e-01 : f32
        %parallel_loop3A_341 = vector.broadcast %parallel_loop3A_340 : f32 to vector<16xf32>
        %parallel_loop3A_342 = arith.mulf %parallel_loop3A_339, %parallel_loop3A_341 : vector<16xf32>
        %parallel_loop3A_343 = arith.maximumf %parallel_loop3A_339, %parallel_loop3A_342 : vector<16xf32>
        %parallel_loop3A_344 = arith.mulf %parallel_loop3A_343, %get3A_22 : vector<16xf32>
        %parallel_loop3A_345 = arith.addf %parallel_loop3A_334, %parallel_loop3A_344 : vector<16xf32>
        %parallel_loop3A_346 = arith.index_cast %parallel_loop3A_237 : i32 to index
        %parallel_loop3A_347 = arith.constant 112 : index
        %parallel_loop3A_348 = tpu.vector_load %arg19[%parallel_loop3A_346, %parallel_loop3A_347] {strides = array<i32>} : memref<40x128xf32, #tpu.memory_space<vmem>>, vector<1x16xf32>,
        %parallel_loop3A_349 = vector.shape_cast %parallel_loop3A_348 : vector<1x16xf32> to vector<16xf32>
        %parallel_loop3A_350 = arith.addf %parallel_loop3A_269, %parallel_loop3A_349 : vector<16xf32>
        %parallel_loop3A_351 = arith.constant 2.000000e-01 : f32
        %parallel_loop3A_352 = vector.broadcast %parallel_loop3A_351 : f32 to vector<16xf32>
        %parallel_loop3A_353 = arith.mulf %parallel_loop3A_350, %parallel_loop3A_352 : vector<16xf32>
        %parallel_loop3A_354 = arith.maximumf %parallel_loop3A_350, %parallel_loop3A_353 : vector<16xf32>
        %parallel_loop3A_355 = arith.mulf %parallel_loop3A_354, %get3A_25 : vector<16xf32>
        %parallel_loop3A_356 = arith.addf %parallel_loop3A_345, %parallel_loop3A_355 : vector<16xf32>
        %parallel_loop3A_357 = math.exp %parallel_loop3A_356 : vector<16xf32>
        %parallel_loop3A_358 = arith.mulf %parallel_loop3A_241, %parallel_loop3A_357 : vector<16xf32>
        %parallel_loop3A_359 = arith.index_cast %parallel_loop3A_237 : i32 to index
        %parallel_loop3A_360 = arith.constant 0 : index
        %parallel_loop3A_361 = tpu.vector_load %arg21[%parallel_loop3A_359, %parallel_loop3A_360] {strides = array<i32>} : memref<40x128xf32, #tpu.memory_space<vmem>>, vector<1x16xf32>,
        %parallel_loop3A_362 = vector.shape_cast %parallel_loop3A_361 : vector<1x16xf32> to vector<16xf32>
        %parallel_loop3A_363 = vector.shape_cast %parallel_loop3A_358 : vector<16xf32> to vector<1x16xf32>
        tpu.vector_store %arg21[%parallel_loop3A_359, %parallel_loop3A_360], %parallel_loop3A_363 {strides = array<i32>} : memref<40x128xf32, #tpu.memory_space<vmem>>, vector<1x16xf32>,
        %parallel_loop3A_364 = arith.mulf %parallel_loop3A_245, %parallel_loop3A_357 : vector<16xf32>
        %parallel_loop3A_365 = arith.index_cast %parallel_loop3A_237 : i32 to index
        %parallel_loop3A_366 = arith.constant 16 : index
        %parallel_loop3A_367 = tpu.vector_load %arg21[%parallel_loop3A_365, %parallel_loop3A_366] {strides = array<i32>} : memref<40x128xf32, #tpu.memory_space<vmem>>, vector<1x16xf32>,
        %parallel_loop3A_368 = vector.shape_cast %parallel_loop3A_367 : vector<1x16xf32> to vector<16xf32>
        %parallel_loop3A_369 = vector.shape_cast %parallel_loop3A_364 : vector<16xf32> to vector<1x16xf32>
        tpu.vector_store %arg21[%parallel_loop3A_365, %parallel_loop3A_366], %parallel_loop3A_369 {strides = array<i32>} : memref<40x128xf32, #tpu.memory_space<vmem>>, vector<1x16xf32>,
        %parallel_loop3A_370 = arith.mulf %parallel_loop3A_249, %parallel_loop3A_357 : vector<16xf32>
        %parallel_loop3A_371 = arith.index_cast %parallel_loop3A_237 : i32 to index
        %parallel_loop3A_372 = arith.constant 32 : index
        %parallel_loop3A_373 = tpu.vector_load %arg21[%parallel_loop3A_371, %parallel_loop3A_372] {strides = array<i32>} : memref<40x128xf32, #tpu.memory_space<vmem>>, vector<1x16xf32>,
        %parallel_loop3A_374 = vector.shape_cast %parallel_loop3A_373 : vector<1x16xf32> to vector<16xf32>
        %parallel_loop3A_375 = vector.shape_cast %parallel_loop3A_370 : vector<16xf32> to vector<1x16xf32>
        tpu.vector_store %arg21[%parallel_loop3A_371, %parallel_loop3A_372], %parallel_loop3A_375 {strides = array<i32>} : memref<40x128xf32, #tpu.memory_space<vmem>>, vector<1x16xf32>,
        %parallel_loop3A_376 = arith.mulf %parallel_loop3A_253, %parallel_loop3A_357 : vector<16xf32>
        %parallel_loop3A_377 = arith.index_cast %parallel_loop3A_237 : i32 to index
        %parallel_loop3A_378 = arith.constant 48 : index
        %parallel_loop3A_379 = tpu.vector_load %arg21[%parallel_loop3A_377, %parallel_loop3A_378] {strides = array<i32>} : memref<40x128xf32, #tpu.memory_space<vmem>>, vector<1x16xf32>,
        %parallel_loop3A_380 = vector.shape_cast %parallel_loop3A_379 : vector<1x16xf32> to vector<16xf32>
        %parallel_loop3A_381 = vector.shape_cast %parallel_loop3A_376 : vector<16xf32> to vector<1x16xf32>
        tpu.vector_store %arg21[%parallel_loop3A_377, %parallel_loop3A_378], %parallel_loop3A_381 {strides = array<i32>} : memref<40x128xf32, #tpu.memory_space<vmem>>, vector<1x16xf32>,
        %parallel_loop3A_382 = arith.mulf %parallel_loop3A_257, %parallel_loop3A_357 : vector<16xf32>
        %parallel_loop3A_383 = arith.index_cast %parallel_loop3A_237 : i32 to index
        %parallel_loop3A_384 = arith.constant 64 : index
        %parallel_loop3A_385 = tpu.vector_load %arg21[%parallel_loop3A_383, %parallel_loop3A_384] {strides = array<i32>} : memref<40x128xf32, #tpu.memory_space<vmem>>, vector<1x16xf32>,
        %parallel_loop3A_386 = vector.shape_cast %parallel_loop3A_385 : vector<1x16xf32> to vector<16xf32>
        %parallel_loop3A_387 = vector.shape_cast %parallel_loop3A_382 : vector<16xf32> to vector<1x16xf32>
        tpu.vector_store %arg21[%parallel_loop3A_383, %parallel_loop3A_384], %parallel_loop3A_387 {strides = array<i32>} : memref<40x128xf32, #tpu.memory_space<vmem>>, vector<1x16xf32>,
        %parallel_loop3A_388 = arith.mulf %parallel_loop3A_261, %parallel_loop3A_357 : vector<16xf32>
        %parallel_loop3A_389 = arith.index_cast %parallel_loop3A_237 : i32 to index
        %parallel_loop3A_390 = arith.constant 80 : index
        %parallel_loop3A_391 = tpu.vector_load %arg21[%parallel_loop3A_389, %parallel_loop3A_390] {strides = array<i32>} : memref<40x128xf32, #tpu.memory_space<vmem>>, vector<1x16xf32>,
        %parallel_loop3A_392 = vector.shape_cast %parallel_loop3A_391 : vector<1x16xf32> to vector<16xf32>
        %parallel_loop3A_393 = vector.shape_cast %parallel_loop3A_388 : vector<16xf32> to vector<1x16xf32>
        tpu.vector_store %arg21[%parallel_loop3A_389, %parallel_loop3A_390], %parallel_loop3A_393 {strides = array<i32>} : memref<40x128xf32, #tpu.memory_space<vmem>>, vector<1x16xf32>,
        %parallel_loop3A_394 = arith.mulf %parallel_loop3A_265, %parallel_loop3A_357 : vector<16xf32>
        %parallel_loop3A_395 = arith.index_cast %parallel_loop3A_237 : i32 to index
        %parallel_loop3A_396 = arith.constant 96 : index
        %parallel_loop3A_397 = tpu.vector_load %arg21[%parallel_loop3A_395, %parallel_loop3A_396] {strides = array<i32>} : memref<40x128xf32, #tpu.memory_space<vmem>>, vector<1x16xf32>,
        %parallel_loop3A_398 = vector.shape_cast %parallel_loop3A_397 : vector<1x16xf32> to vector<16xf32>
        %parallel_loop3A_399 = vector.shape_cast %parallel_loop3A_394 : vector<16xf32> to vector<1x16xf32>
        tpu.vector_store %arg21[%parallel_loop3A_395, %parallel_loop3A_396], %parallel_loop3A_399 {strides = array<i32>} : memref<40x128xf32, #tpu.memory_space<vmem>>, vector<1x16xf32>,
        %parallel_loop3A_400 = arith.mulf %parallel_loop3A_269, %parallel_loop3A_357 : vector<16xf32>
        %parallel_loop3A_401 = arith.index_cast %parallel_loop3A_237 : i32 to index
        %parallel_loop3A_402 = arith.constant 112 : index
        %parallel_loop3A_403 = tpu.vector_load %arg21[%parallel_loop3A_401, %parallel_loop3A_402] {strides = array<i32>} : memref<40x128xf32, #tpu.memory_space<vmem>>, vector<1x16xf32>,
        %parallel_loop3A_404 = vector.shape_cast %parallel_loop3A_403 : vector<1x16xf32> to vector<16xf32>
        %parallel_loop3A_405 = vector.shape_cast %parallel_loop3A_400 : vector<16xf32> to vector<1x16xf32>
        tpu.vector_store %arg21[%parallel_loop3A_401, %parallel_loop3A_402], %parallel_loop3A_405 {strides = array<i32>} : memref<40x128xf32, #tpu.memory_space<vmem>>, vector<1x16xf32>,
        %parallel_loop3A_406 = arith.index_cast %parallel_loop3A_237 : i32 to index
        %parallel_loop3A_407 = tpu.vector_load %arg11[%parallel_loop3A_406] {strides = array<i32>} : memref<56xi32, #tpu.memory_space<vmem>>, vector<16xi32>,
        %parallel_loop3A_408 = vector.shape_cast %parallel_loop3A_407 : vector<16xi32> to vector<16xi32>
        %parallel_loop3A_409 = vector.extract_strided_slice %parallel_loop3A_408 {offsets = [0], sizes = [1], strides = [1]} : vector<16xi32> to vector<1xi32>
        %parallel_loop3A_410 = vector.extract %parallel_loop3A_409[0] : i32 from vector<1xi32>
        %parallel_loop3A_411 = arith.constant 7 : i32
        %parallel_loop3A_412 = arith.andi %parallel_loop3A_410, %parallel_loop3A_411 : i32
        %parallel_loop3A_413 = arith.constant 16 : i32
        %parallel_loop3A_414 = arith.muli %parallel_loop3A_412, %parallel_loop3A_413 : i32
        %parallel_loop3A_415 = arith.index_cast %parallel_loop3A_237 : i32 to index
        %parallel_loop3A_416 = arith.constant 0 : index
        %parallel_loop3A_417 = tpu.vector_load %arg23[%parallel_loop3A_415, %parallel_loop3A_416] {strides = array<i32>} : memref<40x128xf32, #tpu.memory_space<vmem>>, vector<1x16xf32>,
        %parallel_loop3A_418 = vector.shape_cast %parallel_loop3A_417 : vector<1x16xf32> to vector<16xf32>
        %parallel_loop3A_419 = vector.shape_cast %broadcast_in_dim3A_26 : vector<16xf32> to vector<1x16xf32>
        tpu.vector_store %arg23[%parallel_loop3A_415, %parallel_loop3A_416], %parallel_loop3A_419 {strides = array<i32>} : memref<40x128xf32, #tpu.memory_space<vmem>>, vector<1x16xf32>,
        %parallel_loop3A_420 = arith.index_cast %parallel_loop3A_237 : i32 to index
        %parallel_loop3A_421 = arith.constant 16 : index
        %parallel_loop3A_422 = tpu.vector_load %arg23[%parallel_loop3A_420, %parallel_loop3A_421] {strides = array<i32>} : memref<40x128xf32, #tpu.memory_space<vmem>>, vector<1x16xf32>,
        %parallel_loop3A_423 = vector.shape_cast %parallel_loop3A_422 : vector<1x16xf32> to vector<16xf32>
        %parallel_loop3A_424 = vector.shape_cast %broadcast_in_dim3A_26 : vector<16xf32> to vector<1x16xf32>
        tpu.vector_store %arg23[%parallel_loop3A_420, %parallel_loop3A_421], %parallel_loop3A_424 {strides = array<i32>} : memref<40x128xf32, #tpu.memory_space<vmem>>, vector<1x16xf32>,
        %parallel_loop3A_425 = arith.index_cast %parallel_loop3A_237 : i32 to index
        %parallel_loop3A_426 = arith.constant 32 : index
        %parallel_loop3A_427 = tpu.vector_load %arg23[%parallel_loop3A_425, %parallel_loop3A_426] {strides = array<i32>} : memref<40x128xf32, #tpu.memory_space<vmem>>, vector<1x16xf32>,
        %parallel_loop3A_428 = vector.shape_cast %parallel_loop3A_427 : vector<1x16xf32> to vector<16xf32>
        %parallel_loop3A_429 = vector.shape_cast %broadcast_in_dim3A_26 : vector<16xf32> to vector<1x16xf32>
        tpu.vector_store %arg23[%parallel_loop3A_425, %parallel_loop3A_426], %parallel_loop3A_429 {strides = array<i32>} : memref<40x128xf32, #tpu.memory_space<vmem>>, vector<1x16xf32>,
        %parallel_loop3A_430 = arith.index_cast %parallel_loop3A_237 : i32 to index
        %parallel_loop3A_431 = arith.constant 48 : index
        %parallel_loop3A_432 = tpu.vector_load %arg23[%parallel_loop3A_430, %parallel_loop3A_431] {strides = array<i32>} : memref<40x128xf32, #tpu.memory_space<vmem>>, vector<1x16xf32>,
        %parallel_loop3A_433 = vector.shape_cast %parallel_loop3A_432 : vector<1x16xf32> to vector<16xf32>
        %parallel_loop3A_434 = vector.shape_cast %broadcast_in_dim3A_26 : vector<16xf32> to vector<1x16xf32>
        tpu.vector_store %arg23[%parallel_loop3A_430, %parallel_loop3A_431], %parallel_loop3A_434 {strides = array<i32>} : memref<40x128xf32, #tpu.memory_space<vmem>>, vector<1x16xf32>,
        %parallel_loop3A_435 = arith.index_cast %parallel_loop3A_237 : i32 to index
        %parallel_loop3A_436 = arith.constant 64 : index
        %parallel_loop3A_437 = tpu.vector_load %arg23[%parallel_loop3A_435, %parallel_loop3A_436] {strides = array<i32>} : memref<40x128xf32, #tpu.memory_space<vmem>>, vector<1x16xf32>,
        %parallel_loop3A_438 = vector.shape_cast %parallel_loop3A_437 : vector<1x16xf32> to vector<16xf32>
        %parallel_loop3A_439 = vector.shape_cast %broadcast_in_dim3A_26 : vector<16xf32> to vector<1x16xf32>
        tpu.vector_store %arg23[%parallel_loop3A_435, %parallel_loop3A_436], %parallel_loop3A_439 {strides = array<i32>} : memref<40x128xf32, #tpu.memory_space<vmem>>, vector<1x16xf32>,
        %parallel_loop3A_440 = arith.index_cast %parallel_loop3A_237 : i32 to index
        %parallel_loop3A_441 = arith.constant 80 : index
        %parallel_loop3A_442 = tpu.vector_load %arg23[%parallel_loop3A_440, %parallel_loop3A_441] {strides = array<i32>} : memref<40x128xf32, #tpu.memory_space<vmem>>, vector<1x16xf32>,
        %parallel_loop3A_443 = vector.shape_cast %parallel_loop3A_442 : vector<1x16xf32> to vector<16xf32>
        %parallel_loop3A_444 = vector.shape_cast %broadcast_in_dim3A_26 : vector<16xf32> to vector<1x16xf32>
        tpu.vector_store %arg23[%parallel_loop3A_440, %parallel_loop3A_441], %parallel_loop3A_444 {strides = array<i32>} : memref<40x128xf32, #tpu.memory_space<vmem>>, vector<1x16xf32>,
        %parallel_loop3A_445 = arith.index_cast %parallel_loop3A_237 : i32 to index
        %parallel_loop3A_446 = arith.constant 96 : index
        %parallel_loop3A_447 = tpu.vector_load %arg23[%parallel_loop3A_445, %parallel_loop3A_446] {strides = array<i32>} : memref<40x128xf32, #tpu.memory_space<vmem>>, vector<1x16xf32>,
        %parallel_loop3A_448 = vector.shape_cast %parallel_loop3A_447 : vector<1x16xf32> to vector<16xf32>
        %parallel_loop3A_449 = vector.shape_cast %broadcast_in_dim3A_26 : vector<16xf32> to vector<1x16xf32>
        tpu.vector_store %arg23[%parallel_loop3A_445, %parallel_loop3A_446], %parallel_loop3A_449 {strides = array<i32>} : memref<40x128xf32, #tpu.memory_space<vmem>>, vector<1x16xf32>,
        %parallel_loop3A_450 = arith.index_cast %parallel_loop3A_237 : i32 to index
        %parallel_loop3A_451 = arith.constant 112 : index
        %parallel_loop3A_452 = tpu.vector_load %arg23[%parallel_loop3A_450, %parallel_loop3A_451] {strides = array<i32>} : memref<40x128xf32, #tpu.memory_space<vmem>>, vector<1x16xf32>,
        %parallel_loop3A_453 = vector.shape_cast %parallel_loop3A_452 : vector<1x16xf32> to vector<16xf32>
        %parallel_loop3A_454 = vector.shape_cast %broadcast_in_dim3A_26 : vector<16xf32> to vector<1x16xf32>
        tpu.vector_store %arg23[%parallel_loop3A_450, %parallel_loop3A_451], %parallel_loop3A_454 {strides = array<i32>} : memref<40x128xf32, #tpu.memory_space<vmem>>, vector<1x16xf32>,
        %parallel_loop3A_455 = arith.index_cast %parallel_loop3A_237 : i32 to index
        %parallel_loop3A_456 = arith.index_cast %parallel_loop3A_414 : i32 to index
        %parallel_loop3A_457 = tpu.vector_load %arg23[%parallel_loop3A_455, %parallel_loop3A_456] {strides = array<i32>} : memref<40x128xf32, #tpu.memory_space<vmem>>, vector<1x16xf32>,
        %parallel_loop3A_458 = vector.shape_cast %parallel_loop3A_457 : vector<1x16xf32> to vector<16xf32>
        %parallel_loop3A_459 = vector.shape_cast %parallel_loop3A_357 : vector<16xf32> to vector<1x16xf32>
        tpu.vector_store %arg23[%parallel_loop3A_455, %parallel_loop3A_456], %parallel_loop3A_459 {strides = array<i32>} : memref<40x128xf32, #tpu.memory_space<vmem>>, vector<1x16xf32>,
      } {sc.loop_unroll_factor = 8 : i64, sc.parallel_access}
      %get3A_174 = arith.constant 0 : index
      %get3A_175 = tpu.vector_load %arg11[%get3A_174] {strides = array<i32>} : memref<56xi32, #tpu.memory_space<vmem>>, vector<16xi32>,
      %get3A_176 = vector.shape_cast %get3A_175 : vector<16xi32> to vector<16xi32>
      %swap3A_177 = arith.constant 0 : index
      %swap3A_178 = tpu.vector_load %arg15[%swap3A_177] {strides = array<i32>} : memref<40xi32, #tpu.memory_space<vmem>>, vector<16xi32>,
      %swap3A_179 = vector.shape_cast %swap3A_178 : vector<16xi32> to vector<16xi32>
      %swap3A_180 = vector.shape_cast %get3A_176 : vector<16xi32> to vector<16xi32>
      tpu.vector_store %arg15[%swap3A_177], %swap3A_180 {strides = array<i32>} : memref<40xi32, #tpu.memory_space<vmem>>, vector<16xi32>,
      %get3A_181 = arith.constant 16 : index
      %get3A_182 = tpu.vector_load %arg11[%get3A_181] {strides = array<i32>} : memref<56xi32, #tpu.memory_space<vmem>>, vector<16xi32>,
      %get3A_183 = vector.shape_cast %get3A_182 : vector<16xi32> to vector<16xi32>
      %swap3A_184 = arith.constant 16 : index
      %swap3A_185 = tpu.vector_load %arg15[%swap3A_184] {strides = array<i32>} : memref<40xi32, #tpu.memory_space<vmem>>, vector<16xi32>,
      %swap3A_186 = vector.shape_cast %swap3A_185 : vector<16xi32> to vector<16xi32>
      %swap3A_187 = vector.shape_cast %get3A_183 : vector<16xi32> to vector<16xi32>
      tpu.vector_store %arg15[%swap3A_184], %swap3A_187 {strides = array<i32>} : memref<40xi32, #tpu.memory_space<vmem>>, vector<16xi32>,
      %get3A_188 = arith.constant 24 : index
      %get3A_189 = tpu.vector_load %arg11[%get3A_188] {strides = array<i32>} : memref<56xi32, #tpu.memory_space<vmem>>, vector<16xi32>,
      %get3A_190 = vector.shape_cast %get3A_189 : vector<16xi32> to vector<16xi32>
      %swap3A_191 = arith.constant 24 : index
      %swap3A_192 = tpu.vector_load %arg15[%swap3A_191] {strides = array<i32>} : memref<40xi32, #tpu.memory_space<vmem>>, vector<16xi32>,
      %swap3A_193 = vector.shape_cast %swap3A_192 : vector<16xi32> to vector<16xi32>
      %swap3A_194 = vector.shape_cast %get3A_190 : vector<16xi32> to vector<16xi32>
      tpu.vector_store %arg15[%swap3A_191], %swap3A_194 {strides = array<i32>} : memref<40xi32, #tpu.memory_space<vmem>>, vector<16xi32>,
      "tpu.region"() ({
        %run_scoped3A = tpu.sem_alloc : memref<!tpu.dma_semaphore, #tpu.memory_space<semaphore_mem>>
        %dma_start3A_237 = arith.constant 0 : i32
        %dma_start3A_238 = arith.constant 0 : i32
        %dma_start3A_239 = tpu.memref_slice %arg8[%dma_start3A_237, %dma_start3A_238] : memref<11280x128xf32, #tpu.memory_space<vmem_shared>> -> memref<11280x128xf32, #tpu.memory_space<vmem_shared>>
        tpu.enqueue_indirect_dma source(%arg23 : memref<40x128xf32, #tpu.memory_space<vmem>>) target(%dma_start3A_239 : memref<11280x128xf32, #tpu.memory_space<vmem_shared>>) offsets(%arg13 : memref<40xi32, #tpu.memory_space<vmem>>) semaphore(%run_scoped3A : memref<!tpu.dma_semaphore, #tpu.memory_space<semaphore_mem>>) {add = true}
        %dma_wait3A_240 = arith.constant 0 : i32
        %dma_wait3A_241 = arith.constant 0 : i32
        %dma_wait3A_242 = tpu.memref_slice %arg8[%dma_wait3A_240, %dma_wait3A_241] : memref<11280x128xf32, #tpu.memory_space<vmem_shared>> -> memref<11280x128xf32, #tpu.memory_space<vmem_shared>>
        tpu.wait_indirect_dma semaphore(%run_scoped3A : memref<!tpu.dma_semaphore, #tpu.memory_space<semaphore_mem>>) src(%arg23 : memref<40x128xf32, #tpu.memory_space<vmem>>) dst(%dma_wait3A_242 : memref<11280x128xf32, #tpu.memory_space<vmem_shared>>)
        tpu.yield
      }) : () -> ()
      %dma_start3A_195 = arith.constant 0 : i32
      %dma_start3A_196 = arith.constant 0 : i32
      %dma_start3A_197 = tpu.memref_slice %arg8[%dma_start3A_195, %dma_start3A_196] : memref<11280x128xf32, #tpu.memory_space<vmem_shared>> -> memref<11280x128xf32, #tpu.memory_space<vmem_shared>>
      tpu.enqueue_indirect_dma source(%arg21 : memref<40x128xf32, #tpu.memory_space<vmem>>) target(%dma_start3A_197 : memref<11280x128xf32, #tpu.memory_space<vmem_shared>>) offsets(%arg15 : memref<40xi32, #tpu.memory_space<vmem>>) semaphore(%arg29 : memref<!tpu.dma_semaphore, #tpu.memory_space<semaphore_mem>>) {add = true}
      %lt3A = arith.constant 124 : i32
      %lt3A_198 = arith.cmpi slt, %scan3A_102, %lt3A : i32
      %convert_element_type3A_199 = arith.extui %lt3A_198 : i1 to i32
      %cond3A_200 = arith.constant 0 : i32
      %cond3A_201 = arith.cmpi ne, %convert_element_type3A_199, %cond3A_200 : i32
      scf.if %cond3A_201 {
        %mul3A_237 = arith.constant 2 : i32
        %mul3A_238 = arith.muli %mul3A_237, %scan3A_102 : i32
        %add3A_239 = arith.constant 2 : i32
        %add3A_240 = arith.addi %mul3A_238, %add3A_239 : i32
        %mul3A_241 = arith.constant 40 : i32
        %mul3A_242 = arith.muli %add3A_240, %mul3A_241 : i32
        %add3A_243 = arith.addi %mul3A_2, %mul3A_242 : i32
        "tpu.region"() ({
          %run_scoped3A = tpu.sem_alloc : memref<!tpu.dma_semaphore, #tpu.memory_space<semaphore_mem>>
          %dma_start3A_291 = tpu.memref_slice %arg5[%add3A_243] : memref<320000xi32, #tpu.memory_space<hbm>> -> memref<40xi32, #tpu.memory_space<hbm>>
          %dma_start3A_292 = tpu.memref_slice %arg5[%add3A_243] : memref<320000xi32, #tpu.memory_space<hbm>> -> memref<40xi32, #tpu.memory_space<hbm>>
          tpu.enqueue_dma source(%dma_start3A_292 : memref<40xi32, #tpu.memory_space<hbm>>) target(%arg9 : memref<40xi32, #tpu.memory_space<vmem>>) target_semaphore(%run_scoped3A : memref<!tpu.dma_semaphore, #tpu.memory_space<semaphore_mem>>)
          %dma_wait3A_293 = tpu.memref_slice %arg5[%add3A_243] : memref<320000xi32, #tpu.memory_space<hbm>> -> memref<40xi32, #tpu.memory_space<hbm>>
          %dma_wait3A_294 = tpu.memref_slice %arg5[%add3A_243] : memref<320000xi32, #tpu.memory_space<hbm>> -> memref<40xi32, #tpu.memory_space<hbm>>
          tpu.wait_dma2 semaphore(%run_scoped3A : memref<!tpu.dma_semaphore, #tpu.memory_space<semaphore_mem>>) src(%dma_wait3A_294 : memref<40xi32, #tpu.memory_space<hbm>>) dst(%arg9 : memref<40xi32, #tpu.memory_space<vmem>>)
          tpu.yield
        }) : () -> ()
        "tpu.region"() ({
          %run_scoped3A = tpu.sem_alloc : memref<!tpu.dma_semaphore, #tpu.memory_space<semaphore_mem>>
          %dma_start3A_291 = arith.constant 0 : i32
          %dma_start3A_292 = tpu.memref_slice %arg11[%dma_start3A_291] : memref<56xi32, #tpu.memory_space<vmem>> -> memref<40xi32, #tpu.memory_space<vmem>>
          %dma_start3A_293 = tpu.memref_slice %arg6[%add3A_243] : memref<320000xi32, #tpu.memory_space<hbm>> -> memref<40xi32, #tpu.memory_space<hbm>>
          %dma_start3A_294 = arith.constant 0 : i32
          %dma_start3A_295 = tpu.memref_slice %arg11[%dma_start3A_294] : memref<56xi32, #tpu.memory_space<vmem>> -> memref<40xi32, #tpu.memory_space<vmem>>
          %dma_start3A_296 = tpu.memref_slice %arg6[%add3A_243] : memref<320000xi32, #tpu.memory_space<hbm>> -> memref<40xi32, #tpu.memory_space<hbm>>
          tpu.enqueue_dma source(%dma_start3A_296 : memref<40xi32, #tpu.memory_space<hbm>>) target(%dma_start3A_295 : memref<40xi32, #tpu.memory_space<vmem>>) target_semaphore(%run_scoped3A : memref<!tpu.dma_semaphore, #tpu.memory_space<semaphore_mem>>)
          %dma_wait3A_297 = arith.constant 0 : i32
          %dma_wait3A_298 = tpu.memref_slice %arg11[%dma_wait3A_297] : memref<56xi32, #tpu.memory_space<vmem>> -> memref<40xi32, #tpu.memory_space<vmem>>
          %dma_wait3A_299 = tpu.memref_slice %arg6[%add3A_243] : memref<320000xi32, #tpu.memory_space<hbm>> -> memref<40xi32, #tpu.memory_space<hbm>>
          %dma_wait3A_300 = arith.constant 0 : i32
          %dma_wait3A_301 = tpu.memref_slice %arg11[%dma_wait3A_300] : memref<56xi32, #tpu.memory_space<vmem>> -> memref<40xi32, #tpu.memory_space<vmem>>
          %dma_wait3A_302 = tpu.memref_slice %arg6[%add3A_243] : memref<320000xi32, #tpu.memory_space<hbm>> -> memref<40xi32, #tpu.memory_space<hbm>>
          tpu.wait_dma2 semaphore(%run_scoped3A : memref<!tpu.dma_semaphore, #tpu.memory_space<semaphore_mem>>) src(%dma_wait3A_302 : memref<40xi32, #tpu.memory_space<hbm>>) dst(%dma_wait3A_301 : memref<40xi32, #tpu.memory_space<vmem>>)
          tpu.yield
        }) : () -> ()
        %dma_start3A_244 = arith.constant 0 : i32
        %dma_start3A_245 = arith.constant 0 : i32
        %dma_start3A_246 = tpu.memref_slice %arg2[%dma_start3A_244, %dma_start3A_245] : memref<10000x128xf32, #tpu.memory_space<hbm>> -> memref<10000x128xf32, #tpu.memory_space<hbm>>
        tpu.enqueue_indirect_dma source(%dma_start3A_246 : memref<10000x128xf32, #tpu.memory_space<hbm>>) target(%arg17 : memref<40x128xf32, #tpu.memory_space<vmem>>) offsets(%arg9 : memref<40xi32, #tpu.memory_space<vmem>>) semaphore(%arg25 : memref<!tpu.dma_semaphore, #tpu.memory_space<semaphore_mem>>)
        %dma_start3A_247 = arith.constant 0 : i32
        %dma_start3A_248 = tpu.memref_slice %arg11[%dma_start3A_247] : memref<56xi32, #tpu.memory_space<vmem>> -> memref<40xi32, #tpu.memory_space<vmem>>
        %dma_start3A_249 = arith.constant 0 : i32
        %dma_start3A_250 = arith.constant 0 : i32
        %dma_start3A_251 = tpu.memref_slice %arg3[%dma_start3A_249, %dma_start3A_250] : memref<10000x128xf32, #tpu.memory_space<hbm>> -> memref<10000x128xf32, #tpu.memory_space<hbm>>
        tpu.enqueue_indirect_dma source(%dma_start3A_251 : memref<10000x128xf32, #tpu.memory_space<hbm>>) target(%arg19 : memref<40x128xf32, #tpu.memory_space<vmem>>) offsets(%dma_start3A_248 : memref<40xi32, #tpu.memory_space<vmem>>) semaphore(%arg27 : memref<!tpu.dma_semaphore, #tpu.memory_space<semaphore_mem>>)
        %get3A_252 = arith.constant 0 : index
        %get3A_253 = tpu.vector_load %arg11[%get3A_252] {strides = array<i32>} : memref<56xi32, #tpu.memory_space<vmem>>, vector<16xi32>,
        %get3A_254 = vector.shape_cast %get3A_253 : vector<16xi32> to vector<16xi32>
        %shift_right_arithmetic3A_255 = arith.constant 3 : i32
        %shift_right_arithmetic3A_256 = vector.broadcast %shift_right_arithmetic3A_255 : i32 to vector<16xi32>
        %shift_right_arithmetic3A_257 = arith.shrsi %get3A_254, %shift_right_arithmetic3A_256 : vector<16xi32>
        %add3A_258 = arith.constant 10000 : i32
        %add3A_259 = vector.broadcast %add3A_258 : i32 to vector<16xi32>
        %add3A_260 = arith.addi %add3A_259, %shift_right_arithmetic3A_257 : vector<16xi32>
        %swap3A_261 = arith.constant 0 : index
        %swap3A_262 = tpu.vector_load %arg13[%swap3A_261] {strides = array<i32>} : memref<40xi32, #tpu.memory_space<vmem>>, vector<16xi32>,
        %swap3A_263 = vector.shape_cast %swap3A_262 : vector<16xi32> to vector<16xi32>
        %swap3A_264 = vector.shape_cast %add3A_260 : vector<16xi32> to vector<16xi32>
        tpu.vector_store %arg13[%swap3A_261], %swap3A_264 {strides = array<i32>} : memref<40xi32, #tpu.memory_space<vmem>>, vector<16xi32>,
        %get3A_265 = arith.constant 16 : index
        %get3A_266 = tpu.vector_load %arg11[%get3A_265] {strides = array<i32>} : memref<56xi32, #tpu.memory_space<vmem>>, vector<16xi32>,
        %get3A_267 = vector.shape_cast %get3A_266 : vector<16xi32> to vector<16xi32>
        %shift_right_arithmetic3A_268 = arith.constant 3 : i32
        %shift_right_arithmetic3A_269 = vector.broadcast %shift_right_arithmetic3A_268 : i32 to vector<16xi32>
        %shift_right_arithmetic3A_270 = arith.shrsi %get3A_267, %shift_right_arithmetic3A_269 : vector<16xi32>
        %add3A_271 = arith.constant 10000 : i32
        %add3A_272 = vector.broadcast %add3A_271 : i32 to vector<16xi32>
        %add3A_273 = arith.addi %add3A_272, %shift_right_arithmetic3A_270 : vector<16xi32>
        %swap3A_274 = arith.constant 16 : index
        %swap3A_275 = tpu.vector_load %arg13[%swap3A_274] {strides = array<i32>} : memref<40xi32, #tpu.memory_space<vmem>>, vector<16xi32>,
        %swap3A_276 = vector.shape_cast %swap3A_275 : vector<16xi32> to vector<16xi32>
        %swap3A_277 = vector.shape_cast %add3A_273 : vector<16xi32> to vector<16xi32>
        tpu.vector_store %arg13[%swap3A_274], %swap3A_277 {strides = array<i32>} : memref<40xi32, #tpu.memory_space<vmem>>, vector<16xi32>,
        %get3A_278 = arith.constant 24 : index
        %get3A_279 = tpu.vector_load %arg11[%get3A_278] {strides = array<i32>} : memref<56xi32, #tpu.memory_space<vmem>>, vector<16xi32>,
        %get3A_280 = vector.shape_cast %get3A_279 : vector<16xi32> to vector<16xi32>
        %shift_right_arithmetic3A_281 = arith.constant 3 : i32
        %shift_right_arithmetic3A_282 = vector.broadcast %shift_right_arithmetic3A_281 : i32 to vector<16xi32>
        %shift_right_arithmetic3A_283 = arith.shrsi %get3A_280, %shift_right_arithmetic3A_282 : vector<16xi32>
        %add3A_284 = arith.constant 10000 : i32
        %add3A_285 = vector.broadcast %add3A_284 : i32 to vector<16xi32>
        %add3A_286 = arith.addi %add3A_285, %shift_right_arithmetic3A_283 : vector<16xi32>
        %swap3A_287 = arith.constant 24 : index
        %swap3A_288 = tpu.vector_load %arg13[%swap3A_287] {strides = array<i32>} : memref<40xi32, #tpu.memory_space<vmem>>, vector<16xi32>,
        %swap3A_289 = vector.shape_cast %swap3A_288 : vector<16xi32> to vector<16xi32>
        %swap3A_290 = vector.shape_cast %add3A_286 : vector<16xi32> to vector<16xi32>
        tpu.vector_store %arg13[%swap3A_287], %swap3A_290 {strides = array<i32>} : memref<40xi32, #tpu.memory_space<vmem>>, vector<16xi32>,
      } else {
      }
      %dma_wait3A_202 = arith.constant 0 : i32
      %dma_wait3A_203 = arith.constant 0 : i32
      %dma_wait3A_204 = tpu.memref_slice %arg2[%dma_wait3A_202, %dma_wait3A_203] : memref<10000x128xf32, #tpu.memory_space<hbm>> -> memref<10000x128xf32, #tpu.memory_space<hbm>>
      tpu.wait_indirect_dma semaphore(%arg26 : memref<!tpu.dma_semaphore, #tpu.memory_space<semaphore_mem>>) src(%dma_wait3A_204 : memref<10000x128xf32, #tpu.memory_space<hbm>>) dst(%arg18 : memref<40x128xf32, #tpu.memory_space<vmem>>)
      %dma_wait3A_205 = arith.constant 0 : i32
      %dma_wait3A_206 = tpu.memref_slice %arg12[%dma_wait3A_205] : memref<56xi32, #tpu.memory_space<vmem>> -> memref<40xi32, #tpu.memory_space<vmem>>
      %dma_wait3A_207 = arith.constant 0 : i32
      %dma_wait3A_208 = arith.constant 0 : i32
      %dma_wait3A_209 = tpu.memref_slice %arg3[%dma_wait3A_207, %dma_wait3A_208] : memref<10000x128xf32, #tpu.memory_space<hbm>> -> memref<10000x128xf32, #tpu.memory_space<hbm>>
      tpu.wait_indirect_dma semaphore(%arg28 : memref<!tpu.dma_semaphore, #tpu.memory_space<semaphore_mem>>) src(%dma_wait3A_209 : memref<10000x128xf32, #tpu.memory_space<hbm>>) dst(%arg20 : memref<40x128xf32, #tpu.memory_space<vmem>>)
      %parallel_loop3A_210 = arith.constant 0 : i32
      %parallel_loop3A_211 = arith.constant 40 : i32
      %parallel_loop3A_212 = arith.constant 1 : i32
      scf.for %parallel_loop3A_237 = %parallel_loop3A_210 to %parallel_loop3A_211 step %parallel_loop3A_212  : i32 {
        %parallel_loop3A_238 = arith.index_cast %parallel_loop3A_237 : i32 to index
        %parallel_loop3A_239 = arith.constant 0 : index
        %parallel_loop3A_240 = tpu.vector_load %arg18[%parallel_loop3A_238, %parallel_loop3A_239] {strides = array<i32>} : memref<40x128xf32, #tpu.memory_space<vmem>>, vector<1x16xf32>,
        %parallel_loop3A_241 = vector.shape_cast %parallel_loop3A_240 : vector<1x16xf32> to vector<16xf32>
        %parallel_loop3A_242 = arith.index_cast %parallel_loop3A_237 : i32 to index
        %parallel_loop3A_243 = arith.constant 16 : index
        %parallel_loop3A_244 = tpu.vector_load %arg18[%parallel_loop3A_242, %parallel_loop3A_243] {strides = array<i32>} : memref<40x128xf32, #tpu.memory_space<vmem>>, vector<1x16xf32>,
        %parallel_loop3A_245 = vector.shape_cast %parallel_loop3A_244 : vector<1x16xf32> to vector<16xf32>
        %parallel_loop3A_246 = arith.index_cast %parallel_loop3A_237 : i32 to index
        %parallel_loop3A_247 = arith.constant 32 : index
        %parallel_loop3A_248 = tpu.vector_load %arg18[%parallel_loop3A_246, %parallel_loop3A_247] {strides = array<i32>} : memref<40x128xf32, #tpu.memory_space<vmem>>, vector<1x16xf32>,
        %parallel_loop3A_249 = vector.shape_cast %parallel_loop3A_248 : vector<1x16xf32> to vector<16xf32>
        %parallel_loop3A_250 = arith.index_cast %parallel_loop3A_237 : i32 to index
        %parallel_loop3A_251 = arith.constant 48 : index
        %parallel_loop3A_252 = tpu.vector_load %arg18[%parallel_loop3A_250, %parallel_loop3A_251] {strides = array<i32>} : memref<40x128xf32, #tpu.memory_space<vmem>>, vector<1x16xf32>,
        %parallel_loop3A_253 = vector.shape_cast %parallel_loop3A_252 : vector<1x16xf32> to vector<16xf32>
        %parallel_loop3A_254 = arith.index_cast %parallel_loop3A_237 : i32 to index
        %parallel_loop3A_255 = arith.constant 64 : index
        %parallel_loop3A_256 = tpu.vector_load %arg18[%parallel_loop3A_254, %parallel_loop3A_255] {strides = array<i32>} : memref<40x128xf32, #tpu.memory_space<vmem>>, vector<1x16xf32>,
        %parallel_loop3A_257 = vector.shape_cast %parallel_loop3A_256 : vector<1x16xf32> to vector<16xf32>
        %parallel_loop3A_258 = arith.index_cast %parallel_loop3A_237 : i32 to index
        %parallel_loop3A_259 = arith.constant 80 : index
        %parallel_loop3A_260 = tpu.vector_load %arg18[%parallel_loop3A_258, %parallel_loop3A_259] {strides = array<i32>} : memref<40x128xf32, #tpu.memory_space<vmem>>, vector<1x16xf32>,
        %parallel_loop3A_261 = vector.shape_cast %parallel_loop3A_260 : vector<1x16xf32> to vector<16xf32>
        %parallel_loop3A_262 = arith.index_cast %parallel_loop3A_237 : i32 to index
        %parallel_loop3A_263 = arith.constant 96 : index
        %parallel_loop3A_264 = tpu.vector_load %arg18[%parallel_loop3A_262, %parallel_loop3A_263] {strides = array<i32>} : memref<40x128xf32, #tpu.memory_space<vmem>>, vector<1x16xf32>,
        %parallel_loop3A_265 = vector.shape_cast %parallel_loop3A_264 : vector<1x16xf32> to vector<16xf32>
        %parallel_loop3A_266 = arith.index_cast %parallel_loop3A_237 : i32 to index
        %parallel_loop3A_267 = arith.constant 112 : index
        %parallel_loop3A_268 = tpu.vector_load %arg18[%parallel_loop3A_266, %parallel_loop3A_267] {strides = array<i32>} : memref<40x128xf32, #tpu.memory_space<vmem>>, vector<1x16xf32>,
        %parallel_loop3A_269 = vector.shape_cast %parallel_loop3A_268 : vector<1x16xf32> to vector<16xf32>
        %parallel_loop3A_270 = arith.index_cast %parallel_loop3A_237 : i32 to index
        %parallel_loop3A_271 = arith.constant 0 : index
        %parallel_loop3A_272 = tpu.vector_load %arg20[%parallel_loop3A_270, %parallel_loop3A_271] {strides = array<i32>} : memref<40x128xf32, #tpu.memory_space<vmem>>, vector<1x16xf32>,
        %parallel_loop3A_273 = vector.shape_cast %parallel_loop3A_272 : vector<1x16xf32> to vector<16xf32>
        %parallel_loop3A_274 = arith.addf %parallel_loop3A_241, %parallel_loop3A_273 : vector<16xf32>
        %parallel_loop3A_275 = arith.constant 2.000000e-01 : f32
        %parallel_loop3A_276 = vector.broadcast %parallel_loop3A_275 : f32 to vector<16xf32>
        %parallel_loop3A_277 = arith.mulf %parallel_loop3A_274, %parallel_loop3A_276 : vector<16xf32>
        %parallel_loop3A_278 = arith.maximumf %parallel_loop3A_274, %parallel_loop3A_277 : vector<16xf32>
        %parallel_loop3A_279 = arith.mulf %parallel_loop3A_278, %get3A_4 : vector<16xf32>
        %parallel_loop3A_280 = arith.index_cast %parallel_loop3A_237 : i32 to index
        %parallel_loop3A_281 = arith.constant 16 : index
        %parallel_loop3A_282 = tpu.vector_load %arg20[%parallel_loop3A_280, %parallel_loop3A_281] {strides = array<i32>} : memref<40x128xf32, #tpu.memory_space<vmem>>, vector<1x16xf32>,
        %parallel_loop3A_283 = vector.shape_cast %parallel_loop3A_282 : vector<1x16xf32> to vector<16xf32>
        %parallel_loop3A_284 = arith.addf %parallel_loop3A_245, %parallel_loop3A_283 : vector<16xf32>
        %parallel_loop3A_285 = arith.constant 2.000000e-01 : f32
        %parallel_loop3A_286 = vector.broadcast %parallel_loop3A_285 : f32 to vector<16xf32>
        %parallel_loop3A_287 = arith.mulf %parallel_loop3A_284, %parallel_loop3A_286 : vector<16xf32>
        %parallel_loop3A_288 = arith.maximumf %parallel_loop3A_284, %parallel_loop3A_287 : vector<16xf32>
        %parallel_loop3A_289 = arith.mulf %parallel_loop3A_288, %get3A_7 : vector<16xf32>
        %parallel_loop3A_290 = arith.addf %parallel_loop3A_279, %parallel_loop3A_289 : vector<16xf32>
        %parallel_loop3A_291 = arith.index_cast %parallel_loop3A_237 : i32 to index
        %parallel_loop3A_292 = arith.constant 32 : index
        %parallel_loop3A_293 = tpu.vector_load %arg20[%parallel_loop3A_291, %parallel_loop3A_292] {strides = array<i32>} : memref<40x128xf32, #tpu.memory_space<vmem>>, vector<1x16xf32>,
        %parallel_loop3A_294 = vector.shape_cast %parallel_loop3A_293 : vector<1x16xf32> to vector<16xf32>
        %parallel_loop3A_295 = arith.addf %parallel_loop3A_249, %parallel_loop3A_294 : vector<16xf32>
        %parallel_loop3A_296 = arith.constant 2.000000e-01 : f32
        %parallel_loop3A_297 = vector.broadcast %parallel_loop3A_296 : f32 to vector<16xf32>
        %parallel_loop3A_298 = arith.mulf %parallel_loop3A_295, %parallel_loop3A_297 : vector<16xf32>
        %parallel_loop3A_299 = arith.maximumf %parallel_loop3A_295, %parallel_loop3A_298 : vector<16xf32>
        %parallel_loop3A_300 = arith.mulf %parallel_loop3A_299, %get3A_10 : vector<16xf32>
        %parallel_loop3A_301 = arith.addf %parallel_loop3A_290, %parallel_loop3A_300 : vector<16xf32>
        %parallel_loop3A_302 = arith.index_cast %parallel_loop3A_237 : i32 to index
        %parallel_loop3A_303 = arith.constant 48 : index
        %parallel_loop3A_304 = tpu.vector_load %arg20[%parallel_loop3A_302, %parallel_loop3A_303] {strides = array<i32>} : memref<40x128xf32, #tpu.memory_space<vmem>>, vector<1x16xf32>,
        %parallel_loop3A_305 = vector.shape_cast %parallel_loop3A_304 : vector<1x16xf32> to vector<16xf32>
        %parallel_loop3A_306 = arith.addf %parallel_loop3A_253, %parallel_loop3A_305 : vector<16xf32>
        %parallel_loop3A_307 = arith.constant 2.000000e-01 : f32
        %parallel_loop3A_308 = vector.broadcast %parallel_loop3A_307 : f32 to vector<16xf32>
        %parallel_loop3A_309 = arith.mulf %parallel_loop3A_306, %parallel_loop3A_308 : vector<16xf32>
        %parallel_loop3A_310 = arith.maximumf %parallel_loop3A_306, %parallel_loop3A_309 : vector<16xf32>
        %parallel_loop3A_311 = arith.mulf %parallel_loop3A_310, %get3A_13 : vector<16xf32>
        %parallel_loop3A_312 = arith.addf %parallel_loop3A_301, %parallel_loop3A_311 : vector<16xf32>
        %parallel_loop3A_313 = arith.index_cast %parallel_loop3A_237 : i32 to index
        %parallel_loop3A_314 = arith.constant 64 : index
        %parallel_loop3A_315 = tpu.vector_load %arg20[%parallel_loop3A_313, %parallel_loop3A_314] {strides = array<i32>} : memref<40x128xf32, #tpu.memory_space<vmem>>, vector<1x16xf32>,
        %parallel_loop3A_316 = vector.shape_cast %parallel_loop3A_315 : vector<1x16xf32> to vector<16xf32>
        %parallel_loop3A_317 = arith.addf %parallel_loop3A_257, %parallel_loop3A_316 : vector<16xf32>
        %parallel_loop3A_318 = arith.constant 2.000000e-01 : f32
        %parallel_loop3A_319 = vector.broadcast %parallel_loop3A_318 : f32 to vector<16xf32>
        %parallel_loop3A_320 = arith.mulf %parallel_loop3A_317, %parallel_loop3A_319 : vector<16xf32>
        %parallel_loop3A_321 = arith.maximumf %parallel_loop3A_317, %parallel_loop3A_320 : vector<16xf32>
        %parallel_loop3A_322 = arith.mulf %parallel_loop3A_321, %get3A_16 : vector<16xf32>
        %parallel_loop3A_323 = arith.addf %parallel_loop3A_312, %parallel_loop3A_322 : vector<16xf32>
        %parallel_loop3A_324 = arith.index_cast %parallel_loop3A_237 : i32 to index
        %parallel_loop3A_325 = arith.constant 80 : index
        %parallel_loop3A_326 = tpu.vector_load %arg20[%parallel_loop3A_324, %parallel_loop3A_325] {strides = array<i32>} : memref<40x128xf32, #tpu.memory_space<vmem>>, vector<1x16xf32>,
        %parallel_loop3A_327 = vector.shape_cast %parallel_loop3A_326 : vector<1x16xf32> to vector<16xf32>
        %parallel_loop3A_328 = arith.addf %parallel_loop3A_261, %parallel_loop3A_327 : vector<16xf32>
        %parallel_loop3A_329 = arith.constant 2.000000e-01 : f32
        %parallel_loop3A_330 = vector.broadcast %parallel_loop3A_329 : f32 to vector<16xf32>
        %parallel_loop3A_331 = arith.mulf %parallel_loop3A_328, %parallel_loop3A_330 : vector<16xf32>
        %parallel_loop3A_332 = arith.maximumf %parallel_loop3A_328, %parallel_loop3A_331 : vector<16xf32>
        %parallel_loop3A_333 = arith.mulf %parallel_loop3A_332, %get3A_19 : vector<16xf32>
        %parallel_loop3A_334 = arith.addf %parallel_loop3A_323, %parallel_loop3A_333 : vector<16xf32>
        %parallel_loop3A_335 = arith.index_cast %parallel_loop3A_237 : i32 to index
        %parallel_loop3A_336 = arith.constant 96 : index
        %parallel_loop3A_337 = tpu.vector_load %arg20[%parallel_loop3A_335, %parallel_loop3A_336] {strides = array<i32>} : memref<40x128xf32, #tpu.memory_space<vmem>>, vector<1x16xf32>,
        %parallel_loop3A_338 = vector.shape_cast %parallel_loop3A_337 : vector<1x16xf32> to vector<16xf32>
        %parallel_loop3A_339 = arith.addf %parallel_loop3A_265, %parallel_loop3A_338 : vector<16xf32>
        %parallel_loop3A_340 = arith.constant 2.000000e-01 : f32
        %parallel_loop3A_341 = vector.broadcast %parallel_loop3A_340 : f32 to vector<16xf32>
        %parallel_loop3A_342 = arith.mulf %parallel_loop3A_339, %parallel_loop3A_341 : vector<16xf32>
        %parallel_loop3A_343 = arith.maximumf %parallel_loop3A_339, %parallel_loop3A_342 : vector<16xf32>
        %parallel_loop3A_344 = arith.mulf %parallel_loop3A_343, %get3A_22 : vector<16xf32>
        %parallel_loop3A_345 = arith.addf %parallel_loop3A_334, %parallel_loop3A_344 : vector<16xf32>
        %parallel_loop3A_346 = arith.index_cast %parallel_loop3A_237 : i32 to index
        %parallel_loop3A_347 = arith.constant 112 : index
        %parallel_loop3A_348 = tpu.vector_load %arg20[%parallel_loop3A_346, %parallel_loop3A_347] {strides = array<i32>} : memref<40x128xf32, #tpu.memory_space<vmem>>, vector<1x16xf32>,
        %parallel_loop3A_349 = vector.shape_cast %parallel_loop3A_348 : vector<1x16xf32> to vector<16xf32>
        %parallel_loop3A_350 = arith.addf %parallel_loop3A_269, %parallel_loop3A_349 : vector<16xf32>
        %parallel_loop3A_351 = arith.constant 2.000000e-01 : f32
        %parallel_loop3A_352 = vector.broadcast %parallel_loop3A_351 : f32 to vector<16xf32>
        %parallel_loop3A_353 = arith.mulf %parallel_loop3A_350, %parallel_loop3A_352 : vector<16xf32>
        %parallel_loop3A_354 = arith.maximumf %parallel_loop3A_350, %parallel_loop3A_353 : vector<16xf32>
        %parallel_loop3A_355 = arith.mulf %parallel_loop3A_354, %get3A_25 : vector<16xf32>
        %parallel_loop3A_356 = arith.addf %parallel_loop3A_345, %parallel_loop3A_355 : vector<16xf32>
        %parallel_loop3A_357 = math.exp %parallel_loop3A_356 : vector<16xf32>
        %parallel_loop3A_358 = arith.mulf %parallel_loop3A_241, %parallel_loop3A_357 : vector<16xf32>
        %parallel_loop3A_359 = arith.index_cast %parallel_loop3A_237 : i32 to index
        %parallel_loop3A_360 = arith.constant 0 : index
        %parallel_loop3A_361 = tpu.vector_load %arg22[%parallel_loop3A_359, %parallel_loop3A_360] {strides = array<i32>} : memref<40x128xf32, #tpu.memory_space<vmem>>, vector<1x16xf32>,
        %parallel_loop3A_362 = vector.shape_cast %parallel_loop3A_361 : vector<1x16xf32> to vector<16xf32>
        %parallel_loop3A_363 = vector.shape_cast %parallel_loop3A_358 : vector<16xf32> to vector<1x16xf32>
        tpu.vector_store %arg22[%parallel_loop3A_359, %parallel_loop3A_360], %parallel_loop3A_363 {strides = array<i32>} : memref<40x128xf32, #tpu.memory_space<vmem>>, vector<1x16xf32>,
        %parallel_loop3A_364 = arith.mulf %parallel_loop3A_245, %parallel_loop3A_357 : vector<16xf32>
        %parallel_loop3A_365 = arith.index_cast %parallel_loop3A_237 : i32 to index
        %parallel_loop3A_366 = arith.constant 16 : index
        %parallel_loop3A_367 = tpu.vector_load %arg22[%parallel_loop3A_365, %parallel_loop3A_366] {strides = array<i32>} : memref<40x128xf32, #tpu.memory_space<vmem>>, vector<1x16xf32>,
        %parallel_loop3A_368 = vector.shape_cast %parallel_loop3A_367 : vector<1x16xf32> to vector<16xf32>
        %parallel_loop3A_369 = vector.shape_cast %parallel_loop3A_364 : vector<16xf32> to vector<1x16xf32>
        tpu.vector_store %arg22[%parallel_loop3A_365, %parallel_loop3A_366], %parallel_loop3A_369 {strides = array<i32>} : memref<40x128xf32, #tpu.memory_space<vmem>>, vector<1x16xf32>,
        %parallel_loop3A_370 = arith.mulf %parallel_loop3A_249, %parallel_loop3A_357 : vector<16xf32>
        %parallel_loop3A_371 = arith.index_cast %parallel_loop3A_237 : i32 to index
        %parallel_loop3A_372 = arith.constant 32 : index
        %parallel_loop3A_373 = tpu.vector_load %arg22[%parallel_loop3A_371, %parallel_loop3A_372] {strides = array<i32>} : memref<40x128xf32, #tpu.memory_space<vmem>>, vector<1x16xf32>,
        %parallel_loop3A_374 = vector.shape_cast %parallel_loop3A_373 : vector<1x16xf32> to vector<16xf32>
        %parallel_loop3A_375 = vector.shape_cast %parallel_loop3A_370 : vector<16xf32> to vector<1x16xf32>
        tpu.vector_store %arg22[%parallel_loop3A_371, %parallel_loop3A_372], %parallel_loop3A_375 {strides = array<i32>} : memref<40x128xf32, #tpu.memory_space<vmem>>, vector<1x16xf32>,
        %parallel_loop3A_376 = arith.mulf %parallel_loop3A_253, %parallel_loop3A_357 : vector<16xf32>
        %parallel_loop3A_377 = arith.index_cast %parallel_loop3A_237 : i32 to index
        %parallel_loop3A_378 = arith.constant 48 : index
        %parallel_loop3A_379 = tpu.vector_load %arg22[%parallel_loop3A_377, %parallel_loop3A_378] {strides = array<i32>} : memref<40x128xf32, #tpu.memory_space<vmem>>, vector<1x16xf32>,
        %parallel_loop3A_380 = vector.shape_cast %parallel_loop3A_379 : vector<1x16xf32> to vector<16xf32>
        %parallel_loop3A_381 = vector.shape_cast %parallel_loop3A_376 : vector<16xf32> to vector<1x16xf32>
        tpu.vector_store %arg22[%parallel_loop3A_377, %parallel_loop3A_378], %parallel_loop3A_381 {strides = array<i32>} : memref<40x128xf32, #tpu.memory_space<vmem>>, vector<1x16xf32>,
        %parallel_loop3A_382 = arith.mulf %parallel_loop3A_257, %parallel_loop3A_357 : vector<16xf32>
        %parallel_loop3A_383 = arith.index_cast %parallel_loop3A_237 : i32 to index
        %parallel_loop3A_384 = arith.constant 64 : index
        %parallel_loop3A_385 = tpu.vector_load %arg22[%parallel_loop3A_383, %parallel_loop3A_384] {strides = array<i32>} : memref<40x128xf32, #tpu.memory_space<vmem>>, vector<1x16xf32>,
        %parallel_loop3A_386 = vector.shape_cast %parallel_loop3A_385 : vector<1x16xf32> to vector<16xf32>
        %parallel_loop3A_387 = vector.shape_cast %parallel_loop3A_382 : vector<16xf32> to vector<1x16xf32>
        tpu.vector_store %arg22[%parallel_loop3A_383, %parallel_loop3A_384], %parallel_loop3A_387 {strides = array<i32>} : memref<40x128xf32, #tpu.memory_space<vmem>>, vector<1x16xf32>,
        %parallel_loop3A_388 = arith.mulf %parallel_loop3A_261, %parallel_loop3A_357 : vector<16xf32>
        %parallel_loop3A_389 = arith.index_cast %parallel_loop3A_237 : i32 to index
        %parallel_loop3A_390 = arith.constant 80 : index
        %parallel_loop3A_391 = tpu.vector_load %arg22[%parallel_loop3A_389, %parallel_loop3A_390] {strides = array<i32>} : memref<40x128xf32, #tpu.memory_space<vmem>>, vector<1x16xf32>,
        %parallel_loop3A_392 = vector.shape_cast %parallel_loop3A_391 : vector<1x16xf32> to vector<16xf32>
        %parallel_loop3A_393 = vector.shape_cast %parallel_loop3A_388 : vector<16xf32> to vector<1x16xf32>
        tpu.vector_store %arg22[%parallel_loop3A_389, %parallel_loop3A_390], %parallel_loop3A_393 {strides = array<i32>} : memref<40x128xf32, #tpu.memory_space<vmem>>, vector<1x16xf32>,
        %parallel_loop3A_394 = arith.mulf %parallel_loop3A_265, %parallel_loop3A_357 : vector<16xf32>
        %parallel_loop3A_395 = arith.index_cast %parallel_loop3A_237 : i32 to index
        %parallel_loop3A_396 = arith.constant 96 : index
        %parallel_loop3A_397 = tpu.vector_load %arg22[%parallel_loop3A_395, %parallel_loop3A_396] {strides = array<i32>} : memref<40x128xf32, #tpu.memory_space<vmem>>, vector<1x16xf32>,
        %parallel_loop3A_398 = vector.shape_cast %parallel_loop3A_397 : vector<1x16xf32> to vector<16xf32>
        %parallel_loop3A_399 = vector.shape_cast %parallel_loop3A_394 : vector<16xf32> to vector<1x16xf32>
        tpu.vector_store %arg22[%parallel_loop3A_395, %parallel_loop3A_396], %parallel_loop3A_399 {strides = array<i32>} : memref<40x128xf32, #tpu.memory_space<vmem>>, vector<1x16xf32>,
        %parallel_loop3A_400 = arith.mulf %parallel_loop3A_269, %parallel_loop3A_357 : vector<16xf32>
        %parallel_loop3A_401 = arith.index_cast %parallel_loop3A_237 : i32 to index
        %parallel_loop3A_402 = arith.constant 112 : index
        %parallel_loop3A_403 = tpu.vector_load %arg22[%parallel_loop3A_401, %parallel_loop3A_402] {strides = array<i32>} : memref<40x128xf32, #tpu.memory_space<vmem>>, vector<1x16xf32>,
        %parallel_loop3A_404 = vector.shape_cast %parallel_loop3A_403 : vector<1x16xf32> to vector<16xf32>
        %parallel_loop3A_405 = vector.shape_cast %parallel_loop3A_400 : vector<16xf32> to vector<1x16xf32>
        tpu.vector_store %arg22[%parallel_loop3A_401, %parallel_loop3A_402], %parallel_loop3A_405 {strides = array<i32>} : memref<40x128xf32, #tpu.memory_space<vmem>>, vector<1x16xf32>,
        %parallel_loop3A_406 = arith.index_cast %parallel_loop3A_237 : i32 to index
        %parallel_loop3A_407 = tpu.vector_load %arg12[%parallel_loop3A_406] {strides = array<i32>} : memref<56xi32, #tpu.memory_space<vmem>>, vector<16xi32>,
        %parallel_loop3A_408 = vector.shape_cast %parallel_loop3A_407 : vector<16xi32> to vector<16xi32>
        %parallel_loop3A_409 = vector.extract_strided_slice %parallel_loop3A_408 {offsets = [0], sizes = [1], strides = [1]} : vector<16xi32> to vector<1xi32>
        %parallel_loop3A_410 = vector.extract %parallel_loop3A_409[0] : i32 from vector<1xi32>
        %parallel_loop3A_411 = arith.constant 7 : i32
        %parallel_loop3A_412 = arith.andi %parallel_loop3A_410, %parallel_loop3A_411 : i32
        %parallel_loop3A_413 = arith.constant 16 : i32
        %parallel_loop3A_414 = arith.muli %parallel_loop3A_412, %parallel_loop3A_413 : i32
        %parallel_loop3A_415 = arith.index_cast %parallel_loop3A_237 : i32 to index
        %parallel_loop3A_416 = arith.constant 0 : index
        %parallel_loop3A_417 = tpu.vector_load %arg23[%parallel_loop3A_415, %parallel_loop3A_416] {strides = array<i32>} : memref<40x128xf32, #tpu.memory_space<vmem>>, vector<1x16xf32>,
        %parallel_loop3A_418 = vector.shape_cast %parallel_loop3A_417 : vector<1x16xf32> to vector<16xf32>
        %parallel_loop3A_419 = vector.shape_cast %broadcast_in_dim3A_26 : vector<16xf32> to vector<1x16xf32>
        tpu.vector_store %arg23[%parallel_loop3A_415, %parallel_loop3A_416], %parallel_loop3A_419 {strides = array<i32>} : memref<40x128xf32, #tpu.memory_space<vmem>>, vector<1x16xf32>,
        %parallel_loop3A_420 = arith.index_cast %parallel_loop3A_237 : i32 to index
        %parallel_loop3A_421 = arith.constant 16 : index
        %parallel_loop3A_422 = tpu.vector_load %arg23[%parallel_loop3A_420, %parallel_loop3A_421] {strides = array<i32>} : memref<40x128xf32, #tpu.memory_space<vmem>>, vector<1x16xf32>,
        %parallel_loop3A_423 = vector.shape_cast %parallel_loop3A_422 : vector<1x16xf32> to vector<16xf32>
        %parallel_loop3A_424 = vector.shape_cast %broadcast_in_dim3A_26 : vector<16xf32> to vector<1x16xf32>
        tpu.vector_store %arg23[%parallel_loop3A_420, %parallel_loop3A_421], %parallel_loop3A_424 {strides = array<i32>} : memref<40x128xf32, #tpu.memory_space<vmem>>, vector<1x16xf32>,
        %parallel_loop3A_425 = arith.index_cast %parallel_loop3A_237 : i32 to index
        %parallel_loop3A_426 = arith.constant 32 : index
        %parallel_loop3A_427 = tpu.vector_load %arg23[%parallel_loop3A_425, %parallel_loop3A_426] {strides = array<i32>} : memref<40x128xf32, #tpu.memory_space<vmem>>, vector<1x16xf32>,
        %parallel_loop3A_428 = vector.shape_cast %parallel_loop3A_427 : vector<1x16xf32> to vector<16xf32>
        %parallel_loop3A_429 = vector.shape_cast %broadcast_in_dim3A_26 : vector<16xf32> to vector<1x16xf32>
        tpu.vector_store %arg23[%parallel_loop3A_425, %parallel_loop3A_426], %parallel_loop3A_429 {strides = array<i32>} : memref<40x128xf32, #tpu.memory_space<vmem>>, vector<1x16xf32>,
        %parallel_loop3A_430 = arith.index_cast %parallel_loop3A_237 : i32 to index
        %parallel_loop3A_431 = arith.constant 48 : index
        %parallel_loop3A_432 = tpu.vector_load %arg23[%parallel_loop3A_430, %parallel_loop3A_431] {strides = array<i32>} : memref<40x128xf32, #tpu.memory_space<vmem>>, vector<1x16xf32>,
        %parallel_loop3A_433 = vector.shape_cast %parallel_loop3A_432 : vector<1x16xf32> to vector<16xf32>
        %parallel_loop3A_434 = vector.shape_cast %broadcast_in_dim3A_26 : vector<16xf32> to vector<1x16xf32>
        tpu.vector_store %arg23[%parallel_loop3A_430, %parallel_loop3A_431], %parallel_loop3A_434 {strides = array<i32>} : memref<40x128xf32, #tpu.memory_space<vmem>>, vector<1x16xf32>,
        %parallel_loop3A_435 = arith.index_cast %parallel_loop3A_237 : i32 to index
        %parallel_loop3A_436 = arith.constant 64 : index
        %parallel_loop3A_437 = tpu.vector_load %arg23[%parallel_loop3A_435, %parallel_loop3A_436] {strides = array<i32>} : memref<40x128xf32, #tpu.memory_space<vmem>>, vector<1x16xf32>,
        %parallel_loop3A_438 = vector.shape_cast %parallel_loop3A_437 : vector<1x16xf32> to vector<16xf32>
        %parallel_loop3A_439 = vector.shape_cast %broadcast_in_dim3A_26 : vector<16xf32> to vector<1x16xf32>
        tpu.vector_store %arg23[%parallel_loop3A_435, %parallel_loop3A_436], %parallel_loop3A_439 {strides = array<i32>} : memref<40x128xf32, #tpu.memory_space<vmem>>, vector<1x16xf32>,
        %parallel_loop3A_440 = arith.index_cast %parallel_loop3A_237 : i32 to index
        %parallel_loop3A_441 = arith.constant 80 : index
        %parallel_loop3A_442 = tpu.vector_load %arg23[%parallel_loop3A_440, %parallel_loop3A_441] {strides = array<i32>} : memref<40x128xf32, #tpu.memory_space<vmem>>, vector<1x16xf32>,
        %parallel_loop3A_443 = vector.shape_cast %parallel_loop3A_442 : vector<1x16xf32> to vector<16xf32>
        %parallel_loop3A_444 = vector.shape_cast %broadcast_in_dim3A_26 : vector<16xf32> to vector<1x16xf32>
        tpu.vector_store %arg23[%parallel_loop3A_440, %parallel_loop3A_441], %parallel_loop3A_444 {strides = array<i32>} : memref<40x128xf32, #tpu.memory_space<vmem>>, vector<1x16xf32>,
        %parallel_loop3A_445 = arith.index_cast %parallel_loop3A_237 : i32 to index
        %parallel_loop3A_446 = arith.constant 96 : index
        %parallel_loop3A_447 = tpu.vector_load %arg23[%parallel_loop3A_445, %parallel_loop3A_446] {strides = array<i32>} : memref<40x128xf32, #tpu.memory_space<vmem>>, vector<1x16xf32>,
        %parallel_loop3A_448 = vector.shape_cast %parallel_loop3A_447 : vector<1x16xf32> to vector<16xf32>
        %parallel_loop3A_449 = vector.shape_cast %broadcast_in_dim3A_26 : vector<16xf32> to vector<1x16xf32>
        tpu.vector_store %arg23[%parallel_loop3A_445, %parallel_loop3A_446], %parallel_loop3A_449 {strides = array<i32>} : memref<40x128xf32, #tpu.memory_space<vmem>>, vector<1x16xf32>,
        %parallel_loop3A_450 = arith.index_cast %parallel_loop3A_237 : i32 to index
        %parallel_loop3A_451 = arith.constant 112 : index
        %parallel_loop3A_452 = tpu.vector_load %arg23[%parallel_loop3A_450, %parallel_loop3A_451] {strides = array<i32>} : memref<40x128xf32, #tpu.memory_space<vmem>>, vector<1x16xf32>,
        %parallel_loop3A_453 = vector.shape_cast %parallel_loop3A_452 : vector<1x16xf32> to vector<16xf32>
        %parallel_loop3A_454 = vector.shape_cast %broadcast_in_dim3A_26 : vector<16xf32> to vector<1x16xf32>
        tpu.vector_store %arg23[%parallel_loop3A_450, %parallel_loop3A_451], %parallel_loop3A_454 {strides = array<i32>} : memref<40x128xf32, #tpu.memory_space<vmem>>, vector<1x16xf32>,
        %parallel_loop3A_455 = arith.index_cast %parallel_loop3A_237 : i32 to index
        %parallel_loop3A_456 = arith.index_cast %parallel_loop3A_414 : i32 to index
        %parallel_loop3A_457 = tpu.vector_load %arg23[%parallel_loop3A_455, %parallel_loop3A_456] {strides = array<i32>} : memref<40x128xf32, #tpu.memory_space<vmem>>, vector<1x16xf32>,
        %parallel_loop3A_458 = vector.shape_cast %parallel_loop3A_457 : vector<1x16xf32> to vector<16xf32>
        %parallel_loop3A_459 = vector.shape_cast %parallel_loop3A_357 : vector<16xf32> to vector<1x16xf32>
        tpu.vector_store %arg23[%parallel_loop3A_455, %parallel_loop3A_456], %parallel_loop3A_459 {strides = array<i32>} : memref<40x128xf32, #tpu.memory_space<vmem>>, vector<1x16xf32>,
      } {sc.loop_unroll_factor = 8 : i64, sc.parallel_access}
      %get3A_213 = arith.constant 0 : index
      %get3A_214 = tpu.vector_load %arg12[%get3A_213] {strides = array<i32>} : memref<56xi32, #tpu.memory_space<vmem>>, vector<16xi32>,
      %get3A_215 = vector.shape_cast %get3A_214 : vector<16xi32> to vector<16xi32>
      %swap3A_216 = arith.constant 0 : index
      %swap3A_217 = tpu.vector_load %arg16[%swap3A_216] {strides = array<i32>} : memref<40xi32, #tpu.memory_space<vmem>>, vector<16xi32>,
      %swap3A_218 = vector.shape_cast %swap3A_217 : vector<16xi32> to vector<16xi32>
      %swap3A_219 = vector.shape_cast %get3A_215 : vector<16xi32> to vector<16xi32>
      tpu.vector_store %arg16[%swap3A_216], %swap3A_219 {strides = array<i32>} : memref<40xi32, #tpu.memory_space<vmem>>, vector<16xi32>,
      %get3A_220 = arith.constant 16 : index
      %get3A_221 = tpu.vector_load %arg12[%get3A_220] {strides = array<i32>} : memref<56xi32, #tpu.memory_space<vmem>>, vector<16xi32>,
      %get3A_222 = vector.shape_cast %get3A_221 : vector<16xi32> to vector<16xi32>
      %swap3A_223 = arith.constant 16 : index
      %swap3A_224 = tpu.vector_load %arg16[%swap3A_223] {strides = array<i32>} : memref<40xi32, #tpu.memory_space<vmem>>, vector<16xi32>,
      %swap3A_225 = vector.shape_cast %swap3A_224 : vector<16xi32> to vector<16xi32>
      %swap3A_226 = vector.shape_cast %get3A_222 : vector<16xi32> to vector<16xi32>
      tpu.vector_store %arg16[%swap3A_223], %swap3A_226 {strides = array<i32>} : memref<40xi32, #tpu.memory_space<vmem>>, vector<16xi32>,
      %get3A_227 = arith.constant 24 : index
      %get3A_228 = tpu.vector_load %arg12[%get3A_227] {strides = array<i32>} : memref<56xi32, #tpu.memory_space<vmem>>, vector<16xi32>,
      %get3A_229 = vector.shape_cast %get3A_228 : vector<16xi32> to vector<16xi32>
      %swap3A_230 = arith.constant 24 : index
      %swap3A_231 = tpu.vector_load %arg16[%swap3A_230] {strides = array<i32>} : memref<40xi32, #tpu.memory_space<vmem>>, vector<16xi32>,
      %swap3A_232 = vector.shape_cast %swap3A_231 : vector<16xi32> to vector<16xi32>
      %swap3A_233 = vector.shape_cast %get3A_229 : vector<16xi32> to vector<16xi32>
      tpu.vector_store %arg16[%swap3A_230], %swap3A_233 {strides = array<i32>} : memref<40xi32, #tpu.memory_space<vmem>>, vector<16xi32>,
      "tpu.region"() ({
        %run_scoped3A = tpu.sem_alloc : memref<!tpu.dma_semaphore, #tpu.memory_space<semaphore_mem>>
        %dma_start3A_237 = arith.constant 0 : i32
        %dma_start3A_238 = arith.constant 0 : i32
        %dma_start3A_239 = tpu.memref_slice %arg8[%dma_start3A_237, %dma_start3A_238] : memref<11280x128xf32, #tpu.memory_space<vmem_shared>> -> memref<11280x128xf32, #tpu.memory_space<vmem_shared>>
        tpu.enqueue_indirect_dma source(%arg23 : memref<40x128xf32, #tpu.memory_space<vmem>>) target(%dma_start3A_239 : memref<11280x128xf32, #tpu.memory_space<vmem_shared>>) offsets(%arg14 : memref<40xi32, #tpu.memory_space<vmem>>) semaphore(%run_scoped3A : memref<!tpu.dma_semaphore, #tpu.memory_space<semaphore_mem>>) {add = true}
        %dma_wait3A_240 = arith.constant 0 : i32
        %dma_wait3A_241 = arith.constant 0 : i32
        %dma_wait3A_242 = tpu.memref_slice %arg8[%dma_wait3A_240, %dma_wait3A_241] : memref<11280x128xf32, #tpu.memory_space<vmem_shared>> -> memref<11280x128xf32, #tpu.memory_space<vmem_shared>>
        tpu.wait_indirect_dma semaphore(%run_scoped3A : memref<!tpu.dma_semaphore, #tpu.memory_space<semaphore_mem>>) src(%arg23 : memref<40x128xf32, #tpu.memory_space<vmem>>) dst(%dma_wait3A_242 : memref<11280x128xf32, #tpu.memory_space<vmem_shared>>)
        tpu.yield
      }) : () -> ()
      %dma_start3A_234 = arith.constant 0 : i32
      %dma_start3A_235 = arith.constant 0 : i32
      %dma_start3A_236 = tpu.memref_slice %arg8[%dma_start3A_234, %dma_start3A_235] : memref<11280x128xf32, #tpu.memory_space<vmem_shared>> -> memref<11280x128xf32, #tpu.memory_space<vmem_shared>>
      tpu.enqueue_indirect_dma source(%arg22 : memref<40x128xf32, #tpu.memory_space<vmem>>) target(%dma_start3A_236 : memref<11280x128xf32, #tpu.memory_space<vmem_shared>>) offsets(%arg16 : memref<40xi32, #tpu.memory_space<vmem>>) semaphore(%arg30 : memref<!tpu.dma_semaphore, #tpu.memory_space<semaphore_mem>>) {add = true}
    }
    %scan3A_89 = arith.constant 125 : i32
    %dma_wait3A = arith.constant 0 : i32
    %dma_wait3A_90 = arith.constant 0 : i32
    %dma_wait3A_91 = tpu.memref_slice %arg8[%dma_wait3A, %dma_wait3A_90] : memref<11280x128xf32, #tpu.memory_space<vmem_shared>> -> memref<11280x128xf32, #tpu.memory_space<vmem_shared>>
    tpu.wait_indirect_dma semaphore(%arg29 : memref<!tpu.dma_semaphore, #tpu.memory_space<semaphore_mem>>) src(%arg21 : memref<40x128xf32, #tpu.memory_space<vmem>>) dst(%dma_wait3A_91 : memref<11280x128xf32, #tpu.memory_space<vmem_shared>>)
    %dma_wait3A_92 = arith.constant 0 : i32
    %dma_wait3A_93 = arith.constant 0 : i32
    %dma_wait3A_94 = tpu.memref_slice %arg8[%dma_wait3A_92, %dma_wait3A_93] : memref<11280x128xf32, #tpu.memory_space<vmem_shared>> -> memref<11280x128xf32, #tpu.memory_space<vmem_shared>>
    tpu.wait_indirect_dma semaphore(%arg30 : memref<!tpu.dma_semaphore, #tpu.memory_space<semaphore_mem>>) src(%arg22 : memref<40x128xf32, #tpu.memory_space<vmem>>) dst(%dma_wait3A_94 : memref<11280x128xf32, #tpu.memory_space<vmem_shared>>)
    %barrier3A_95 = arith.constant 0 : index
    tpu.barrier barrier_id(%barrier3A_95)
    %scan3A_96 = arith.constant 0 : i32
    %scan3A_97 = arith.constant 0 : i32
    %scan3A_98 = arith.constant 18 : i32
    %scan3A_99 = arith.addi %scan3A_97, %scan3A_98 : i32
    %scan3A_100 = arith.constant 1 : i32
    scf.for %scan3A_102 = %scan3A_97 to %scan3A_99 step %scan3A_100  : i32 {
      %mul3A_103 = arith.constant 16 : i32
      %mul3A_104 = arith.muli %mul3A_103, %scan3A_102 : i32
      %add3A_105 = arith.addi %arg1, %mul3A_104 : i32
      %lt3A = arith.constant 282 : i32
      %lt3A_106 = arith.cmpi slt, %add3A_105, %lt3A : i32
      %convert_element_type3A = arith.extui %lt3A_106 : i1 to i32
      %cond3A = arith.constant 0 : i32
      %cond3A_107 = arith.cmpi ne, %convert_element_type3A, %cond3A : i32
      scf.if %cond3A_107 {
        %mul3A_108 = arith.constant 40 : i32
        %mul3A_109 = arith.muli %add3A_105, %mul3A_108 : i32
        "tpu.region"() ({
          %run_scoped3A = tpu.sem_alloc : memref<!tpu.dma_semaphore, #tpu.memory_space<semaphore_mem>>
          %dma_start3A_115 = arith.constant 0 : i32
          %dma_start3A_116 = tpu.memref_slice %arg8[%mul3A_109, %dma_start3A_115] : memref<11280x128xf32, #tpu.memory_space<vmem_shared>> -> memref<40x128xf32, #tpu.memory_space<vmem_shared>>
          %dma_start3A_117 = arith.constant 0 : i32
          %dma_start3A_118 = tpu.memref_slice %arg8[%mul3A_109, %dma_start3A_117] : memref<11280x128xf32, #tpu.memory_space<vmem_shared>> -> memref<40x128xf32, #tpu.memory_space<vmem_shared>>
          tpu.enqueue_dma source(%dma_start3A_118 : memref<40x128xf32, #tpu.memory_space<vmem_shared>>) target(%arg17 : memref<40x128xf32, #tpu.memory_space<vmem>>) target_semaphore(%run_scoped3A : memref<!tpu.dma_semaphore, #tpu.memory_space<semaphore_mem>>)
          %dma_wait3A_119 = arith.constant 0 : i32
          %dma_wait3A_120 = tpu.memref_slice %arg8[%mul3A_109, %dma_wait3A_119] : memref<11280x128xf32, #tpu.memory_space<vmem_shared>> -> memref<40x128xf32, #tpu.memory_space<vmem_shared>>
          %dma_wait3A_121 = arith.constant 0 : i32
          %dma_wait3A_122 = tpu.memref_slice %arg8[%mul3A_109, %dma_wait3A_121] : memref<11280x128xf32, #tpu.memory_space<vmem_shared>> -> memref<40x128xf32, #tpu.memory_space<vmem_shared>>
          tpu.wait_dma2 semaphore(%run_scoped3A : memref<!tpu.dma_semaphore, #tpu.memory_space<semaphore_mem>>) src(%dma_wait3A_122 : memref<40x128xf32, #tpu.memory_space<vmem_shared>>) dst(%arg17 : memref<40x128xf32, #tpu.memory_space<vmem>>)
          tpu.yield
        }) : () -> ()
        %mul3A_110 = arith.constant 11280 : i32
        %mul3A_111 = arith.muli %arg0, %mul3A_110 : i32
        %mul3A_112 = arith.constant 40 : i32
        %mul3A_113 = arith.muli %add3A_105, %mul3A_112 : i32
        %add3A_114 = arith.addi %mul3A_111, %mul3A_113 : i32
        "tpu.region"() ({
          %run_scoped3A = tpu.sem_alloc : memref<!tpu.dma_semaphore, #tpu.memory_space<semaphore_mem>>
          %dma_start3A_115 = arith.constant 0 : i32
          %dma_start3A_116 = tpu.memref_slice %arg7[%add3A_114, %dma_start3A_115] : memref<22560x128xf32, #tpu.memory_space<hbm>> -> memref<40x128xf32, #tpu.memory_space<hbm>>
          %dma_start3A_117 = arith.constant 0 : i32
          %dma_start3A_118 = tpu.memref_slice %arg7[%add3A_114, %dma_start3A_117] : memref<22560x128xf32, #tpu.memory_space<hbm>> -> memref<40x128xf32, #tpu.memory_space<hbm>>
          tpu.enqueue_dma source(%arg17 : memref<40x128xf32, #tpu.memory_space<vmem>>) target(%dma_start3A_118 : memref<40x128xf32, #tpu.memory_space<hbm>>) target_semaphore(%run_scoped3A : memref<!tpu.dma_semaphore, #tpu.memory_space<semaphore_mem>>)
          %dma_wait3A_119 = arith.constant 0 : i32
          %dma_wait3A_120 = tpu.memref_slice %arg7[%add3A_114, %dma_wait3A_119] : memref<22560x128xf32, #tpu.memory_space<hbm>> -> memref<40x128xf32, #tpu.memory_space<hbm>>
          %dma_wait3A_121 = arith.constant 0 : i32
          %dma_wait3A_122 = tpu.memref_slice %arg7[%add3A_114, %dma_wait3A_121] : memref<22560x128xf32, #tpu.memory_space<hbm>> -> memref<40x128xf32, #tpu.memory_space<hbm>>
          tpu.wait_dma2 semaphore(%run_scoped3A : memref<!tpu.dma_semaphore, #tpu.memory_space<semaphore_mem>>) src(%arg17 : memref<40x128xf32, #tpu.memory_space<vmem>>) dst(%dma_wait3A_122 : memref<40x128xf32, #tpu.memory_space<hbm>>)
          tpu.yield
        }) : () -> ()
      } else {
      }
    }
    %scan3A_101 = arith.constant 18 : i32
    return
  }
}

module attributes {stable_mosaic.version = 14 : i64} {
  func.func @_proj_body(%arg0: i32, %arg1: memref<1000x128xf32, #tpu.memory_space<vmem>>, %arg2: memref<128x128xf32, #tpu.memory_space<vmem>>, %arg3: memref<128x128xf32, #tpu.memory_space<vmem>>, %arg4: memref<1x128xf32, #tpu.memory_space<vmem>>, %arg5: memref<1x128xf32, #tpu.memory_space<vmem>>, %arg6: memref<1000x128xf32, #tpu.memory_space<vmem>>, %arg7: memref<1000x128xf32, #tpu.memory_space<vmem>>) attributes {dimension_semantics = [#tpu.dimension_semantics<arbitrary>], iteration_bounds = array<i64: 10>, scalar_prefetch = 0 : i64, scratch_operands = 0 : i64, tpu.core_type = #tpu.core_type<tc>, window_params = [{transform_indices = @transform_0, window_bounds = array<i64: 1000, 128>}, {pipeline_mode = #tpu.pipeline_mode<synchronous>, transform_indices = @transform_1, window_bounds = array<i64: 128, 128>}, {pipeline_mode = #tpu.pipeline_mode<synchronous>, transform_indices = @transform_2, window_bounds = array<i64: 128, 128>}, {pipeline_mode = #tpu.pipeline_mode<synchronous>, transform_indices = @transform_3, window_bounds = array<i64: 1, 128>}, {pipeline_mode = #tpu.pipeline_mode<synchronous>, transform_indices = @transform_4, window_bounds = array<i64: 1, 128>}, {transform_indices = @transform_5, window_bounds = array<i64: 1000, 128>}, {transform_indices = @transform_6, window_bounds = array<i64: 1000, 128>}]} {
    %get3A = arith.constant 0 : index
    %get3A_0 = arith.constant 0 : index
    %get3A_1 = vector.load %arg1[%get3A, %get3A_0] : memref<1000x128xf32, #tpu.memory_space<vmem>>, vector<1000x128xf32>
    %get3A_2 = arith.constant 0 : index
    %get3A_3 = arith.constant 0 : index
    %get3A_4 = vector.load %arg2[%get3A_2, %get3A_3] : memref<128x128xf32, #tpu.memory_space<vmem>>, vector<128x128xf32>
    %dot_general3A = arith.constant dense<0.000000e+00> : vector<1000x128xf32>
    %dot_general3A_5 = tpu.matmul %get3A_1, %get3A_4, %dot_general3A {dimension_numbers = #tpu.dot_dimension_numbers<[1], [1], [0], [0], [0, 0, 1, 0], [], []>, transpose_lhs_hint = false} : vector<1000x128xf32>, vector<128x128xf32>, vector<1000x128xf32> -> vector<1000x128xf32>
    %get3A_6 = arith.constant 0 : index
    %get3A_7 = arith.constant 0 : index
    %get3A_8 = vector.load %arg4[%get3A_6, %get3A_7] : memref<1x128xf32, #tpu.memory_space<vmem>>, vector<1x128xf32>
    %add3A = vector.broadcast %get3A_8 : vector<1x128xf32> to vector<1000x128xf32>
    %add3A_9 = arith.addf %dot_general3A_5, %add3A : vector<1000x128xf32>
    %swap3A = arith.constant 0 : index
    %swap3A_10 = arith.constant 0 : index
    %swap3A_11 = vector.load %arg6[%swap3A, %swap3A_10] : memref<1000x128xf32, #tpu.memory_space<vmem>>, vector<1000x128xf32>
    tpu.vector_store %arg6[%swap3A, %swap3A_10], %add3A_9 {strides = array<i32>} : memref<1000x128xf32, #tpu.memory_space<vmem>>, vector<1000x128xf32>,
    %get3A_12 = arith.constant 0 : index
    %get3A_13 = arith.constant 0 : index
    %get3A_14 = vector.load %arg3[%get3A_12, %get3A_13] : memref<128x128xf32, #tpu.memory_space<vmem>>, vector<128x128xf32>
    %dot_general3A_15 = arith.constant dense<0.000000e+00> : vector<1000x128xf32>
    %dot_general3A_16 = tpu.matmul %get3A_1, %get3A_14, %dot_general3A_15 {dimension_numbers = #tpu.dot_dimension_numbers<[1], [1], [0], [0], [0, 0, 1, 0], [], []>, transpose_lhs_hint = false} : vector<1000x128xf32>, vector<128x128xf32>, vector<1000x128xf32> -> vector<1000x128xf32>
    %get3A_17 = arith.constant 0 : index
    %get3A_18 = arith.constant 0 : index
    %get3A_19 = vector.load %arg5[%get3A_17, %get3A_18] : memref<1x128xf32, #tpu.memory_space<vmem>>, vector<1x128xf32>
    %add3A_20 = vector.broadcast %get3A_19 : vector<1x128xf32> to vector<1000x128xf32>
    %add3A_21 = arith.addf %dot_general3A_16, %add3A_20 : vector<1000x128xf32>
    %swap3A_22 = arith.constant 0 : index
    %swap3A_23 = arith.constant 0 : index
    %swap3A_24 = vector.load %arg7[%swap3A_22, %swap3A_23] : memref<1000x128xf32, #tpu.memory_space<vmem>>, vector<1000x128xf32>
    tpu.vector_store %arg7[%swap3A_22, %swap3A_23], %add3A_21 {strides = array<i32>} : memref<1000x128xf32, #tpu.memory_space<vmem>>, vector<1000x128xf32>,
    return
  }
  func.func @transform_0(%arg0: i32) -> (i32, i32) {
    %c0_i32 = arith.constant 0 : i32
    %c0_i32_0 = arith.constant 0 : i32
    return %arg0, %c0_i32 : i32, i32
  }
  func.func @transform_1(%arg0: i32) -> (i32, i32) {
    %c0_i32 = arith.constant 0 : i32
    %c0_i32_0 = arith.constant 0 : i32
    %c0_i32_1 = arith.constant 0 : i32
    return %c0_i32, %c0_i32_0 : i32, i32
  }
  func.func @transform_2(%arg0: i32) -> (i32, i32) {
    %c0_i32 = arith.constant 0 : i32
    %c0_i32_0 = arith.constant 0 : i32
    %c0_i32_1 = arith.constant 0 : i32
    return %c0_i32, %c0_i32_0 : i32, i32
  }
  func.func @transform_3(%arg0: i32) -> (i32, i32) {
    %c0_i32 = arith.constant 0 : i32
    %c0_i32_0 = arith.constant 0 : i32
    %c0_i32_1 = arith.constant 0 : i32
    return %c0_i32, %c0_i32_0 : i32, i32
  }
  func.func @transform_4(%arg0: i32) -> (i32, i32) {
    %c0_i32 = arith.constant 0 : i32
    %c0_i32_0 = arith.constant 0 : i32
    %c0_i32_1 = arith.constant 0 : i32
    return %c0_i32, %c0_i32_0 : i32, i32
  }
  func.func @transform_5(%arg0: i32) -> (i32, i32) {
    %c0_i32 = arith.constant 0 : i32
    %c0_i32_0 = arith.constant 0 : i32
    return %arg0, %c0_i32 : i32, i32
  }
  func.func @transform_6(%arg0: i32) -> (i32, i32) {
    %c0_i32 = arith.constant 0 : i32
    %c0_i32_0 = arith.constant 0 : i32
    return %arg0, %c0_i32 : i32, i32
  }
}

module attributes {stable_mosaic.version = 14 : i64} {
  func.func @_mid_body(%arg0: i32, %arg1: memref<2x1000x128xf32, #tpu.memory_space<vmem>>, %arg2: memref<2x1000x16xf32, #tpu.memory_space<vmem>>, %arg3: memref<16x128xf32, #tpu.memory_space<vmem>>, %arg4: memref<1x128xf32, #tpu.memory_space<vmem>>, %arg5: memref<128x128xf32, #tpu.memory_space<vmem>>, %arg6: memref<128x128xf32, #tpu.memory_space<vmem>>, %arg7: memref<1x128xf32, #tpu.memory_space<vmem>>, %arg8: memref<1x128xf32, #tpu.memory_space<vmem>>, %arg9: memref<1000x128xf32, #tpu.memory_space<vmem>>, %arg10: memref<1000x128xf32, #tpu.memory_space<vmem>>) attributes {dimension_semantics = [#tpu.dimension_semantics<arbitrary>], iteration_bounds = array<i64: 10>, scalar_prefetch = 0 : i64, scratch_operands = 0 : i64, tpu.core_type = #tpu.core_type<tc>, window_params = [{transform_indices = @transform_0, window_bounds = array<i64: 2, 1000, 128>}, {transform_indices = @transform_1, window_bounds = array<i64: 2, 1000, 16>}, {pipeline_mode = #tpu.pipeline_mode<synchronous>, transform_indices = @transform_2, window_bounds = array<i64: 16, 128>}, {pipeline_mode = #tpu.pipeline_mode<synchronous>, transform_indices = @transform_3, window_bounds = array<i64: 1, 128>}, {pipeline_mode = #tpu.pipeline_mode<synchronous>, transform_indices = @transform_4, window_bounds = array<i64: 128, 128>}, {pipeline_mode = #tpu.pipeline_mode<synchronous>, transform_indices = @transform_5, window_bounds = array<i64: 128, 128>}, {pipeline_mode = #tpu.pipeline_mode<synchronous>, transform_indices = @transform_6, window_bounds = array<i64: 1, 128>}, {pipeline_mode = #tpu.pipeline_mode<synchronous>, transform_indices = @transform_7, window_bounds = array<i64: 1, 128>}, {transform_indices = @transform_8, window_bounds = array<i64: 1000, 128>}, {transform_indices = @transform_9, window_bounds = array<i64: 1000, 128>}]} {
    %get3A = arith.constant 0 : index
    %get3A_0 = arith.constant 0 : index
    %get3A_1 = arith.constant 0 : index
    %get3A_2 = vector.load %arg1[%get3A, %get3A_0, %get3A_1] : memref<2x1000x128xf32, #tpu.memory_space<vmem>>, vector<1x1000x128xf32>
    %get3A_3 = vector.shape_cast %get3A_2 : vector<1x1000x128xf32> to vector<1000x128xf32>
    %get3A_4 = arith.constant 1 : index
    %get3A_5 = arith.constant 0 : index
    %get3A_6 = arith.constant 0 : index
    %get3A_7 = vector.load %arg1[%get3A_4, %get3A_5, %get3A_6] : memref<2x1000x128xf32, #tpu.memory_space<vmem>>, vector<1x1000x128xf32>
    %get3A_8 = vector.shape_cast %get3A_7 : vector<1x1000x128xf32> to vector<1000x128xf32>
    %add3A = arith.addf %get3A_3, %get3A_8 : vector<1000x128xf32>
    %get3A_9 = arith.constant 0 : index
    %get3A_10 = arith.constant 0 : index
    %get3A_11 = arith.constant 0 : index
    %get3A_12 = vector.load %arg2[%get3A_9, %get3A_10, %get3A_11] : memref<2x1000x16xf32, #tpu.memory_space<vmem>>, vector<1x1000x16xf32>
    %get3A_13 = vector.shape_cast %get3A_12 : vector<1x1000x16xf32> to vector<1000x16xf32>
    %get3A_14 = arith.constant 1 : index
    %get3A_15 = arith.constant 0 : index
    %get3A_16 = arith.constant 0 : index
    %get3A_17 = vector.load %arg2[%get3A_14, %get3A_15, %get3A_16] : memref<2x1000x16xf32, #tpu.memory_space<vmem>>, vector<1x1000x16xf32>
    %get3A_18 = vector.shape_cast %get3A_17 : vector<1x1000x16xf32> to vector<1000x16xf32>
    %add3A_19 = arith.addf %get3A_13, %get3A_18 : vector<1000x16xf32>
    %get3A_20 = arith.constant 0 : index
    %get3A_21 = arith.constant 0 : index
    %get3A_22 = vector.load %arg3[%get3A_20, %get3A_21] : memref<16x128xf32, #tpu.memory_space<vmem>>, vector<16x128xf32>
    %dot_general3A = arith.constant dense<0.000000e+00> : vector<1000x128xf32>
    %dot_general3A_23 = tpu.matmul %add3A_19, %get3A_22, %dot_general3A {dimension_numbers = #tpu.dot_dimension_numbers<[1], [0], [0], [1], [0, 0, 1, 1], [], []>, transpose_lhs_hint = false} : vector<1000x16xf32>, vector<16x128xf32>, vector<1000x128xf32> -> vector<1000x128xf32>
    %add3A_24 = arith.constant 1.000000e-16 : f32
    %add3A_25 = vector.broadcast %add3A_24 : f32 to vector<1000x128xf32>
    %add3A_26 = arith.addf %dot_general3A_23, %add3A_25 : vector<1000x128xf32>
    %div3A = arith.divf %add3A, %add3A_26 : vector<1000x128xf32>
    %get3A_27 = arith.constant 0 : index
    %get3A_28 = arith.constant 0 : index
    %get3A_29 = vector.load %arg4[%get3A_27, %get3A_28] : memref<1x128xf32, #tpu.memory_space<vmem>>, vector<1x128xf32>
    %add3A_30 = vector.broadcast %get3A_29 : vector<1x128xf32> to vector<1000x128xf32>
    %add3A_31 = arith.addf %div3A, %add3A_30 : vector<1000x128xf32>
    %max3A = arith.constant 0.000000e+00 : f32
    %max3A_32 = vector.broadcast %max3A : f32 to vector<1000x128xf32>
    %max3A_33 = arith.maximumf %add3A_31, %max3A_32 : vector<1000x128xf32>
    %min3A = arith.constant 0.000000e+00 : f32
    %min3A_34 = vector.broadcast %min3A : f32 to vector<1000x128xf32>
    %min3A_35 = arith.minimumf %add3A_31, %min3A_34 : vector<1000x128xf32>
    %exp3A = math.exp %min3A_35 : vector<1000x128xf32>
    %sub3A = arith.constant 1.000000e+00 : f32
    %sub3A_36 = vector.broadcast %sub3A : f32 to vector<1000x128xf32>
    %sub3A_37 = arith.subf %exp3A, %sub3A_36 : vector<1000x128xf32>
    %add3A_38 = arith.addf %max3A_33, %sub3A_37 : vector<1000x128xf32>
    %get3A_39 = arith.constant 0 : index
    %get3A_40 = arith.constant 0 : index
    %get3A_41 = vector.load %arg5[%get3A_39, %get3A_40] : memref<128x128xf32, #tpu.memory_space<vmem>>, vector<128x128xf32>
    %dot_general3A_42 = arith.constant dense<0.000000e+00> : vector<1000x128xf32>
    %dot_general3A_43 = tpu.matmul %add3A_38, %get3A_41, %dot_general3A_42 {dimension_numbers = #tpu.dot_dimension_numbers<[1], [1], [0], [0], [0, 0, 1, 0], [], []>, transpose_lhs_hint = false} : vector<1000x128xf32>, vector<128x128xf32>, vector<1000x128xf32> -> vector<1000x128xf32>
    %get3A_44 = arith.constant 0 : index
    %get3A_45 = arith.constant 0 : index
    %get3A_46 = vector.load %arg7[%get3A_44, %get3A_45] : memref<1x128xf32, #tpu.memory_space<vmem>>, vector<1x128xf32>
    %add3A_47 = vector.broadcast %get3A_46 : vector<1x128xf32> to vector<1000x128xf32>
    %add3A_48 = arith.addf %dot_general3A_43, %add3A_47 : vector<1000x128xf32>
    %swap3A = arith.constant 0 : index
    %swap3A_49 = arith.constant 0 : index
    %swap3A_50 = vector.load %arg9[%swap3A, %swap3A_49] : memref<1000x128xf32, #tpu.memory_space<vmem>>, vector<1000x128xf32>
    tpu.vector_store %arg9[%swap3A, %swap3A_49], %add3A_48 {strides = array<i32>} : memref<1000x128xf32, #tpu.memory_space<vmem>>, vector<1000x128xf32>,
    %get3A_51 = arith.constant 0 : index
    %get3A_52 = arith.constant 0 : index
    %get3A_53 = vector.load %arg6[%get3A_51, %get3A_52] : memref<128x128xf32, #tpu.memory_space<vmem>>, vector<128x128xf32>
    %dot_general3A_54 = arith.constant dense<0.000000e+00> : vector<1000x128xf32>
    %dot_general3A_55 = tpu.matmul %add3A_38, %get3A_53, %dot_general3A_54 {dimension_numbers = #tpu.dot_dimension_numbers<[1], [1], [0], [0], [0, 0, 1, 0], [], []>, transpose_lhs_hint = false} : vector<1000x128xf32>, vector<128x128xf32>, vector<1000x128xf32> -> vector<1000x128xf32>
    %get3A_56 = arith.constant 0 : index
    %get3A_57 = arith.constant 0 : index
    %get3A_58 = vector.load %arg8[%get3A_56, %get3A_57] : memref<1x128xf32, #tpu.memory_space<vmem>>, vector<1x128xf32>
    %add3A_59 = vector.broadcast %get3A_58 : vector<1x128xf32> to vector<1000x128xf32>
    %add3A_60 = arith.addf %dot_general3A_55, %add3A_59 : vector<1000x128xf32>
    %swap3A_61 = arith.constant 0 : index
    %swap3A_62 = arith.constant 0 : index
    %swap3A_63 = vector.load %arg10[%swap3A_61, %swap3A_62] : memref<1000x128xf32, #tpu.memory_space<vmem>>, vector<1000x128xf32>
    tpu.vector_store %arg10[%swap3A_61, %swap3A_62], %add3A_60 {strides = array<i32>} : memref<1000x128xf32, #tpu.memory_space<vmem>>, vector<1000x128xf32>,
    return
  }
  func.func @transform_0(%arg0: i32) -> (i32, i32, i32) {
    %c0_i32 = arith.constant 0 : i32
    %c0_i32_0 = arith.constant 0 : i32
    %c0_i32_1 = arith.constant 0 : i32
    return %c0_i32, %arg0, %c0_i32_0 : i32, i32, i32
  }
  func.func @transform_1(%arg0: i32) -> (i32, i32, i32) {
    %c0_i32 = arith.constant 0 : i32
    %c0_i32_0 = arith.constant 0 : i32
    %c0_i32_1 = arith.constant 0 : i32
    return %c0_i32, %arg0, %c0_i32_0 : i32, i32, i32
  }
  func.func @transform_2(%arg0: i32) -> (i32, i32) {
    %c0_i32 = arith.constant 0 : i32
    %c0_i32_0 = arith.constant 0 : i32
    %c0_i32_1 = arith.constant 0 : i32
    return %c0_i32, %c0_i32_0 : i32, i32
  }
  func.func @transform_3(%arg0: i32) -> (i32, i32) {
    %c0_i32 = arith.constant 0 : i32
    %c0_i32_0 = arith.constant 0 : i32
    %c0_i32_1 = arith.constant 0 : i32
    return %c0_i32, %c0_i32_0 : i32, i32
  }
  func.func @transform_4(%arg0: i32) -> (i32, i32) {
    %c0_i32 = arith.constant 0 : i32
    %c0_i32_0 = arith.constant 0 : i32
    %c0_i32_1 = arith.constant 0 : i32
    return %c0_i32, %c0_i32_0 : i32, i32
  }
  func.func @transform_5(%arg0: i32) -> (i32, i32) {
    %c0_i32 = arith.constant 0 : i32
    %c0_i32_0 = arith.constant 0 : i32
    %c0_i32_1 = arith.constant 0 : i32
    return %c0_i32, %c0_i32_0 : i32, i32
  }
  func.func @transform_6(%arg0: i32) -> (i32, i32) {
    %c0_i32 = arith.constant 0 : i32
    %c0_i32_0 = arith.constant 0 : i32
    %c0_i32_1 = arith.constant 0 : i32
    return %c0_i32, %c0_i32_0 : i32, i32
  }
  func.func @transform_7(%arg0: i32) -> (i32, i32) {
    %c0_i32 = arith.constant 0 : i32
    %c0_i32_0 = arith.constant 0 : i32
    %c0_i32_1 = arith.constant 0 : i32
    return %c0_i32, %c0_i32_0 : i32, i32
  }
  func.func @transform_8(%arg0: i32) -> (i32, i32) {
    %c0_i32 = arith.constant 0 : i32
    %c0_i32_0 = arith.constant 0 : i32
    return %arg0, %c0_i32 : i32, i32
  }
  func.func @transform_9(%arg0: i32) -> (i32, i32) {
    %c0_i32 = arith.constant 0 : i32
    %c0_i32_0 = arith.constant 0 : i32
    return %arg0, %c0_i32 : i32, i32
  }
}

module attributes {stable_mosaic.version = 14 : i64} {
  func.func @_final_body(%arg0: i32, %arg1: memref<2x1000x128xf32, #tpu.memory_space<vmem>>, %arg2: memref<2x1000x16xf32, #tpu.memory_space<vmem>>, %arg3: memref<16x128xf32, #tpu.memory_space<vmem>>, %arg4: memref<1x128xf32, #tpu.memory_space<vmem>>, %arg5: memref<128x128xf32, #tpu.memory_space<vmem>>, %arg6: memref<1000x128xf32, #tpu.memory_space<vmem>>) attributes {dimension_semantics = [#tpu.dimension_semantics<arbitrary>], iteration_bounds = array<i64: 10>, scalar_prefetch = 0 : i64, scratch_operands = 0 : i64, tpu.core_type = #tpu.core_type<tc>, window_params = [{transform_indices = @transform_0, window_bounds = array<i64: 2, 1000, 128>}, {transform_indices = @transform_1, window_bounds = array<i64: 2, 1000, 16>}, {pipeline_mode = #tpu.pipeline_mode<synchronous>, transform_indices = @transform_2, window_bounds = array<i64: 16, 128>}, {pipeline_mode = #tpu.pipeline_mode<synchronous>, transform_indices = @transform_3, window_bounds = array<i64: 1, 128>}, {pipeline_mode = #tpu.pipeline_mode<synchronous>, transform_indices = @transform_4, window_bounds = array<i64: 128, 128>}, {transform_indices = @transform_5, window_bounds = array<i64: 1000, 128>}]} {
    %get3A = arith.constant 0 : index
    %get3A_0 = arith.constant 0 : index
    %get3A_1 = arith.constant 0 : index
    %get3A_2 = vector.load %arg1[%get3A, %get3A_0, %get3A_1] : memref<2x1000x128xf32, #tpu.memory_space<vmem>>, vector<1x1000x128xf32>
    %get3A_3 = vector.shape_cast %get3A_2 : vector<1x1000x128xf32> to vector<1000x128xf32>
    %get3A_4 = arith.constant 1 : index
    %get3A_5 = arith.constant 0 : index
    %get3A_6 = arith.constant 0 : index
    %get3A_7 = vector.load %arg1[%get3A_4, %get3A_5, %get3A_6] : memref<2x1000x128xf32, #tpu.memory_space<vmem>>, vector<1x1000x128xf32>
    %get3A_8 = vector.shape_cast %get3A_7 : vector<1x1000x128xf32> to vector<1000x128xf32>
    %add3A = arith.addf %get3A_3, %get3A_8 : vector<1000x128xf32>
    %get3A_9 = arith.constant 0 : index
    %get3A_10 = arith.constant 0 : index
    %get3A_11 = arith.constant 0 : index
    %get3A_12 = vector.load %arg2[%get3A_9, %get3A_10, %get3A_11] : memref<2x1000x16xf32, #tpu.memory_space<vmem>>, vector<1x1000x16xf32>
    %get3A_13 = vector.shape_cast %get3A_12 : vector<1x1000x16xf32> to vector<1000x16xf32>
    %get3A_14 = arith.constant 1 : index
    %get3A_15 = arith.constant 0 : index
    %get3A_16 = arith.constant 0 : index
    %get3A_17 = vector.load %arg2[%get3A_14, %get3A_15, %get3A_16] : memref<2x1000x16xf32, #tpu.memory_space<vmem>>, vector<1x1000x16xf32>
    %get3A_18 = vector.shape_cast %get3A_17 : vector<1x1000x16xf32> to vector<1000x16xf32>
    %add3A_19 = arith.addf %get3A_13, %get3A_18 : vector<1000x16xf32>
    %get3A_20 = arith.constant 0 : index
    %get3A_21 = arith.constant 0 : index
    %get3A_22 = vector.load %arg3[%get3A_20, %get3A_21] : memref<16x128xf32, #tpu.memory_space<vmem>>, vector<16x128xf32>
    %dot_general3A = arith.constant dense<0.000000e+00> : vector<1000x128xf32>
    %dot_general3A_23 = tpu.matmul %add3A_19, %get3A_22, %dot_general3A {dimension_numbers = #tpu.dot_dimension_numbers<[1], [0], [0], [1], [0, 0, 1, 1], [], []>, transpose_lhs_hint = false} : vector<1000x16xf32>, vector<16x128xf32>, vector<1000x128xf32> -> vector<1000x128xf32>
    %add3A_24 = arith.constant 1.000000e-16 : f32
    %add3A_25 = vector.broadcast %add3A_24 : f32 to vector<1000x128xf32>
    %add3A_26 = arith.addf %dot_general3A_23, %add3A_25 : vector<1000x128xf32>
    %div3A = arith.divf %add3A, %add3A_26 : vector<1000x128xf32>
    %get3A_27 = arith.constant 0 : index
    %get3A_28 = arith.constant 0 : index
    %get3A_29 = vector.load %arg4[%get3A_27, %get3A_28] : memref<1x128xf32, #tpu.memory_space<vmem>>, vector<1x128xf32>
    %add3A_30 = vector.broadcast %get3A_29 : vector<1x128xf32> to vector<1000x128xf32>
    %add3A_31 = arith.addf %div3A, %add3A_30 : vector<1000x128xf32>
    %reduce_max3A = arith.constant dense<0xFF800000> : vector<1000xf32>
    %reduce_max3A_32 = vector.multi_reduction <maximumf>, %add3A_31, %reduce_max3A [1] : vector<1000x128xf32> to vector<1000xf32>
    %broadcast_in_dim3A = vector.shape_cast %reduce_max3A_32 : vector<1000xf32> to vector<1000x1xf32>
    %sub3A = vector.broadcast %broadcast_in_dim3A : vector<1000x1xf32> to vector<1000x128xf32>
    %sub3A_33 = arith.subf %add3A_31, %sub3A : vector<1000x128xf32>
    %exp3A = math.exp %sub3A_33 : vector<1000x128xf32>
    %reduce_sum3A = arith.constant dense<0.000000e+00> : vector<1000xf32>
    %reduce_sum3A_34 = vector.multi_reduction <add>, %exp3A, %reduce_sum3A [1] : vector<1000x128xf32> to vector<1000xf32>
    %broadcast_in_dim3A_35 = vector.shape_cast %reduce_sum3A_34 : vector<1000xf32> to vector<1000x1xf32>
    %log3A = math.log %broadcast_in_dim3A_35 : vector<1000x1xf32>
    %sub3A_36 = vector.broadcast %log3A : vector<1000x1xf32> to vector<1000x128xf32>
    %sub3A_37 = arith.subf %sub3A_33, %sub3A_36 : vector<1000x128xf32>
    %get3A_38 = arith.constant 0 : index
    %get3A_39 = arith.constant 0 : index
    %get3A_40 = vector.load %arg5[%get3A_38, %get3A_39] : memref<128x128xf32, #tpu.memory_space<vmem>>, vector<128x128xf32>
    %dot_general3A_41 = arith.constant dense<0.000000e+00> : vector<1000x128xf32>
    %dot_general3A_42 = tpu.matmul %sub3A_37, %get3A_40, %dot_general3A_41 {dimension_numbers = #tpu.dot_dimension_numbers<[1], [0], [0], [1], [0, 0, 1, 1], [], []>, transpose_lhs_hint = false} : vector<1000x128xf32>, vector<128x128xf32>, vector<1000x128xf32> -> vector<1000x128xf32>
    %swap3A = arith.constant 0 : index
    %swap3A_43 = arith.constant 0 : index
    %swap3A_44 = vector.load %arg6[%swap3A, %swap3A_43] : memref<1000x128xf32, #tpu.memory_space<vmem>>, vector<1000x128xf32>
    tpu.vector_store %arg6[%swap3A, %swap3A_43], %dot_general3A_42 {strides = array<i32>} : memref<1000x128xf32, #tpu.memory_space<vmem>>, vector<1000x128xf32>,
    return
  }
  func.func @transform_0(%arg0: i32) -> (i32, i32, i32) {
    %c0_i32 = arith.constant 0 : i32
    %c0_i32_0 = arith.constant 0 : i32
    %c0_i32_1 = arith.constant 0 : i32
    return %c0_i32, %arg0, %c0_i32_0 : i32, i32, i32
  }
  func.func @transform_1(%arg0: i32) -> (i32, i32, i32) {
    %c0_i32 = arith.constant 0 : i32
    %c0_i32_0 = arith.constant 0 : i32
    %c0_i32_1 = arith.constant 0 : i32
    return %c0_i32, %arg0, %c0_i32_0 : i32, i32, i32
  }
  func.func @transform_2(%arg0: i32) -> (i32, i32) {
    %c0_i32 = arith.constant 0 : i32
    %c0_i32_0 = arith.constant 0 : i32
    %c0_i32_1 = arith.constant 0 : i32
    return %c0_i32, %c0_i32_0 : i32, i32
  }
  func.func @transform_3(%arg0: i32) -> (i32, i32) {
    %c0_i32 = arith.constant 0 : i32
    %c0_i32_0 = arith.constant 0 : i32
    %c0_i32_1 = arith.constant 0 : i32
    return %c0_i32, %c0_i32_0 : i32, i32
  }
  func.func @transform_4(%arg0: i32) -> (i32, i32) {
    %c0_i32 = arith.constant 0 : i32
    %c0_i32_0 = arith.constant 0 : i32
    %c0_i32_1 = arith.constant 0 : i32
    return %c0_i32, %c0_i32_0 : i32, i32
  }
  func.func @transform_5(%arg0: i32) -> (i32, i32) {
    %c0_i32 = arith.constant 0 : i32
    %c0_i32_0 = arith.constant 0 : i32
    return %arg0, %c0_i32 : i32, i32
  }
}

</mosaic_0001>

<sc_bundles>
// kernel: kernel.10.cloned.1.call-start
scs
__scs_entry_jumppad:
0x0: {  	(pc) =	sbr.rel $0x88, $3  }
0x1: {  	(tag) =	ssettag $0x0;
	lr =	simm.s32 $0x1  }
0x2: {  	[smem:$0x3F93] =	sst lr;
	_ =	strace $0xD0000000  }
0x3: {  	_ = 	snop  }
0x4: {  	_ = 	snop  }
0x5: {  	_ = 	snop  }
0x6: {  	_ = 	snop  }
0x7: {  	_ = 	snop  }
__scs_overlays_trampoline_lowered:
0x8: {  	[smem:$0x3FA2] =	sst s0  }
0x9: {  	[smem:$0x3FA3] =	sst s1  }
0xa: {  	[smem:$0x3FA4] =	sst s2  }
0xb: {  	[smem:$0x3FA5] =	sst s3  }
0xc: {  	[smem:$0x3FA6] =	sst s4  }
0xd: {  	[smem:$0x3FA7] =	sst s5  }
0xe: {  	[smem:$0x3FA8] =	sst s6  }
0xf: {  	[smem:$0x3FA9] =	sst s7  }
0x10: {  	[smem:$0x3FAA] =	sst s8  }
0x11: {  	[smem:$0x3FAB] =	sst s9;
	s0 =	simm.s32 @!p0 $0x0  }
0x12: {  	s1 =	sld [smem:$0x3F91];
	s0 =	simm.s32 @p0 $0x1  }
0x13: {  	[smem:$0x3FAC] =	sst s0;
	s0 =	simm.s32 @!p1 $0x0  }
0x14: {  	s2 =	sld [smem:$0x3F90];
	s0 =	simm.s32 @p1 $0x1  }
0x15: {  	[smem:$0x3FAD] =	sst s0;
	s0 =	simm.s32 @!p2 $0x0  }
0x16: {  	s3 =	sld [smem:$0x3FDB];
	s0 =	simm.s32 @p2 $0x1  }
0x17: {  	s4 =	simm.s32 $0x1BF5;
	[smem:$0x3FAF] =	sst s0  }
0x18: {  	s0 =	sld [smem:$0x3F92];
	_ =	swait.ge [sflag:s4], $0x0  }
0x19: {  	s7 =	sld [smem:$0x3F93]  }
0x1a: {  	s8 =	sadd.s32 $0xFFFFE003, lr  }
0x1b: {  	s9 =	sadd.s32 $0xFFFFFEF7, lr;
	s5 =	simm.s32 $0xFFFFFFFF;
	p2 =	slt.u32 s8, $0xFFFFF086  }
0x1c: {  	p1 =	slt.u32 s9, $0xF7A;
	s5 =	simm.s32 @!p2 $0x0  }
0x1d: {  	s5 =	simm.s32 @p1 $0x1;
	p0 =	seq.s32 s7, s2  }
0x1e: {  	s7 =	smul.u32 @!p0 $0xF7A, s2;
	p2 =	seq.s32 @!p0 s5, $0x0  }
0x1f: {  	s9 =	smul.u32 $0xF7A, s1;
	s8 =	simm.s32 @!p0 $0x1BF5;
	p2 =	por !p2, p0  }
0x20: {  	[sflag:s8] =	ssyncset.s32 @!p0 $0xFFFFF086;
	s6 =	sadd.s32 @!p0 s3, s7;
	s7 =	simm.s32 @!p0 $0x108  }
0x21: {  	s3 =	sadd.s32 s3, s9;
	s6 =	sadd.s32 @!p0 $0x88, s6;
	s7 =	simm.s32 @p2 $0x1082  }
0x22: {  	[simem:s7], [sflag:s8] =	dma.local @!p0 [hbm:s6], $0xF7A  }
0x23: {  	s9 =	sor.u32 $0xD0000000, s2;
	s6 =	simm.s32 $0x108;
	_ =	swait.ge @!p0 [sflag:s8], $0x0  }
0x24: {  	s3 =	sadd.s32 $0x88, s3;
	s6 =	simm.s32 @!p1 $0x1082;
	[sflag:s4] =	ssyncset.s32 $0xFFFFF086  }
0x25: {  	[simem:s6], [sflag:s4] =	dma.local [hbm:s3], $0xF7A  }
0x26: {  	[smem:$0x3F93] =	sst s1;
	(tag) =	ssettag s2;
	_ =	strace s9  }
0x27: {  	s1 =	sld [smem:$0x3FA3]  }
0x28: {  	s2 =	sld [smem:$0x3FA4]  }
0x29: {  	s4 =	sld [smem:$0x3FA6]  }
0x2a: {  	p0 =	seq.s32 s5, $0x0;
	s5 =	sld [smem:$0x3FA7]  }
0x2b: {  	s6 =	sld [smem:$0x3FA8]  }
0x2c: {  	s7 =	sld [smem:$0x3FA9]  }
0x2d: {  	s3 =	simm.s32 $0x108;
	s8 =	sld [smem:$0x3FAA]  }
0x2e: {  	s3 =	simm.s32 @!p0 $0x1082;
	s9 =	sld [smem:$0x3FAB]  }
0x2f: {  	lr =	sadd.s32 s0, s3;
	s0 =	sld [smem:$0x3FA2]  }
0x30: {  	s3 =	sld [smem:$0x3FA5]  }
0x31: {  	[smem:$0x3FAE] =	sst s10  }
0x32: {  	s10 =	sld [smem:$0x3FAC];
	_ =	sdelay $0x3  }
0x33: {  	p0 =	seq.s32 s10, $0x1;
	s10 =	sld [smem:$0x3FAE];
	_ =	sdelay $0x3  }
0x34: {  	[smem:$0x3FAE] =	sst s10  }
0x35: {  	s10 =	sld [smem:$0x3FAD];
	_ =	sdelay $0x3  }
0x36: {  	p1 =	seq.s32 s10, $0x1;
	s10 =	sld [smem:$0x3FAE];
	_ =	sdelay $0x3  }
0x37: {  	[smem:$0x3FAE] =	sst s10  }
0x38: {  	s10 =	sld [smem:$0x3FAF]  }
0x39: {  	_ = 	snop;
	(pc) =	sbr.ind lr, $3  }
0x3a: {  	_ = 	snop  }
0x3b: {  	_ = 	snop  }
0x3c: {  	p2 =	seq.s32 s10, $0x1;
	s10 =	sld [smem:$0x3FAE]  }
0x3d: {  	_ =	shalt  }
0x3e: {  	_ =	shalt  }
0x3f: {  	_ =	shalt  }
0x40: {  	_ =	shalt  }
0x41: {  	_ =	shalt  }
0x42: {  	_ =	shalt  }
0x43: {  	_ =	shalt  }
0x44: {  	_ =	shalt  }
0x45: {  	_ =	shalt  }
0x46: {  	_ =	shalt  }
0x47: {  	_ =	shalt  }
0x48: {  	_ =	shalt  }
0x49: {  	_ =	shalt  }
0x4a: {  	_ =	shalt  }
0x4b: {  	_ =	shalt  }
0x4c: {  	_ =	shalt  }
0x4d: {  	_ =	shalt  }
0x4e: {  	_ =	shalt  }
0x4f: {  	_ =	shalt  }
0x50: {  	_ =	shalt  }
0x51: {  	_ =	shalt  }
0x52: {  	_ =	shalt  }
0x53: {  	_ =	shalt  }
0x54: {  	_ =	shalt  }
0x55: {  	_ =	shalt  }
0x56: {  	_ =	shalt  }
0x57: {  	_ =	shalt  }
0x58: {  	_ =	shalt  }
0x59: {  	_ =	shalt  }
0x5a: {  	_ =	shalt  }
0x5b: {  	_ =	shalt  }
0x5c: {  	_ =	shalt  }
0x5d: {  	_ =	shalt  }
0x5e: {  	_ =	shalt  }
0x5f: {  	_ =	shalt  }
0x60: {  	_ =	shalt  }
0x61: {  	_ =	shalt  }
0x62: {  	_ =	shalt  }
0x63: {  	_ =	shalt  }
0x64: {  	_ =	shalt  }
0x65: {  	_ =	shalt  }
0x66: {  	_ =	shalt  }
0x67: {  	_ =	shalt  }
0x68: {  	_ =	shalt  }
0x69: {  	_ =	shalt  }
0x6a: {  	_ =	shalt  }
0x6b: {  	_ =	shalt  }
0x6c: {  	_ =	shalt  }
0x6d: {  	_ =	shalt  }
0x6e: {  	_ =	shalt  }
0x6f: {  	_ =	shalt  }
0x70: {  	_ =	shalt  }
0x71: {  	_ =	shalt  }
0x72: {  	_ =	shalt  }
0x73: {  	_ =	shalt  }
0x74: {  	_ =	shalt  }
0x75: {  	_ =	shalt  }
0x76: {  	_ =	shalt  }
0x77: {  	_ =	shalt  }
0x78: {  	_ =	shalt  }
0x79: {  	_ =	shalt  }
0x7a: {  	_ =	shalt  }
0x7b: {  	_ =	shalt  }
0x7c: {  	_ =	shalt  }
0x7d: {  	_ =	shalt  }
0x7e: {  	_ =	shalt  }
0x7f: {  	_ =	shalt  }
0x80: {  	_ =	shalt  }
0x81: {  	_ =	shalt  }
0x82: {  	_ =	shalt  }
0x83: {  	_ =	shalt  }
0x84: {  	_ =	shalt  }
0x85: {  	_ =	shalt  }
0x86: {  	_ =	shalt  }
0x87: {  	_ =	shalt  }
.Lfunc_end0:
.L_simem_size_0:
called_computation.1_lowered:
.L_overlay_start_0:
0x88: {  	s2 =	sld [smem:$0x3FD9]  }
0x89: {  	s3 =	sld [smem:$0x3FFE];
	_ =	sdelay $0x1  }
0x8a: {  	s1 =	srdreg.scid  }
0x8b: {  	s0 =	sand.u32 $0x1, s1  }
0x8c: {  	s17 =	sshll.u32 s0, $0xA;
	s2 =	sadd.s32 s3, s2  }
0x8d: {  	s2 =	sadd.s32 s2, s17  }
0x8e: {  	[smem:$0x3FBA] =	sst s2  }
0x8f: {  	_ = 	snop  }
0x90: {  	s2 =	sld [smem:$0x3FD0];
	(tm) =	ssettm $0x1  }
0x91: {  	s18 =	sld [smem:$0x3FFB];
	_ =	sdelay $0x3  }
0x92: {  	_ =	strace s18  }
0x93: {  	s3 =	sld [smem:$0x3FFC];
	_ =	sdelay $0x3  }
0x94: {  	_ =	strace s3  }
0x95: {  	s3 =	sld [smem:$0x3FFD];
	_ =	sdelay $0x3  }
0x96: {  	_ =	strace s3  }
0x97: {  	_ =	strace $0x8FFFFFFF  }
0x98: {  	s19 =	sld [smem:$0x3FDB];
	_ =	sdelay $0x1  }
0x99: {  	s4 =	simm.s32 $_scs_section_size  }
0x9a: {  	s5 =	simm.s32 $_size__tile_overlayer_lowered;
	s6 =	simm.s32 $_tile_overlayer_lowered  }
0x9b: {  	s22 =	simm.s32 $0x1BFF;
	s21 =	sshll.u32 s6, $0x1;
	s3 =	sadd.s32 s4, s19  }
0x9c: {  	s7 =	simm.s32 $0x0;
	s20 =	sshll.u32 s5, $0x1;
	s5 =	sadd.s32 s21, s3  }
0x9d: {  	[timem:s7], [sflag:s22] =	dma.local [hbm:s5], s20  }
0x9e: {  	_ =	swait.ge [sflag:s22], s20  }
0x9f: {  	s4 =	ssub.s32 $0x0, s20;
	[sflag:s22] =	ssyncset.done $0x0  }
0xa0: {  	[sflag:s22] =	ssyncadd.s32 s4;
	_ =	sdelay $0x1  }
0xa1: {  	s23 =	simm.s32 $0x1B8B  }
0xa2: {  	_ =	swait.ge [sflag:s23], $0x1  }
0xa3: {  	[sflag:s23] =	ssyncset.done $0x0  }
0xa4: {  	s25 =	simm.s32 $0x1B8E;
	s24 =	sld [smem:$0x3FFE];
	[sflag:s23] =	ssyncadd.s32 $0xFFFFFFFF  }
0xa5: {  	s26 =	simm.s32 $execute0_lowered;
	[smem:$0x3FD2] =	sst s25  }
0xa6: {  	s5 =	sshll.u32 s26, $0x1;
	_ =	strace $0x80000049;
	[dreg:$0x1] =	wrdreg $0xFFFFFFFF  }
0xa7: {  	s28 =	simm.s32 $_size_execute0_lowered;
	s3 =	sadd.s32 s3, s5;
	[dreg:$0x0] =	wrdreg $0x0  }
0xa8: {  	s5 =	sshll.u32 s28, $0x1;
	[dreg:$0x2] =	wrdreg s3  }
0xa9: {  	[dreg:$0x3] =	wrdreg s5  }
0xaa: {  	[dreg:$0x4] =	wrdreg $0xC0  }
0xab: {  	_ =	task [dreg:s7], $0x5FFFF  }
0xac: {  	[dreg:$0x1] =	wrdreg $0xFFFFFFFF  }
0xad: {  	[dreg:$0x0] =	wrdreg $0x60  }
0xae: {  	[dreg:$0x2] =	wrdreg s2  }
0xaf: {  	[dreg:$0x3] =	wrdreg s24  }
0xb0: {  	[dreg:$0x4] =	wrdreg $0x0  }
0xb1: {  	[dreg:$0x5] =	wrdreg $0x9  }
0xb2: {  	_ =	task.clear_ibuf [dreg:s7], $0x6FFFF;
	_ =	strace $0x90000049  }
0xb3: {  	s29 =	simm.s32 $0x9;
	_ =	strace $0x8000004B  }
0xb4: {  	_ =	swait.ge [sflag:s29], $0x1  }
0xb5: {  	[sflag:s29] =	ssyncadd.s32 $0xFFFFFFFF  }
0xb6: {  	_ =	strace $0x9000004B  }
0xb7: {  	_ =	sfence  }
0xb8: {  	s30 =	sld [smem:$0x0];
	_ =	sdelay $0x2  }
0xb9: {  	s31 =	sshll.u32 s1, $0xD;
	s1 =	sshrl.u32 s1, $0x2  }
0xba: {  	s3 =	sand.u32 $0x4000, s31;
	s1 =	sadd.s32 s1, s30  }
0xbb: {  	s0 =	sor.u32 s3, s0;
	s1 =	sshll.u32 s1, $0x11  }
0xbc: {  	s0 =	sor.u32 s1, s0  }
0xbd: {  	s0 =	sadd.s32 $0x8F2B, s0  }
0xbe: {  	[sflag:s0] =	ssyncadd.remote.s32 $0x1  }
0xbf: {  	_ =	sfence.sel $0xFFFF  }
0xc0: {  	[dreg:$0x0] =	wrdreg $0xFFFFFFFF;
	(pc) =	sbr.abs _section_cstart, $3  }
0xc1: {  	[dreg:$0x1] =	wrdreg $0xFFFFFFFF  }
0xc2: {  	_ =	task.clear_ibuf [dreg:s7], $0x2FFFF;
	_ =	strace $0x9FFFFFFF  }
0xc3: {  	(tm) =	ssettm $0x7FFFFFFF  }
tec
execute0_lowered:
.L_overlay_start_1:
0x0: {  	(tag) =	ssettag $0x1  }
0x1: {  	s1 =	rddreg [dreg:$0x0]  }
0x2: {  	s0 =	rddreg [dreg:$0x1]  }
0x3: {  	s2 =	rddreg [dreg:$0x2]  }
0x4: {  	s3 =	simm.s32 $0x0;
	s4 =	srdreg.scid;
	s17 =	simm.s32 $0x7  }
0x5: {  	s20 =	simm.s32 $0x28;
	s30 =	simm.s32 $0x17880;
	s28 =	simm.s32 $0x1  }
0x6: {  	s29 =	simm.s32 $0x3;
	s31 =	simm.s32 $0x1DC80;
	s16 =	simm.s32 $0x1B480  }
0x7: {  	s21 =	simm.s32 $0x2;
	s18 =	simm.s32 $0x16300;
	s19 =	simm.s32 $0x16400  }
0x8: {  	[smem:$0x7FF] =	sst s3;
	s6 =	sand.u32 $0x1, s4;
	s4 =	stileid.u32  }
0x9: {  	s5 =	sadd.s32 $0x16200, s0;
	s22 =	sadd.s32 $0x95600, s0;
	s9 =	smul.u32 $0x2C100, s6  }
0xa: {  	_ =	strace $0x8000004A;
	s7 =	sshll.u32 s6, $0x4;
	s13 =	smul.u32 $0x5000, s4  }
0xb: {  	[dreg:$0x4] =	wrdreg s22;
	s6 =	ssub.s32 $0x2, s6;
	s25 =	smul.u32 $0x280, s4  }
0xc: {  	s22 =	simm.s32 $0x4;
	s8 =	sor.u32 s4, s7;
	s7 =	sadd.s32 $0xC400, s0  }
0xd: {  	s23 =	sshrl.u32 s6, $0x1;
	s10 =	smul.u32 $0x2710, s8;
	s8 =	sadd.s32 $0x2600, s0  }
0xe: {  	s0 =	sadd.s32 s9, s0;
	s6 =	ssub.s32 s6, s23;
	s26 =	sshrl.u32 s13, $0x2  }
0xf: {  	s23 =	simm.s32 $0x16100;
	s6 =	smax.u32 s6, $0x1;
	s0 =	sadd.s32 s25, s0  }
0x10: {  	s11 =	sshrl.u32 s10, $0x3;
	[dreg:$0x7] =	wrdreg s6;
	s0 =	sadd.s32 $0x3D400, s0  }
0x11: {  	s26 =	sadd.s32 s26, s2;
	s24 =	sadd.s32 s7, s11;
	[dreg:$0x8] =	wrdreg s0  }
0x12: {  	s12 =	sadd.s32 $0x50, s10;
	s11 =	sadd.s32 s8, s11;
	[dreg:$0x5] =	wrdreg s24  }
0x13: {  	s6 =	simm.s32 $0x1C880;
	s0 =	simm.s32 $0x16380;
	[dreg:$0x6] =	wrdreg s11  }
0x14: {  	v0 =	vimm.f32 $0.0e+00;
	s11 =	sadd.s32 $0x28, s10;
	s24 =	simm.s32 $0x16200;
	s10 =	simm.s32 $0x0  }
.LBB2_1:
0x15: {  	[dreg:$0x9] =	wrdreg s10  }
0x16: {  	s9 =	rddreg [dreg:$0x4];
	s25 =	simm.s32 $0x1F080  }
0x17: {  	[tilespmem:s25], [sflag:$0x7] =	stream.linear.gather [hbm4b:s9+s3], $0x80, $0x38;
	[tilespmem:$0x1F100] =	vst v63  }
0x18: {  	_ =	swait.ge [sflag:s17], $0x80  }
0x19: {  	[sflag:s17] =	ssyncset.done $0x0  }
0x1a: {  	[sflag:s17] =	ssyncadd.s32 $0xFFFFFF80  }
0x1b: {  	v1 =	vld [tilespmem:$0x1F080]  }
0x1c: {  	v2 =	vld [tilespmem:$0x1F090]  }
0x1d: {  	v3 =	vld [tilespmem:$0x1F0A0]  }
0x1e: {  	v4 =	vld [tilespmem:$0x1F0B0]  }
0x1f: {  	v5 =	vld [tilespmem:$0x1F0C0]  }
0x20: {  	v6 =	vld [tilespmem:$0x1F0D0]  }
0x21: {  	v7 =	vld [tilespmem:$0x1F0E0]  }
0x22: {  	s10 =	simm.s32 $0x200;
	s9 =	simm.s32 $0x0;
	v8 =	vld [tilespmem:$0x1F0F0]  }
.LBB2_2:
0x23: {  	p0 =	sne.s32 s10, $0x4E00;
	[tilespmem:s9+$0x164F0] =	vst v0  }
0x24: {  	[tilespmem:s9+$0x16480] =	vst v0  }
0x25: {  	[tilespmem:s9+$0x16490] =	vst v0  }
.Ltmp0:
0x26: {  	[tilespmem:s9+$0x164A0] =	vst v0;
	(pc) =	sbr.rel @p0 .LBB2_2-.Ltmp0, $4  }
0x27: {  	[tilespmem:s9+$0x164B0] =	vst v0  }
0x28: {  	[tilespmem:s9+$0x164C0] =	vst v0  }
0x29: {  	[tilespmem:s9+$0x164D0] =	vst v0  }
0x2a: {  	[tilespmem:s9+$0x164E0] =	vst v0;
	s9 =	sshra.s32 s10, $0x2;
	s10 =	sadd.s32 $0x200, s10  }
0x2b: {  	[tilespmem:s9+$0x164F0] =	vst v0  }
0x2c: {  	[tilespmem:s9+$0x16480] =	vst v0  }
0x2d: {  	[tilespmem:s9+$0x16490] =	vst v0  }
0x2e: {  	[tilespmem:s9+$0x164A0] =	vst v0  }
0x2f: {  	[tilespmem:s9+$0x164B0] =	vst v0  }
0x30: {  	[tilespmem:s9+$0x164C0] =	vst v0;
	s10 =	sadd.s32 $0x0, s4  }
0x31: {  	[tilespmem:s9+$0x164D0] =	vst v0;
	p0 =	sgt.u32 s10, $0x119  }
0x32: {  	[tilespmem:s9+$0x164E0] =	vst v0;
	s9 =	simm.s32 @!p0 $0x16480;
	s15 =	simm.s32 @!p0 $0x7  }
0x33: {  	[spmem:s26] =	stream.linear.scatter @!p0 [tilespmem:s9], [sflag:$0x7], $0x1400, $0x38;
	[tilespmem:$0x1F100] =	vst v63  }
0x34: {  	s14 =	simm.s32 $0x20;
	_ =	swait.ge @!p0 [sflag:s15], $0x1400  }
0x35: {  	s10 =	simm.s32 $0x10;
	s9 =	sadd.s32 $0x14000, s26;
	[sflag:s15] =	ssyncset.done @!p0 $0x0  }
.LBB2_4:
0x36: {  	s13 =	sadd.s32 s10, s4;
	s10 =	smov.u32 s14;
	s14 =	sadd.s32 $0x10, s14  }
0x37: {  	[sflag:s15] =	ssyncadd.s32 @!p0 $0xFFFFEC00;
	p1 =	sne.s32 s14, $0x120  }
.Ltmp1:
0x38: {  	p0 =	sgt.u32 s13, $0x119;
	(pc) =	sbr.rel @p1 .LBB2_4-.Ltmp1, $4  }
0x39: {  	s13 =	simm.s32 @!p0 $0x16480;
	s15 =	simm.s32 @!p0 $0x7  }
0x3a: {  	[spmem:s9] =	stream.linear.scatter @!p0 [tilespmem:s13], [sflag:$0x7], $0x1400, $0x38;
	[tilespmem:$0x1F100] =	vst v63  }
0x3b: {  	_ =	swait.ge @!p0 [sflag:s15], $0x1400  }
0x3c: {  	s9 =	sadd.s32 $0x14000, s9;
	[sflag:s15] =	ssyncset.done @!p0 $0x0  }
0x3d: {  	s10 =	sadd.s32 s10, s4  }
0x3e: {  	p1 =	sgt.u32 s10, $0x119  }
0x3f: {  	[sflag:s15] =	ssyncadd.s32 @!p0 $0xFFFFEC00;
	s10 =	simm.s32 @!p1 $0x16480;
	s13 =	simm.s32 @!p1 $0x7  }
0x40: {  	[spmem:s9] =	stream.linear.scatter @!p1 [tilespmem:s10], [sflag:$0x7], $0x1400, $0x38;
	[tilespmem:$0x1F100] =	vst v63  }
0x41: {  	_ =	swait.ge @!p1 [sflag:s13], $0x1400  }
0x42: {  	[sflag:s13] =	ssyncset.done @!p1 $0x0  }
0x43: {  	[sflag:s13] =	ssyncadd.s32 @!p1 $0xFFFFEC00  }
0x44: {  	[bflag:$0x0] =	sbarrier.arrive $0xFFFF  }
0x45: {  	s9 =	simm.s32 $0x0;
	s13 =	simm.s32 $0x16080;
	s15 =	rddreg [dreg:$0x5]  }
0x46: {  	[tilespmem:s13], [sflag:$0x7] =	stream.linear.gather [hbm4b:s15+s9], $0x28, $0x38;
	[tilespmem:$0x1F100] =	vst v63  }
0x47: {  	_ =	swait.ge [sflag:s17], $0x28  }
0x48: {  	[sflag:s17] =	ssyncset.done $0x0  }
0x49: {  	s14 =	simm.s32 $0x16180;
	s25 =	rddreg [dreg:$0x6];
	[sflag:s17] =	ssyncadd.s32 $0xFFFFFFD8  }
0x4a: {  	[tilespmem:s14], [sflag:$0x7] =	stream.linear.gather [hbm4b:s25+s9], $0x28, $0x38;
	[tilespmem:$0x1F100] =	vst v63  }
0x4b: {  	_ =	swait.ge [sflag:s17], $0x28  }
0x4c: {  	[sflag:s17] =	ssyncset.done $0x0  }
0x4d: {  	s15 =	simm.s32 $0x16480;
	[sflag:s17] =	ssyncadd.s32 $0xFFFFFFD8  }
0x4e: {  	[tilespmem:s15], [sflag:$0x1] =	stream.indirect.gather [hbm4b:s1+s20], $0x80, s13, s20, $0xb8;
	[tilespmem:$0x1F100] =	vst v63  }
0x4f: {  	s25 =	simm.s32 $0x18C80  }
0x50: {  	[tilespmem:s25], [sflag:$0x3] =	stream.indirect.gather [hbm4b:s5+s20], $0x80, s14, s20, $0xb8;
	[tilespmem:$0x1F100] =	vst v63  }
0x51: {  	v9 =	vld [tilespmem:$0x16180]  }
0x52: {  	v10 =	vld [tilespmem:$0x16190]  }
0x53: {  	v11 =	vld [tilespmem:$0x16198];
	_ =	sdelay $0x2  }
0x54: {  	v9 =	vshra.s32 v9, $0x3  }
0x55: {  	v10 =	vshra.s32 v10, $0x3;
	v9 =	vadd.s32 $0x2710, v9  }
0x56: {  	[tilespmem:$0x16280] =	vst v9;
	v9 =	vadd.s32 $0x2710, v10;
	v10 =	vshra.s32 v11, $0x3  }
0x57: {  	[tilespmem:$0x16290] =	vst v9;
	v9 =	vadd.s32 $0x2710, v10  }
0x58: {  	[tilespmem:$0x16298] =	vst v9  }
.LBB2_6:
0x59: {  	p0 =	seq.s32 s9, $0x0;
	s10 =	smul.u32 $0x50, s9  }
0x5a: {  	s13 =	simm.s32 @!p0 $0x6  }
0x5b: {  	_ =	swait.ge @!p0 [sflag:s13], $0x1400;
	s14 =	sadd.s32 s10, s11  }
0x5c: {  	[sflag:s13] =	ssyncset.done @!p0 $0x0;
	s14 =	sshrl.u32 s14, $0x3  }
0x5d: {  	[sflag:s13] =	ssyncadd.s32 @!p0 $0xFFFFEC00;
	s25 =	sadd.s32 s7, s14  }
0x5e: {  	[tilespmem:s23], [sflag:$0x7] =	stream.linear.gather [hbm4b:s25+s3], $0x28, $0x38;
	[tilespmem:$0x1F100] =	vst v63  }
0x5f: {  	_ =	swait.ge [sflag:s17], $0x28  }
0x60: {  	[sflag:s17] =	ssyncset.done $0x0  }
0x61: {  	s15 =	sadd.s32 s8, s14;
	[sflag:s17] =	ssyncadd.s32 $0xFFFFFFD8  }
0x62: {  	[tilespmem:s24], [sflag:$0x7] =	stream.linear.gather [hbm4b:s15+s3], $0x28, $0x38;
	[tilespmem:$0x1F100] =	vst v63  }
0x63: {  	_ =	swait.ge [sflag:s17], $0x28  }
0x64: {  	[sflag:s17] =	ssyncset.done $0x0  }
0x65: {  	[sflag:s17] =	ssyncadd.s32 $0xFFFFFFD8  }
0x66: {  	[tilespmem:s30], [sflag:$0x2] =	stream.indirect.gather [hbm4b:s1+s20], $0x80, s23, s20, $0xb8;
	[tilespmem:$0x1F100] =	vst v63  }
0x67: {  	s25 =	simm.s32 $0x1A080  }
0x68: {  	[tilespmem:s25], [sflag:$0x4] =	stream.indirect.gather [hbm4b:s5+s20], $0x80, s24, s20, $0xb8;
	[tilespmem:$0x1F100] =	vst v63  }
0x69: {  	v9 =	vld [tilespmem:$0x16200]  }
0x6a: {  	v10 =	vld [tilespmem:$0x16210]  }
0x6b: {  	v11 =	vld [tilespmem:$0x16218];
	_ =	sdelay $0x2  }
0x6c: {  	v9 =	vshra.s32 v9, $0x3  }
0x6d: {  	v10 =	vshra.s32 v10, $0x3;
	v9 =	vadd.s32 $0x2710, v9  }
0x6e: {  	[tilespmem:$0x16300] =	vst v9;
	v9 =	vadd.s32 $0x2710, v10;
	v10 =	vshra.s32 v11, $0x3  }
0x6f: {  	[tilespmem:$0x16310] =	vst v9;
	v9 =	vadd.s32 $0x2710, v10  }
0x70: {  	s13 =	simm.s32 @!p0 $0x5;
	[tilespmem:$0x16318] =	vst v9  }
0x71: {  	_ =	swait.ge @!p0 [sflag:s13], $0x1400  }
0x72: {  	[sflag:s13] =	ssyncset.done @!p0 $0x0  }
0x73: {  	[sflag:s13] =	ssyncadd.s32 @!p0 $0xFFFFEC00  }
0x74: {  	_ =	swait.ge [sflag:s28], $0x1400  }
0x75: {  	[sflag:s28] =	ssyncset.done $0x0  }
0x76: {  	[sflag:s28] =	ssyncadd.s32 $0xFFFFEC00  }
0x77: {  	_ =	swait.ge [sflag:s29], $0x1400  }
0x78: {  	[sflag:s29] =	ssyncset.done $0x0  }
0x79: {  	s15 =	simm.s32 $0x0;
	[sflag:s29] =	ssyncadd.s32 $0xFFFFEC00  }
.LBB2_7:
0x7a: {  	s14 =	sshll.u32 s15, $0x7  }
0x7b: {  	v21 =	vld [tilespmem:s14+$0x16480]  }
0x7c: {  	v22 =	vld [tilespmem:s14+$0x16490]  }
0x7d: {  	v9 =	vld [tilespmem:s14+$0x18C80]  }
0x7e: {  	v10 =	vld [tilespmem:s14+$0x18C90]  }
0x7f: {  	v25 =	vld [tilespmem:s14+$0x164A0]  }
0x80: {  	v11 =	vld [tilespmem:s14+$0x18CA0]  }
0x81: {  	v26 =	vld [tilespmem:s14+$0x164B0]  }
0x82: {  	v12 =	vld [tilespmem:s14+$0x18CB0]  }
0x83: {  	v28 =	vld [tilespmem:s14+$0x164C0]  }
0x84: {  	v14 =	vld [tilespmem:s14+$0x18CC0]  }
0x85: {  	v29 =	vld [tilespmem:s14+$0x164D0]  }
0x86: {  	v27 =	vld [tilespmem:s14+$0x18CD0]  }
0x87: {  	v30 =	vld [tilespmem:s14+$0x164E0]  }
0x88: {  	v17 =	vld [tilespmem:s14+$0x18CE0]  }
0x89: {  	v33 =	vld [tilespmem:s14+$0x18CF0]  }
0x8a: {  	v24 =	vld [tilespmem:s14+$0x16510];
	v9 =	vadd.f32 v9, v21;
	v10 =	vadd.f32 v10, v22  }
0x8b: {  	v23 =	vld [tilespmem:s14+$0x16520]  }
0x8c: {  	v19 =	vld [tilespmem:s14+$0x16530];
	v16 =	vadd.f32 v11, v25;
	v13 =	vmul.f32 $2.000000030e-01, v9;
	v15 =	vmul.f32 $2.000000030e-01, v10  }
0x8d: {  	v42 =	vld [tilespmem:s14+$0x18D00];
	v12 =	vadd.f32 v12, v26  }
0x8e: {  	v45 =	vld [tilespmem:s14+$0x18D20];
	v31 =	vmul.f32 $2.000000030e-01, v16;
	v9 =	vmax.f32 v9, v13;
	v10 =	vmax.f32 v10, v15  }
0x8f: {  	v18 =	vld [tilespmem:s14+$0x18D30];
	v9 =	vmul.f32 v9, v1;
	v10 =	vmul.f32 v10, v2  }
0x90: {  	v44 =	vld [tilespmem:s14+$0x18D10];
	v14 =	vadd.f32 v14, v28;
	v32 =	vmul.f32 $2.000000030e-01, v12;
	v15 =	vmax.f32 v16, v31  }
0x91: {  	v11 =	vld [tilespmem:s14+$0x164F0];
	v37 =	vadd.f32 v17, v30;
	v9 =	vadd.f32 v10, v9;
	v10 =	vmul.f32 v15, v3  }
0x92: {  	v46 =	vld [tilespmem:s14+$0x18D60];
	v34 =	vmul.f32 $2.000000030e-01, v14;
	v12 =	vmax.f32 v12, v32;
	v13 =	vadd.f32 v27, v29  }
0x93: {  	v50 =	vld [tilespmem:s14+$0x18DA0];
	v17 =	vadd.f32 v45, v23;
	v9 =	vadd.f32 v10, v9;
	v10 =	vmul.f32 v12, v4  }
0x94: {  	v18 =	vadd.f32 v18, v19;
	v35 =	vmax.f32 v14, v34;
	v27 =	vld [tilespmem:s14+$0x16500];
	v36 =	vmul.f32 $2.000000030e-01, v13  }
0x95: {  	v39 =	vmul.f32 $2.000000030e-01, v37;
	v14 =	vld [tilespmem:s14+$0x16550];
	v9 =	vadd.f32 v10, v9;
	v10 =	vmul.f32 v35, v5  }
0x96: {  	v31 =	vld [tilespmem:s14+$0x18D40];
	v40 =	vadd.f32 v33, v11;
	v33 =	vmul.f32 $2.000000030e-01, v17;
	v38 =	vmax.f32 v13, v36  }
0x97: {  	v47 =	vmul.f32 $2.000000030e-01, v18;
	v32 =	vld [tilespmem:s14+$0x18D50];
	v9 =	vadd.f32 v10, v9;
	v10 =	vmul.f32 v38, v6  }
0x98: {  	v41 =	vmax.f32 v37, v39;
	v39 =	vld [tilespmem:s14+$0x18D80];
	v15 =	vmul.f32 $2.000000030e-01, v40;
	v17 =	vmax.f32 v17, v33  }
0x99: {  	v33 =	vmax.f32 v18, v47;
	v18 =	vld [tilespmem:s14+$0x165B0];
	v9 =	vadd.f32 v10, v9;
	v10 =	vmul.f32 v41, v7  }
0x9a: {  	v13 =	vld [tilespmem:s14+$0x16540];
	v48 =	vmul.f32 v17, v3;
	v43 =	vmax.f32 v40, v15  }
0x9b: {  	v17 =	vld [tilespmem:s14+$0x165A0];
	v16 =	vadd.f32 v42, v27;
	v9 =	vadd.f32 v10, v9;
	v10 =	vmul.f32 v43, v8  }
0x9c: {  	v12 =	vld [tilespmem:s14+$0x16560]  }
0x9d: {  	v40 =	vld [tilespmem:s14+$0x18D90];
	v20 =	vmul.f32 $2.000000030e-01, v16;
	v9 =	vadd.f32 v10, v9  }
0x9e: {  	v32 =	vadd.f32 v32, v14;
	v42 =	vld [tilespmem:s14+$0x18DB0]  }
0x9f: {  	v15 =	vadd.f32 v44, v24;
	v35 =	vld [tilespmem:s14+$0x18D70];
	v16 =	vmax.f32 v16, v20;
	v9 =	vmul.f32 $1.442695020e+00, v9  }
0xa0: {  	v37 =	vmul.f32 $2.000000030e-01, v32;
	v20 =	vld [tilespmem:s14+$0x165C0];
	v34 =	vmul.f32 v16, v1  }
0xa1: {  	v16 =	vld [tilespmem:s14+$0x16590];
	(erf) = vpow2.f32 v9;
	v9 =	vmul.f32 $2.000000030e-01, v15  }
0xa2: {  	v33 =	vmul.f32 v33, v4;
	v31 =	vadd.f32 v31, v13;
	v43 =	vld [tilespmem:s14+$0x18DC0]  }
0xa3: {  	v49 =	vmax.f32 v32, v37;
	v32 =	vadd.f32 v50, v17;
	v10 =	vld [tilespmem:s14+$0x16570];
	v9 =	vmax.f32 v15, v9  }
0xa4: {  	v42 =	vadd.f32 v42, v18;
	v36 =	vmul.f32 $2.000000030e-01, v31;
	v15 =	vld [tilespmem:s14+$0x16580];
	v9 =	vmul.f32 v9, v2  }
0xa5: {  	v52 =	vmul.f32 v49, v6;
	v41 =	vadd.f32 v46, v12;
	v62 =	vmul.f32 $2.000000030e-01, v32  }
0xa6: {  	v47 =	vmul.f32 $2.000000030e-01, v42;
	v31 =	vmax.f32 v31, v36;
	v9 =	vadd.f32 v9, v34  }
0xa7: {  	v61 =	vld [tilespmem:s14+$0x18DD0];
	v53 =	vmul.f32 $2.000000030e-01, v41;
	v32 =	vmax.f32 v32, v62;
	v56 =	vadd.f32 v40, v16  }
0xa8: {  	v45 =	vld [tilespmem:s14+$0x18DF0];
	v31 =	vmul.f32 v31, v5;
	v43 =	vadd.f32 v43, v20;
	v35 =	vadd.f32 v35, v10  }
0xa9: {  	v44 =	vld [tilespmem:s14+$0x18DE0];
	v32 =	vmul.f32 v32, v3;
	v59 =	vmul.f32 $2.000000030e-01, v56;
	v54 =	vadd.f32 v39, v15  }
0xaa: {  	v46 =	vld [tilespmem:s14+$0x18E00];
	v60 =	vmul.f32 $2.000000030e-01, v35;
	v34 =	vadd.f32 v48, v9;
	v48 =	vmul.f32 $2.000000030e-01, v43;
	v9 =	vpop (erf)  }
0xab: {  	v55 =	vmax.f32 v41, v53;
	v53 =	vld [tilespmem:s14+$0x18E20];
	v58 =	vmul.f32 $2.000000030e-01, v54;
	v38 =	vmul.f32 v9, v21  }
0xac: {  	v33 =	vadd.f32 v33, v34;
	v36 =	vmul.f32 v9, v22;
	v21 =	vld [tilespmem:s14+$0x165D0];
	v37 =	vmul.f32 v9, v25  }
0xad: {  	v34 =	vmul.f32 v9, v26;
	v22 =	vld [tilespmem:s14+$0x165E0];
	v39 =	vmul.f32 v9, v28;
	v28 =	vmax.f32 v56, v59  }
0xae: {  	v25 =	vld [tilespmem:s14+$0x165F0];
	v51 =	vadd.f32 v31, v33;
	v26 =	vmax.f32 v54, v58;
	v28 =	vmul.f32 v28, v2  }
0xaf: {  	v33 =	vmax.f32 v42, v47;
	v47 =	vmul.f32 v9, v29;
	v29 =	vld [tilespmem:s14+$0x16620];
	v63 =	vmul.f32 v26, v1  }
0xb0: {  	v57 =	vmul.f32 v55, v7;
	v35 =	vmax.f32 v35, v60;
	v26 =	vld [tilespmem:s14+$0x16600];
	v31 =	vadd.f32 v52, v51  }
0xb1: {  	v49 =	vld [tilespmem:s14+$0x18E10];
	v35 =	vmul.f32 v35, v8;
	v50 =	vmax.f32 v43, v48;
	v40 =	vadd.f32 v28, v63  }
0xb2: {  	v43 =	vmul.f32 v9, v30;
	v28 =	vld [tilespmem:s14+$0x16610];
	v31 =	vadd.f32 v57, v31;
	v41 =	vadd.f32 v61, v21  }
0xb3: {  	v30 =	vld [tilespmem:s14+$0x16630];
	v33 =	vmul.f32 v33, v4;
	v54 =	vadd.f32 v44, v22;
	v45 =	vadd.f32 v45, v25  }
0xb4: {  	v52 =	vmul.f32 v50, v5;
	v57 =	vld [tilespmem:s14+$0x18E30];
	v32 =	vadd.f32 v32, v40;
	v50 =	vadd.f32 v53, v29  }
0xb5: {  	v31 =	vadd.f32 v35, v31;
	v51 =	vmul.f32 $2.000000030e-01, v41;
	v56 =	vadd.f32 v46, v26;
	v35 =	vld [tilespmem:s14+$0x16670]  }
0xb6: {  	v58 =	vmul.f32 $2.000000030e-01, v54;
	v62 =	vmul.f32 $2.000000030e-01, v45;
	v32 =	vadd.f32 v33, v32;
	v33 =	vld [tilespmem:s14+$0x16660]  }
0xb7: {  	v63 =	vmul.f32 $2.000000030e-01, v50;
	v31 =	vmul.f32 $1.442695020e+00, v31;
	v40 =	vadd.f32 v49, v28;
	v49 =	vld [tilespmem:s14+$0x18E40]  }
0xb8: {  	v41 =	vmax.f32 v41, v51;
	v59 =	vmul.f32 $2.000000030e-01, v56;
	v42 =	vmax.f32 v54, v58;
	v51 =	vld [tilespmem:s14+$0x18E50]  }
0xb9: {  	v54 =	vmul.f32 v9, v11;
	v32 =	vadd.f32 v52, v32;
	v55 =	vmul.f32 v41, v6;
	v52 =	vld [tilespmem:s14+$0x18E60]  }
0xba: {  	v61 =	vmul.f32 v42, v7;
	v44 =	vadd.f32 v57, v30;
	(erf) = vpow2.f32 v31;
	v31 =	vld [tilespmem:s14+$0x16640]  }
0xbb: {  	v46 =	vmax.f32 v50, v63;
	v42 =	vmax.f32 v45, v62;
	v57 =	vld [tilespmem:s14+$0x18E70];
	v60 =	vmul.f32 $2.000000030e-01, v40  }
0xbc: {  	v41 =	vmax.f32 v56, v59;
	v56 =	vmul.f32 v46, v3;
	v48 =	vadd.f32 v55, v32;
	v32 =	vld [tilespmem:s14+$0x16650]  }
0xbd: {  	v42 =	vmul.f32 v42, v8;
	v55 =	vmul.f32 $2.000000030e-01, v44;
	v40 =	vmax.f32 v40, v60  }
0xbe: {  	v41 =	vmul.f32 v41, v1;
	v48 =	vadd.f32 v61, v48;
	v40 =	vmul.f32 v40, v2  }
0xbf: {  	v53 =	vld [tilespmem:s14+$0x18E80];
	v44 =	vmax.f32 v44, v55;
	v52 =	vadd.f32 v52, v33;
	v49 =	vadd.f32 v49, v31  }
0xc0: {  	v63 =	vld [tilespmem:s14+$0x18E90];
	v44 =	vmul.f32 v44, v4;
	v41 =	vadd.f32 v40, v41;
	v48 =	vadd.f32 v42, v48  }
0xc1: {  	v46 =	vadd.f32 v57, v35;
	v40 =	vld [tilespmem:s14+$0x16680];
	v51 =	vadd.f32 v51, v32;
	v60 =	vmul.f32 $2.000000030e-01, v49  }
0xc2: {  	v42 =	vld [tilespmem:s14+$0x166A0];
	v58 =	vmul.f32 $2.000000030e-01, v52;
	v45 =	vadd.f32 v56, v41;
	v48 =	vmul.f32 $1.442695020e+00, v48  }
0xc3: {  	v55 =	vmul.f32 $2.000000030e-01, v46;
	v41 =	vld [tilespmem:s14+$0x16690];
	v61 =	vmul.f32 $2.000000030e-01, v51;
	v49 =	vmax.f32 v49, v60  }
0xc4: {  	v56 =	vld [tilespmem:s14+$0x166C0];
	v44 =	vadd.f32 v44, v45;
	v11 =	vpop (erf);
	(erf) = vpow2.f32 v48;
	v62 =	vmul.f32 v49, v5  }
0xc5: {  	v50 =	vmax.f32 v51, v61;
	v27 =	vmul.f32 v11, v27;
	v51 =	vmax.f32 v52, v58;
	v52 =	vld [tilespmem:s14+$0x166B0]  }
0xc6: {  	v61 =	vadd.f32 v53, v40;
	v24 =	vmul.f32 v11, v24;
	v59 =	vmul.f32 v50, v6;
	v50 =	vld [tilespmem:s14+$0x18EA0]  }
0xc7: {  	[tilespmem:s14+$0x1B480] =	vst v38;
	v23 =	vmul.f32 v11, v23;
	v19 =	vmul.f32 v11, v19;
	v44 =	vadd.f32 v62, v44;
	v62 =	vld [tilespmem:s14+$0x18EB0]  }
0xc8: {  	[tilespmem:s14+$0x1B490] =	vst v36;
	v48 =	vld [tilespmem:s14+$0x18EC0];
	v13 =	vmul.f32 v11, v13;
	v14 =	vmul.f32 v11, v14;
	v49 =	vadd.f32 v63, v41  }
0xc9: {  	v36 =	vld [tilespmem:s14+$0x166E0];
	[tilespmem:s14+$0x1B4A0] =	vst v37;
	v60 =	vmul.f32 v51, v7;
	v63 =	vmul.f32 $2.000000030e-01, v61;
	v44 =	vadd.f32 v59, v44  }
0xca: {  	[tilespmem:s14+$0x1B4B0] =	vst v34;
	v46 =	vmax.f32 v46, v55;
	v55 =	vld [tilespmem:s14+$0x166D0];
	v12 =	vmul.f32 v11, v12;
	v57 =	vmul.f32 $2.000000030e-01, v49  }
0xcb: {  	[tilespmem:s14+$0x1B4C0] =	vst v39;
	v45 =	vmax.f32 v61, v63;
	v44 =	vadd.f32 v60, v44;
	v60 =	vmul.f32 v46, v8;
	v46 =	vld [tilespmem:s14+$0x18ED0]  }
0xcc: {  	v34 =	vld [tilespmem:s14+$0x166F0];
	[tilespmem:s14+$0x1B4E0] =	vst v43;
	v50 =	vadd.f32 v50, v42;
	v49 =	vmax.f32 v49, v57;
	v53 =	vadd.f32 v62, v52  }
0xcd: {  	[tilespmem:s14+$0x1B4D0] =	vst v47;
	v48 =	vadd.f32 v48, v56;
	v62 =	vmul.f32 v45, v1;
	v63 =	vmul.f32 v49, v2;
	v45 =	vld [tilespmem:s14+$0x18EE0]  }
0xce: {  	[tilespmem:s14+$0x1B4F0] =	vst v54;
	v61 =	vmul.f32 $2.000000030e-01, v50;
	v37 =	vadd.f32 v60, v44;
	v60 =	vld [tilespmem:s14+$0x18EF0];
	v58 =	vmul.f32 $2.000000030e-01, v53  }
0xcf: {  	v10 =	vmul.f32 v11, v10;
	[tilespmem:s14+$0x1B500] =	vst v27;
	v38 =	vadd.f32 v63, v62;
	v62 =	vmul.f32 $2.000000030e-01, v48  }
0xd0: {  	[tilespmem:s14+$0x1B510] =	vst v24;
	v57 =	vmax.f32 v50, v61;
	v61 =	vmax.f32 v53, v58;
	v46 =	vadd.f32 v46, v55  }
0xd1: {  	[tilespmem:s14+$0x1B520] =	vst v23;
	v59 =	vmul.f32 v57, v3;
	v63 =	vmul.f32 v61, v4  }
0xd2: {  	[tilespmem:s14+$0x1B530] =	vst v19;
	v45 =	vadd.f32 v45, v36;
	v61 =	vmul.f32 $1.442695020e+00, v37;
	v51 =	vmul.f32 $2.000000030e-01, v46  }
0xd3: {  	[tilespmem:s14+$0x1B540] =	vst v13;
	v50 =	vmax.f32 v48, v62;
	v38 =	vadd.f32 v59, v38;
	v59 =	vadd.f32 v60, v34  }
0xd4: {  	[tilespmem:s14+$0x1B550] =	vst v14;
	v54 =	vmul.f32 v50, v5;
	(erf) = vpow2.f32 v61;
	v57 =	vmax.f32 v46, v51  }
0xd5: {  	[tilespmem:s14+$0x1B560] =	vst v12;
	v53 =	vadd.f32 v63, v38;
	v63 =	vmul.f32 $2.000000030e-01, v59;
	v24 =	vmul.f32 v57, v6  }
0xd6: {  	[tilespmem:s14+$0x1B570] =	vst v10  }
0xd7: {  	v58 =	vmul.f32 $2.000000030e-01, v45;
	v60 =	vadd.f32 v54, v53;
	v37 =	vmax.f32 v59, v63;
	v59 =	vld [tilespmem:s15+$0x16180];
	[tilespmem:s14+$0x1DC80] =	vst v0  }
0xd8: {  	[tilespmem:s14+$0x1DC90] =	vst v0  }
0xd9: {  	v62 =	vmax.f32 v45, v58;
	[tilespmem:s14+$0x1DCA0] =	vst v0;
	v23 =	vadd.f32 v24, v60;
	v24 =	vpop (erf)  }
0xda: {  	v19 =	vmul.f32 v62, v7;
	[tilespmem:s14+$0x1DCB0] =	vst v0;
	v38 =	vmul.f32 v24, v15  }
0xdb: {  	v12 =	vld [tilespmem:s14+$0x16740];
	[tilespmem:s14+$0x1DCC0] =	vst v0;
	v10 =	vmul.f32 v24, v16  }
0xdc: {  	v61 =	vld [tilespmem:s15+$0x16181];
	v14 =	vmul.f32 v37, v8;
	v13 =	vadd.f32 v19, v23;
	v39 =	vmul.f32 v24, v17;
	[tilespmem:s14+$0x1B580] =	vst v38  }
0xdd: {  	v43 =	vmul.f32 v24, v20;
	v20 =	vld [tilespmem:s14+$0x16700];
	[tilespmem:s14+$0x1B590] =	vst v10;
	v10 =	vmul.f32 v24, v18;
	v17 =	vpop (erf)  }
0xde: {  	v19 =	vld [tilespmem:s14+$0x16710];
	v13 =	vadd.f32 v14, v13;
	[tilespmem:s14+$0x1B5A0] =	vst v39;
	v47 =	vmul.f32 v17, v31  }
0xdf: {  	v15 =	vld [tilespmem:s14+$0x16730];
	[tilespmem:s14+$0x1B5B0] =	vst v10;
	v10 =	vmul.f32 v24, v21  }
0xe0: {  	v16 =	vld [tilespmem:s14+$0x16750];
	v48 =	vmul.f32 v17, v33;
	v13 =	vmul.f32 $1.442695020e+00, v13;
	[tilespmem:s14+$0x1B640] =	vst v47  }
0xe1: {  	v18 =	vld [tilespmem:s14+$0x16720];
	[tilespmem:s14+$0x1B5D0] =	vst v10;
	v10 =	vmul.f32 v24, v25  }
0xe2: {  	[tilespmem:s14+$0x1B660] =	vst v48;
	v47 =	vld [tilespmem:s14+$0x18F50];
	(erf) = vpow2.f32 v13  }
0xe3: {  	v48 =	vld [tilespmem:s14+$0x18F60];
	[tilespmem:s14+$0x1B5F0] =	vst v10;
	v10 =	vmul.f32 v17, v28  }
0xe4: {  	v44 =	vmul.f32 v24, v22;
	(v2sf) =	vpush v59, $0x0;
	[tilespmem:s14+$0x1B5C0] =	vst v43;
	v13 =	vld [tilespmem:s14+$0x16760]  }
0xe5: {  	v39 =	vld [tilespmem:s14+$0x18F10];
	[tilespmem:s14+$0x1B610] =	vst v10;
	v10 =	vmul.f32 v17, v30  }
0xe6: {  	[tilespmem:s14+$0x1B5E0] =	vst v44;
	v38 =	vld [tilespmem:s14+$0x18F00];
	v45 =	vmul.f32 v17, v26  }
0xe7: {  	v14 =	vld [tilespmem:s14+$0x16770];
	v46 =	vmul.f32 v17, v29;
	[tilespmem:s14+$0x1B630] =	vst v10;
	v10 =	vmul.f32 v17, v32  }
0xe8: {  	v49 =	vmul.f32 v17, v35;
	[tilespmem:s14+$0x1B600] =	vst v45;
	v45 =	vld [tilespmem:s14+$0x18F40]  }
0xe9: {  	[tilespmem:s14+$0x1B620] =	vst v46;
	v25 =	vld [tilespmem:s14+$0x167C0];
	v26 =	vadd.f32 v48, v13;
	v32 =	vadd.f32 v47, v16  }
0xea: {  	[tilespmem:s14+$0x1B670] =	vst v49;
	v43 =	vadd.f32 v39, v19;
	v63 =	vld [tilespmem:s15+$0x16182]  }
0xeb: {  	(v2sf) =	vpush v61, $0x0;
	v47 =	vld [tilespmem:s14+$0x18FD0];
	v61 =	vmul.f32 $2.000000030e-01, v26;
	[tilespmem:s14+$0x1B650] =	vst v10;
	v59 =	vmul.f32 $2.000000030e-01, v32;
	v10 =	vpop (erf)  }
0xec: {  	[tilespmem:s14+$0x1DCD0] =	vst v0;
	v46 =	vmul.f32 $2.000000030e-01, v43;
	v28 =	vld [tilespmem:s15+$0x16183];
	v50 =	vmul.f32 v10, v40  }
0xed: {  	[tilespmem:s14+$0x1DCE0] =	vst v0;
	v30 =	vmax.f32 v32, v59;
	v32 =	vmax.f32 v26, v61;
	v26 =	vld [tilespmem:s14+$0x167D0];
	v51 =	vmul.f32 v10, v41  }
0xee: {  	v53 =	vmul.f32 v10, v42;
	v40 =	vld [tilespmem:s14+$0x18F20];
	[tilespmem:s14+$0x1B680] =	vst v50  }
0xef: {  	v21 =	vmax.f32 v43, v46;
	v54 =	vmul.f32 v10, v52;
	v42 =	vld [tilespmem:s14+$0x18F30];
	[tilespmem:s14+$0x1B690] =	vst v51  }
0xf0: {  	v57 =	vmul.f32 v10, v56;
	v52 =	vmul.f32 v21, v2;
	v21 =	vld [tilespmem:s14+$0x16780];
	[tilespmem:s14+$0x1B6A0] =	vst v53  }
0xf1: {  	v58 =	vmul.f32 v10, v55;
	v56 =	vld [tilespmem:s14+$0x18F80];
	[tilespmem:s14+$0x1B6B0] =	vst v54  }
0xf2: {  	v29 =	vadd.f32 v45, v12;
	v60 =	vmul.f32 v10, v36;
	[tilespmem:s14+$0x1B6C0] =	vst v57;
	v50 =	vld [tilespmem:s14+$0x18F70]  }
0xf3: {  	s13 =	spop (v2sf);
	v62 =	vmul.f32 v10, v34;
	v41 =	vadd.f32 v38, v20;
	[tilespmem:s14+$0x1B6D0] =	vst v58;
	v58 =	vld [tilespmem:s14+$0x18F90]  }
0xf4: {  	s13 =	sshll.u32 s13, $0x4;
	v55 =	vmul.f32 $2.000000030e-01, v29;
	[tilespmem:s14+$0x1B6E0] =	vst v60;
	v60 =	vld [tilespmem:s14+$0x18FA0]  }
0xf5: {  	s25 =	sadd.s32 $0x1DC80, s14;
	s13 =	sand.u32 $0x70, s13;
	[tilespmem:s14+$0x1B6F0] =	vst v62;
	v44 =	vmul.f32 $2.000000030e-01, v41;
	v62 =	vmul.f32 v30, v6;
	v30 =	vld [tilespmem:s14+$0x16820]  }
0xf6: {  	[tilespmem:s14+$0x1DCF0] =	vst v0;
	(v2sf) =	vpush v63, $0x0;
	s13 =	sor.u32 s13, s25;
	v31 =	vld [tilespmem:s15+$0x16184];
	v23 =	vadd.f32 v40, v18  }
0xf7: {  	v32 =	vmul.f32 v32, v7;
	v29 =	vmax.f32 v29, v55;
	[tilespmem:s13+$0x0] =	vst v9;
	v9 =	vld [tilespmem:s14+$0x167B0];
	v22 =	vmax.f32 v41, v44  }
0xf8: {  	[tilespmem:s14+$0x1DD00] =	vst v0;
	v27 =	vadd.f32 v42, v15;
	v51 =	vmul.f32 v22, v1;
	v22 =	vld [tilespmem:s14+$0x16790];
	v49 =	vmul.f32 $2.000000030e-01, v23  }
0xf9: {  	[tilespmem:s14+$0x1DD10] =	vst v0;
	v29 =	vmul.f32 v29, v5;
	(v2sf) =	vpush v28, $0x0;
	v44 =	vld [tilespmem:s14+$0x18FC0];
	v63 =	vadd.f32 v56, v21  }
0xfa: {  	[tilespmem:s14+$0x1DD20] =	vst v0;
	v42 =	vld [tilespmem:s14+$0x18FB0];
	v56 =	vadd.f32 v47, v26;
	v53 =	vmul.f32 $2.000000030e-01, v27;
	v23 =	vmax.f32 v23, v49  }
0xfb: {  	[tilespmem:s14+$0x1DD30] =	vst v0;
	v34 =	vadd.f32 v52, v51;
	v43 =	vmul.f32 $2.000000030e-01, v63;
	v54 =	vmul.f32 v23, v3;
	v23 =	vld [tilespmem:s14+$0x167A0]  }
0xfc: {  	[tilespmem:s14+$0x1DD40] =	vst v0;
	s25 =	spop (v2sf);
	v28 =	vld [tilespmem:s14+$0x167F0];
	v33 =	vadd.f32 v50, v14;
	(v2sf) =	vpush v31, $0x0;
	v27 =	vmax.f32 v27, v53  }
0xfd: {  	[tilespmem:s14+$0x1DD50] =	vst v0;
	s13 =	sshll.u32 s25, $0x4;
	v50 =	vld [tilespmem:s14+$0x18FE0];
	v27 =	vmul.f32 v27, v4;
	v57 =	vadd.f32 v54, v34;
	v34 =	vadd.f32 v58, v22  }
0xfe: {  	[tilespmem:s14+$0x1DD60] =	vst v0;
	s25 =	sadd.s32 $0x1DD00, s14;
	s13 =	sand.u32 $0x70, s13;
	v52 =	vld [tilespmem:s14+$0x18FF0];
	v46 =	vmax.f32 v63, v43;
	v38 =	vadd.f32 v44, v25;
	v53 =	vmul.f32 $2.000000030e-01, v33  }
0xff: {  	[tilespmem:s14+$0x1DD70] =	vst v0;
	s13 =	sor.u32 s13, s25;
	v31 =	vld [tilespmem:s14+$0x16830];
	v36 =	vadd.f32 v42, v9;
	v27 =	vadd.f32 v27, v57;
	v45 =	vmul.f32 $2.000000030e-01, v34  }
0x100: {  	[tilespmem:s13+$0x0] =	vst v11;
	v63 =	vld [tilespmem:s14+$0x19010];
	v11 =	vmul.f32 v46, v1;
	v55 =	vmul.f32 $2.000000030e-01, v38;
	v35 =	vadd.f32 v60, v23  }
0x101: {  	[tilespmem:s14+$0x1DD80] =	vst v0;
	v51 =	vmul.f32 $2.000000030e-01, v36;
	v60 =	vld [tilespmem:s14+$0x19000];
	v27 =	vadd.f32 v29, v27;
	v34 =	vmax.f32 v34, v45  }
0x102: {  	[tilespmem:s14+$0x1DD90] =	vst v0;
	v61 =	vmax.f32 v38, v55;
	v45 =	vld [tilespmem:s14+$0x19020];
	v48 =	vmul.f32 $2.000000030e-01, v35;
	v49 =	vmul.f32 v34, v2  }
0x103: {  	[tilespmem:s14+$0x1DDA0] =	vst v0;
	v36 =	vmax.f32 v36, v51;
	v57 =	vmax.f32 v33, v53;
	v29 =	vadd.f32 v62, v27;
	v27 =	vld [tilespmem:s14+$0x167E0]  }
0x104: {  	[tilespmem:s14+$0x1DDB0] =	vst v0;
	v43 =	vmul.f32 v61, v5;
	v35 =	vmax.f32 v35, v48;
	v54 =	vadd.f32 v49, v11;
	v11 =	vld [tilespmem:s14+$0x16800]  }
0x105: {  	[tilespmem:s14+$0x1DDC0] =	vst v0;
	v62 =	vmul.f32 $2.000000030e-01, v56;
	v32 =	vadd.f32 v32, v29;
	v35 =	vmul.f32 v35, v3;
	v29 =	vld [tilespmem:s14+$0x16810]  }
0x106: {  	[tilespmem:s14+$0x1DDD0] =	vst v0;
	s25 =	spop (v2sf);
	v59 =	vmul.f32 v36, v4;
	v40 =	vmul.f32 v57, v8;
	v48 =	vld [tilespmem:s14+$0x19030]  }
0x107: {  	[tilespmem:s14+$0x1DDE0] =	vst v0;
	s13 =	sshll.u32 s25, $0x4;
	v44 =	vmax.f32 v56, v62;
	v37 =	vadd.f32 v45, v30;
	v58 =	vadd.f32 v35, v54  }
0x108: {  	[tilespmem:s14+$0x1DDF0] =	vst v0;
	s25 =	sadd.s32 $0x1DD80, s14;
	s13 =	sand.u32 $0x70, s13;
	v46 =	vmul.f32 v44, v6;
	v32 =	vadd.f32 v40, v32;
	v34 =	vadd.f32 v50, v27  }
0x109: {  	[tilespmem:s14+$0x1DE00] =	vst v0;
	s13 =	sor.u32 s13, s25;
	v50 =	vadd.f32 v52, v28;
	v56 =	vmul.f32 $2.000000030e-01, v37;
	v33 =	vadd.f32 v59, v58  }
0x10a: {  	[tilespmem:s13+$0x0] =	vst v24;
	v24 =	vld [tilespmem:s14+$0x16840];
	v32 =	vmul.f32 $1.442695020e+00, v32;
	v36 =	vadd.f32 v60, v11;
	v49 =	vadd.f32 v63, v29  }
0x10b: {  	[tilespmem:s14+$0x1DE10] =	vst v0;
	v52 =	vld [tilespmem:s14+$0x19040];
	v41 =	vadd.f32 v48, v31;
	v47 =	vmul.f32 $2.000000030e-01, v34;
	v37 =	vmax.f32 v37, v56  }
0x10c: {  	[tilespmem:s14+$0x1DE20] =	vst v0;
	v55 =	vld [tilespmem:s14+$0x19050];
	v33 =	vadd.f32 v43, v33;
	v51 =	vmul.f32 $2.000000030e-01, v36;
	v53 =	vmul.f32 $2.000000030e-01, v49  }
0x10d: {  	[tilespmem:s14+$0x1DE30] =	vst v0;
	(erf) = vpow2.f32 v32;
	v32 =	vld [tilespmem:s14+$0x16850];
	v58 =	vmul.f32 $2.000000030e-01, v41;
	v34 =	vmax.f32 v34, v47  }
0x10e: {  	[tilespmem:s14+$0x1DE40] =	vst v0;
	v57 =	vld [tilespmem:s14+$0x19060];
	v34 =	vmul.f32 v34, v7;
	v36 =	vmax.f32 v36, v51;
	v35 =	vmax.f32 v49, v53  }
0x10f: {  	[tilespmem:s14+$0x1DE50] =	vst v0;
	s25 =	spop (v2sf);
	v43 =	vld [tilespmem:s14+$0x16860];
	v33 =	vadd.f32 v46, v33;
	v36 =	vmul.f32 v36, v1;
	v35 =	vmul.f32 v35, v2  }
0x110: {  	[tilespmem:s14+$0x1DE60] =	vst v0;
	s13 =	sshll.u32 s25, $0x4;
	v44 =	vld [tilespmem:s14+$0x16870];
	v54 =	vmul.f32 $2.000000030e-01, v50;
	v59 =	vmul.f32 v37, v3;
	v40 =	vadd.f32 v52, v24  }
0x111: {  	[tilespmem:s14+$0x1DE70] =	vst v0;
	s25 =	sadd.s32 $0x1DE00, s14;
	s13 =	sand.u32 $0x70, s13;
	v60 =	vld [tilespmem:s14+$0x19070];
	v61 =	vmax.f32 v41, v58;
	v33 =	vadd.f32 v34, v33;
	v35 =	vadd.f32 v35, v36  }
0x112: {  	[tilespmem:s14+$0x1DE80] =	vst v0;
	s13 =	sor.u32 s13, s25;
	v34 =	vmax.f32 v50, v54;
	v62 =	vmul.f32 $2.000000030e-01, v40;
	v39 =	vadd.f32 v55, v32  }
0x113: {  	[tilespmem:s13+$0x0] =	vst v17;
	v17 =	vmul.f32 v61, v4;
	v34 =	vmul.f32 v34, v8;
	v63 =	vadd.f32 v59, v35  }
0x114: {  	[tilespmem:s14+$0x1DE90] =	vst v0;
	v38 =	vadd.f32 v57, v43;
	v42 =	vmax.f32 v40, v62;
	v45 =	vmul.f32 $2.000000030e-01, v39  }
0x115: {  	[tilespmem:s14+$0x1DEA0] =	vst v0;
	v33 =	vadd.f32 v34, v33;
	v46 =	vmul.f32 v42, v5;
	v17 =	vadd.f32 v17, v63  }
0x116: {  	[tilespmem:s14+$0x1DEB0] =	vst v0;
	v37 =	vadd.f32 v60, v44;
	v48 =	vmul.f32 $2.000000030e-01, v38;
	v47 =	vmax.f32 v39, v45  }
0x117: {  	[tilespmem:s14+$0x1DEC0] =	vst v0;
	s25 =	spop (v2sf);
	v33 =	vmul.f32 $1.442695020e+00, v33;
	v49 =	vmul.f32 v47, v6;
	v17 =	vadd.f32 v46, v17  }
0x118: {  	[tilespmem:s14+$0x1DED0] =	vst v0;
	s13 =	sshll.u32 s25, $0x4;
	v51 =	vmul.f32 $2.000000030e-01, v37;
	v50 =	vmax.f32 v38, v48  }
0x119: {  	[tilespmem:s14+$0x1DEE0] =	vst v0;
	s25 =	sadd.s32 $0x1DE80, s14;
	s13 =	sand.u32 $0x70, s13;
	(erf) = vpow2.f32 v33;
	v33 =	vmul.f32 v50, v7;
	v17 =	vadd.f32 v49, v17  }
0x11a: {  	[tilespmem:s14+$0x1DEF0] =	vst v0;
	s13 =	sor.u32 s13, s25;
	v53 =	vmax.f32 v37, v51;
	v52 =	vpop (erf)  }
0x11b: {  	[tilespmem:s13+$0x0] =	vst v10;
	v55 =	vmul.f32 v53, v8;
	v20 =	vmul.f32 v52, v20;
	v10 =	vadd.f32 v33, v17  }
0x11c: {  	v54 =	vmul.f32 v52, v19  }
0x11d: {  	v18 =	vmul.f32 v52, v18;
	[tilespmem:s14+$0x1B700] =	vst v20;
	v10 =	vadd.f32 v55, v10  }
0x11e: {  	v15 =	vmul.f32 v52, v15;
	[tilespmem:s14+$0x1B710] =	vst v54  }
0x11f: {  	v12 =	vmul.f32 v52, v12;
	[tilespmem:s14+$0x1B720] =	vst v18;
	v10 =	vmul.f32 $1.442695020e+00, v10  }
0x120: {  	v56 =	vmul.f32 v52, v16;
	[tilespmem:s14+$0x1B730] =	vst v15  }
0x121: {  	[tilespmem:s14+$0x1B740] =	vst v12;
	(erf) = vpow2.f32 v10;
	v10 =	vmul.f32 v52, v14  }
0x122: {  	v57 =	vmul.f32 v52, v13;
	[tilespmem:s14+$0x1B750] =	vst v56;
	v58 =	vpop (erf)  }
0x123: {  	[tilespmem:s14+$0x1B770] =	vst v10;
	v10 =	vmul.f32 v58, v22  }
0x124: {  	[tilespmem:s14+$0x1B760] =	vst v57;
	v59 =	vmul.f32 v58, v21  }
0x125: {  	[tilespmem:s14+$0x1B790] =	vst v10;
	v10 =	vmul.f32 v58, v25  }
0x126: {  	v9 =	vmul.f32 v58, v9;
	[tilespmem:s14+$0x1B780] =	vst v59  }
0x127: {  	v61 =	vmul.f32 v58, v23;
	[tilespmem:s14+$0x1B7C0] =	vst v10;
	v10 =	vmul.f32 v58, v27  }
0x128: {  	[tilespmem:s14+$0x1B7B0] =	vst v9;
	v9 =	vmul.f32 v58, v26;
	v60 =	vld [tilespmem:s15+$0x16185]  }
0x129: {  	[tilespmem:s14+$0x1B7A0] =	vst v61  }
0x12a: {  	[tilespmem:s14+$0x1B7D0] =	vst v9;
	v9 =	vmul.f32 v58, v28  }
0x12b: {  	[tilespmem:s14+$0x1B7E0] =	vst v10;
	v10 =	vpop (erf)  }
0x12c: {  	[tilespmem:s14+$0x1B7F0] =	vst v9;
	v9 =	vmul.f32 v10, v11  }
0x12d: {  	[tilespmem:s14+$0x1DF00] =	vst v0;
	(v2sf) =	vpush v60, $0x0;
	v11 =	vmul.f32 v10, v29  }
0x12e: {  	[tilespmem:s14+$0x1B800] =	vst v9  }
0x12f: {  	v9 =	vld [tilespmem:s15+$0x16186];
	[tilespmem:s14+$0x1B810] =	vst v11;
	v11 =	vmul.f32 v10, v31  }
0x130: {  	[tilespmem:s14+$0x1DF10] =	vst v0;
	v62 =	vmul.f32 v10, v30  }
0x131: {  	[tilespmem:s14+$0x1B830] =	vst v11;
	v11 =	vmul.f32 v10, v32  }
0x132: {  	v63 =	vmul.f32 v10, v24;
	[tilespmem:s14+$0x1B820] =	vst v62  }
0x133: {  	[tilespmem:s14+$0x1B850] =	vst v11;
	v11 =	vmul.f32 v10, v44  }
0x134: {  	[tilespmem:s14+$0x1B840] =	vst v63;
	(v2sf) =	vpush v9, $0x0;
	v9 =	vmul.f32 v10, v43  }
0x135: {  	[tilespmem:s14+$0x1B870] =	vst v11  }
0x136: {  	[tilespmem:s14+$0x1B860] =	vst v9  }
0x137: {  	[tilespmem:s14+$0x1DF20] =	vst v0;
	v9 =	vld [tilespmem:s15+$0x16187]  }
0x138: {  	[tilespmem:s14+$0x1DF30] =	vst v0  }
0x139: {  	[tilespmem:s14+$0x1DF40] =	vst v0  }
0x13a: {  	[tilespmem:s14+$0x1DF50] =	vst v0  }
0x13b: {  	[tilespmem:s14+$0x1DF60] =	vst v0  }
0x13c: {  	[tilespmem:s14+$0x1DF70] =	vst v0;
	s25 =	spop (v2sf);
	(v2sf) =	vpush v9, $0x0  }
0x13d: {  	[tilespmem:s14+$0x1DF80] =	vst v0  }
0x13e: {  	[tilespmem:s14+$0x1DF90] =	vst v0  }
0x13f: {  	[tilespmem:s14+$0x1DFA0] =	vst v0  }
0x140: {  	[tilespmem:s14+$0x1DFB0] =	vst v0  }
0x141: {  	[tilespmem:s14+$0x1DFC0] =	vst v0  }
0x142: {  	[tilespmem:s14+$0x1DFD0] =	vst v0  }
0x143: {  	[tilespmem:s14+$0x1DFE0] =	vst v0  }
0x144: {  	[tilespmem:s14+$0x1DFF0] =	vst v0  }
0x145: {  	[tilespmem:s14+$0x1E000] =	vst v0  }
0x146: {  	[tilespmem:s14+$0x1E010] =	vst v0;
	s13 =	sshll.u32 s25, $0x4  }
0x147: {  	[tilespmem:s14+$0x1E020] =	vst v0;
	s25 =	sadd.s32 $0x1DF00, s14;
	s13 =	sand.u32 $0x70, s13  }
0x148: {  	[tilespmem:s14+$0x1E030] =	vst v0;
	s13 =	sor.u32 s13, s25;
	s25 =	spop (v2sf)  }
0x149: {  	[tilespmem:s13+$0x0] =	vst v52;
	s13 =	sshll.u32 s25, $0x4  }
0x14a: {  	p0 =	slt.u32 s15, $0x20;
	[tilespmem:s14+$0x1E040] =	vst v0;
	s25 =	sadd.s32 $0x1DF80, s14;
	s13 =	sand.u32 $0x70, s13  }
.Ltmp2:
0x14b: {  	[tilespmem:s14+$0x1E050] =	vst v0;
	s13 =	sor.u32 s13, s25;
	s25 =	spop (v2sf);
	(pc) =	sbr.rel @p0 .LBB2_7-.Ltmp2, $4  }
0x14c: {  	[tilespmem:s13+$0x0] =	vst v58;
	s13 =	sshll.u32 s25, $0x4  }
0x14d: {  	[tilespmem:s14+$0x1E060] =	vst v0;
	s25 =	sadd.s32 $0x1E000, s14;
	s13 =	sand.u32 $0x70, s13  }
0x14e: {  	[tilespmem:s14+$0x1E070] =	vst v0;
	s13 =	sor.u32 s13, s25;
	s25 =	sadd.s32 $0x8, s15  }
0x14f: {  	[tilespmem:s13+$0x0] =	vst v10;
	s15 =	smov.u32 s25  }
0x150: {  	v9 =	vld [tilespmem:$0x16180]  }
0x151: {  	v10 =	vld [tilespmem:$0x16190]  }
0x152: {  	v11 =	vld [tilespmem:$0x16198];
	_ =	sdelay $0x2  }
0x153: {  	[tilespmem:$0x16380] =	vst v9  }
0x154: {  	[tilespmem:$0x16390] =	vst v10  }
0x155: {  	s13 =	simm.s32 $0x16280;
	[tilespmem:$0x16398] =	vst v11  }
0x156: {  	[spmem:s2] =	stream.indirect.scatter.add.f32 [tilespmem:s31], [sflag:$0x7], $0x80, s13, s20, $0xb8;
	[tilespmem:$0x1F100] =	vst v63  }
0x157: {  	p0 =	seq.s32 s9, $0x7C;
	_ =	swait.ge [sflag:s17], $0x1400  }
0x158: {  	s10 =	sadd.s32 @!p0 s10, s12;
	[sflag:s17] =	ssyncset.done $0x0  }
0x159: {  	s10 =	sshrl.u32 @!p0 s10, $0x3;
	[sflag:s17] =	ssyncadd.s32 $0xFFFFEC00  }
0x15a: {  	[spmem:s2] =	stream.indirect.scatter.add.f32 [tilespmem:s16], [sflag:$0x5], $0x80, s0, s20, $0xb8;
	[tilespmem:$0x1F100] =	vst v63  }
0x15b: {  	s14 =	simm.s32 @!p0 $0x0;
	s15 =	simm.s32 @!p0 $0x16080;
	s13 =	sadd.s32 @!p0 s7, s10  }
0x15c: {  	[tilespmem:s15], [sflag:$0x7] =	stream.linear.gather @!p0 [hbm4b:s13+s14], $0x28, $0x38;
	[tilespmem:$0x1F100] =	vst v63  }
0x15d: {  	s13 =	simm.s32 @!p0 $0x7  }
0x15e: {  	_ =	swait.ge @!p0 [sflag:s13], $0x28  }
0x15f: {  	[sflag:s13] =	ssyncset.done @!p0 $0x0  }
0x160: {  	s25 =	simm.s32 @!p0 $0x16180;
	s10 =	sadd.s32 @!p0 s8, s10;
	[sflag:s13] =	ssyncadd.s32 @!p0 $0xFFFFFFD8  }
0x161: {  	[tilespmem:s25], [sflag:$0x7] =	stream.linear.gather @!p0 [hbm4b:s10+s14], $0x28, $0x38;
	[tilespmem:$0x1F100] =	vst v63  }
0x162: {  	_ =	swait.ge @!p0 [sflag:s13], $0x28  }
0x163: {  	[sflag:s13] =	ssyncset.done @!p0 $0x0  }
0x164: {  	s10 =	simm.s32 @!p0 $0x28;
	[sflag:s13] =	ssyncadd.s32 @!p0 $0xFFFFFFD8;
	s13 =	simm.s32 @!p0 $0x16480  }
0x165: {  	[tilespmem:s13], [sflag:$0x1] =	stream.indirect.gather @!p0 [hbm4b:s1+s10], $0x80, s15, s10, $0xb8;
	[tilespmem:$0x1F100] =	vst v63  }
0x166: {  	s13 =	simm.s32 @!p0 $0x18C80  }
0x167: {  	[tilespmem:s13], [sflag:$0x3] =	stream.indirect.gather @!p0 [hbm4b:s5+s10], $0x80, s25, s10, $0xb8;
	[tilespmem:$0x1F100] =	vst v63  }
0x168: {  	v9 =	vld @!p0 [tilespmem:$0x16180]  }
0x169: {  	v10 =	vld @!p0 [tilespmem:$0x16190]  }
0x16a: {  	v11 =	vld @!p0 [tilespmem:$0x16198];
	_ =	sdelay $0x2  }
0x16b: {  	v9 =	vshra.s32 @!p0 v9, $0x3  }
0x16c: {  	v10 =	vshra.s32 @!p0 v10, $0x3;
	v9 =	vadd.s32 @!p0 $0x2710, v9  }
0x16d: {  	[tilespmem:$0x16280] =	vst @!p0 v9;
	v9 =	vadd.s32 @!p0 $0x2710, v10;
	v10 =	vshra.s32 @!p0 v11, $0x3  }
0x16e: {  	[tilespmem:$0x16290] =	vst @!p0 v9;
	v9 =	vadd.s32 @!p0 $0x2710, v10  }
0x16f: {  	[tilespmem:$0x16298] =	vst @!p0 v9  }
0x170: {  	_ =	swait.ge [sflag:s21], $0x1400  }
0x171: {  	[sflag:s21] =	ssyncset.done $0x0  }
0x172: {  	[sflag:s21] =	ssyncadd.s32 $0xFFFFEC00  }
0x173: {  	_ =	swait.ge [sflag:s22], $0x1400  }
0x174: {  	[sflag:s22] =	ssyncset.done $0x0  }
0x175: {  	s10 =	simm.s32 $0x0;
	[sflag:s22] =	ssyncadd.s32 $0xFFFFEC00  }
.LBB2_9:
0x176: {  	s14 =	sshll.u32 s10, $0x7  }
0x177: {  	v21 =	vld [tilespmem:s14+$0x17880]  }
0x178: {  	v22 =	vld [tilespmem:s14+$0x17890]  }
0x179: {  	v9 =	vld [tilespmem:s14+$0x1A080]  }
0x17a: {  	v10 =	vld [tilespmem:s14+$0x1A090]  }
0x17b: {  	v25 =	vld [tilespmem:s14+$0x178A0]  }
0x17c: {  	v11 =	vld [tilespmem:s14+$0x1A0A0]  }
0x17d: {  	v26 =	vld [tilespmem:s14+$0x178B0]  }
0x17e: {  	v12 =	vld [tilespmem:s14+$0x1A0B0]  }
0x17f: {  	v28 =	vld [tilespmem:s14+$0x178C0]  }
0x180: {  	v14 =	vld [tilespmem:s14+$0x1A0C0]  }
0x181: {  	v29 =	vld [tilespmem:s14+$0x178D0]  }
0x182: {  	v27 =	vld [tilespmem:s14+$0x1A0D0]  }
0x183: {  	v30 =	vld [tilespmem:s14+$0x178E0]  }
0x184: {  	v17 =	vld [tilespmem:s14+$0x1A0E0]  }
0x185: {  	v33 =	vld [tilespmem:s14+$0x1A0F0]  }
0x186: {  	v24 =	vld [tilespmem:s14+$0x17910];
	v9 =	vadd.f32 v9, v21;
	v10 =	vadd.f32 v10, v22  }
0x187: {  	v23 =	vld [tilespmem:s14+$0x17920]  }
0x188: {  	v19 =	vld [tilespmem:s14+$0x17930];
	v16 =	vadd.f32 v11, v25;
	v13 =	vmul.f32 $2.000000030e-01, v9;
	v15 =	vmul.f32 $2.000000030e-01, v10  }
0x189: {  	v42 =	vld [tilespmem:s14+$0x1A100];
	v12 =	vadd.f32 v12, v26  }
0x18a: {  	v45 =	vld [tilespmem:s14+$0x1A120];
	v31 =	vmul.f32 $2.000000030e-01, v16;
	v9 =	vmax.f32 v9, v13;
	v10 =	vmax.f32 v10, v15  }
0x18b: {  	v18 =	vld [tilespmem:s14+$0x1A130];
	v9 =	vmul.f32 v9, v1;
	v10 =	vmul.f32 v10, v2  }
0x18c: {  	v44 =	vld [tilespmem:s14+$0x1A110];
	v14 =	vadd.f32 v14, v28;
	v32 =	vmul.f32 $2.000000030e-01, v12;
	v15 =	vmax.f32 v16, v31  }
0x18d: {  	v11 =	vld [tilespmem:s14+$0x178F0];
	v37 =	vadd.f32 v17, v30;
	v9 =	vadd.f32 v10, v9;
	v10 =	vmul.f32 v15, v3  }
0x18e: {  	v46 =	vld [tilespmem:s14+$0x1A160];
	v34 =	vmul.f32 $2.000000030e-01, v14;
	v12 =	vmax.f32 v12, v32;
	v13 =	vadd.f32 v27, v29  }
0x18f: {  	v50 =	vld [tilespmem:s14+$0x1A1A0];
	v17 =	vadd.f32 v45, v23;
	v9 =	vadd.f32 v10, v9;
	v10 =	vmul.f32 v12, v4  }
0x190: {  	v18 =	vadd.f32 v18, v19;
	v35 =	vmax.f32 v14, v34;
	v27 =	vld [tilespmem:s14+$0x17900];
	v36 =	vmul.f32 $2.000000030e-01, v13  }
0x191: {  	v39 =	vmul.f32 $2.000000030e-01, v37;
	v14 =	vld [tilespmem:s14+$0x17950];
	v9 =	vadd.f32 v10, v9;
	v10 =	vmul.f32 v35, v5  }
0x192: {  	v31 =	vld [tilespmem:s14+$0x1A140];
	v40 =	vadd.f32 v33, v11;
	v33 =	vmul.f32 $2.000000030e-01, v17;
	v38 =	vmax.f32 v13, v36  }
0x193: {  	v47 =	vmul.f32 $2.000000030e-01, v18;
	v32 =	vld [tilespmem:s14+$0x1A150];
	v9 =	vadd.f32 v10, v9;
	v10 =	vmul.f32 v38, v6  }
0x194: {  	v41 =	vmax.f32 v37, v39;
	v39 =	vld [tilespmem:s14+$0x1A180];
	v15 =	vmul.f32 $2.000000030e-01, v40;
	v17 =	vmax.f32 v17, v33  }
0x195: {  	v33 =	vmax.f32 v18, v47;
	v18 =	vld [tilespmem:s14+$0x179B0];
	v9 =	vadd.f32 v10, v9;
	v10 =	vmul.f32 v41, v7  }
0x196: {  	v13 =	vld [tilespmem:s14+$0x17940];
	v48 =	vmul.f32 v17, v3;
	v43 =	vmax.f32 v40, v15  }
0x197: {  	v17 =	vld [tilespmem:s14+$0x179A0];
	v16 =	vadd.f32 v42, v27;
	v9 =	vadd.f32 v10, v9;
	v10 =	vmul.f32 v43, v8  }
0x198: {  	v12 =	vld [tilespmem:s14+$0x17960]  }
0x199: {  	v40 =	vld [tilespmem:s14+$0x1A190];
	v20 =	vmul.f32 $2.000000030e-01, v16;
	v9 =	vadd.f32 v10, v9  }
0x19a: {  	v32 =	vadd.f32 v32, v14;
	v42 =	vld [tilespmem:s14+$0x1A1B0]  }
0x19b: {  	v15 =	vadd.f32 v44, v24;
	v35 =	vld [tilespmem:s14+$0x1A170];
	v16 =	vmax.f32 v16, v20;
	v9 =	vmul.f32 $1.442695020e+00, v9  }
0x19c: {  	v37 =	vmul.f32 $2.000000030e-01, v32;
	v20 =	vld [tilespmem:s14+$0x179C0];
	v34 =	vmul.f32 v16, v1  }
0x19d: {  	v16 =	vld [tilespmem:s14+$0x17990];
	(erf) = vpow2.f32 v9;
	v9 =	vmul.f32 $2.000000030e-01, v15  }
0x19e: {  	v33 =	vmul.f32 v33, v4;
	v31 =	vadd.f32 v31, v13;
	v43 =	vld [tilespmem:s14+$0x1A1C0]  }
0x19f: {  	v49 =	vmax.f32 v32, v37;
	v32 =	vadd.f32 v50, v17;
	v10 =	vld [tilespmem:s14+$0x17970];
	v9 =	vmax.f32 v15, v9  }
0x1a0: {  	v42 =	vadd.f32 v42, v18;
	v36 =	vmul.f32 $2.000000030e-01, v31;
	v15 =	vld [tilespmem:s14+$0x17980];
	v9 =	vmul.f32 v9, v2  }
0x1a1: {  	v52 =	vmul.f32 v49, v6;
	v41 =	vadd.f32 v46, v12;
	v62 =	vmul.f32 $2.000000030e-01, v32  }
0x1a2: {  	v47 =	vmul.f32 $2.000000030e-01, v42;
	v31 =	vmax.f32 v31, v36;
	v9 =	vadd.f32 v9, v34  }
0x1a3: {  	v61 =	vld [tilespmem:s14+$0x1A1D0];
	v53 =	vmul.f32 $2.000000030e-01, v41;
	v32 =	vmax.f32 v32, v62;
	v56 =	vadd.f32 v40, v16  }
0x1a4: {  	v45 =	vld [tilespmem:s14+$0x1A1F0];
	v31 =	vmul.f32 v31, v5;
	v43 =	vadd.f32 v43, v20;
	v35 =	vadd.f32 v35, v10  }
0x1a5: {  	v44 =	vld [tilespmem:s14+$0x1A1E0];
	v32 =	vmul.f32 v32, v3;
	v59 =	vmul.f32 $2.000000030e-01, v56;
	v54 =	vadd.f32 v39, v15  }
0x1a6: {  	v46 =	vld [tilespmem:s14+$0x1A200];
	v60 =	vmul.f32 $2.000000030e-01, v35;
	v34 =	vadd.f32 v48, v9;
	v48 =	vmul.f32 $2.000000030e-01, v43;
	v9 =	vpop (erf)  }
0x1a7: {  	v55 =	vmax.f32 v41, v53;
	v53 =	vld [tilespmem:s14+$0x1A220];
	v58 =	vmul.f32 $2.000000030e-01, v54;
	v38 =	vmul.f32 v9, v21  }
0x1a8: {  	v33 =	vadd.f32 v33, v34;
	v36 =	vmul.f32 v9, v22;
	v21 =	vld [tilespmem:s14+$0x179D0];
	v37 =	vmul.f32 v9, v25  }
0x1a9: {  	v34 =	vmul.f32 v9, v26;
	v22 =	vld [tilespmem:s14+$0x179E0];
	v39 =	vmul.f32 v9, v28;
	v28 =	vmax.f32 v56, v59  }
0x1aa: {  	v25 =	vld [tilespmem:s14+$0x179F0];
	v51 =	vadd.f32 v31, v33;
	v26 =	vmax.f32 v54, v58;
	v28 =	vmul.f32 v28, v2  }
0x1ab: {  	v33 =	vmax.f32 v42, v47;
	v47 =	vmul.f32 v9, v29;
	v29 =	vld [tilespmem:s14+$0x17A20];
	v63 =	vmul.f32 v26, v1  }
0x1ac: {  	v57 =	vmul.f32 v55, v7;
	v35 =	vmax.f32 v35, v60;
	v26 =	vld [tilespmem:s14+$0x17A00];
	v31 =	vadd.f32 v52, v51  }
0x1ad: {  	v49 =	vld [tilespmem:s14+$0x1A210];
	v35 =	vmul.f32 v35, v8;
	v50 =	vmax.f32 v43, v48;
	v40 =	vadd.f32 v28, v63  }
0x1ae: {  	v43 =	vmul.f32 v9, v30;
	v28 =	vld [tilespmem:s14+$0x17A10];
	v31 =	vadd.f32 v57, v31;
	v41 =	vadd.f32 v61, v21  }
0x1af: {  	v30 =	vld [tilespmem:s14+$0x17A30];
	v33 =	vmul.f32 v33, v4;
	v54 =	vadd.f32 v44, v22;
	v45 =	vadd.f32 v45, v25  }
0x1b0: {  	v52 =	vmul.f32 v50, v5;
	v57 =	vld [tilespmem:s14+$0x1A230];
	v32 =	vadd.f32 v32, v40;
	v50 =	vadd.f32 v53, v29  }
0x1b1: {  	v31 =	vadd.f32 v35, v31;
	v51 =	vmul.f32 $2.000000030e-01, v41;
	v56 =	vadd.f32 v46, v26;
	v35 =	vld [tilespmem:s14+$0x17A70]  }
0x1b2: {  	v58 =	vmul.f32 $2.000000030e-01, v54;
	v62 =	vmul.f32 $2.000000030e-01, v45;
	v32 =	vadd.f32 v33, v32;
	v33 =	vld [tilespmem:s14+$0x17A60]  }
0x1b3: {  	v63 =	vmul.f32 $2.000000030e-01, v50;
	v31 =	vmul.f32 $1.442695020e+00, v31;
	v40 =	vadd.f32 v49, v28;
	v49 =	vld [tilespmem:s14+$0x1A240]  }
0x1b4: {  	v41 =	vmax.f32 v41, v51;
	v59 =	vmul.f32 $2.000000030e-01, v56;
	v42 =	vmax.f32 v54, v58;
	v51 =	vld [tilespmem:s14+$0x1A250]  }
0x1b5: {  	v54 =	vmul.f32 v9, v11;
	v32 =	vadd.f32 v52, v32;
	v55 =	vmul.f32 v41, v6;
	v52 =	vld [tilespmem:s14+$0x1A260]  }
0x1b6: {  	v61 =	vmul.f32 v42, v7;
	v44 =	vadd.f32 v57, v30;
	(erf) = vpow2.f32 v31;
	v31 =	vld [tilespmem:s14+$0x17A40]  }
0x1b7: {  	v46 =	vmax.f32 v50, v63;
	v42 =	vmax.f32 v45, v62;
	v57 =	vld [tilespmem:s14+$0x1A270];
	v60 =	vmul.f32 $2.000000030e-01, v40  }
0x1b8: {  	v41 =	vmax.f32 v56, v59;
	v56 =	vmul.f32 v46, v3;
	v48 =	vadd.f32 v55, v32;
	v32 =	vld [tilespmem:s14+$0x17A50]  }
0x1b9: {  	v42 =	vmul.f32 v42, v8;
	v55 =	vmul.f32 $2.000000030e-01, v44;
	v40 =	vmax.f32 v40, v60  }
0x1ba: {  	v41 =	vmul.f32 v41, v1;
	v48 =	vadd.f32 v61, v48;
	v40 =	vmul.f32 v40, v2  }
0x1bb: {  	v53 =	vld [tilespmem:s14+$0x1A280];
	v44 =	vmax.f32 v44, v55;
	v52 =	vadd.f32 v52, v33;
	v49 =	vadd.f32 v49, v31  }
0x1bc: {  	v63 =	vld [tilespmem:s14+$0x1A290];
	v44 =	vmul.f32 v44, v4;
	v41 =	vadd.f32 v40, v41;
	v48 =	vadd.f32 v42, v48  }
0x1bd: {  	v46 =	vadd.f32 v57, v35;
	v40 =	vld [tilespmem:s14+$0x17A80];
	v51 =	vadd.f32 v51, v32;
	v60 =	vmul.f32 $2.000000030e-01, v49  }
0x1be: {  	v42 =	vld [tilespmem:s14+$0x17AA0];
	v58 =	vmul.f32 $2.000000030e-01, v52;
	v45 =	vadd.f32 v56, v41;
	v48 =	vmul.f32 $1.442695020e+00, v48  }
0x1bf: {  	v55 =	vmul.f32 $2.000000030e-01, v46;
	v41 =	vld [tilespmem:s14+$0x17A90];
	v61 =	vmul.f32 $2.000000030e-01, v51;
	v49 =	vmax.f32 v49, v60  }
0x1c0: {  	v56 =	vld [tilespmem:s14+$0x17AC0];
	v44 =	vadd.f32 v44, v45;
	v11 =	vpop (erf);
	(erf) = vpow2.f32 v48;
	v62 =	vmul.f32 v49, v5  }
0x1c1: {  	v50 =	vmax.f32 v51, v61;
	v27 =	vmul.f32 v11, v27;
	v51 =	vmax.f32 v52, v58;
	v52 =	vld [tilespmem:s14+$0x17AB0]  }
0x1c2: {  	v61 =	vadd.f32 v53, v40;
	v24 =	vmul.f32 v11, v24;
	v59 =	vmul.f32 v50, v6;
	v50 =	vld [tilespmem:s14+$0x1A2A0]  }
0x1c3: {  	[tilespmem:s14+$0x1C880] =	vst v38;
	v23 =	vmul.f32 v11, v23;
	v19 =	vmul.f32 v11, v19;
	v44 =	vadd.f32 v62, v44;
	v62 =	vld [tilespmem:s14+$0x1A2B0]  }
0x1c4: {  	[tilespmem:s14+$0x1C890] =	vst v36;
	v48 =	vld [tilespmem:s14+$0x1A2C0];
	v13 =	vmul.f32 v11, v13;
	v14 =	vmul.f32 v11, v14;
	v49 =	vadd.f32 v63, v41  }
0x1c5: {  	v36 =	vld [tilespmem:s14+$0x17AE0];
	[tilespmem:s14+$0x1C8A0] =	vst v37;
	v60 =	vmul.f32 v51, v7;
	v63 =	vmul.f32 $2.000000030e-01, v61;
	v44 =	vadd.f32 v59, v44  }
0x1c6: {  	[tilespmem:s14+$0x1C8B0] =	vst v34;
	v46 =	vmax.f32 v46, v55;
	v55 =	vld [tilespmem:s14+$0x17AD0];
	v12 =	vmul.f32 v11, v12;
	v57 =	vmul.f32 $2.000000030e-01, v49  }
0x1c7: {  	[tilespmem:s14+$0x1C8C0] =	vst v39;
	v45 =	vmax.f32 v61, v63;
	v44 =	vadd.f32 v60, v44;
	v60 =	vmul.f32 v46, v8;
	v46 =	vld [tilespmem:s14+$0x1A2D0]  }
0x1c8: {  	v34 =	vld [tilespmem:s14+$0x17AF0];
	[tilespmem:s14+$0x1C8E0] =	vst v43;
	v50 =	vadd.f32 v50, v42;
	v49 =	vmax.f32 v49, v57;
	v53 =	vadd.f32 v62, v52  }
0x1c9: {  	[tilespmem:s14+$0x1C8D0] =	vst v47;
	v48 =	vadd.f32 v48, v56;
	v62 =	vmul.f32 v45, v1;
	v63 =	vmul.f32 v49, v2;
	v45 =	vld [tilespmem:s14+$0x1A2E0]  }
0x1ca: {  	[tilespmem:s14+$0x1C8F0] =	vst v54;
	v61 =	vmul.f32 $2.000000030e-01, v50;
	v37 =	vadd.f32 v60, v44;
	v60 =	vld [tilespmem:s14+$0x1A2F0];
	v58 =	vmul.f32 $2.000000030e-01, v53  }
0x1cb: {  	v10 =	vmul.f32 v11, v10;
	[tilespmem:s14+$0x1C900] =	vst v27;
	v38 =	vadd.f32 v63, v62;
	v62 =	vmul.f32 $2.000000030e-01, v48  }
0x1cc: {  	[tilespmem:s14+$0x1C910] =	vst v24;
	v57 =	vmax.f32 v50, v61;
	v61 =	vmax.f32 v53, v58;
	v46 =	vadd.f32 v46, v55  }
0x1cd: {  	[tilespmem:s14+$0x1C920] =	vst v23;
	v59 =	vmul.f32 v57, v3;
	v63 =	vmul.f32 v61, v4  }
0x1ce: {  	[tilespmem:s14+$0x1C930] =	vst v19;
	v45 =	vadd.f32 v45, v36;
	v61 =	vmul.f32 $1.442695020e+00, v37;
	v51 =	vmul.f32 $2.000000030e-01, v46  }
0x1cf: {  	[tilespmem:s14+$0x1C940] =	vst v13;
	v50 =	vmax.f32 v48, v62;
	v38 =	vadd.f32 v59, v38;
	v59 =	vadd.f32 v60, v34  }
0x1d0: {  	[tilespmem:s14+$0x1C950] =	vst v14;
	v54 =	vmul.f32 v50, v5;
	(erf) = vpow2.f32 v61;
	v57 =	vmax.f32 v46, v51  }
0x1d1: {  	[tilespmem:s14+$0x1C960] =	vst v12;
	v53 =	vadd.f32 v63, v38;
	v63 =	vmul.f32 $2.000000030e-01, v59;
	v24 =	vmul.f32 v57, v6  }
0x1d2: {  	[tilespmem:s14+$0x1C970] =	vst v10  }
0x1d3: {  	v58 =	vmul.f32 $2.000000030e-01, v45;
	v60 =	vadd.f32 v54, v53;
	v37 =	vmax.f32 v59, v63;
	v59 =	vld [tilespmem:s10+$0x16200];
	[tilespmem:s14+$0x1DC80] =	vst v0  }
0x1d4: {  	[tilespmem:s14+$0x1DC90] =	vst v0  }
0x1d5: {  	v62 =	vmax.f32 v45, v58;
	[tilespmem:s14+$0x1DCA0] =	vst v0;
	v23 =	vadd.f32 v24, v60;
	v24 =	vpop (erf)  }
0x1d6: {  	v19 =	vmul.f32 v62, v7;
	[tilespmem:s14+$0x1DCB0] =	vst v0;
	v38 =	vmul.f32 v24, v15  }
0x1d7: {  	v12 =	vld [tilespmem:s14+$0x17B40];
	[tilespmem:s14+$0x1DCC0] =	vst v0;
	v10 =	vmul.f32 v24, v16  }
0x1d8: {  	v61 =	vld [tilespmem:s10+$0x16201];
	v14 =	vmul.f32 v37, v8;
	v13 =	vadd.f32 v19, v23;
	v39 =	vmul.f32 v24, v17;
	[tilespmem:s14+$0x1C980] =	vst v38  }
0x1d9: {  	v43 =	vmul.f32 v24, v20;
	v20 =	vld [tilespmem:s14+$0x17B00];
	[tilespmem:s14+$0x1C990] =	vst v10;
	v10 =	vmul.f32 v24, v18;
	v17 =	vpop (erf)  }
0x1da: {  	v19 =	vld [tilespmem:s14+$0x17B10];
	v13 =	vadd.f32 v14, v13;
	[tilespmem:s14+$0x1C9A0] =	vst v39;
	v47 =	vmul.f32 v17, v31  }
0x1db: {  	v15 =	vld [tilespmem:s14+$0x17B30];
	[tilespmem:s14+$0x1C9B0] =	vst v10;
	v10 =	vmul.f32 v24, v21  }
0x1dc: {  	v16 =	vld [tilespmem:s14+$0x17B50];
	v48 =	vmul.f32 v17, v33;
	v13 =	vmul.f32 $1.442695020e+00, v13;
	[tilespmem:s14+$0x1CA40] =	vst v47  }
0x1dd: {  	v18 =	vld [tilespmem:s14+$0x17B20];
	[tilespmem:s14+$0x1C9D0] =	vst v10;
	v10 =	vmul.f32 v24, v25  }
0x1de: {  	[tilespmem:s14+$0x1CA60] =	vst v48;
	v47 =	vld [tilespmem:s14+$0x1A350];
	(erf) = vpow2.f32 v13  }
0x1df: {  	v48 =	vld [tilespmem:s14+$0x1A360];
	[tilespmem:s14+$0x1C9F0] =	vst v10;
	v10 =	vmul.f32 v17, v28  }
0x1e0: {  	v44 =	vmul.f32 v24, v22;
	(v2sf) =	vpush v59, $0x0;
	[tilespmem:s14+$0x1C9C0] =	vst v43;
	v13 =	vld [tilespmem:s14+$0x17B60]  }
0x1e1: {  	v39 =	vld [tilespmem:s14+$0x1A310];
	[tilespmem:s14+$0x1CA10] =	vst v10;
	v10 =	vmul.f32 v17, v30  }
0x1e2: {  	[tilespmem:s14+$0x1C9E0] =	vst v44;
	v38 =	vld [tilespmem:s14+$0x1A300];
	v45 =	vmul.f32 v17, v26  }
0x1e3: {  	v14 =	vld [tilespmem:s14+$0x17B70];
	v46 =	vmul.f32 v17, v29;
	[tilespmem:s14+$0x1CA30] =	vst v10;
	v10 =	vmul.f32 v17, v32  }
0x1e4: {  	v49 =	vmul.f32 v17, v35;
	[tilespmem:s14+$0x1CA00] =	vst v45;
	v45 =	vld [tilespmem:s14+$0x1A340]  }
0x1e5: {  	[tilespmem:s14+$0x1CA20] =	vst v46;
	v25 =	vld [tilespmem:s14+$0x17BC0];
	v26 =	vadd.f32 v48, v13;
	v32 =	vadd.f32 v47, v16  }
0x1e6: {  	[tilespmem:s14+$0x1CA70] =	vst v49;
	v43 =	vadd.f32 v39, v19;
	v63 =	vld [tilespmem:s10+$0x16202]  }
0x1e7: {  	(v2sf) =	vpush v61, $0x0;
	v47 =	vld [tilespmem:s14+$0x1A3D0];
	v61 =	vmul.f32 $2.000000030e-01, v26;
	[tilespmem:s14+$0x1CA50] =	vst v10;
	v59 =	vmul.f32 $2.000000030e-01, v32;
	v10 =	vpop (erf)  }
0x1e8: {  	[tilespmem:s14+$0x1DCD0] =	vst v0;
	v46 =	vmul.f32 $2.000000030e-01, v43;
	v28 =	vld [tilespmem:s10+$0x16203];
	v50 =	vmul.f32 v10, v40  }
0x1e9: {  	[tilespmem:s14+$0x1DCE0] =	vst v0;
	v30 =	vmax.f32 v32, v59;
	v32 =	vmax.f32 v26, v61;
	v26 =	vld [tilespmem:s14+$0x17BD0];
	v51 =	vmul.f32 v10, v41  }
0x1ea: {  	v53 =	vmul.f32 v10, v42;
	v40 =	vld [tilespmem:s14+$0x1A320];
	[tilespmem:s14+$0x1CA80] =	vst v50  }
0x1eb: {  	v21 =	vmax.f32 v43, v46;
	v54 =	vmul.f32 v10, v52;
	v42 =	vld [tilespmem:s14+$0x1A330];
	[tilespmem:s14+$0x1CA90] =	vst v51  }
0x1ec: {  	v57 =	vmul.f32 v10, v56;
	v52 =	vmul.f32 v21, v2;
	v21 =	vld [tilespmem:s14+$0x17B80];
	[tilespmem:s14+$0x1CAA0] =	vst v53  }
0x1ed: {  	v58 =	vmul.f32 v10, v55;
	v56 =	vld [tilespmem:s14+$0x1A380];
	[tilespmem:s14+$0x1CAB0] =	vst v54  }
0x1ee: {  	v29 =	vadd.f32 v45, v12;
	v60 =	vmul.f32 v10, v36;
	[tilespmem:s14+$0x1CAC0] =	vst v57;
	v50 =	vld [tilespmem:s14+$0x1A370]  }
0x1ef: {  	s13 =	spop (v2sf);
	v62 =	vmul.f32 v10, v34;
	v41 =	vadd.f32 v38, v20;
	[tilespmem:s14+$0x1CAD0] =	vst v58;
	v58 =	vld [tilespmem:s14+$0x1A390]  }
0x1f0: {  	s13 =	sshll.u32 s13, $0x4;
	v55 =	vmul.f32 $2.000000030e-01, v29;
	[tilespmem:s14+$0x1CAE0] =	vst v60;
	v60 =	vld [tilespmem:s14+$0x1A3A0]  }
0x1f1: {  	s15 =	sadd.s32 $0x1DC80, s14;
	s13 =	sand.u32 $0x70, s13;
	[tilespmem:s14+$0x1CAF0] =	vst v62;
	v44 =	vmul.f32 $2.000000030e-01, v41;
	v62 =	vmul.f32 v30, v6;
	v30 =	vld [tilespmem:s14+$0x17C20]  }
0x1f2: {  	[tilespmem:s14+$0x1DCF0] =	vst v0;
	(v2sf) =	vpush v63, $0x0;
	s13 =	sor.u32 s13, s15;
	v31 =	vld [tilespmem:s10+$0x16204];
	v23 =	vadd.f32 v40, v18  }
0x1f3: {  	v32 =	vmul.f32 v32, v7;
	v29 =	vmax.f32 v29, v55;
	[tilespmem:s13+$0x0] =	vst v9;
	v9 =	vld [tilespmem:s14+$0x17BB0];
	v22 =	vmax.f32 v41, v44  }
0x1f4: {  	[tilespmem:s14+$0x1DD00] =	vst v0;
	v27 =	vadd.f32 v42, v15;
	v51 =	vmul.f32 v22, v1;
	v22 =	vld [tilespmem:s14+$0x17B90];
	v49 =	vmul.f32 $2.000000030e-01, v23  }
0x1f5: {  	[tilespmem:s14+$0x1DD10] =	vst v0;
	v29 =	vmul.f32 v29, v5;
	(v2sf) =	vpush v28, $0x0;
	v44 =	vld [tilespmem:s14+$0x1A3C0];
	v63 =	vadd.f32 v56, v21  }
0x1f6: {  	[tilespmem:s14+$0x1DD20] =	vst v0;
	v42 =	vld [tilespmem:s14+$0x1A3B0];
	v56 =	vadd.f32 v47, v26;
	v53 =	vmul.f32 $2.000000030e-01, v27;
	v23 =	vmax.f32 v23, v49  }
0x1f7: {  	[tilespmem:s14+$0x1DD30] =	vst v0;
	v34 =	vadd.f32 v52, v51;
	v43 =	vmul.f32 $2.000000030e-01, v63;
	v54 =	vmul.f32 v23, v3;
	v23 =	vld [tilespmem:s14+$0x17BA0]  }
0x1f8: {  	[tilespmem:s14+$0x1DD40] =	vst v0;
	s15 =	spop (v2sf);
	v28 =	vld [tilespmem:s14+$0x17BF0];
	v33 =	vadd.f32 v50, v14;
	(v2sf) =	vpush v31, $0x0;
	v27 =	vmax.f32 v27, v53  }
0x1f9: {  	[tilespmem:s14+$0x1DD50] =	vst v0;
	s13 =	sshll.u32 s15, $0x4;
	v50 =	vld [tilespmem:s14+$0x1A3E0];
	v27 =	vmul.f32 v27, v4;
	v57 =	vadd.f32 v54, v34;
	v34 =	vadd.f32 v58, v22  }
0x1fa: {  	s25 =	sadd.s32 $0x1DD00, s14;
	[tilespmem:s14+$0x1DD60] =	vst v0;
	s13 =	sand.u32 $0x70, s13;
	v52 =	vld [tilespmem:s14+$0x1A3F0];
	v46 =	vmax.f32 v63, v43;
	v38 =	vadd.f32 v44, v25;
	v53 =	vmul.f32 $2.000000030e-01, v33  }
0x1fb: {  	[tilespmem:s14+$0x1DD70] =	vst v0;
	s13 =	sor.u32 s13, s25;
	v31 =	vld [tilespmem:s14+$0x17C30];
	v36 =	vadd.f32 v42, v9;
	v27 =	vadd.f32 v27, v57;
	v45 =	vmul.f32 $2.000000030e-01, v34  }
0x1fc: {  	[tilespmem:s13+$0x0] =	vst v11;
	v63 =	vld [tilespmem:s14+$0x1A410];
	v11 =	vmul.f32 v46, v1;
	v55 =	vmul.f32 $2.000000030e-01, v38;
	v35 =	vadd.f32 v60, v23  }
0x1fd: {  	[tilespmem:s14+$0x1DD80] =	vst v0;
	v51 =	vmul.f32 $2.000000030e-01, v36;
	v60 =	vld [tilespmem:s14+$0x1A400];
	v27 =	vadd.f32 v29, v27;
	v34 =	vmax.f32 v34, v45  }
0x1fe: {  	[tilespmem:s14+$0x1DD90] =	vst v0;
	v61 =	vmax.f32 v38, v55;
	v45 =	vld [tilespmem:s14+$0x1A420];
	v48 =	vmul.f32 $2.000000030e-01, v35;
	v49 =	vmul.f32 v34, v2  }
0x1ff: {  	[tilespmem:s14+$0x1DDA0] =	vst v0;
	v36 =	vmax.f32 v36, v51;
	v57 =	vmax.f32 v33, v53;
	v29 =	vadd.f32 v62, v27;
	v27 =	vld [tilespmem:s14+$0x17BE0]  }
0x200: {  	[tilespmem:s14+$0x1DDB0] =	vst v0;
	v43 =	vmul.f32 v61, v5;
	v35 =	vmax.f32 v35, v48;
	v54 =	vadd.f32 v49, v11;
	v11 =	vld [tilespmem:s14+$0x17C00]  }
0x201: {  	[tilespmem:s14+$0x1DDC0] =	vst v0;
	v62 =	vmul.f32 $2.000000030e-01, v56;
	v32 =	vadd.f32 v32, v29;
	v35 =	vmul.f32 v35, v3;
	v29 =	vld [tilespmem:s14+$0x17C10]  }
0x202: {  	[tilespmem:s14+$0x1DDD0] =	vst v0;
	s15 =	spop (v2sf);
	v59 =	vmul.f32 v36, v4;
	v40 =	vmul.f32 v57, v8;
	v48 =	vld [tilespmem:s14+$0x1A430]  }
0x203: {  	[tilespmem:s14+$0x1DDE0] =	vst v0;
	s13 =	sshll.u32 s15, $0x4;
	v44 =	vmax.f32 v56, v62;
	v37 =	vadd.f32 v45, v30;
	v58 =	vadd.f32 v35, v54  }
0x204: {  	[tilespmem:s14+$0x1DDF0] =	vst v0;
	s25 =	sadd.s32 $0x1DD80, s14;
	s13 =	sand.u32 $0x70, s13;
	v46 =	vmul.f32 v44, v6;
	v32 =	vadd.f32 v40, v32;
	v34 =	vadd.f32 v50, v27  }
0x205: {  	[tilespmem:s14+$0x1DE00] =	vst v0;
	s13 =	sor.u32 s13, s25;
	v50 =	vadd.f32 v52, v28;
	v56 =	vmul.f32 $2.000000030e-01, v37;
	v33 =	vadd.f32 v59, v58  }
0x206: {  	[tilespmem:s13+$0x0] =	vst v24;
	v24 =	vld [tilespmem:s14+$0x17C40];
	v32 =	vmul.f32 $1.442695020e+00, v32;
	v36 =	vadd.f32 v60, v11;
	v49 =	vadd.f32 v63, v29  }
0x207: {  	[tilespmem:s14+$0x1DE10] =	vst v0;
	v52 =	vld [tilespmem:s14+$0x1A440];
	v41 =	vadd.f32 v48, v31;
	v47 =	vmul.f32 $2.000000030e-01, v34;
	v37 =	vmax.f32 v37, v56  }
0x208: {  	[tilespmem:s14+$0x1DE20] =	vst v0;
	v55 =	vld [tilespmem:s14+$0x1A450];
	v33 =	vadd.f32 v43, v33;
	v51 =	vmul.f32 $2.000000030e-01, v36;
	v53 =	vmul.f32 $2.000000030e-01, v49  }
0x209: {  	[tilespmem:s14+$0x1DE30] =	vst v0;
	(erf) = vpow2.f32 v32;
	v32 =	vld [tilespmem:s14+$0x17C50];
	v58 =	vmul.f32 $2.000000030e-01, v41;
	v34 =	vmax.f32 v34, v47  }
0x20a: {  	[tilespmem:s14+$0x1DE40] =	vst v0;
	v57 =	vld [tilespmem:s14+$0x1A460];
	v34 =	vmul.f32 v34, v7;
	v36 =	vmax.f32 v36, v51;
	v35 =	vmax.f32 v49, v53  }
0x20b: {  	[tilespmem:s14+$0x1DE50] =	vst v0;
	s15 =	spop (v2sf);
	v43 =	vld [tilespmem:s14+$0x17C60];
	v33 =	vadd.f32 v46, v33;
	v36 =	vmul.f32 v36, v1;
	v35 =	vmul.f32 v35, v2  }
0x20c: {  	[tilespmem:s14+$0x1DE60] =	vst v0;
	s13 =	sshll.u32 s15, $0x4;
	v44 =	vld [tilespmem:s14+$0x17C70];
	v54 =	vmul.f32 $2.000000030e-01, v50;
	v59 =	vmul.f32 v37, v3;
	v40 =	vadd.f32 v52, v24  }
0x20d: {  	[tilespmem:s14+$0x1DE70] =	vst v0;
	s25 =	sadd.s32 $0x1DE00, s14;
	s13 =	sand.u32 $0x70, s13;
	v60 =	vld [tilespmem:s14+$0x1A470];
	v61 =	vmax.f32 v41, v58;
	v33 =	vadd.f32 v34, v33;
	v35 =	vadd.f32 v35, v36  }
0x20e: {  	[tilespmem:s14+$0x1DE80] =	vst v0;
	s13 =	sor.u32 s13, s25;
	v34 =	vmax.f32 v50, v54;
	v62 =	vmul.f32 $2.000000030e-01, v40;
	v39 =	vadd.f32 v55, v32  }
0x20f: {  	[tilespmem:s13+$0x0] =	vst v17;
	v17 =	vmul.f32 v61, v4;
	v34 =	vmul.f32 v34, v8;
	v63 =	vadd.f32 v59, v35  }
0x210: {  	[tilespmem:s14+$0x1DE90] =	vst v0;
	v38 =	vadd.f32 v57, v43;
	v42 =	vmax.f32 v40, v62;
	v45 =	vmul.f32 $2.000000030e-01, v39  }
0x211: {  	[tilespmem:s14+$0x1DEA0] =	vst v0;
	v33 =	vadd.f32 v34, v33;
	v46 =	vmul.f32 v42, v5;
	v17 =	vadd.f32 v17, v63  }
0x212: {  	[tilespmem:s14+$0x1DEB0] =	vst v0;
	v37 =	vadd.f32 v60, v44;
	v48 =	vmul.f32 $2.000000030e-01, v38;
	v47 =	vmax.f32 v39, v45  }
0x213: {  	[tilespmem:s14+$0x1DEC0] =	vst v0;
	s15 =	spop (v2sf);
	v33 =	vmul.f32 $1.442695020e+00, v33;
	v49 =	vmul.f32 v47, v6;
	v17 =	vadd.f32 v46, v17  }
0x214: {  	[tilespmem:s14+$0x1DED0] =	vst v0;
	s13 =	sshll.u32 s15, $0x4;
	v51 =	vmul.f32 $2.000000030e-01, v37;
	v50 =	vmax.f32 v38, v48  }
0x215: {  	[tilespmem:s14+$0x1DEE0] =	vst v0;
	s25 =	sadd.s32 $0x1DE80, s14;
	s13 =	sand.u32 $0x70, s13;
	(erf) = vpow2.f32 v33;
	v33 =	vmul.f32 v50, v7;
	v17 =	vadd.f32 v49, v17  }
0x216: {  	[tilespmem:s14+$0x1DEF0] =	vst v0;
	s13 =	sor.u32 s13, s25;
	v53 =	vmax.f32 v37, v51;
	v52 =	vpop (erf)  }
0x217: {  	[tilespmem:s13+$0x0] =	vst v10;
	v55 =	vmul.f32 v53, v8;
	v20 =	vmul.f32 v52, v20;
	v10 =	vadd.f32 v33, v17  }
0x218: {  	v54 =	vmul.f32 v52, v19  }
0x219: {  	v18 =	vmul.f32 v52, v18;
	[tilespmem:s14+$0x1CB00] =	vst v20;
	v10 =	vadd.f32 v55, v10  }
0x21a: {  	v15 =	vmul.f32 v52, v15;
	[tilespmem:s14+$0x1CB10] =	vst v54  }
0x21b: {  	v12 =	vmul.f32 v52, v12;
	[tilespmem:s14+$0x1CB20] =	vst v18;
	v10 =	vmul.f32 $1.442695020e+00, v10  }
0x21c: {  	v56 =	vmul.f32 v52, v16;
	[tilespmem:s14+$0x1CB30] =	vst v15  }
0x21d: {  	[tilespmem:s14+$0x1CB40] =	vst v12;
	(erf) = vpow2.f32 v10;
	v10 =	vmul.f32 v52, v14  }
0x21e: {  	v57 =	vmul.f32 v52, v13;
	[tilespmem:s14+$0x1CB50] =	vst v56;
	v58 =	vpop (erf)  }
0x21f: {  	[tilespmem:s14+$0x1CB70] =	vst v10;
	v10 =	vmul.f32 v58, v22  }
0x220: {  	[tilespmem:s14+$0x1CB60] =	vst v57;
	v59 =	vmul.f32 v58, v21  }
0x221: {  	[tilespmem:s14+$0x1CB90] =	vst v10;
	v10 =	vmul.f32 v58, v25  }
0x222: {  	v9 =	vmul.f32 v58, v9;
	[tilespmem:s14+$0x1CB80] =	vst v59  }
0x223: {  	v61 =	vmul.f32 v58, v23;
	[tilespmem:s14+$0x1CBC0] =	vst v10;
	v10 =	vmul.f32 v58, v27  }
0x224: {  	[tilespmem:s14+$0x1CBB0] =	vst v9;
	v9 =	vmul.f32 v58, v26;
	v60 =	vld [tilespmem:s10+$0x16205]  }
0x225: {  	[tilespmem:s14+$0x1CBA0] =	vst v61  }
0x226: {  	[tilespmem:s14+$0x1CBD0] =	vst v9;
	v9 =	vmul.f32 v58, v28  }
0x227: {  	[tilespmem:s14+$0x1CBE0] =	vst v10;
	v10 =	vpop (erf)  }
0x228: {  	[tilespmem:s14+$0x1CBF0] =	vst v9;
	v9 =	vmul.f32 v10, v11  }
0x229: {  	[tilespmem:s14+$0x1DF00] =	vst v0;
	(v2sf) =	vpush v60, $0x0;
	v11 =	vmul.f32 v10, v29  }
0x22a: {  	[tilespmem:s14+$0x1CC00] =	vst v9  }
0x22b: {  	v9 =	vld [tilespmem:s10+$0x16206];
	[tilespmem:s14+$0x1CC10] =	vst v11;
	v11 =	vmul.f32 v10, v31  }
0x22c: {  	[tilespmem:s14+$0x1DF10] =	vst v0;
	v62 =	vmul.f32 v10, v30  }
0x22d: {  	[tilespmem:s14+$0x1CC30] =	vst v11;
	v11 =	vmul.f32 v10, v32  }
0x22e: {  	v63 =	vmul.f32 v10, v24;
	[tilespmem:s14+$0x1CC20] =	vst v62  }
0x22f: {  	[tilespmem:s14+$0x1CC50] =	vst v11;
	v11 =	vmul.f32 v10, v44  }
0x230: {  	[tilespmem:s14+$0x1CC40] =	vst v63;
	(v2sf) =	vpush v9, $0x0;
	v9 =	vmul.f32 v10, v43  }
0x231: {  	[tilespmem:s14+$0x1CC70] =	vst v11  }
0x232: {  	[tilespmem:s14+$0x1CC60] =	vst v9  }
0x233: {  	[tilespmem:s14+$0x1DF20] =	vst v0;
	v9 =	vld [tilespmem:s10+$0x16207]  }
0x234: {  	[tilespmem:s14+$0x1DF30] =	vst v0  }
0x235: {  	[tilespmem:s14+$0x1DF40] =	vst v0  }
0x236: {  	[tilespmem:s14+$0x1DF50] =	vst v0  }
0x237: {  	[tilespmem:s14+$0x1DF60] =	vst v0  }
0x238: {  	[tilespmem:s14+$0x1DF70] =	vst v0;
	s15 =	spop (v2sf);
	(v2sf) =	vpush v9, $0x0  }
0x239: {  	[tilespmem:s14+$0x1DF80] =	vst v0  }
0x23a: {  	[tilespmem:s14+$0x1DF90] =	vst v0  }
0x23b: {  	[tilespmem:s14+$0x1DFA0] =	vst v0  }
0x23c: {  	[tilespmem:s14+$0x1DFB0] =	vst v0  }
0x23d: {  	[tilespmem:s14+$0x1DFC0] =	vst v0  }
0x23e: {  	[tilespmem:s14+$0x1DFD0] =	vst v0  }
0x23f: {  	[tilespmem:s14+$0x1DFE0] =	vst v0  }
0x240: {  	[tilespmem:s14+$0x1DFF0] =	vst v0  }
0x241: {  	[tilespmem:s14+$0x1E000] =	vst v0  }
0x242: {  	[tilespmem:s14+$0x1E010] =	vst v0;
	s13 =	sshll.u32 s15, $0x4  }
0x243: {  	s25 =	sadd.s32 $0x1DF00, s14;
	[tilespmem:s14+$0x1E020] =	vst v0;
	s13 =	sand.u32 $0x70, s13  }
0x244: {  	[tilespmem:s14+$0x1E030] =	vst v0;
	s13 =	sor.u32 s13, s25;
	s15 =	spop (v2sf)  }
0x245: {  	[tilespmem:s13+$0x0] =	vst v52;
	s13 =	sshll.u32 s15, $0x4  }
0x246: {  	p0 =	slt.u32 s10, $0x20;
	[tilespmem:s14+$0x1E040] =	vst v0;
	s25 =	sadd.s32 $0x1DF80, s14;
	s13 =	sand.u32 $0x70, s13  }
.Ltmp3:
0x247: {  	[tilespmem:s14+$0x1E050] =	vst v0;
	s13 =	sor.u32 s13, s25;
	s15 =	spop (v2sf);
	(pc) =	sbr.rel @p0 .LBB2_9-.Ltmp3, $4  }
0x248: {  	[tilespmem:s13+$0x0] =	vst v58;
	s13 =	sshll.u32 s15, $0x4  }
0x249: {  	[tilespmem:s14+$0x1E060] =	vst v0;
	s25 =	sadd.s32 $0x1E000, s14;
	s13 =	sand.u32 $0x70, s13  }
0x24a: {  	[tilespmem:s14+$0x1E070] =	vst v0;
	s13 =	sor.u32 s13, s25;
	s25 =	sadd.s32 $0x8, s10  }
0x24b: {  	[tilespmem:s13+$0x0] =	vst v10;
	s10 =	smov.u32 s25  }
0x24c: {  	v9 =	vld [tilespmem:$0x16200]  }
0x24d: {  	v10 =	vld [tilespmem:$0x16210]  }
0x24e: {  	v11 =	vld [tilespmem:$0x16218];
	_ =	sdelay $0x2  }
0x24f: {  	[tilespmem:$0x16400] =	vst v9  }
0x250: {  	s9 =	sadd.s32 $0x1, s9;
	[tilespmem:$0x16410] =	vst v10  }
0x251: {  	p0 =	sne.s32 s9, $0x7D;
	[tilespmem:$0x16418] =	vst v11  }
0x252: {  	[spmem:s2] =	stream.indirect.scatter.add.f32 [tilespmem:s31], [sflag:$0x7], $0x80, s18, s20, $0xb8;
	[tilespmem:$0x1F100] =	vst v63  }
.Ltmp4:
0x253: {  	_ = 	snop;
	(pc) =	sbr.rel @p0 .LBB2_6-.Ltmp4, $4  }
0x254: {  	_ =	swait.ge [sflag:s17], $0x1400  }
0x255: {  	[sflag:s17] =	ssyncset.done $0x0  }
0x256: {  	[sflag:s17] =	ssyncadd.s32 $0xFFFFEC00  }
0x257: {  	[spmem:s2] =	stream.indirect.scatter.add.f32 [tilespmem:s6], [sflag:$0x6], $0x80, s19, s20, $0xb8;
	[tilespmem:$0x1F100] =	vst v63  }
0x258: {  	s9 =	simm.s32 $0x5  }
0x259: {  	_ =	swait.ge [sflag:s9], $0x1400  }
0x25a: {  	[sflag:s9] =	ssyncset.done $0x0  }
0x25b: {  	s14 =	simm.s32 $0x6;
	[sflag:s9] =	ssyncadd.s32 $0xFFFFEC00  }
0x25c: {  	s15 =	sadd.s32 $0x0, s4;
	_ =	swait.ge [sflag:s14], $0x1400  }
0x25d: {  	p0 =	sgt.u32 s15, $0x119;
	[sflag:s14] =	ssyncset.done $0x0  }
0x25e: {  	s13 =	simm.s32 @!p0 $0x8;
	[sflag:s14] =	ssyncadd.s32 $0xFFFFEC00  }
0x25f: {  	s9 =	simm.s32 @!p0 $0x16480;
	p0 =	por p0, p0;
	[bflag:$0x0] =	sbarrier.arrive $0xFFFF  }
0x260: {  	[tilespmem:s9], [sflag:$0x8] =	stream.linear.gather @!p0 [spmem:s26], $0x1400, $0x38;
	[tilespmem:$0x1F100] =	vst v63  }
0x261: {  	s10 =	simm.s32 $0x20;
	_ =	swait.ge @!p0 [sflag:s13], $0x1400  }
0x262: {  	s25 =	sadd.s32 $0x10, s4;
	s15 =	simm.s32 @!p0 $0x7;
	[sflag:s13] =	ssyncset.done @!p0 $0x0  }
0x263: {  	s14 =	rddreg [dreg:$0x8];
	[sflag:s13] =	ssyncadd.s32 @!p0 $0xFFFFEC00;
	s13 =	simm.s32 @!p0 $0x0  }
0x264: {  	[hbm4b:s14+s13] =	stream.linear.scatter @!p0 [tilespmem:s9], [sflag:$0x7], $0x1400, $0x38;
	[tilespmem:$0x1F100] =	vst v63  }
0x265: {  	s30 =	smov.u32 s26;
	p1 =	sgt.u32 s25, $0x119;
	_ =	swait.ge @!p0 [sflag:s15], $0x1400  }
0x266: {  	s9 =	sadd.s32 $0x2800, s14;
	s14 =	sadd.s32 $0x14000, s26;
	[sflag:s15] =	ssyncset.done @!p0 $0x0  }
.LBB2_12:
0x267: {  	s13 =	simm.s32 @!p1 $0x16480;
	s25 =	simm.s32 @!p1 $0x8;
	[sflag:s15] =	ssyncadd.s32 @!p0 $0xFFFFEC00  }
0x268: {  	s26 =	smov.u32 s10;
	p0 =	por p1, p1;
	s10 =	sadd.s32 $0x10, s10  }
0x269: {  	[tilespmem:s13], [sflag:$0x8] =	stream.linear.gather @!p0 [spmem:s14], $0x1400, $0x38;
	[tilespmem:$0x1F100] =	vst v63  }
0x26a: {  	p2 =	sne.s32 s10, $0x120;
	_ =	swait.ge @!p0 [sflag:s25], $0x1400  }
.Ltmp5:
0x26b: {  	[sflag:s25] =	ssyncset.done @!p0 $0x0;
	(pc) =	sbr.rel @p2 .LBB2_12-.Ltmp5, $4  }
0x26c: {  	s15 =	simm.s32 @!p0 $0x7;
	[sflag:s25] =	ssyncadd.s32 @!p0 $0xFFFFEC00;
	s25 =	simm.s32 @!p0 $0x0  }
0x26d: {  	[hbm4b:s9+s25] =	stream.linear.scatter @!p0 [tilespmem:s13], [sflag:$0x7], $0x1400, $0x38;
	[tilespmem:$0x1F100] =	vst v63  }
0x26e: {  	s13 =	sadd.s32 s26, s4;
	s9 =	sadd.s32 $0x2800, s9;
	_ =	swait.ge @!p0 [sflag:s15], $0x1400  }
0x26f: {  	s14 =	sadd.s32 $0x14000, s14;
	p1 =	sgt.u32 s13, $0x119;
	[sflag:s15] =	ssyncset.done @!p0 $0x0  }
0x270: {  	s10 =	simm.s32 @!p1 $0x16480  }
0x271: {  	s13 =	simm.s32 @!p1 $0x8;
	[sflag:s15] =	ssyncadd.s32 @!p0 $0xFFFFEC00;
	p0 =	por p1, p1  }
0x272: {  	[tilespmem:s10], [sflag:$0x8] =	stream.linear.gather @!p0 [spmem:s14], $0x1400, $0x38;
	[tilespmem:$0x1F100] =	vst v63  }
0x273: {  	_ =	swait.ge @!p0 [sflag:s13], $0x1400  }
0x274: {  	[sflag:s13] =	ssyncset.done @!p0 $0x0  }
0x275: {  	s14 =	simm.s32 @!p0 $0x7;
	[sflag:s13] =	ssyncadd.s32 @!p0 $0xFFFFEC00;
	s13 =	simm.s32 @!p0 $0x0  }
0x276: {  	[hbm4b:s9+s13] =	stream.linear.scatter @!p0 [tilespmem:s10], [sflag:$0x7], $0x1400, $0x38;
	[tilespmem:$0x1F100] =	vst v63  }
0x277: {  	_ =	swait.ge @!p0 [sflag:s14], $0x1400  }
0x278: {  	s25 =	rddreg [dreg:$0x9]  }
0x279: {  	s26 =	rddreg [dreg:$0x7];
	s10 =	sadd.s32 $0x1, s25  }
0x27a: {  	p1 =	sne.s32 s10, s26  }
.Ltmp6:
0x27b: {  	_ = 	snop;
	(pc) =	sbr.rel @p1 .LBB2_1-.Ltmp6, $3  }
0x27c: {  	_ =	sdelay $0x1  }
0x27d: {  	[sflag:s14] =	ssyncset.done @!p0 $0x0  }
0x27e: {  	[sflag:s14] =	ssyncadd.s32 @!p0 $0xFFFFEC00;
	s26 =	smov.u32 s30;
	s30 =	simm.s32 $0x17880  }
0x27f: {  	_ =	sfence.sel $0x180000  }
0x280: {  	[bflag:$0x0] =	sbarrier.arrive $0xFFFF  }
0x281: {  	_ =	strace $0x9000004A  }
0x282: {  	[bflag:$0x2] =	sbarrier.arrive $0xFFFF  }
0x283: {  	p0 =	sne.s32 s4, $0x0;
	s0 =	rddreg [dreg:$0x3]  }
0x284: {  	s0 =	sadd.s32 @!p0 $0x100000, s0  }
0x285: {  	[sflag:s0] =	ssyncadd.tile.s32 @!p0 $0x1;
	_ =	shalt  }
.Lfunc_end2:
_tile_overlayer_lowered:
.L_overlay_start_2:
0x286: {  	(tag) =	ssettag $0x2  }
0x287: {  	s0 =	rddreg [dreg:$0x0];
	s2 =	stileid.u32  }
0x288: {  	s1 =	rddreg [dreg:$0x1];
	p0 =	sne.s32 s2, $0x0  }
0x289: {  	s3 =	rddreg [dreg:$0x2];
	[bflag:$0x3] =	sbarrier.arrive $0xFFFF;
	s2 =	simm.s32 @!p0 $0x1C07  }
0x28a: {  	[timem:s3], [sflag:s2] =	dma.local @!p0 [hbm:s0], s1  }
0x28b: {  	s0 =	simm.s32 @!p0 $0x7  }
0x28c: {  	_ =	swait.ge @!p0 [sflag:s0], s1  }
0x28d: {  	s1 =	ssub.s32 @!p0 $0x0, s1;
	[sflag:s0] =	ssyncset.done @!p0 $0x0  }
0x28e: {  	[sflag:s0] =	ssyncadd.s32 @!p0 s1  }
0x28f: {  	[bflag:$0x3] =	sbarrier.arrive $0xFFFF  }
0x290: {  	_ =	shalt  }

// kernel: kernel.7.cloned.1.call-start
scs
__scs_entry_jumppad:
0x0: {  	(pc) =	sbr.rel $0x88, $3  }
0x1: {  	(tag) =	ssettag $0x0;
	lr =	simm.s32 $0x1  }
0x2: {  	[smem:$0x3F93] =	sst lr;
	_ =	strace $0xD0000000  }
0x3: {  	_ = 	snop  }
0x4: {  	_ = 	snop  }
0x5: {  	_ = 	snop  }
0x6: {  	_ = 	snop  }
0x7: {  	_ = 	snop  }
__scs_overlays_trampoline_lowered:
0x8: {  	[smem:$0x3FA2] =	sst s0  }
0x9: {  	[smem:$0x3FA3] =	sst s1  }
0xa: {  	[smem:$0x3FA4] =	sst s2  }
0xb: {  	[smem:$0x3FA5] =	sst s3  }
0xc: {  	[smem:$0x3FA6] =	sst s4  }
0xd: {  	[smem:$0x3FA7] =	sst s5  }
0xe: {  	[smem:$0x3FA8] =	sst s6  }
0xf: {  	[smem:$0x3FA9] =	sst s7  }
0x10: {  	[smem:$0x3FAA] =	sst s8  }
0x11: {  	[smem:$0x3FAB] =	sst s9;
	s0 =	simm.s32 @!p0 $0x0  }
0x12: {  	s1 =	sld [smem:$0x3F91];
	s0 =	simm.s32 @p0 $0x1  }
0x13: {  	[smem:$0x3FAC] =	sst s0;
	s0 =	simm.s32 @!p1 $0x0  }
0x14: {  	s2 =	sld [smem:$0x3F90];
	s0 =	simm.s32 @p1 $0x1  }
0x15: {  	[smem:$0x3FAD] =	sst s0;
	s0 =	simm.s32 @!p2 $0x0  }
0x16: {  	s3 =	sld [smem:$0x3FDB];
	s0 =	simm.s32 @p2 $0x1  }
0x17: {  	s4 =	simm.s32 $0x1BF5;
	[smem:$0x3FAF] =	sst s0  }
0x18: {  	s0 =	sld [smem:$0x3F92];
	_ =	swait.ge [sflag:s4], $0x0  }
0x19: {  	s7 =	sld [smem:$0x3F93]  }
0x1a: {  	s8 =	sadd.s32 $0xFFFFE003, lr  }
0x1b: {  	s9 =	sadd.s32 $0xFFFFFEF7, lr;
	s5 =	simm.s32 $0xFFFFFFFF;
	p2 =	slt.u32 s8, $0xFFFFF086  }
0x1c: {  	p1 =	slt.u32 s9, $0xF7A;
	s5 =	simm.s32 @!p2 $0x0  }
0x1d: {  	s5 =	simm.s32 @p1 $0x1;
	p0 =	seq.s32 s7, s2  }
0x1e: {  	s7 =	smul.u32 @!p0 $0xF7A, s2;
	p2 =	seq.s32 @!p0 s5, $0x0  }
0x1f: {  	s9 =	smul.u32 $0xF7A, s1;
	s8 =	simm.s32 @!p0 $0x1BF5;
	p2 =	por !p2, p0  }
0x20: {  	[sflag:s8] =	ssyncset.s32 @!p0 $0xFFFFF086;
	s6 =	sadd.s32 @!p0 s3, s7;
	s7 =	simm.s32 @!p0 $0x108  }
0x21: {  	s3 =	sadd.s32 s3, s9;
	s6 =	sadd.s32 @!p0 $0x88, s6;
	s7 =	simm.s32 @p2 $0x1082  }
0x22: {  	[simem:s7], [sflag:s8] =	dma.local @!p0 [hbm:s6], $0xF7A  }
0x23: {  	s9 =	sor.u32 $0xD0000000, s2;
	s6 =	simm.s32 $0x108;
	_ =	swait.ge @!p0 [sflag:s8], $0x0  }
0x24: {  	s3 =	sadd.s32 $0x88, s3;
	s6 =	simm.s32 @!p1 $0x1082;
	[sflag:s4] =	ssyncset.s32 $0xFFFFF086  }
0x25: {  	[simem:s6], [sflag:s4] =	dma.local [hbm:s3], $0xF7A  }
0x26: {  	[smem:$0x3F93] =	sst s1;
	(tag) =	ssettag s2;
	_ =	strace s9  }
0x27: {  	s1 =	sld [smem:$0x3FA3]  }
0x28: {  	s2 =	sld [smem:$0x3FA4]  }
0x29: {  	s4 =	sld [smem:$0x3FA6]  }
0x2a: {  	p0 =	seq.s32 s5, $0x0;
	s5 =	sld [smem:$0x3FA7]  }
0x2b: {  	s6 =	sld [smem:$0x3FA8]  }
0x2c: {  	s7 =	sld [smem:$0x3FA9]  }
0x2d: {  	s3 =	simm.s32 $0x108;
	s8 =	sld [smem:$0x3FAA]  }
0x2e: {  	s3 =	simm.s32 @!p0 $0x1082;
	s9 =	sld [smem:$0x3FAB]  }
0x2f: {  	lr =	sadd.s32 s0, s3;
	s0 =	sld [smem:$0x3FA2]  }
0x30: {  	s3 =	sld [smem:$0x3FA5]  }
0x31: {  	[smem:$0x3FAE] =	sst s10  }
0x32: {  	s10 =	sld [smem:$0x3FAC];
	_ =	sdelay $0x3  }
0x33: {  	p0 =	seq.s32 s10, $0x1;
	s10 =	sld [smem:$0x3FAE];
	_ =	sdelay $0x3  }
0x34: {  	[smem:$0x3FAE] =	sst s10  }
0x35: {  	s10 =	sld [smem:$0x3FAD];
	_ =	sdelay $0x3  }
0x36: {  	p1 =	seq.s32 s10, $0x1;
	s10 =	sld [smem:$0x3FAE];
	_ =	sdelay $0x3  }
0x37: {  	[smem:$0x3FAE] =	sst s10  }
0x38: {  	s10 =	sld [smem:$0x3FAF]  }
0x39: {  	_ = 	snop;
	(pc) =	sbr.ind lr, $3  }
0x3a: {  	_ = 	snop  }
0x3b: {  	_ = 	snop  }
0x3c: {  	p2 =	seq.s32 s10, $0x1;
	s10 =	sld [smem:$0x3FAE]  }
0x3d: {  	_ =	shalt  }
0x3e: {  	_ =	shalt  }
0x3f: {  	_ =	shalt  }
0x40: {  	_ =	shalt  }
0x41: {  	_ =	shalt  }
0x42: {  	_ =	shalt  }
0x43: {  	_ =	shalt  }
0x44: {  	_ =	shalt  }
0x45: {  	_ =	shalt  }
0x46: {  	_ =	shalt  }
0x47: {  	_ =	shalt  }
0x48: {  	_ =	shalt  }
0x49: {  	_ =	shalt  }
0x4a: {  	_ =	shalt  }
0x4b: {  	_ =	shalt  }
0x4c: {  	_ =	shalt  }
0x4d: {  	_ =	shalt  }
0x4e: {  	_ =	shalt  }
0x4f: {  	_ =	shalt  }
0x50: {  	_ =	shalt  }
0x51: {  	_ =	shalt  }
0x52: {  	_ =	shalt  }
0x53: {  	_ =	shalt  }
0x54: {  	_ =	shalt  }
0x55: {  	_ =	shalt  }
0x56: {  	_ =	shalt  }
0x57: {  	_ =	shalt  }
0x58: {  	_ =	shalt  }
0x59: {  	_ =	shalt  }
0x5a: {  	_ =	shalt  }
0x5b: {  	_ =	shalt  }
0x5c: {  	_ =	shalt  }
0x5d: {  	_ =	shalt  }
0x5e: {  	_ =	shalt  }
0x5f: {  	_ =	shalt  }
0x60: {  	_ =	shalt  }
0x61: {  	_ =	shalt  }
0x62: {  	_ =	shalt  }
0x63: {  	_ =	shalt  }
0x64: {  	_ =	shalt  }
0x65: {  	_ =	shalt  }
0x66: {  	_ =	shalt  }
0x67: {  	_ =	shalt  }
0x68: {  	_ =	shalt  }
0x69: {  	_ =	shalt  }
0x6a: {  	_ =	shalt  }
0x6b: {  	_ =	shalt  }
0x6c: {  	_ =	shalt  }
0x6d: {  	_ =	shalt  }
0x6e: {  	_ =	shalt  }
0x6f: {  	_ =	shalt  }
0x70: {  	_ =	shalt  }
0x71: {  	_ =	shalt  }
0x72: {  	_ =	shalt  }
0x73: {  	_ =	shalt  }
0x74: {  	_ =	shalt  }
0x75: {  	_ =	shalt  }
0x76: {  	_ =	shalt  }
0x77: {  	_ =	shalt  }
0x78: {  	_ =	shalt  }
0x79: {  	_ =	shalt  }
0x7a: {  	_ =	shalt  }
0x7b: {  	_ =	shalt  }
0x7c: {  	_ =	shalt  }
0x7d: {  	_ =	shalt  }
0x7e: {  	_ =	shalt  }
0x7f: {  	_ =	shalt  }
0x80: {  	_ =	shalt  }
0x81: {  	_ =	shalt  }
0x82: {  	_ =	shalt  }
0x83: {  	_ =	shalt  }
0x84: {  	_ =	shalt  }
0x85: {  	_ =	shalt  }
0x86: {  	_ =	shalt  }
0x87: {  	_ =	shalt  }
.Lfunc_end0:
.L_simem_size_0:
called_computation_lowered:
.L_overlay_start_0:
0x88: {  	s2 =	sld [smem:$0x3FD9]  }
0x89: {  	s3 =	sld [smem:$0x3FFE];
	_ =	sdelay $0x1  }
0x8a: {  	s1 =	srdreg.scid  }
0x8b: {  	s0 =	sand.u32 $0x1, s1  }
0x8c: {  	s17 =	sshll.u32 s0, $0xA;
	s2 =	sadd.s32 s3, s2  }
0x8d: {  	s2 =	sadd.s32 s2, s17  }
0x8e: {  	[smem:$0x3FBA] =	sst s2  }
0x8f: {  	_ = 	snop  }
0x90: {  	s2 =	sld [smem:$0x3FD0];
	(tm) =	ssettm $0x1  }
0x91: {  	s18 =	sld [smem:$0x3FFB];
	_ =	sdelay $0x3  }
0x92: {  	_ =	strace s18  }
0x93: {  	s3 =	sld [smem:$0x3FFC];
	_ =	sdelay $0x3  }
0x94: {  	_ =	strace s3  }
0x95: {  	s3 =	sld [smem:$0x3FFD];
	_ =	sdelay $0x3  }
0x96: {  	_ =	strace s3  }
0x97: {  	_ =	strace $0x8FFFFFFF  }
0x98: {  	s19 =	sld [smem:$0x3FDB];
	_ =	sdelay $0x1  }
0x99: {  	s4 =	simm.s32 $_scs_section_size  }
0x9a: {  	s5 =	simm.s32 $_size__tile_overlayer_lowered;
	s6 =	simm.s32 $_tile_overlayer_lowered  }
0x9b: {  	s22 =	simm.s32 $0x1BFF;
	s21 =	sshll.u32 s6, $0x1;
	s3 =	sadd.s32 s4, s19  }
0x9c: {  	s7 =	simm.s32 $0x0;
	s20 =	sshll.u32 s5, $0x1;
	s5 =	sadd.s32 s21, s3  }
0x9d: {  	[timem:s7], [sflag:s22] =	dma.local [hbm:s5], s20  }
0x9e: {  	_ =	swait.ge [sflag:s22], s20  }
0x9f: {  	s4 =	ssub.s32 $0x0, s20;
	[sflag:s22] =	ssyncset.done $0x0  }
0xa0: {  	[sflag:s22] =	ssyncadd.s32 s4;
	_ =	sdelay $0x1  }
0xa1: {  	s23 =	simm.s32 $0x1B8B  }
0xa2: {  	_ =	swait.ge [sflag:s23], $0x1  }
0xa3: {  	[sflag:s23] =	ssyncset.done $0x0  }
0xa4: {  	s25 =	simm.s32 $0x1B8E;
	s24 =	sld [smem:$0x3FFE];
	[sflag:s23] =	ssyncadd.s32 $0xFFFFFFFF  }
0xa5: {  	s26 =	simm.s32 $execute0_lowered;
	[smem:$0x3FD2] =	sst s25  }
0xa6: {  	s5 =	sshll.u32 s26, $0x1;
	_ =	strace $0x80000046;
	[dreg:$0x1] =	wrdreg $0xFFFFFFFF  }
0xa7: {  	s28 =	simm.s32 $_size_execute0_lowered;
	s3 =	sadd.s32 s3, s5;
	[dreg:$0x0] =	wrdreg $0x0  }
0xa8: {  	s5 =	sshll.u32 s28, $0x1;
	[dreg:$0x2] =	wrdreg s3  }
0xa9: {  	[dreg:$0x3] =	wrdreg s5  }
0xaa: {  	[dreg:$0x4] =	wrdreg $0xC0  }
0xab: {  	_ =	task [dreg:s7], $0x5FFFF  }
0xac: {  	[dreg:$0x1] =	wrdreg $0xFFFFFFFF  }
0xad: {  	[dreg:$0x0] =	wrdreg $0x60  }
0xae: {  	[dreg:$0x2] =	wrdreg s2  }
0xaf: {  	[dreg:$0x3] =	wrdreg s24  }
0xb0: {  	[dreg:$0x4] =	wrdreg $0x0  }
0xb1: {  	[dreg:$0x5] =	wrdreg $0x9  }
0xb2: {  	_ =	task.clear_ibuf [dreg:s7], $0x6FFFF;
	_ =	strace $0x90000046  }
0xb3: {  	s29 =	simm.s32 $0x9;
	_ =	strace $0x80000048  }
0xb4: {  	_ =	swait.ge [sflag:s29], $0x1  }
0xb5: {  	[sflag:s29] =	ssyncadd.s32 $0xFFFFFFFF  }
0xb6: {  	_ =	strace $0x90000048  }
0xb7: {  	_ =	sfence  }
0xb8: {  	s30 =	sld [smem:$0x0];
	_ =	sdelay $0x2  }
0xb9: {  	s31 =	sshll.u32 s1, $0xD;
	s1 =	sshrl.u32 s1, $0x2  }
0xba: {  	s3 =	sand.u32 $0x4000, s31;
	s1 =	sadd.s32 s1, s30  }
0xbb: {  	s0 =	sor.u32 s3, s0;
	s1 =	sshll.u32 s1, $0x11  }
0xbc: {  	s0 =	sor.u32 s1, s0  }
0xbd: {  	s0 =	sadd.s32 $0x8F2B, s0  }
0xbe: {  	[sflag:s0] =	ssyncadd.remote.s32 $0x1  }
0xbf: {  	_ =	sfence.sel $0xFFFF  }
0xc0: {  	[dreg:$0x0] =	wrdreg $0xFFFFFFFF;
	(pc) =	sbr.abs _section_cstart, $3  }
0xc1: {  	[dreg:$0x1] =	wrdreg $0xFFFFFFFF  }
0xc2: {  	_ =	task.clear_ibuf [dreg:s7], $0x2FFFF;
	_ =	strace $0x9FFFFFFF  }
0xc3: {  	(tm) =	ssettm $0x7FFFFFFF  }
tec
execute0_lowered:
.L_overlay_start_1:
0x0: {  	(tag) =	ssettag $0x1  }
0x1: {  	s1 =	rddreg [dreg:$0x0]  }
0x2: {  	s0 =	rddreg [dreg:$0x1]  }
0x3: {  	s2 =	rddreg [dreg:$0x2]  }
0x4: {  	s3 =	simm.s32 $0x0;
	s4 =	srdreg.scid;
	s17 =	simm.s32 $0x7  }
0x5: {  	s20 =	simm.s32 $0x28;
	s30 =	simm.s32 $0x17880;
	s28 =	simm.s32 $0x1  }
0x6: {  	s29 =	simm.s32 $0x3;
	s31 =	simm.s32 $0x1DC80;
	s16 =	simm.s32 $0x1B480  }
0x7: {  	s21 =	simm.s32 $0x2;
	s18 =	simm.s32 $0x16300;
	s19 =	simm.s32 $0x16400  }
0x8: {  	[smem:$0x7FF] =	sst s3;
	s6 =	sand.u32 $0x1, s4;
	s4 =	stileid.u32  }
0x9: {  	s5 =	sadd.s32 $0x16200, s0;
	s22 =	sadd.s32 $0x2400, s0;
	s9 =	smul.u32 $0x2C100, s6  }
0xa: {  	_ =	strace $0x80000047;
	s7 =	sshll.u32 s6, $0x4;
	s13 =	smul.u32 $0x5000, s4  }
0xb: {  	[dreg:$0x4] =	wrdreg s22;
	s6 =	ssub.s32 $0x2, s6;
	s25 =	smul.u32 $0x280, s4  }
0xc: {  	s22 =	simm.s32 $0x4;
	s8 =	sor.u32 s4, s7;
	s7 =	sadd.s32 $0xC400, s0  }
0xd: {  	s23 =	sshrl.u32 s6, $0x1;
	s10 =	smul.u32 $0x2710, s8;
	s8 =	sadd.s32 $0x2600, s0  }
0xe: {  	s0 =	sadd.s32 s9, s0;
	s6 =	ssub.s32 s6, s23;
	s26 =	sshrl.u32 s13, $0x2  }
0xf: {  	s23 =	simm.s32 $0x16100;
	s6 =	smax.u32 s6, $0x1;
	s0 =	sadd.s32 s25, s0  }
0x10: {  	s11 =	sshrl.u32 s10, $0x3;
	[dreg:$0x7] =	wrdreg s6;
	s0 =	sadd.s32 $0x3D400, s0  }
0x11: {  	s26 =	sadd.s32 s26, s2;
	s24 =	sadd.s32 s7, s11;
	[dreg:$0x8] =	wrdreg s0  }
0x12: {  	s12 =	sadd.s32 $0x50, s10;
	s11 =	sadd.s32 s8, s11;
	[dreg:$0x5] =	wrdreg s24  }
0x13: {  	s6 =	simm.s32 $0x1C880;
	s0 =	simm.s32 $0x16380;
	[dreg:$0x6] =	wrdreg s11  }
0x14: {  	v0 =	vimm.f32 $0.0e+00;
	s11 =	sadd.s32 $0x28, s10;
	s24 =	simm.s32 $0x16200;
	s10 =	simm.s32 $0x0  }
.LBB2_1:
0x15: {  	[dreg:$0x9] =	wrdreg s10  }
0x16: {  	s9 =	rddreg [dreg:$0x4];
	s25 =	simm.s32 $0x1F080  }
0x17: {  	[tilespmem:s25], [sflag:$0x7] =	stream.linear.gather [hbm4b:s9+s3], $0x80, $0x38;
	[tilespmem:$0x1F100] =	vst v63  }
0x18: {  	_ =	swait.ge [sflag:s17], $0x80  }
0x19: {  	[sflag:s17] =	ssyncset.done $0x0  }
0x1a: {  	[sflag:s17] =	ssyncadd.s32 $0xFFFFFF80  }
0x1b: {  	v1 =	vld [tilespmem:$0x1F080]  }
0x1c: {  	v2 =	vld [tilespmem:$0x1F090]  }
0x1d: {  	v3 =	vld [tilespmem:$0x1F0A0]  }
0x1e: {  	v4 =	vld [tilespmem:$0x1F0B0]  }
0x1f: {  	v5 =	vld [tilespmem:$0x1F0C0]  }
0x20: {  	v6 =	vld [tilespmem:$0x1F0D0]  }
0x21: {  	v7 =	vld [tilespmem:$0x1F0E0]  }
0x22: {  	s10 =	simm.s32 $0x200;
	s9 =	simm.s32 $0x0;
	v8 =	vld [tilespmem:$0x1F0F0]  }
.LBB2_2:
0x23: {  	p0 =	sne.s32 s10, $0x4E00;
	[tilespmem:s9+$0x164F0] =	vst v0  }
0x24: {  	[tilespmem:s9+$0x16480] =	vst v0  }
0x25: {  	[tilespmem:s9+$0x16490] =	vst v0  }
.Ltmp0:
0x26: {  	[tilespmem:s9+$0x164A0] =	vst v0;
	(pc) =	sbr.rel @p0 .LBB2_2-.Ltmp0, $4  }
0x27: {  	[tilespmem:s9+$0x164B0] =	vst v0  }
0x28: {  	[tilespmem:s9+$0x164C0] =	vst v0  }
0x29: {  	[tilespmem:s9+$0x164D0] =	vst v0  }
0x2a: {  	[tilespmem:s9+$0x164E0] =	vst v0;
	s9 =	sshra.s32 s10, $0x2;
	s10 =	sadd.s32 $0x200, s10  }
0x2b: {  	[tilespmem:s9+$0x164F0] =	vst v0  }
0x2c: {  	[tilespmem:s9+$0x16480] =	vst v0  }
0x2d: {  	[tilespmem:s9+$0x16490] =	vst v0  }
0x2e: {  	[tilespmem:s9+$0x164A0] =	vst v0  }
0x2f: {  	[tilespmem:s9+$0x164B0] =	vst v0  }
0x30: {  	[tilespmem:s9+$0x164C0] =	vst v0;
	s10 =	sadd.s32 $0x0, s4  }
0x31: {  	[tilespmem:s9+$0x164D0] =	vst v0;
	p0 =	sgt.u32 s10, $0x119  }
0x32: {  	[tilespmem:s9+$0x164E0] =	vst v0;
	s9 =	simm.s32 @!p0 $0x16480;
	s15 =	simm.s32 @!p0 $0x7  }
0x33: {  	[spmem:s26] =	stream.linear.scatter @!p0 [tilespmem:s9], [sflag:$0x7], $0x1400, $0x38;
	[tilespmem:$0x1F100] =	vst v63  }
0x34: {  	s14 =	simm.s32 $0x20;
	_ =	swait.ge @!p0 [sflag:s15], $0x1400  }
0x35: {  	s10 =	simm.s32 $0x10;
	s9 =	sadd.s32 $0x14000, s26;
	[sflag:s15] =	ssyncset.done @!p0 $0x0  }
.LBB2_4:
0x36: {  	s13 =	sadd.s32 s10, s4;
	s10 =	smov.u32 s14;
	s14 =	sadd.s32 $0x10, s14  }
0x37: {  	[sflag:s15] =	ssyncadd.s32 @!p0 $0xFFFFEC00;
	p1 =	sne.s32 s14, $0x120  }
.Ltmp1:
0x38: {  	p0 =	sgt.u32 s13, $0x119;
	(pc) =	sbr.rel @p1 .LBB2_4-.Ltmp1, $4  }
0x39: {  	s13 =	simm.s32 @!p0 $0x16480;
	s15 =	simm.s32 @!p0 $0x7  }
0x3a: {  	[spmem:s9] =	stream.linear.scatter @!p0 [tilespmem:s13], [sflag:$0x7], $0x1400, $0x38;
	[tilespmem:$0x1F100] =	vst v63  }
0x3b: {  	_ =	swait.ge @!p0 [sflag:s15], $0x1400  }
0x3c: {  	s9 =	sadd.s32 $0x14000, s9;
	[sflag:s15] =	ssyncset.done @!p0 $0x0  }
0x3d: {  	s10 =	sadd.s32 s10, s4  }
0x3e: {  	p1 =	sgt.u32 s10, $0x119  }
0x3f: {  	[sflag:s15] =	ssyncadd.s32 @!p0 $0xFFFFEC00;
	s10 =	simm.s32 @!p1 $0x16480;
	s13 =	simm.s32 @!p1 $0x7  }
0x40: {  	[spmem:s9] =	stream.linear.scatter @!p1 [tilespmem:s10], [sflag:$0x7], $0x1400, $0x38;
	[tilespmem:$0x1F100] =	vst v63  }
0x41: {  	_ =	swait.ge @!p1 [sflag:s13], $0x1400  }
0x42: {  	[sflag:s13] =	ssyncset.done @!p1 $0x0  }
0x43: {  	[sflag:s13] =	ssyncadd.s32 @!p1 $0xFFFFEC00  }
0x44: {  	[bflag:$0x0] =	sbarrier.arrive $0xFFFF  }
0x45: {  	s9 =	simm.s32 $0x0;
	s13 =	simm.s32 $0x16080;
	s15 =	rddreg [dreg:$0x5]  }
0x46: {  	[tilespmem:s13], [sflag:$0x7] =	stream.linear.gather [hbm4b:s15+s9], $0x28, $0x38;
	[tilespmem:$0x1F100] =	vst v63  }
0x47: {  	_ =	swait.ge [sflag:s17], $0x28  }
0x48: {  	[sflag:s17] =	ssyncset.done $0x0  }
0x49: {  	s14 =	simm.s32 $0x16180;
	s25 =	rddreg [dreg:$0x6];
	[sflag:s17] =	ssyncadd.s32 $0xFFFFFFD8  }
0x4a: {  	[tilespmem:s14], [sflag:$0x7] =	stream.linear.gather [hbm4b:s25+s9], $0x28, $0x38;
	[tilespmem:$0x1F100] =	vst v63  }
0x4b: {  	_ =	swait.ge [sflag:s17], $0x28  }
0x4c: {  	[sflag:s17] =	ssyncset.done $0x0  }
0x4d: {  	s15 =	simm.s32 $0x16480;
	[sflag:s17] =	ssyncadd.s32 $0xFFFFFFD8  }
0x4e: {  	[tilespmem:s15], [sflag:$0x1] =	stream.indirect.gather [hbm4b:s1+s20], $0x80, s13, s20, $0xb8;
	[tilespmem:$0x1F100] =	vst v63  }
0x4f: {  	s25 =	simm.s32 $0x18C80  }
0x50: {  	[tilespmem:s25], [sflag:$0x3] =	stream.indirect.gather [hbm4b:s5+s20], $0x80, s14, s20, $0xb8;
	[tilespmem:$0x1F100] =	vst v63  }
0x51: {  	v9 =	vld [tilespmem:$0x16180]  }
0x52: {  	v10 =	vld [tilespmem:$0x16190]  }
0x53: {  	v11 =	vld [tilespmem:$0x16198];
	_ =	sdelay $0x2  }
0x54: {  	v9 =	vshra.s32 v9, $0x3  }
0x55: {  	v10 =	vshra.s32 v10, $0x3;
	v9 =	vadd.s32 $0x2710, v9  }
0x56: {  	[tilespmem:$0x16280] =	vst v9;
	v9 =	vadd.s32 $0x2710, v10;
	v10 =	vshra.s32 v11, $0x3  }
0x57: {  	[tilespmem:$0x16290] =	vst v9;
	v9 =	vadd.s32 $0x2710, v10  }
0x58: {  	[tilespmem:$0x16298] =	vst v9  }
.LBB2_6:
0x59: {  	p0 =	seq.s32 s9, $0x0;
	s10 =	smul.u32 $0x50, s9  }
0x5a: {  	s13 =	simm.s32 @!p0 $0x6  }
0x5b: {  	_ =	swait.ge @!p0 [sflag:s13], $0x1400;
	s14 =	sadd.s32 s10, s11  }
0x5c: {  	[sflag:s13] =	ssyncset.done @!p0 $0x0;
	s14 =	sshrl.u32 s14, $0x3  }
0x5d: {  	[sflag:s13] =	ssyncadd.s32 @!p0 $0xFFFFEC00;
	s25 =	sadd.s32 s7, s14  }
0x5e: {  	[tilespmem:s23], [sflag:$0x7] =	stream.linear.gather [hbm4b:s25+s3], $0x28, $0x38;
	[tilespmem:$0x1F100] =	vst v63  }
0x5f: {  	_ =	swait.ge [sflag:s17], $0x28  }
0x60: {  	[sflag:s17] =	ssyncset.done $0x0  }
0x61: {  	s15 =	sadd.s32 s8, s14;
	[sflag:s17] =	ssyncadd.s32 $0xFFFFFFD8  }
0x62: {  	[tilespmem:s24], [sflag:$0x7] =	stream.linear.gather [hbm4b:s15+s3], $0x28, $0x38;
	[tilespmem:$0x1F100] =	vst v63  }
0x63: {  	_ =	swait.ge [sflag:s17], $0x28  }
0x64: {  	[sflag:s17] =	ssyncset.done $0x0  }
0x65: {  	[sflag:s17] =	ssyncadd.s32 $0xFFFFFFD8  }
0x66: {  	[tilespmem:s30], [sflag:$0x2] =	stream.indirect.gather [hbm4b:s1+s20], $0x80, s23, s20, $0xb8;
	[tilespmem:$0x1F100] =	vst v63  }
0x67: {  	s25 =	simm.s32 $0x1A080  }
0x68: {  	[tilespmem:s25], [sflag:$0x4] =	stream.indirect.gather [hbm4b:s5+s20], $0x80, s24, s20, $0xb8;
	[tilespmem:$0x1F100] =	vst v63  }
0x69: {  	v9 =	vld [tilespmem:$0x16200]  }
0x6a: {  	v10 =	vld [tilespmem:$0x16210]  }
0x6b: {  	v11 =	vld [tilespmem:$0x16218];
	_ =	sdelay $0x2  }
0x6c: {  	v9 =	vshra.s32 v9, $0x3  }
0x6d: {  	v10 =	vshra.s32 v10, $0x3;
	v9 =	vadd.s32 $0x2710, v9  }
0x6e: {  	[tilespmem:$0x16300] =	vst v9;
	v9 =	vadd.s32 $0x2710, v10;
	v10 =	vshra.s32 v11, $0x3  }
0x6f: {  	[tilespmem:$0x16310] =	vst v9;
	v9 =	vadd.s32 $0x2710, v10  }
0x70: {  	s13 =	simm.s32 @!p0 $0x5;
	[tilespmem:$0x16318] =	vst v9  }
0x71: {  	_ =	swait.ge @!p0 [sflag:s13], $0x1400  }
0x72: {  	[sflag:s13] =	ssyncset.done @!p0 $0x0  }
0x73: {  	[sflag:s13] =	ssyncadd.s32 @!p0 $0xFFFFEC00  }
0x74: {  	_ =	swait.ge [sflag:s28], $0x1400  }
0x75: {  	[sflag:s28] =	ssyncset.done $0x0  }
0x76: {  	[sflag:s28] =	ssyncadd.s32 $0xFFFFEC00  }
0x77: {  	_ =	swait.ge [sflag:s29], $0x1400  }
0x78: {  	[sflag:s29] =	ssyncset.done $0x0  }
0x79: {  	s15 =	simm.s32 $0x0;
	[sflag:s29] =	ssyncadd.s32 $0xFFFFEC00  }
.LBB2_7:
0x7a: {  	s14 =	sshll.u32 s15, $0x7  }
0x7b: {  	v21 =	vld [tilespmem:s14+$0x16480]  }
0x7c: {  	v22 =	vld [tilespmem:s14+$0x16490]  }
0x7d: {  	v9 =	vld [tilespmem:s14+$0x18C80]  }
0x7e: {  	v10 =	vld [tilespmem:s14+$0x18C90]  }
0x7f: {  	v25 =	vld [tilespmem:s14+$0x164A0]  }
0x80: {  	v11 =	vld [tilespmem:s14+$0x18CA0]  }
0x81: {  	v26 =	vld [tilespmem:s14+$0x164B0]  }
0x82: {  	v12 =	vld [tilespmem:s14+$0x18CB0]  }
0x83: {  	v28 =	vld [tilespmem:s14+$0x164C0]  }
0x84: {  	v14 =	vld [tilespmem:s14+$0x18CC0]  }
0x85: {  	v29 =	vld [tilespmem:s14+$0x164D0]  }
0x86: {  	v27 =	vld [tilespmem:s14+$0x18CD0]  }
0x87: {  	v30 =	vld [tilespmem:s14+$0x164E0]  }
0x88: {  	v17 =	vld [tilespmem:s14+$0x18CE0]  }
0x89: {  	v33 =	vld [tilespmem:s14+$0x18CF0]  }
0x8a: {  	v24 =	vld [tilespmem:s14+$0x16510];
	v9 =	vadd.f32 v9, v21;
	v10 =	vadd.f32 v10, v22  }
0x8b: {  	v23 =	vld [tilespmem:s14+$0x16520]  }
0x8c: {  	v19 =	vld [tilespmem:s14+$0x16530];
	v16 =	vadd.f32 v11, v25;
	v13 =	vmul.f32 $2.000000030e-01, v9;
	v15 =	vmul.f32 $2.000000030e-01, v10  }
0x8d: {  	v42 =	vld [tilespmem:s14+$0x18D00];
	v12 =	vadd.f32 v12, v26  }
0x8e: {  	v45 =	vld [tilespmem:s14+$0x18D20];
	v31 =	vmul.f32 $2.000000030e-01, v16;
	v9 =	vmax.f32 v9, v13;
	v10 =	vmax.f32 v10, v15  }
0x8f: {  	v18 =	vld [tilespmem:s14+$0x18D30];
	v9 =	vmul.f32 v9, v1;
	v10 =	vmul.f32 v10, v2  }
0x90: {  	v44 =	vld [tilespmem:s14+$0x18D10];
	v14 =	vadd.f32 v14, v28;
	v32 =	vmul.f32 $2.000000030e-01, v12;
	v15 =	vmax.f32 v16, v31  }
0x91: {  	v11 =	vld [tilespmem:s14+$0x164F0];
	v37 =	vadd.f32 v17, v30;
	v9 =	vadd.f32 v10, v9;
	v10 =	vmul.f32 v15, v3  }
0x92: {  	v46 =	vld [tilespmem:s14+$0x18D60];
	v34 =	vmul.f32 $2.000000030e-01, v14;
	v12 =	vmax.f32 v12, v32;
	v13 =	vadd.f32 v27, v29  }
0x93: {  	v50 =	vld [tilespmem:s14+$0x18DA0];
	v17 =	vadd.f32 v45, v23;
	v9 =	vadd.f32 v10, v9;
	v10 =	vmul.f32 v12, v4  }
0x94: {  	v18 =	vadd.f32 v18, v19;
	v35 =	vmax.f32 v14, v34;
	v27 =	vld [tilespmem:s14+$0x16500];
	v36 =	vmul.f32 $2.000000030e-01, v13  }
0x95: {  	v39 =	vmul.f32 $2.000000030e-01, v37;
	v14 =	vld [tilespmem:s14+$0x16550];
	v9 =	vadd.f32 v10, v9;
	v10 =	vmul.f32 v35, v5  }
0x96: {  	v31 =	vld [tilespmem:s14+$0x18D40];
	v40 =	vadd.f32 v33, v11;
	v33 =	vmul.f32 $2.000000030e-01, v17;
	v38 =	vmax.f32 v13, v36  }
0x97: {  	v47 =	vmul.f32 $2.000000030e-01, v18;
	v32 =	vld [tilespmem:s14+$0x18D50];
	v9 =	vadd.f32 v10, v9;
	v10 =	vmul.f32 v38, v6  }
0x98: {  	v41 =	vmax.f32 v37, v39;
	v39 =	vld [tilespmem:s14+$0x18D80];
	v15 =	vmul.f32 $2.000000030e-01, v40;
	v17 =	vmax.f32 v17, v33  }
0x99: {  	v33 =	vmax.f32 v18, v47;
	v18 =	vld [tilespmem:s14+$0x165B0];
	v9 =	vadd.f32 v10, v9;
	v10 =	vmul.f32 v41, v7  }
0x9a: {  	v13 =	vld [tilespmem:s14+$0x16540];
	v48 =	vmul.f32 v17, v3;
	v43 =	vmax.f32 v40, v15  }
0x9b: {  	v17 =	vld [tilespmem:s14+$0x165A0];
	v16 =	vadd.f32 v42, v27;
	v9 =	vadd.f32 v10, v9;
	v10 =	vmul.f32 v43, v8  }
0x9c: {  	v12 =	vld [tilespmem:s14+$0x16560]  }
0x9d: {  	v40 =	vld [tilespmem:s14+$0x18D90];
	v20 =	vmul.f32 $2.000000030e-01, v16;
	v9 =	vadd.f32 v10, v9  }
0x9e: {  	v32 =	vadd.f32 v32, v14;
	v42 =	vld [tilespmem:s14+$0x18DB0]  }
0x9f: {  	v15 =	vadd.f32 v44, v24;
	v35 =	vld [tilespmem:s14+$0x18D70];
	v16 =	vmax.f32 v16, v20;
	v9 =	vmul.f32 $1.442695020e+00, v9  }
0xa0: {  	v37 =	vmul.f32 $2.000000030e-01, v32;
	v20 =	vld [tilespmem:s14+$0x165C0];
	v34 =	vmul.f32 v16, v1  }
0xa1: {  	v16 =	vld [tilespmem:s14+$0x16590];
	(erf) = vpow2.f32 v9;
	v9 =	vmul.f32 $2.000000030e-01, v15  }
0xa2: {  	v33 =	vmul.f32 v33, v4;
	v31 =	vadd.f32 v31, v13;
	v43 =	vld [tilespmem:s14+$0x18DC0]  }
0xa3: {  	v49 =	vmax.f32 v32, v37;
	v32 =	vadd.f32 v50, v17;
	v10 =	vld [tilespmem:s14+$0x16570];
	v9 =	vmax.f32 v15, v9  }
0xa4: {  	v42 =	vadd.f32 v42, v18;
	v36 =	vmul.f32 $2.000000030e-01, v31;
	v15 =	vld [tilespmem:s14+$0x16580];
	v9 =	vmul.f32 v9, v2  }
0xa5: {  	v52 =	vmul.f32 v49, v6;
	v41 =	vadd.f32 v46, v12;
	v62 =	vmul.f32 $2.000000030e-01, v32  }
0xa6: {  	v47 =	vmul.f32 $2.000000030e-01, v42;
	v31 =	vmax.f32 v31, v36;
	v9 =	vadd.f32 v9, v34  }
0xa7: {  	v61 =	vld [tilespmem:s14+$0x18DD0];
	v53 =	vmul.f32 $2.000000030e-01, v41;
	v32 =	vmax.f32 v32, v62;
	v56 =	vadd.f32 v40, v16  }
0xa8: {  	v45 =	vld [tilespmem:s14+$0x18DF0];
	v31 =	vmul.f32 v31, v5;
	v43 =	vadd.f32 v43, v20;
	v35 =	vadd.f32 v35, v10  }
0xa9: {  	v44 =	vld [tilespmem:s14+$0x18DE0];
	v32 =	vmul.f32 v32, v3;
	v59 =	vmul.f32 $2.000000030e-01, v56;
	v54 =	vadd.f32 v39, v15  }
0xaa: {  	v46 =	vld [tilespmem:s14+$0x18E00];
	v60 =	vmul.f32 $2.000000030e-01, v35;
	v34 =	vadd.f32 v48, v9;
	v48 =	vmul.f32 $2.000000030e-01, v43;
	v9 =	vpop (erf)  }
0xab: {  	v55 =	vmax.f32 v41, v53;
	v53 =	vld [tilespmem:s14+$0x18E20];
	v58 =	vmul.f32 $2.000000030e-01, v54;
	v38 =	vmul.f32 v9, v21  }
0xac: {  	v33 =	vadd.f32 v33, v34;
	v36 =	vmul.f32 v9, v22;
	v21 =	vld [tilespmem:s14+$0x165D0];
	v37 =	vmul.f32 v9, v25  }
0xad: {  	v34 =	vmul.f32 v9, v26;
	v22 =	vld [tilespmem:s14+$0x165E0];
	v39 =	vmul.f32 v9, v28;
	v28 =	vmax.f32 v56, v59  }
0xae: {  	v25 =	vld [tilespmem:s14+$0x165F0];
	v51 =	vadd.f32 v31, v33;
	v26 =	vmax.f32 v54, v58;
	v28 =	vmul.f32 v28, v2  }
0xaf: {  	v33 =	vmax.f32 v42, v47;
	v47 =	vmul.f32 v9, v29;
	v29 =	vld [tilespmem:s14+$0x16620];
	v63 =	vmul.f32 v26, v1  }
0xb0: {  	v57 =	vmul.f32 v55, v7;
	v35 =	vmax.f32 v35, v60;
	v26 =	vld [tilespmem:s14+$0x16600];
	v31 =	vadd.f32 v52, v51  }
0xb1: {  	v49 =	vld [tilespmem:s14+$0x18E10];
	v35 =	vmul.f32 v35, v8;
	v50 =	vmax.f32 v43, v48;
	v40 =	vadd.f32 v28, v63  }
0xb2: {  	v43 =	vmul.f32 v9, v30;
	v28 =	vld [tilespmem:s14+$0x16610];
	v31 =	vadd.f32 v57, v31;
	v41 =	vadd.f32 v61, v21  }
0xb3: {  	v30 =	vld [tilespmem:s14+$0x16630];
	v33 =	vmul.f32 v33, v4;
	v54 =	vadd.f32 v44, v22;
	v45 =	vadd.f32 v45, v25  }
0xb4: {  	v52 =	vmul.f32 v50, v5;
	v57 =	vld [tilespmem:s14+$0x18E30];
	v32 =	vadd.f32 v32, v40;
	v50 =	vadd.f32 v53, v29  }
0xb5: {  	v31 =	vadd.f32 v35, v31;
	v51 =	vmul.f32 $2.000000030e-01, v41;
	v56 =	vadd.f32 v46, v26;
	v35 =	vld [tilespmem:s14+$0x16670]  }
0xb6: {  	v58 =	vmul.f32 $2.000000030e-01, v54;
	v62 =	vmul.f32 $2.000000030e-01, v45;
	v32 =	vadd.f32 v33, v32;
	v33 =	vld [tilespmem:s14+$0x16660]  }
0xb7: {  	v63 =	vmul.f32 $2.000000030e-01, v50;
	v31 =	vmul.f32 $1.442695020e+00, v31;
	v40 =	vadd.f32 v49, v28;
	v49 =	vld [tilespmem:s14+$0x18E40]  }
0xb8: {  	v41 =	vmax.f32 v41, v51;
	v59 =	vmul.f32 $2.000000030e-01, v56;
	v42 =	vmax.f32 v54, v58;
	v51 =	vld [tilespmem:s14+$0x18E50]  }
0xb9: {  	v54 =	vmul.f32 v9, v11;
	v32 =	vadd.f32 v52, v32;
	v55 =	vmul.f32 v41, v6;
	v52 =	vld [tilespmem:s14+$0x18E60]  }
0xba: {  	v61 =	vmul.f32 v42, v7;
	v44 =	vadd.f32 v57, v30;
	(erf) = vpow2.f32 v31;
	v31 =	vld [tilespmem:s14+$0x16640]  }
0xbb: {  	v46 =	vmax.f32 v50, v63;
	v42 =	vmax.f32 v45, v62;
	v57 =	vld [tilespmem:s14+$0x18E70];
	v60 =	vmul.f32 $2.000000030e-01, v40  }
0xbc: {  	v41 =	vmax.f32 v56, v59;
	v56 =	vmul.f32 v46, v3;
	v48 =	vadd.f32 v55, v32;
	v32 =	vld [tilespmem:s14+$0x16650]  }
0xbd: {  	v42 =	vmul.f32 v42, v8;
	v55 =	vmul.f32 $2.000000030e-01, v44;
	v40 =	vmax.f32 v40, v60  }
0xbe: {  	v41 =	vmul.f32 v41, v1;
	v48 =	vadd.f32 v61, v48;
	v40 =	vmul.f32 v40, v2  }
0xbf: {  	v53 =	vld [tilespmem:s14+$0x18E80];
	v44 =	vmax.f32 v44, v55;
	v52 =	vadd.f32 v52, v33;
	v49 =	vadd.f32 v49, v31  }
0xc0: {  	v63 =	vld [tilespmem:s14+$0x18E90];
	v44 =	vmul.f32 v44, v4;
	v41 =	vadd.f32 v40, v41;
	v48 =	vadd.f32 v42, v48  }
0xc1: {  	v46 =	vadd.f32 v57, v35;
	v40 =	vld [tilespmem:s14+$0x16680];
	v51 =	vadd.f32 v51, v32;
	v60 =	vmul.f32 $2.000000030e-01, v49  }
0xc2: {  	v42 =	vld [tilespmem:s14+$0x166A0];
	v58 =	vmul.f32 $2.000000030e-01, v52;
	v45 =	vadd.f32 v56, v41;
	v48 =	vmul.f32 $1.442695020e+00, v48  }
0xc3: {  	v55 =	vmul.f32 $2.000000030e-01, v46;
	v41 =	vld [tilespmem:s14+$0x16690];
	v61 =	vmul.f32 $2.000000030e-01, v51;
	v49 =	vmax.f32 v49, v60  }
0xc4: {  	v56 =	vld [tilespmem:s14+$0x166C0];
	v44 =	vadd.f32 v44, v45;
	v11 =	vpop (erf);
	(erf) = vpow2.f32 v48;
	v62 =	vmul.f32 v49, v5  }
0xc5: {  	v50 =	vmax.f32 v51, v61;
	v27 =	vmul.f32 v11, v27;
	v51 =	vmax.f32 v52, v58;
	v52 =	vld [tilespmem:s14+$0x166B0]  }
0xc6: {  	v61 =	vadd.f32 v53, v40;
	v24 =	vmul.f32 v11, v24;
	v59 =	vmul.f32 v50, v6;
	v50 =	vld [tilespmem:s14+$0x18EA0]  }
0xc7: {  	[tilespmem:s14+$0x1B480] =	vst v38;
	v23 =	vmul.f32 v11, v23;
	v19 =	vmul.f32 v11, v19;
	v44 =	vadd.f32 v62, v44;
	v62 =	vld [tilespmem:s14+$0x18EB0]  }
0xc8: {  	[tilespmem:s14+$0x1B490] =	vst v36;
	v48 =	vld [tilespmem:s14+$0x18EC0];
	v13 =	vmul.f32 v11, v13;
	v14 =	vmul.f32 v11, v14;
	v49 =	vadd.f32 v63, v41  }
0xc9: {  	v36 =	vld [tilespmem:s14+$0x166E0];
	[tilespmem:s14+$0x1B4A0] =	vst v37;
	v60 =	vmul.f32 v51, v7;
	v63 =	vmul.f32 $2.000000030e-01, v61;
	v44 =	vadd.f32 v59, v44  }
0xca: {  	[tilespmem:s14+$0x1B4B0] =	vst v34;
	v46 =	vmax.f32 v46, v55;
	v55 =	vld [tilespmem:s14+$0x166D0];
	v12 =	vmul.f32 v11, v12;
	v57 =	vmul.f32 $2.000000030e-01, v49  }
0xcb: {  	[tilespmem:s14+$0x1B4C0] =	vst v39;
	v45 =	vmax.f32 v61, v63;
	v44 =	vadd.f32 v60, v44;
	v60 =	vmul.f32 v46, v8;
	v46 =	vld [tilespmem:s14+$0x18ED0]  }
0xcc: {  	v34 =	vld [tilespmem:s14+$0x166F0];
	[tilespmem:s14+$0x1B4E0] =	vst v43;
	v50 =	vadd.f32 v50, v42;
	v49 =	vmax.f32 v49, v57;
	v53 =	vadd.f32 v62, v52  }
0xcd: {  	[tilespmem:s14+$0x1B4D0] =	vst v47;
	v48 =	vadd.f32 v48, v56;
	v62 =	vmul.f32 v45, v1;
	v63 =	vmul.f32 v49, v2;
	v45 =	vld [tilespmem:s14+$0x18EE0]  }
0xce: {  	[tilespmem:s14+$0x1B4F0] =	vst v54;
	v61 =	vmul.f32 $2.000000030e-01, v50;
	v37 =	vadd.f32 v60, v44;
	v60 =	vld [tilespmem:s14+$0x18EF0];
	v58 =	vmul.f32 $2.000000030e-01, v53  }
0xcf: {  	v10 =	vmul.f32 v11, v10;
	[tilespmem:s14+$0x1B500] =	vst v27;
	v38 =	vadd.f32 v63, v62;
	v62 =	vmul.f32 $2.000000030e-01, v48  }
0xd0: {  	[tilespmem:s14+$0x1B510] =	vst v24;
	v57 =	vmax.f32 v50, v61;
	v61 =	vmax.f32 v53, v58;
	v46 =	vadd.f32 v46, v55  }
0xd1: {  	[tilespmem:s14+$0x1B520] =	vst v23;
	v59 =	vmul.f32 v57, v3;
	v63 =	vmul.f32 v61, v4  }
0xd2: {  	[tilespmem:s14+$0x1B530] =	vst v19;
	v45 =	vadd.f32 v45, v36;
	v61 =	vmul.f32 $1.442695020e+00, v37;
	v51 =	vmul.f32 $2.000000030e-01, v46  }
0xd3: {  	[tilespmem:s14+$0x1B540] =	vst v13;
	v50 =	vmax.f32 v48, v62;
	v38 =	vadd.f32 v59, v38;
	v59 =	vadd.f32 v60, v34  }
0xd4: {  	[tilespmem:s14+$0x1B550] =	vst v14;
	v54 =	vmul.f32 v50, v5;
	(erf) = vpow2.f32 v61;
	v57 =	vmax.f32 v46, v51  }
0xd5: {  	[tilespmem:s14+$0x1B560] =	vst v12;
	v53 =	vadd.f32 v63, v38;
	v63 =	vmul.f32 $2.000000030e-01, v59;
	v24 =	vmul.f32 v57, v6  }
0xd6: {  	[tilespmem:s14+$0x1B570] =	vst v10  }
0xd7: {  	v58 =	vmul.f32 $2.000000030e-01, v45;
	v60 =	vadd.f32 v54, v53;
	v37 =	vmax.f32 v59, v63;
	v59 =	vld [tilespmem:s15+$0x16180];
	[tilespmem:s14+$0x1DC80] =	vst v0  }
0xd8: {  	[tilespmem:s14+$0x1DC90] =	vst v0  }
0xd9: {  	v62 =	vmax.f32 v45, v58;
	[tilespmem:s14+$0x1DCA0] =	vst v0;
	v23 =	vadd.f32 v24, v60;
	v24 =	vpop (erf)  }
0xda: {  	v19 =	vmul.f32 v62, v7;
	[tilespmem:s14+$0x1DCB0] =	vst v0;
	v38 =	vmul.f32 v24, v15  }
0xdb: {  	v12 =	vld [tilespmem:s14+$0x16740];
	[tilespmem:s14+$0x1DCC0] =	vst v0;
	v10 =	vmul.f32 v24, v16  }
0xdc: {  	v61 =	vld [tilespmem:s15+$0x16181];
	v14 =	vmul.f32 v37, v8;
	v13 =	vadd.f32 v19, v23;
	v39 =	vmul.f32 v24, v17;
	[tilespmem:s14+$0x1B580] =	vst v38  }
0xdd: {  	v43 =	vmul.f32 v24, v20;
	v20 =	vld [tilespmem:s14+$0x16700];
	[tilespmem:s14+$0x1B590] =	vst v10;
	v10 =	vmul.f32 v24, v18;
	v17 =	vpop (erf)  }
0xde: {  	v19 =	vld [tilespmem:s14+$0x16710];
	v13 =	vadd.f32 v14, v13;
	[tilespmem:s14+$0x1B5A0] =	vst v39;
	v47 =	vmul.f32 v17, v31  }
0xdf: {  	v15 =	vld [tilespmem:s14+$0x16730];
	[tilespmem:s14+$0x1B5B0] =	vst v10;
	v10 =	vmul.f32 v24, v21  }
0xe0: {  	v16 =	vld [tilespmem:s14+$0x16750];
	v48 =	vmul.f32 v17, v33;
	v13 =	vmul.f32 $1.442695020e+00, v13;
	[tilespmem:s14+$0x1B640] =	vst v47  }
0xe1: {  	v18 =	vld [tilespmem:s14+$0x16720];
	[tilespmem:s14+$0x1B5D0] =	vst v10;
	v10 =	vmul.f32 v24, v25  }
0xe2: {  	[tilespmem:s14+$0x1B660] =	vst v48;
	v47 =	vld [tilespmem:s14+$0x18F50];
	(erf) = vpow2.f32 v13  }
0xe3: {  	v48 =	vld [tilespmem:s14+$0x18F60];
	[tilespmem:s14+$0x1B5F0] =	vst v10;
	v10 =	vmul.f32 v17, v28  }
0xe4: {  	v44 =	vmul.f32 v24, v22;
	(v2sf) =	vpush v59, $0x0;
	[tilespmem:s14+$0x1B5C0] =	vst v43;
	v13 =	vld [tilespmem:s14+$0x16760]  }
0xe5: {  	v39 =	vld [tilespmem:s14+$0x18F10];
	[tilespmem:s14+$0x1B610] =	vst v10;
	v10 =	vmul.f32 v17, v30  }
0xe6: {  	[tilespmem:s14+$0x1B5E0] =	vst v44;
	v38 =	vld [tilespmem:s14+$0x18F00];
	v45 =	vmul.f32 v17, v26  }
0xe7: {  	v14 =	vld [tilespmem:s14+$0x16770];
	v46 =	vmul.f32 v17, v29;
	[tilespmem:s14+$0x1B630] =	vst v10;
	v10 =	vmul.f32 v17, v32  }
0xe8: {  	v49 =	vmul.f32 v17, v35;
	[tilespmem:s14+$0x1B600] =	vst v45;
	v45 =	vld [tilespmem:s14+$0x18F40]  }
0xe9: {  	[tilespmem:s14+$0x1B620] =	vst v46;
	v25 =	vld [tilespmem:s14+$0x167C0];
	v26 =	vadd.f32 v48, v13;
	v32 =	vadd.f32 v47, v16  }
0xea: {  	[tilespmem:s14+$0x1B670] =	vst v49;
	v43 =	vadd.f32 v39, v19;
	v63 =	vld [tilespmem:s15+$0x16182]  }
0xeb: {  	(v2sf) =	vpush v61, $0x0;
	v47 =	vld [tilespmem:s14+$0x18FD0];
	v61 =	vmul.f32 $2.000000030e-01, v26;
	[tilespmem:s14+$0x1B650] =	vst v10;
	v59 =	vmul.f32 $2.000000030e-01, v32;
	v10 =	vpop (erf)  }
0xec: {  	[tilespmem:s14+$0x1DCD0] =	vst v0;
	v46 =	vmul.f32 $2.000000030e-01, v43;
	v28 =	vld [tilespmem:s15+$0x16183];
	v50 =	vmul.f32 v10, v40  }
0xed: {  	[tilespmem:s14+$0x1DCE0] =	vst v0;
	v30 =	vmax.f32 v32, v59;
	v32 =	vmax.f32 v26, v61;
	v26 =	vld [tilespmem:s14+$0x167D0];
	v51 =	vmul.f32 v10, v41  }
0xee: {  	v53 =	vmul.f32 v10, v42;
	v40 =	vld [tilespmem:s14+$0x18F20];
	[tilespmem:s14+$0x1B680] =	vst v50  }
0xef: {  	v21 =	vmax.f32 v43, v46;
	v54 =	vmul.f32 v10, v52;
	v42 =	vld [tilespmem:s14+$0x18F30];
	[tilespmem:s14+$0x1B690] =	vst v51  }
0xf0: {  	v57 =	vmul.f32 v10, v56;
	v52 =	vmul.f32 v21, v2;
	v21 =	vld [tilespmem:s14+$0x16780];
	[tilespmem:s14+$0x1B6A0] =	vst v53  }
0xf1: {  	v58 =	vmul.f32 v10, v55;
	v56 =	vld [tilespmem:s14+$0x18F80];
	[tilespmem:s14+$0x1B6B0] =	vst v54  }
0xf2: {  	v29 =	vadd.f32 v45, v12;
	v60 =	vmul.f32 v10, v36;
	[tilespmem:s14+$0x1B6C0] =	vst v57;
	v50 =	vld [tilespmem:s14+$0x18F70]  }
0xf3: {  	s13 =	spop (v2sf);
	v62 =	vmul.f32 v10, v34;
	v41 =	vadd.f32 v38, v20;
	[tilespmem:s14+$0x1B6D0] =	vst v58;
	v58 =	vld [tilespmem:s14+$0x18F90]  }
0xf4: {  	s13 =	sshll.u32 s13, $0x4;
	v55 =	vmul.f32 $2.000000030e-01, v29;
	[tilespmem:s14+$0x1B6E0] =	vst v60;
	v60 =	vld [tilespmem:s14+$0x18FA0]  }
0xf5: {  	s25 =	sadd.s32 $0x1DC80, s14;
	s13 =	sand.u32 $0x70, s13;
	[tilespmem:s14+$0x1B6F0] =	vst v62;
	v44 =	vmul.f32 $2.000000030e-01, v41;
	v62 =	vmul.f32 v30, v6;
	v30 =	vld [tilespmem:s14+$0x16820]  }
0xf6: {  	[tilespmem:s14+$0x1DCF0] =	vst v0;
	(v2sf) =	vpush v63, $0x0;
	s13 =	sor.u32 s13, s25;
	v31 =	vld [tilespmem:s15+$0x16184];
	v23 =	vadd.f32 v40, v18  }
0xf7: {  	v32 =	vmul.f32 v32, v7;
	v29 =	vmax.f32 v29, v55;
	[tilespmem:s13+$0x0] =	vst v9;
	v9 =	vld [tilespmem:s14+$0x167B0];
	v22 =	vmax.f32 v41, v44  }
0xf8: {  	[tilespmem:s14+$0x1DD00] =	vst v0;
	v27 =	vadd.f32 v42, v15;
	v51 =	vmul.f32 v22, v1;
	v22 =	vld [tilespmem:s14+$0x16790];
	v49 =	vmul.f32 $2.000000030e-01, v23  }
0xf9: {  	[tilespmem:s14+$0x1DD10] =	vst v0;
	v29 =	vmul.f32 v29, v5;
	(v2sf) =	vpush v28, $0x0;
	v44 =	vld [tilespmem:s14+$0x18FC0];
	v63 =	vadd.f32 v56, v21  }
0xfa: {  	[tilespmem:s14+$0x1DD20] =	vst v0;
	v42 =	vld [tilespmem:s14+$0x18FB0];
	v56 =	vadd.f32 v47, v26;
	v53 =	vmul.f32 $2.000000030e-01, v27;
	v23 =	vmax.f32 v23, v49  }
0xfb: {  	[tilespmem:s14+$0x1DD30] =	vst v0;
	v34 =	vadd.f32 v52, v51;
	v43 =	vmul.f32 $2.000000030e-01, v63;
	v54 =	vmul.f32 v23, v3;
	v23 =	vld [tilespmem:s14+$0x167A0]  }
0xfc: {  	[tilespmem:s14+$0x1DD40] =	vst v0;
	s25 =	spop (v2sf);
	v28 =	vld [tilespmem:s14+$0x167F0];
	v33 =	vadd.f32 v50, v14;
	(v2sf) =	vpush v31, $0x0;
	v27 =	vmax.f32 v27, v53  }
0xfd: {  	[tilespmem:s14+$0x1DD50] =	vst v0;
	s13 =	sshll.u32 s25, $0x4;
	v50 =	vld [tilespmem:s14+$0x18FE0];
	v27 =	vmul.f32 v27, v4;
	v57 =	vadd.f32 v54, v34;
	v34 =	vadd.f32 v58, v22  }
0xfe: {  	[tilespmem:s14+$0x1DD60] =	vst v0;
	s25 =	sadd.s32 $0x1DD00, s14;
	s13 =	sand.u32 $0x70, s13;
	v52 =	vld [tilespmem:s14+$0x18FF0];
	v46 =	vmax.f32 v63, v43;
	v38 =	vadd.f32 v44, v25;
	v53 =	vmul.f32 $2.000000030e-01, v33  }
0xff: {  	[tilespmem:s14+$0x1DD70] =	vst v0;
	s13 =	sor.u32 s13, s25;
	v31 =	vld [tilespmem:s14+$0x16830];
	v36 =	vadd.f32 v42, v9;
	v27 =	vadd.f32 v27, v57;
	v45 =	vmul.f32 $2.000000030e-01, v34  }
0x100: {  	[tilespmem:s13+$0x0] =	vst v11;
	v63 =	vld [tilespmem:s14+$0x19010];
	v11 =	vmul.f32 v46, v1;
	v55 =	vmul.f32 $2.000000030e-01, v38;
	v35 =	vadd.f32 v60, v23  }
0x101: {  	[tilespmem:s14+$0x1DD80] =	vst v0;
	v51 =	vmul.f32 $2.000000030e-01, v36;
	v60 =	vld [tilespmem:s14+$0x19000];
	v27 =	vadd.f32 v29, v27;
	v34 =	vmax.f32 v34, v45  }
0x102: {  	[tilespmem:s14+$0x1DD90] =	vst v0;
	v61 =	vmax.f32 v38, v55;
	v45 =	vld [tilespmem:s14+$0x19020];
	v48 =	vmul.f32 $2.000000030e-01, v35;
	v49 =	vmul.f32 v34, v2  }
0x103: {  	[tilespmem:s14+$0x1DDA0] =	vst v0;
	v36 =	vmax.f32 v36, v51;
	v57 =	vmax.f32 v33, v53;
	v29 =	vadd.f32 v62, v27;
	v27 =	vld [tilespmem:s14+$0x167E0]  }
0x104: {  	[tilespmem:s14+$0x1DDB0] =	vst v0;
	v43 =	vmul.f32 v61, v5;
	v35 =	vmax.f32 v35, v48;
	v54 =	vadd.f32 v49, v11;
	v11 =	vld [tilespmem:s14+$0x16800]  }
0x105: {  	[tilespmem:s14+$0x1DDC0] =	vst v0;
	v62 =	vmul.f32 $2.000000030e-01, v56;
	v32 =	vadd.f32 v32, v29;
	v35 =	vmul.f32 v35, v3;
	v29 =	vld [tilespmem:s14+$0x16810]  }
0x106: {  	[tilespmem:s14+$0x1DDD0] =	vst v0;
	s25 =	spop (v2sf);
	v59 =	vmul.f32 v36, v4;
	v40 =	vmul.f32 v57, v8;
	v48 =	vld [tilespmem:s14+$0x19030]  }
0x107: {  	[tilespmem:s14+$0x1DDE0] =	vst v0;
	s13 =	sshll.u32 s25, $0x4;
	v44 =	vmax.f32 v56, v62;
	v37 =	vadd.f32 v45, v30;
	v58 =	vadd.f32 v35, v54  }
0x108: {  	[tilespmem:s14+$0x1DDF0] =	vst v0;
	s25 =	sadd.s32 $0x1DD80, s14;
	s13 =	sand.u32 $0x70, s13;
	v46 =	vmul.f32 v44, v6;
	v32 =	vadd.f32 v40, v32;
	v34 =	vadd.f32 v50, v27  }
0x109: {  	[tilespmem:s14+$0x1DE00] =	vst v0;
	s13 =	sor.u32 s13, s25;
	v50 =	vadd.f32 v52, v28;
	v56 =	vmul.f32 $2.000000030e-01, v37;
	v33 =	vadd.f32 v59, v58  }
0x10a: {  	[tilespmem:s13+$0x0] =	vst v24;
	v24 =	vld [tilespmem:s14+$0x16840];
	v32 =	vmul.f32 $1.442695020e+00, v32;
	v36 =	vadd.f32 v60, v11;
	v49 =	vadd.f32 v63, v29  }
0x10b: {  	[tilespmem:s14+$0x1DE10] =	vst v0;
	v52 =	vld [tilespmem:s14+$0x19040];
	v41 =	vadd.f32 v48, v31;
	v47 =	vmul.f32 $2.000000030e-01, v34;
	v37 =	vmax.f32 v37, v56  }
0x10c: {  	[tilespmem:s14+$0x1DE20] =	vst v0;
	v55 =	vld [tilespmem:s14+$0x19050];
	v33 =	vadd.f32 v43, v33;
	v51 =	vmul.f32 $2.000000030e-01, v36;
	v53 =	vmul.f32 $2.000000030e-01, v49  }
0x10d: {  	[tilespmem:s14+$0x1DE30] =	vst v0;
	(erf) = vpow2.f32 v32;
	v32 =	vld [tilespmem:s14+$0x16850];
	v58 =	vmul.f32 $2.000000030e-01, v41;
	v34 =	vmax.f32 v34, v47  }
0x10e: {  	[tilespmem:s14+$0x1DE40] =	vst v0;
	v57 =	vld [tilespmem:s14+$0x19060];
	v34 =	vmul.f32 v34, v7;
	v36 =	vmax.f32 v36, v51;
	v35 =	vmax.f32 v49, v53  }
0x10f: {  	[tilespmem:s14+$0x1DE50] =	vst v0;
	s25 =	spop (v2sf);
	v43 =	vld [tilespmem:s14+$0x16860];
	v33 =	vadd.f32 v46, v33;
	v36 =	vmul.f32 v36, v1;
	v35 =	vmul.f32 v35, v2  }
0x110: {  	[tilespmem:s14+$0x1DE60] =	vst v0;
	s13 =	sshll.u32 s25, $0x4;
	v44 =	vld [tilespmem:s14+$0x16870];
	v54 =	vmul.f32 $2.000000030e-01, v50;
	v59 =	vmul.f32 v37, v3;
	v40 =	vadd.f32 v52, v24  }
0x111: {  	[tilespmem:s14+$0x1DE70] =	vst v0;
	s25 =	sadd.s32 $0x1DE00, s14;
	s13 =	sand.u32 $0x70, s13;
	v60 =	vld [tilespmem:s14+$0x19070];
	v61 =	vmax.f32 v41, v58;
	v33 =	vadd.f32 v34, v33;
	v35 =	vadd.f32 v35, v36  }
0x112: {  	[tilespmem:s14+$0x1DE80] =	vst v0;
	s13 =	sor.u32 s13, s25;
	v34 =	vmax.f32 v50, v54;
	v62 =	vmul.f32 $2.000000030e-01, v40;
	v39 =	vadd.f32 v55, v32  }
0x113: {  	[tilespmem:s13+$0x0] =	vst v17;
	v17 =	vmul.f32 v61, v4;
	v34 =	vmul.f32 v34, v8;
	v63 =	vadd.f32 v59, v35  }
0x114: {  	[tilespmem:s14+$0x1DE90] =	vst v0;
	v38 =	vadd.f32 v57, v43;
	v42 =	vmax.f32 v40, v62;
	v45 =	vmul.f32 $2.000000030e-01, v39  }
0x115: {  	[tilespmem:s14+$0x1DEA0] =	vst v0;
	v33 =	vadd.f32 v34, v33;
	v46 =	vmul.f32 v42, v5;
	v17 =	vadd.f32 v17, v63  }
0x116: {  	[tilespmem:s14+$0x1DEB0] =	vst v0;
	v37 =	vadd.f32 v60, v44;
	v48 =	vmul.f32 $2.000000030e-01, v38;
	v47 =	vmax.f32 v39, v45  }
0x117: {  	[tilespmem:s14+$0x1DEC0] =	vst v0;
	s25 =	spop (v2sf);
	v33 =	vmul.f32 $1.442695020e+00, v33;
	v49 =	vmul.f32 v47, v6;
	v17 =	vadd.f32 v46, v17  }
0x118: {  	[tilespmem:s14+$0x1DED0] =	vst v0;
	s13 =	sshll.u32 s25, $0x4;
	v51 =	vmul.f32 $2.000000030e-01, v37;
	v50 =	vmax.f32 v38, v48  }
0x119: {  	[tilespmem:s14+$0x1DEE0] =	vst v0;
	s25 =	sadd.s32 $0x1DE80, s14;
	s13 =	sand.u32 $0x70, s13;
	(erf) = vpow2.f32 v33;
	v33 =	vmul.f32 v50, v7;
	v17 =	vadd.f32 v49, v17  }
0x11a: {  	[tilespmem:s14+$0x1DEF0] =	vst v0;
	s13 =	sor.u32 s13, s25;
	v53 =	vmax.f32 v37, v51;
	v52 =	vpop (erf)  }
0x11b: {  	[tilespmem:s13+$0x0] =	vst v10;
	v55 =	vmul.f32 v53, v8;
	v20 =	vmul.f32 v52, v20;
	v10 =	vadd.f32 v33, v17  }
0x11c: {  	v54 =	vmul.f32 v52, v19  }
0x11d: {  	v18 =	vmul.f32 v52, v18;
	[tilespmem:s14+$0x1B700] =	vst v20;
	v10 =	vadd.f32 v55, v10  }
0x11e: {  	v15 =	vmul.f32 v52, v15;
	[tilespmem:s14+$0x1B710] =	vst v54  }
0x11f: {  	v12 =	vmul.f32 v52, v12;
	[tilespmem:s14+$0x1B720] =	vst v18;
	v10 =	vmul.f32 $1.442695020e+00, v10  }
0x120: {  	v56 =	vmul.f32 v52, v16;
	[tilespmem:s14+$0x1B730] =	vst v15  }
0x121: {  	[tilespmem:s14+$0x1B740] =	vst v12;
	(erf) = vpow2.f32 v10;
	v10 =	vmul.f32 v52, v14  }
0x122: {  	v57 =	vmul.f32 v52, v13;
	[tilespmem:s14+$0x1B750] =	vst v56;
	v58 =	vpop (erf)  }
0x123: {  	[tilespmem:s14+$0x1B770] =	vst v10;
	v10 =	vmul.f32 v58, v22  }
0x124: {  	[tilespmem:s14+$0x1B760] =	vst v57;
	v59 =	vmul.f32 v58, v21  }
0x125: {  	[tilespmem:s14+$0x1B790] =	vst v10;
	v10 =	vmul.f32 v58, v25  }
0x126: {  	v9 =	vmul.f32 v58, v9;
	[tilespmem:s14+$0x1B780] =	vst v59  }
0x127: {  	v61 =	vmul.f32 v58, v23;
	[tilespmem:s14+$0x1B7C0] =	vst v10;
	v10 =	vmul.f32 v58, v27  }
0x128: {  	[tilespmem:s14+$0x1B7B0] =	vst v9;
	v9 =	vmul.f32 v58, v26;
	v60 =	vld [tilespmem:s15+$0x16185]  }
0x129: {  	[tilespmem:s14+$0x1B7A0] =	vst v61  }
0x12a: {  	[tilespmem:s14+$0x1B7D0] =	vst v9;
	v9 =	vmul.f32 v58, v28  }
0x12b: {  	[tilespmem:s14+$0x1B7E0] =	vst v10;
	v10 =	vpop (erf)  }
0x12c: {  	[tilespmem:s14+$0x1B7F0] =	vst v9;
	v9 =	vmul.f32 v10, v11  }
0x12d: {  	[tilespmem:s14+$0x1DF00] =	vst v0;
	(v2sf) =	vpush v60, $0x0;
	v11 =	vmul.f32 v10, v29  }
0x12e: {  	[tilespmem:s14+$0x1B800] =	vst v9  }
0x12f: {  	v9 =	vld [tilespmem:s15+$0x16186];
	[tilespmem:s14+$0x1B810] =	vst v11;
	v11 =	vmul.f32 v10, v31  }
0x130: {  	[tilespmem:s14+$0x1DF10] =	vst v0;
	v62 =	vmul.f32 v10, v30  }
0x131: {  	[tilespmem:s14+$0x1B830] =	vst v11;
	v11 =	vmul.f32 v10, v32  }
0x132: {  	v63 =	vmul.f32 v10, v24;
	[tilespmem:s14+$0x1B820] =	vst v62  }
0x133: {  	[tilespmem:s14+$0x1B850] =	vst v11;
	v11 =	vmul.f32 v10, v44  }
0x134: {  	[tilespmem:s14+$0x1B840] =	vst v63;
	(v2sf) =	vpush v9, $0x0;
	v9 =	vmul.f32 v10, v43  }
0x135: {  	[tilespmem:s14+$0x1B870] =	vst v11  }
0x136: {  	[tilespmem:s14+$0x1B860] =	vst v9  }
0x137: {  	[tilespmem:s14+$0x1DF20] =	vst v0;
	v9 =	vld [tilespmem:s15+$0x16187]  }
0x138: {  	[tilespmem:s14+$0x1DF30] =	vst v0  }
0x139: {  	[tilespmem:s14+$0x1DF40] =	vst v0  }
0x13a: {  	[tilespmem:s14+$0x1DF50] =	vst v0  }
0x13b: {  	[tilespmem:s14+$0x1DF60] =	vst v0  }
0x13c: {  	[tilespmem:s14+$0x1DF70] =	vst v0;
	s25 =	spop (v2sf);
	(v2sf) =	vpush v9, $0x0  }
0x13d: {  	[tilespmem:s14+$0x1DF80] =	vst v0  }
0x13e: {  	[tilespmem:s14+$0x1DF90] =	vst v0  }
0x13f: {  	[tilespmem:s14+$0x1DFA0] =	vst v0  }
0x140: {  	[tilespmem:s14+$0x1DFB0] =	vst v0  }
0x141: {  	[tilespmem:s14+$0x1DFC0] =	vst v0  }
0x142: {  	[tilespmem:s14+$0x1DFD0] =	vst v0  }
0x143: {  	[tilespmem:s14+$0x1DFE0] =	vst v0  }
0x144: {  	[tilespmem:s14+$0x1DFF0] =	vst v0  }
0x145: {  	[tilespmem:s14+$0x1E000] =	vst v0  }
0x146: {  	[tilespmem:s14+$0x1E010] =	vst v0;
	s13 =	sshll.u32 s25, $0x4  }
0x147: {  	[tilespmem:s14+$0x1E020] =	vst v0;
	s25 =	sadd.s32 $0x1DF00, s14;
	s13 =	sand.u32 $0x70, s13  }
0x148: {  	[tilespmem:s14+$0x1E030] =	vst v0;
	s13 =	sor.u32 s13, s25;
	s25 =	spop (v2sf)  }
0x149: {  	[tilespmem:s13+$0x0] =	vst v52;
	s13 =	sshll.u32 s25, $0x4  }
0x14a: {  	p0 =	slt.u32 s15, $0x20;
	[tilespmem:s14+$0x1E040] =	vst v0;
	s25 =	sadd.s32 $0x1DF80, s14;
	s13 =	sand.u32 $0x70, s13  }
.Ltmp2:
0x14b: {  	[tilespmem:s14+$0x1E050] =	vst v0;
	s13 =	sor.u32 s13, s25;
	s25 =	spop (v2sf);
	(pc) =	sbr.rel @p0 .LBB2_7-.Ltmp2, $4  }
0x14c: {  	[tilespmem:s13+$0x0] =	vst v58;
	s13 =	sshll.u32 s25, $0x4  }
0x14d: {  	[tilespmem:s14+$0x1E060] =	vst v0;
	s25 =	sadd.s32 $0x1E000, s14;
	s13 =	sand.u32 $0x70, s13  }
0x14e: {  	[tilespmem:s14+$0x1E070] =	vst v0;
	s13 =	sor.u32 s13, s25;
	s25 =	sadd.s32 $0x8, s15  }
0x14f: {  	[tilespmem:s13+$0x0] =	vst v10;
	s15 =	smov.u32 s25  }
0x150: {  	v9 =	vld [tilespmem:$0x16180]  }
0x151: {  	v10 =	vld [tilespmem:$0x16190]  }
0x152: {  	v11 =	vld [tilespmem:$0x16198];
	_ =	sdelay $0x2  }
0x153: {  	[tilespmem:$0x16380] =	vst v9  }
0x154: {  	[tilespmem:$0x16390] =	vst v10  }
0x155: {  	s13 =	simm.s32 $0x16280;
	[tilespmem:$0x16398] =	vst v11  }
0x156: {  	[spmem:s2] =	stream.indirect.scatter.add.f32 [tilespmem:s31], [sflag:$0x7], $0x80, s13, s20, $0xb8;
	[tilespmem:$0x1F100] =	vst v63  }
0x157: {  	p0 =	seq.s32 s9, $0x7C;
	_ =	swait.ge [sflag:s17], $0x1400  }
0x158: {  	s10 =	sadd.s32 @!p0 s10, s12;
	[sflag:s17] =	ssyncset.done $0x0  }
0x159: {  	s10 =	sshrl.u32 @!p0 s10, $0x3;
	[sflag:s17] =	ssyncadd.s32 $0xFFFFEC00  }
0x15a: {  	[spmem:s2] =	stream.indirect.scatter.add.f32 [tilespmem:s16], [sflag:$0x5], $0x80, s0, s20, $0xb8;
	[tilespmem:$0x1F100] =	vst v63  }
0x15b: {  	s14 =	simm.s32 @!p0 $0x0;
	s15 =	simm.s32 @!p0 $0x16080;
	s13 =	sadd.s32 @!p0 s7, s10  }
0x15c: {  	[tilespmem:s15], [sflag:$0x7] =	stream.linear.gather @!p0 [hbm4b:s13+s14], $0x28, $0x38;
	[tilespmem:$0x1F100] =	vst v63  }
0x15d: {  	s13 =	simm.s32 @!p0 $0x7  }
0x15e: {  	_ =	swait.ge @!p0 [sflag:s13], $0x28  }
0x15f: {  	[sflag:s13] =	ssyncset.done @!p0 $0x0  }
0x160: {  	s25 =	simm.s32 @!p0 $0x16180;
	s10 =	sadd.s32 @!p0 s8, s10;
	[sflag:s13] =	ssyncadd.s32 @!p0 $0xFFFFFFD8  }
0x161: {  	[tilespmem:s25], [sflag:$0x7] =	stream.linear.gather @!p0 [hbm4b:s10+s14], $0x28, $0x38;
	[tilespmem:$0x1F100] =	vst v63  }
0x162: {  	_ =	swait.ge @!p0 [sflag:s13], $0x28  }
0x163: {  	[sflag:s13] =	ssyncset.done @!p0 $0x0  }
0x164: {  	s10 =	simm.s32 @!p0 $0x28;
	[sflag:s13] =	ssyncadd.s32 @!p0 $0xFFFFFFD8;
	s13 =	simm.s32 @!p0 $0x16480  }
0x165: {  	[tilespmem:s13], [sflag:$0x1] =	stream.indirect.gather @!p0 [hbm4b:s1+s10], $0x80, s15, s10, $0xb8;
	[tilespmem:$0x1F100] =	vst v63  }
0x166: {  	s13 =	simm.s32 @!p0 $0x18C80  }
0x167: {  	[tilespmem:s13], [sflag:$0x3] =	stream.indirect.gather @!p0 [hbm4b:s5+s10], $0x80, s25, s10, $0xb8;
	[tilespmem:$0x1F100] =	vst v63  }
0x168: {  	v9 =	vld @!p0 [tilespmem:$0x16180]  }
0x169: {  	v10 =	vld @!p0 [tilespmem:$0x16190]  }
0x16a: {  	v11 =	vld @!p0 [tilespmem:$0x16198];
	_ =	sdelay $0x2  }
0x16b: {  	v9 =	vshra.s32 @!p0 v9, $0x3  }
0x16c: {  	v10 =	vshra.s32 @!p0 v10, $0x3;
	v9 =	vadd.s32 @!p0 $0x2710, v9  }
0x16d: {  	[tilespmem:$0x16280] =	vst @!p0 v9;
	v9 =	vadd.s32 @!p0 $0x2710, v10;
	v10 =	vshra.s32 @!p0 v11, $0x3  }
0x16e: {  	[tilespmem:$0x16290] =	vst @!p0 v9;
	v9 =	vadd.s32 @!p0 $0x2710, v10  }
0x16f: {  	[tilespmem:$0x16298] =	vst @!p0 v9  }
0x170: {  	_ =	swait.ge [sflag:s21], $0x1400  }
0x171: {  	[sflag:s21] =	ssyncset.done $0x0  }
0x172: {  	[sflag:s21] =	ssyncadd.s32 $0xFFFFEC00  }
0x173: {  	_ =	swait.ge [sflag:s22], $0x1400  }
0x174: {  	[sflag:s22] =	ssyncset.done $0x0  }
0x175: {  	s10 =	simm.s32 $0x0;
	[sflag:s22] =	ssyncadd.s32 $0xFFFFEC00  }
.LBB2_9:
0x176: {  	s14 =	sshll.u32 s10, $0x7  }
0x177: {  	v21 =	vld [tilespmem:s14+$0x17880]  }
0x178: {  	v22 =	vld [tilespmem:s14+$0x17890]  }
0x179: {  	v9 =	vld [tilespmem:s14+$0x1A080]  }
0x17a: {  	v10 =	vld [tilespmem:s14+$0x1A090]  }
0x17b: {  	v25 =	vld [tilespmem:s14+$0x178A0]  }
0x17c: {  	v11 =	vld [tilespmem:s14+$0x1A0A0]  }
0x17d: {  	v26 =	vld [tilespmem:s14+$0x178B0]  }
0x17e: {  	v12 =	vld [tilespmem:s14+$0x1A0B0]  }
0x17f: {  	v28 =	vld [tilespmem:s14+$0x178C0]  }
0x180: {  	v14 =	vld [tilespmem:s14+$0x1A0C0]  }
0x181: {  	v29 =	vld [tilespmem:s14+$0x178D0]  }
0x182: {  	v27 =	vld [tilespmem:s14+$0x1A0D0]  }
0x183: {  	v30 =	vld [tilespmem:s14+$0x178E0]  }
0x184: {  	v17 =	vld [tilespmem:s14+$0x1A0E0]  }
0x185: {  	v33 =	vld [tilespmem:s14+$0x1A0F0]  }
0x186: {  	v24 =	vld [tilespmem:s14+$0x17910];
	v9 =	vadd.f32 v9, v21;
	v10 =	vadd.f32 v10, v22  }
0x187: {  	v23 =	vld [tilespmem:s14+$0x17920]  }
0x188: {  	v19 =	vld [tilespmem:s14+$0x17930];
	v16 =	vadd.f32 v11, v25;
	v13 =	vmul.f32 $2.000000030e-01, v9;
	v15 =	vmul.f32 $2.000000030e-01, v10  }
0x189: {  	v42 =	vld [tilespmem:s14+$0x1A100];
	v12 =	vadd.f32 v12, v26  }
0x18a: {  	v45 =	vld [tilespmem:s14+$0x1A120];
	v31 =	vmul.f32 $2.000000030e-01, v16;
	v9 =	vmax.f32 v9, v13;
	v10 =	vmax.f32 v10, v15  }
0x18b: {  	v18 =	vld [tilespmem:s14+$0x1A130];
	v9 =	vmul.f32 v9, v1;
	v10 =	vmul.f32 v10, v2  }
0x18c: {  	v44 =	vld [tilespmem:s14+$0x1A110];
	v14 =	vadd.f32 v14, v28;
	v32 =	vmul.f32 $2.000000030e-01, v12;
	v15 =	vmax.f32 v16, v31  }
0x18d: {  	v11 =	vld [tilespmem:s14+$0x178F0];
	v37 =	vadd.f32 v17, v30;
	v9 =	vadd.f32 v10, v9;
	v10 =	vmul.f32 v15, v3  }
0x18e: {  	v46 =	vld [tilespmem:s14+$0x1A160];
	v34 =	vmul.f32 $2.000000030e-01, v14;
	v12 =	vmax.f32 v12, v32;
	v13 =	vadd.f32 v27, v29  }
0x18f: {  	v50 =	vld [tilespmem:s14+$0x1A1A0];
	v17 =	vadd.f32 v45, v23;
	v9 =	vadd.f32 v10, v9;
	v10 =	vmul.f32 v12, v4  }
0x190: {  	v18 =	vadd.f32 v18, v19;
	v35 =	vmax.f32 v14, v34;
	v27 =	vld [tilespmem:s14+$0x17900];
	v36 =	vmul.f32 $2.000000030e-01, v13  }
0x191: {  	v39 =	vmul.f32 $2.000000030e-01, v37;
	v14 =	vld [tilespmem:s14+$0x17950];
	v9 =	vadd.f32 v10, v9;
	v10 =	vmul.f32 v35, v5  }
0x192: {  	v31 =	vld [tilespmem:s14+$0x1A140];
	v40 =	vadd.f32 v33, v11;
	v33 =	vmul.f32 $2.000000030e-01, v17;
	v38 =	vmax.f32 v13, v36  }
0x193: {  	v47 =	vmul.f32 $2.000000030e-01, v18;
	v32 =	vld [tilespmem:s14+$0x1A150];
	v9 =	vadd.f32 v10, v9;
	v10 =	vmul.f32 v38, v6  }
0x194: {  	v41 =	vmax.f32 v37, v39;
	v39 =	vld [tilespmem:s14+$0x1A180];
	v15 =	vmul.f32 $2.000000030e-01, v40;
	v17 =	vmax.f32 v17, v33  }
0x195: {  	v33 =	vmax.f32 v18, v47;
	v18 =	vld [tilespmem:s14+$0x179B0];
	v9 =	vadd.f32 v10, v9;
	v10 =	vmul.f32 v41, v7  }
0x196: {  	v13 =	vld [tilespmem:s14+$0x17940];
	v48 =	vmul.f32 v17, v3;
	v43 =	vmax.f32 v40, v15  }
0x197: {  	v17 =	vld [tilespmem:s14+$0x179A0];
	v16 =	vadd.f32 v42, v27;
	v9 =	vadd.f32 v10, v9;
	v10 =	vmul.f32 v43, v8  }
0x198: {  	v12 =	vld [tilespmem:s14+$0x17960]  }
0x199: {  	v40 =	vld [tilespmem:s14+$0x1A190];
	v20 =	vmul.f32 $2.000000030e-01, v16;
	v9 =	vadd.f32 v10, v9  }
0x19a: {  	v32 =	vadd.f32 v32, v14;
	v42 =	vld [tilespmem:s14+$0x1A1B0]  }
0x19b: {  	v15 =	vadd.f32 v44, v24;
	v35 =	vld [tilespmem:s14+$0x1A170];
	v16 =	vmax.f32 v16, v20;
	v9 =	vmul.f32 $1.442695020e+00, v9  }
0x19c: {  	v37 =	vmul.f32 $2.000000030e-01, v32;
	v20 =	vld [tilespmem:s14+$0x179C0];
	v34 =	vmul.f32 v16, v1  }
0x19d: {  	v16 =	vld [tilespmem:s14+$0x17990];
	(erf) = vpow2.f32 v9;
	v9 =	vmul.f32 $2.000000030e-01, v15  }
0x19e: {  	v33 =	vmul.f32 v33, v4;
	v31 =	vadd.f32 v31, v13;
	v43 =	vld [tilespmem:s14+$0x1A1C0]  }
0x19f: {  	v49 =	vmax.f32 v32, v37;
	v32 =	vadd.f32 v50, v17;
	v10 =	vld [tilespmem:s14+$0x17970];
	v9 =	vmax.f32 v15, v9  }
0x1a0: {  	v42 =	vadd.f32 v42, v18;
	v36 =	vmul.f32 $2.000000030e-01, v31;
	v15 =	vld [tilespmem:s14+$0x17980];
	v9 =	vmul.f32 v9, v2  }
0x1a1: {  	v52 =	vmul.f32 v49, v6;
	v41 =	vadd.f32 v46, v12;
	v62 =	vmul.f32 $2.000000030e-01, v32  }
0x1a2: {  	v47 =	vmul.f32 $2.000000030e-01, v42;
	v31 =	vmax.f32 v31, v36;
	v9 =	vadd.f32 v9, v34  }
0x1a3: {  	v61 =	vld [tilespmem:s14+$0x1A1D0];
	v53 =	vmul.f32 $2.000000030e-01, v41;
	v32 =	vmax.f32 v32, v62;
	v56 =	vadd.f32 v40, v16  }
0x1a4: {  	v45 =	vld [tilespmem:s14+$0x1A1F0];
	v31 =	vmul.f32 v31, v5;
	v43 =	vadd.f32 v43, v20;
	v35 =	vadd.f32 v35, v10  }
0x1a5: {  	v44 =	vld [tilespmem:s14+$0x1A1E0];
	v32 =	vmul.f32 v32, v3;
	v59 =	vmul.f32 $2.000000030e-01, v56;
	v54 =	vadd.f32 v39, v15  }
0x1a6: {  	v46 =	vld [tilespmem:s14+$0x1A200];
	v60 =	vmul.f32 $2.000000030e-01, v35;
	v34 =	vadd.f32 v48, v9;
	v48 =	vmul.f32 $2.000000030e-01, v43;
	v9 =	vpop (erf)  }
0x1a7: {  	v55 =	vmax.f32 v41, v53;
	v53 =	vld [tilespmem:s14+$0x1A220];
	v58 =	vmul.f32 $2.000000030e-01, v54;
	v38 =	vmul.f32 v9, v21  }
0x1a8: {  	v33 =	vadd.f32 v33, v34;
	v36 =	vmul.f32 v9, v22;
	v21 =	vld [tilespmem:s14+$0x179D0];
	v37 =	vmul.f32 v9, v25  }
0x1a9: {  	v34 =	vmul.f32 v9, v26;
	v22 =	vld [tilespmem:s14+$0x179E0];
	v39 =	vmul.f32 v9, v28;
	v28 =	vmax.f32 v56, v59  }
0x1aa: {  	v25 =	vld [tilespmem:s14+$0x179F0];
	v51 =	vadd.f32 v31, v33;
	v26 =	vmax.f32 v54, v58;
	v28 =	vmul.f32 v28, v2  }
0x1ab: {  	v33 =	vmax.f32 v42, v47;
	v47 =	vmul.f32 v9, v29;
	v29 =	vld [tilespmem:s14+$0x17A20];
	v63 =	vmul.f32 v26, v1  }
0x1ac: {  	v57 =	vmul.f32 v55, v7;
	v35 =	vmax.f32 v35, v60;
	v26 =	vld [tilespmem:s14+$0x17A00];
	v31 =	vadd.f32 v52, v51  }
0x1ad: {  	v49 =	vld [tilespmem:s14+$0x1A210];
	v35 =	vmul.f32 v35, v8;
	v50 =	vmax.f32 v43, v48;
	v40 =	vadd.f32 v28, v63  }
0x1ae: {  	v43 =	vmul.f32 v9, v30;
	v28 =	vld [tilespmem:s14+$0x17A10];
	v31 =	vadd.f32 v57, v31;
	v41 =	vadd.f32 v61, v21  }
0x1af: {  	v30 =	vld [tilespmem:s14+$0x17A30];
	v33 =	vmul.f32 v33, v4;
	v54 =	vadd.f32 v44, v22;
	v45 =	vadd.f32 v45, v25  }
0x1b0: {  	v52 =	vmul.f32 v50, v5;
	v57 =	vld [tilespmem:s14+$0x1A230];
	v32 =	vadd.f32 v32, v40;
	v50 =	vadd.f32 v53, v29  }
0x1b1: {  	v31 =	vadd.f32 v35, v31;
	v51 =	vmul.f32 $2.000000030e-01, v41;
	v56 =	vadd.f32 v46, v26;
	v35 =	vld [tilespmem:s14+$0x17A70]  }
0x1b2: {  	v58 =	vmul.f32 $2.000000030e-01, v54;
	v62 =	vmul.f32 $2.000000030e-01, v45;
	v32 =	vadd.f32 v33, v32;
	v33 =	vld [tilespmem:s14+$0x17A60]  }
0x1b3: {  	v63 =	vmul.f32 $2.000000030e-01, v50;
	v31 =	vmul.f32 $1.442695020e+00, v31;
	v40 =	vadd.f32 v49, v28;
	v49 =	vld [tilespmem:s14+$0x1A240]  }
0x1b4: {  	v41 =	vmax.f32 v41, v51;
	v59 =	vmul.f32 $2.000000030e-01, v56;
	v42 =	vmax.f32 v54, v58;
	v51 =	vld [tilespmem:s14+$0x1A250]  }
0x1b5: {  	v54 =	vmul.f32 v9, v11;
	v32 =	vadd.f32 v52, v32;
	v55 =	vmul.f32 v41, v6;
	v52 =	vld [tilespmem:s14+$0x1A260]  }
0x1b6: {  	v61 =	vmul.f32 v42, v7;
	v44 =	vadd.f32 v57, v30;
	(erf) = vpow2.f32 v31;
	v31 =	vld [tilespmem:s14+$0x17A40]  }
0x1b7: {  	v46 =	vmax.f32 v50, v63;
	v42 =	vmax.f32 v45, v62;
	v57 =	vld [tilespmem:s14+$0x1A270];
	v60 =	vmul.f32 $2.000000030e-01, v40  }
0x1b8: {  	v41 =	vmax.f32 v56, v59;
	v56 =	vmul.f32 v46, v3;
	v48 =	vadd.f32 v55, v32;
	v32 =	vld [tilespmem:s14+$0x17A50]  }
0x1b9: {  	v42 =	vmul.f32 v42, v8;
	v55 =	vmul.f32 $2.000000030e-01, v44;
	v40 =	vmax.f32 v40, v60  }
0x1ba: {  	v41 =	vmul.f32 v41, v1;
	v48 =	vadd.f32 v61, v48;
	v40 =	vmul.f32 v40, v2  }
0x1bb: {  	v53 =	vld [tilespmem:s14+$0x1A280];
	v44 =	vmax.f32 v44, v55;
	v52 =	vadd.f32 v52, v33;
	v49 =	vadd.f32 v49, v31  }
0x1bc: {  	v63 =	vld [tilespmem:s14+$0x1A290];
	v44 =	vmul.f32 v44, v4;
	v41 =	vadd.f32 v40, v41;
	v48 =	vadd.f32 v42, v48  }
0x1bd: {  	v46 =	vadd.f32 v57, v35;
	v40 =	vld [tilespmem:s14+$0x17A80];
	v51 =	vadd.f32 v51, v32;
	v60 =	vmul.f32 $2.000000030e-01, v49  }
0x1be: {  	v42 =	vld [tilespmem:s14+$0x17AA0];
	v58 =	vmul.f32 $2.000000030e-01, v52;
	v45 =	vadd.f32 v56, v41;
	v48 =	vmul.f32 $1.442695020e+00, v48  }
0x1bf: {  	v55 =	vmul.f32 $2.000000030e-01, v46;
	v41 =	vld [tilespmem:s14+$0x17A90];
	v61 =	vmul.f32 $2.000000030e-01, v51;
	v49 =	vmax.f32 v49, v60  }
0x1c0: {  	v56 =	vld [tilespmem:s14+$0x17AC0];
	v44 =	vadd.f32 v44, v45;
	v11 =	vpop (erf);
	(erf) = vpow2.f32 v48;
	v62 =	vmul.f32 v49, v5  }
0x1c1: {  	v50 =	vmax.f32 v51, v61;
	v27 =	vmul.f32 v11, v27;
	v51 =	vmax.f32 v52, v58;
	v52 =	vld [tilespmem:s14+$0x17AB0]  }
0x1c2: {  	v61 =	vadd.f32 v53, v40;
	v24 =	vmul.f32 v11, v24;
	v59 =	vmul.f32 v50, v6;
	v50 =	vld [tilespmem:s14+$0x1A2A0]  }
0x1c3: {  	[tilespmem:s14+$0x1C880] =	vst v38;
	v23 =	vmul.f32 v11, v23;
	v19 =	vmul.f32 v11, v19;
	v44 =	vadd.f32 v62, v44;
	v62 =	vld [tilespmem:s14+$0x1A2B0]  }
0x1c4: {  	[tilespmem:s14+$0x1C890] =	vst v36;
	v48 =	vld [tilespmem:s14+$0x1A2C0];
	v13 =	vmul.f32 v11, v13;
	v14 =	vmul.f32 v11, v14;
	v49 =	vadd.f32 v63, v41  }
0x1c5: {  	v36 =	vld [tilespmem:s14+$0x17AE0];
	[tilespmem:s14+$0x1C8A0] =	vst v37;
	v60 =	vmul.f32 v51, v7;
	v63 =	vmul.f32 $2.000000030e-01, v61;
	v44 =	vadd.f32 v59, v44  }
0x1c6: {  	[tilespmem:s14+$0x1C8B0] =	vst v34;
	v46 =	vmax.f32 v46, v55;
	v55 =	vld [tilespmem:s14+$0x17AD0];
	v12 =	vmul.f32 v11, v12;
	v57 =	vmul.f32 $2.000000030e-01, v49  }
0x1c7: {  	[tilespmem:s14+$0x1C8C0] =	vst v39;
	v45 =	vmax.f32 v61, v63;
	v44 =	vadd.f32 v60, v44;
	v60 =	vmul.f32 v46, v8;
	v46 =	vld [tilespmem:s14+$0x1A2D0]  }
0x1c8: {  	v34 =	vld [tilespmem:s14+$0x17AF0];
	[tilespmem:s14+$0x1C8E0] =	vst v43;
	v50 =	vadd.f32 v50, v42;
	v49 =	vmax.f32 v49, v57;
	v53 =	vadd.f32 v62, v52  }
0x1c9: {  	[tilespmem:s14+$0x1C8D0] =	vst v47;
	v48 =	vadd.f32 v48, v56;
	v62 =	vmul.f32 v45, v1;
	v63 =	vmul.f32 v49, v2;
	v45 =	vld [tilespmem:s14+$0x1A2E0]  }
0x1ca: {  	[tilespmem:s14+$0x1C8F0] =	vst v54;
	v61 =	vmul.f32 $2.000000030e-01, v50;
	v37 =	vadd.f32 v60, v44;
	v60 =	vld [tilespmem:s14+$0x1A2F0];
	v58 =	vmul.f32 $2.000000030e-01, v53  }
0x1cb: {  	v10 =	vmul.f32 v11, v10;
	[tilespmem:s14+$0x1C900] =	vst v27;
	v38 =	vadd.f32 v63, v62;
	v62 =	vmul.f32 $2.000000030e-01, v48  }
0x1cc: {  	[tilespmem:s14+$0x1C910] =	vst v24;
	v57 =	vmax.f32 v50, v61;
	v61 =	vmax.f32 v53, v58;
	v46 =	vadd.f32 v46, v55  }
0x1cd: {  	[tilespmem:s14+$0x1C920] =	vst v23;
	v59 =	vmul.f32 v57, v3;
	v63 =	vmul.f32 v61, v4  }
0x1ce: {  	[tilespmem:s14+$0x1C930] =	vst v19;
	v45 =	vadd.f32 v45, v36;
	v61 =	vmul.f32 $1.442695020e+00, v37;
	v51 =	vmul.f32 $2.000000030e-01, v46  }
0x1cf: {  	[tilespmem:s14+$0x1C940] =	vst v13;
	v50 =	vmax.f32 v48, v62;
	v38 =	vadd.f32 v59, v38;
	v59 =	vadd.f32 v60, v34  }
0x1d0: {  	[tilespmem:s14+$0x1C950] =	vst v14;
	v54 =	vmul.f32 v50, v5;
	(erf) = vpow2.f32 v61;
	v57 =	vmax.f32 v46, v51  }
0x1d1: {  	[tilespmem:s14+$0x1C960] =	vst v12;
	v53 =	vadd.f32 v63, v38;
	v63 =	vmul.f32 $2.000000030e-01, v59;
	v24 =	vmul.f32 v57, v6  }
0x1d2: {  	[tilespmem:s14+$0x1C970] =	vst v10  }
0x1d3: {  	v58 =	vmul.f32 $2.000000030e-01, v45;
	v60 =	vadd.f32 v54, v53;
	v37 =	vmax.f32 v59, v63;
	v59 =	vld [tilespmem:s10+$0x16200];
	[tilespmem:s14+$0x1DC80] =	vst v0  }
0x1d4: {  	[tilespmem:s14+$0x1DC90] =	vst v0  }
0x1d5: {  	v62 =	vmax.f32 v45, v58;
	[tilespmem:s14+$0x1DCA0] =	vst v0;
	v23 =	vadd.f32 v24, v60;
	v24 =	vpop (erf)  }
0x1d6: {  	v19 =	vmul.f32 v62, v7;
	[tilespmem:s14+$0x1DCB0] =	vst v0;
	v38 =	vmul.f32 v24, v15  }
0x1d7: {  	v12 =	vld [tilespmem:s14+$0x17B40];
	[tilespmem:s14+$0x1DCC0] =	vst v0;
	v10 =	vmul.f32 v24, v16  }
0x1d8: {  	v61 =	vld [tilespmem:s10+$0x16201];
	v14 =	vmul.f32 v37, v8;
	v13 =	vadd.f32 v19, v23;
	v39 =	vmul.f32 v24, v17;
	[tilespmem:s14+$0x1C980] =	vst v38  }
0x1d9: {  	v43 =	vmul.f32 v24, v20;
	v20 =	vld [tilespmem:s14+$0x17B00];
	[tilespmem:s14+$0x1C990] =	vst v10;
	v10 =	vmul.f32 v24, v18;
	v17 =	vpop (erf)  }
0x1da: {  	v19 =	vld [tilespmem:s14+$0x17B10];
	v13 =	vadd.f32 v14, v13;
	[tilespmem:s14+$0x1C9A0] =	vst v39;
	v47 =	vmul.f32 v17, v31  }
0x1db: {  	v15 =	vld [tilespmem:s14+$0x17B30];
	[tilespmem:s14+$0x1C9B0] =	vst v10;
	v10 =	vmul.f32 v24, v21  }
0x1dc: {  	v16 =	vld [tilespmem:s14+$0x17B50];
	v48 =	vmul.f32 v17, v33;
	v13 =	vmul.f32 $1.442695020e+00, v13;
	[tilespmem:s14+$0x1CA40] =	vst v47  }
0x1dd: {  	v18 =	vld [tilespmem:s14+$0x17B20];
	[tilespmem:s14+$0x1C9D0] =	vst v10;
	v10 =	vmul.f32 v24, v25  }
0x1de: {  	[tilespmem:s14+$0x1CA60] =	vst v48;
	v47 =	vld [tilespmem:s14+$0x1A350];
	(erf) = vpow2.f32 v13  }
0x1df: {  	v48 =	vld [tilespmem:s14+$0x1A360];
	[tilespmem:s14+$0x1C9F0] =	vst v10;
	v10 =	vmul.f32 v17, v28  }
0x1e0: {  	v44 =	vmul.f32 v24, v22;
	(v2sf) =	vpush v59, $0x0;
	[tilespmem:s14+$0x1C9C0] =	vst v43;
	v13 =	vld [tilespmem:s14+$0x17B60]  }
0x1e1: {  	v39 =	vld [tilespmem:s14+$0x1A310];
	[tilespmem:s14+$0x1CA10] =	vst v10;
	v10 =	vmul.f32 v17, v30  }
0x1e2: {  	[tilespmem:s14+$0x1C9E0] =	vst v44;
	v38 =	vld [tilespmem:s14+$0x1A300];
	v45 =	vmul.f32 v17, v26  }
0x1e3: {  	v14 =	vld [tilespmem:s14+$0x17B70];
	v46 =	vmul.f32 v17, v29;
	[tilespmem:s14+$0x1CA30] =	vst v10;
	v10 =	vmul.f32 v17, v32  }
0x1e4: {  	v49 =	vmul.f32 v17, v35;
	[tilespmem:s14+$0x1CA00] =	vst v45;
	v45 =	vld [tilespmem:s14+$0x1A340]  }
0x1e5: {  	[tilespmem:s14+$0x1CA20] =	vst v46;
	v25 =	vld [tilespmem:s14+$0x17BC0];
	v26 =	vadd.f32 v48, v13;
	v32 =	vadd.f32 v47, v16  }
0x1e6: {  	[tilespmem:s14+$0x1CA70] =	vst v49;
	v43 =	vadd.f32 v39, v19;
	v63 =	vld [tilespmem:s10+$0x16202]  }
0x1e7: {  	(v2sf) =	vpush v61, $0x0;
	v47 =	vld [tilespmem:s14+$0x1A3D0];
	v61 =	vmul.f32 $2.000000030e-01, v26;
	[tilespmem:s14+$0x1CA50] =	vst v10;
	v59 =	vmul.f32 $2.000000030e-01, v32;
	v10 =	vpop (erf)  }
0x1e8: {  	[tilespmem:s14+$0x1DCD0] =	vst v0;
	v46 =	vmul.f32 $2.000000030e-01, v43;
	v28 =	vld [tilespmem:s10+$0x16203];
	v50 =	vmul.f32 v10, v40  }
0x1e9: {  	[tilespmem:s14+$0x1DCE0] =	vst v0;
	v30 =	vmax.f32 v32, v59;
	v32 =	vmax.f32 v26, v61;
	v26 =	vld [tilespmem:s14+$0x17BD0];
	v51 =	vmul.f32 v10, v41  }
0x1ea: {  	v53 =	vmul.f32 v10, v42;
	v40 =	vld [tilespmem:s14+$0x1A320];
	[tilespmem:s14+$0x1CA80] =	vst v50  }
0x1eb: {  	v21 =	vmax.f32 v43, v46;
	v54 =	vmul.f32 v10, v52;
	v42 =	vld [tilespmem:s14+$0x1A330];
	[tilespmem:s14+$0x1CA90] =	vst v51  }
0x1ec: {  	v57 =	vmul.f32 v10, v56;
	v52 =	vmul.f32 v21, v2;
	v21 =	vld [tilespmem:s14+$0x17B80];
	[tilespmem:s14+$0x1CAA0] =	vst v53  }
0x1ed: {  	v58 =	vmul.f32 v10, v55;
	v56 =	vld [tilespmem:s14+$0x1A380];
	[tilespmem:s14+$0x1CAB0] =	vst v54  }
0x1ee: {  	v29 =	vadd.f32 v45, v12;
	v60 =	vmul.f32 v10, v36;
	[tilespmem:s14+$0x1CAC0] =	vst v57;
	v50 =	vld [tilespmem:s14+$0x1A370]  }
0x1ef: {  	s13 =	spop (v2sf);
	v62 =	vmul.f32 v10, v34;
	v41 =	vadd.f32 v38, v20;
	[tilespmem:s14+$0x1CAD0] =	vst v58;
	v58 =	vld [tilespmem:s14+$0x1A390]  }
0x1f0: {  	s13 =	sshll.u32 s13, $0x4;
	v55 =	vmul.f32 $2.000000030e-01, v29;
	[tilespmem:s14+$0x1CAE0] =	vst v60;
	v60 =	vld [tilespmem:s14+$0x1A3A0]  }
0x1f1: {  	s15 =	sadd.s32 $0x1DC80, s14;
	s13 =	sand.u32 $0x70, s13;
	[tilespmem:s14+$0x1CAF0] =	vst v62;
	v44 =	vmul.f32 $2.000000030e-01, v41;
	v62 =	vmul.f32 v30, v6;
	v30 =	vld [tilespmem:s14+$0x17C20]  }
0x1f2: {  	[tilespmem:s14+$0x1DCF0] =	vst v0;
	(v2sf) =	vpush v63, $0x0;
	s13 =	sor.u32 s13, s15;
	v31 =	vld [tilespmem:s10+$0x16204];
	v23 =	vadd.f32 v40, v18  }
0x1f3: {  	v32 =	vmul.f32 v32, v7;
	v29 =	vmax.f32 v29, v55;
	[tilespmem:s13+$0x0] =	vst v9;
	v9 =	vld [tilespmem:s14+$0x17BB0];
	v22 =	vmax.f32 v41, v44  }
0x1f4: {  	[tilespmem:s14+$0x1DD00] =	vst v0;
	v27 =	vadd.f32 v42, v15;
	v51 =	vmul.f32 v22, v1;
	v22 =	vld [tilespmem:s14+$0x17B90];
	v49 =	vmul.f32 $2.000000030e-01, v23  }
0x1f5: {  	[tilespmem:s14+$0x1DD10] =	vst v0;
	v29 =	vmul.f32 v29, v5;
	(v2sf) =	vpush v28, $0x0;
	v44 =	vld [tilespmem:s14+$0x1A3C0];
	v63 =	vadd.f32 v56, v21  }
0x1f6: {  	[tilespmem:s14+$0x1DD20] =	vst v0;
	v42 =	vld [tilespmem:s14+$0x1A3B0];
	v56 =	vadd.f32 v47, v26;
	v53 =	vmul.f32 $2.000000030e-01, v27;
	v23 =	vmax.f32 v23, v49  }
0x1f7: {  	[tilespmem:s14+$0x1DD30] =	vst v0;
	v34 =	vadd.f32 v52, v51;
	v43 =	vmul.f32 $2.000000030e-01, v63;
	v54 =	vmul.f32 v23, v3;
	v23 =	vld [tilespmem:s14+$0x17BA0]  }
0x1f8: {  	[tilespmem:s14+$0x1DD40] =	vst v0;
	s15 =	spop (v2sf);
	v28 =	vld [tilespmem:s14+$0x17BF0];
	v33 =	vadd.f32 v50, v14;
	(v2sf) =	vpush v31, $0x0;
	v27 =	vmax.f32 v27, v53  }
0x1f9: {  	[tilespmem:s14+$0x1DD50] =	vst v0;
	s13 =	sshll.u32 s15, $0x4;
	v50 =	vld [tilespmem:s14+$0x1A3E0];
	v27 =	vmul.f32 v27, v4;
	v57 =	vadd.f32 v54, v34;
	v34 =	vadd.f32 v58, v22  }
0x1fa: {  	s25 =	sadd.s32 $0x1DD00, s14;
	[tilespmem:s14+$0x1DD60] =	vst v0;
	s13 =	sand.u32 $0x70, s13;
	v52 =	vld [tilespmem:s14+$0x1A3F0];
	v46 =	vmax.f32 v63, v43;
	v38 =	vadd.f32 v44, v25;
	v53 =	vmul.f32 $2.000000030e-01, v33  }
0x1fb: {  	[tilespmem:s14+$0x1DD70] =	vst v0;
	s13 =	sor.u32 s13, s25;
	v31 =	vld [tilespmem:s14+$0x17C30];
	v36 =	vadd.f32 v42, v9;
	v27 =	vadd.f32 v27, v57;
	v45 =	vmul.f32 $2.000000030e-01, v34  }
0x1fc: {  	[tilespmem:s13+$0x0] =	vst v11;
	v63 =	vld [tilespmem:s14+$0x1A410];
	v11 =	vmul.f32 v46, v1;
	v55 =	vmul.f32 $2.000000030e-01, v38;
	v35 =	vadd.f32 v60, v23  }
0x1fd: {  	[tilespmem:s14+$0x1DD80] =	vst v0;
	v51 =	vmul.f32 $2.000000030e-01, v36;
	v60 =	vld [tilespmem:s14+$0x1A400];
	v27 =	vadd.f32 v29, v27;
	v34 =	vmax.f32 v34, v45  }
0x1fe: {  	[tilespmem:s14+$0x1DD90] =	vst v0;
	v61 =	vmax.f32 v38, v55;
	v45 =	vld [tilespmem:s14+$0x1A420];
	v48 =	vmul.f32 $2.000000030e-01, v35;
	v49 =	vmul.f32 v34, v2  }
0x1ff: {  	[tilespmem:s14+$0x1DDA0] =	vst v0;
	v36 =	vmax.f32 v36, v51;
	v57 =	vmax.f32 v33, v53;
	v29 =	vadd.f32 v62, v27;
	v27 =	vld [tilespmem:s14+$0x17BE0]  }
0x200: {  	[tilespmem:s14+$0x1DDB0] =	vst v0;
	v43 =	vmul.f32 v61, v5;
	v35 =	vmax.f32 v35, v48;
	v54 =	vadd.f32 v49, v11;
	v11 =	vld [tilespmem:s14+$0x17C00]  }
0x201: {  	[tilespmem:s14+$0x1DDC0] =	vst v0;
	v62 =	vmul.f32 $2.000000030e-01, v56;
	v32 =	vadd.f32 v32, v29;
	v35 =	vmul.f32 v35, v3;
	v29 =	vld [tilespmem:s14+$0x17C10]  }
0x202: {  	[tilespmem:s14+$0x1DDD0] =	vst v0;
	s15 =	spop (v2sf);
	v59 =	vmul.f32 v36, v4;
	v40 =	vmul.f32 v57, v8;
	v48 =	vld [tilespmem:s14+$0x1A430]  }
0x203: {  	[tilespmem:s14+$0x1DDE0] =	vst v0;
	s13 =	sshll.u32 s15, $0x4;
	v44 =	vmax.f32 v56, v62;
	v37 =	vadd.f32 v45, v30;
	v58 =	vadd.f32 v35, v54  }
0x204: {  	[tilespmem:s14+$0x1DDF0] =	vst v0;
	s25 =	sadd.s32 $0x1DD80, s14;
	s13 =	sand.u32 $0x70, s13;
	v46 =	vmul.f32 v44, v6;
	v32 =	vadd.f32 v40, v32;
	v34 =	vadd.f32 v50, v27  }
0x205: {  	[tilespmem:s14+$0x1DE00] =	vst v0;
	s13 =	sor.u32 s13, s25;
	v50 =	vadd.f32 v52, v28;
	v56 =	vmul.f32 $2.000000030e-01, v37;
	v33 =	vadd.f32 v59, v58  }
0x206: {  	[tilespmem:s13+$0x0] =	vst v24;
	v24 =	vld [tilespmem:s14+$0x17C40];
	v32 =	vmul.f32 $1.442695020e+00, v32;
	v36 =	vadd.f32 v60, v11;
	v49 =	vadd.f32 v63, v29  }
0x207: {  	[tilespmem:s14+$0x1DE10] =	vst v0;
	v52 =	vld [tilespmem:s14+$0x1A440];
	v41 =	vadd.f32 v48, v31;
	v47 =	vmul.f32 $2.000000030e-01, v34;
	v37 =	vmax.f32 v37, v56  }
0x208: {  	[tilespmem:s14+$0x1DE20] =	vst v0;
	v55 =	vld [tilespmem:s14+$0x1A450];
	v33 =	vadd.f32 v43, v33;
	v51 =	vmul.f32 $2.000000030e-01, v36;
	v53 =	vmul.f32 $2.000000030e-01, v49  }
0x209: {  	[tilespmem:s14+$0x1DE30] =	vst v0;
	(erf) = vpow2.f32 v32;
	v32 =	vld [tilespmem:s14+$0x17C50];
	v58 =	vmul.f32 $2.000000030e-01, v41;
	v34 =	vmax.f32 v34, v47  }
0x20a: {  	[tilespmem:s14+$0x1DE40] =	vst v0;
	v57 =	vld [tilespmem:s14+$0x1A460];
	v34 =	vmul.f32 v34, v7;
	v36 =	vmax.f32 v36, v51;
	v35 =	vmax.f32 v49, v53  }
0x20b: {  	[tilespmem:s14+$0x1DE50] =	vst v0;
	s15 =	spop (v2sf);
	v43 =	vld [tilespmem:s14+$0x17C60];
	v33 =	vadd.f32 v46, v33;
	v36 =	vmul.f32 v36, v1;
	v35 =	vmul.f32 v35, v2  }
0x20c: {  	[tilespmem:s14+$0x1DE60] =	vst v0;
	s13 =	sshll.u32 s15, $0x4;
	v44 =	vld [tilespmem:s14+$0x17C70];
	v54 =	vmul.f32 $2.000000030e-01, v50;
	v59 =	vmul.f32 v37, v3;
	v40 =	vadd.f32 v52, v24  }
0x20d: {  	[tilespmem:s14+$0x1DE70] =	vst v0;
	s25 =	sadd.s32 $0x1DE00, s14;
	s13 =	sand.u32 $0x70, s13;
	v60 =	vld [tilespmem:s14+$0x1A470];
	v61 =	vmax.f32 v41, v58;
	v33 =	vadd.f32 v34, v33;
	v35 =	vadd.f32 v35, v36  }
0x20e: {  	[tilespmem:s14+$0x1DE80] =	vst v0;
	s13 =	sor.u32 s13, s25;
	v34 =	vmax.f32 v50, v54;
	v62 =	vmul.f32 $2.000000030e-01, v40;
	v39 =	vadd.f32 v55, v32  }
0x20f: {  	[tilespmem:s13+$0x0] =	vst v17;
	v17 =	vmul.f32 v61, v4;
	v34 =	vmul.f32 v34, v8;
	v63 =	vadd.f32 v59, v35  }
0x210: {  	[tilespmem:s14+$0x1DE90] =	vst v0;
	v38 =	vadd.f32 v57, v43;
	v42 =	vmax.f32 v40, v62;
	v45 =	vmul.f32 $2.000000030e-01, v39  }
0x211: {  	[tilespmem:s14+$0x1DEA0] =	vst v0;
	v33 =	vadd.f32 v34, v33;
	v46 =	vmul.f32 v42, v5;
	v17 =	vadd.f32 v17, v63  }
0x212: {  	[tilespmem:s14+$0x1DEB0] =	vst v0;
	v37 =	vadd.f32 v60, v44;
	v48 =	vmul.f32 $2.000000030e-01, v38;
	v47 =	vmax.f32 v39, v45  }
0x213: {  	[tilespmem:s14+$0x1DEC0] =	vst v0;
	s15 =	spop (v2sf);
	v33 =	vmul.f32 $1.442695020e+00, v33;
	v49 =	vmul.f32 v47, v6;
	v17 =	vadd.f32 v46, v17  }
0x214: {  	[tilespmem:s14+$0x1DED0] =	vst v0;
	s13 =	sshll.u32 s15, $0x4;
	v51 =	vmul.f32 $2.000000030e-01, v37;
	v50 =	vmax.f32 v38, v48  }
0x215: {  	[tilespmem:s14+$0x1DEE0] =	vst v0;
	s25 =	sadd.s32 $0x1DE80, s14;
	s13 =	sand.u32 $0x70, s13;
	(erf) = vpow2.f32 v33;
	v33 =	vmul.f32 v50, v7;
	v17 =	vadd.f32 v49, v17  }
0x216: {  	[tilespmem:s14+$0x1DEF0] =	vst v0;
	s13 =	sor.u32 s13, s25;
	v53 =	vmax.f32 v37, v51;
	v52 =	vpop (erf)  }
0x217: {  	[tilespmem:s13+$0x0] =	vst v10;
	v55 =	vmul.f32 v53, v8;
	v20 =	vmul.f32 v52, v20;
	v10 =	vadd.f32 v33, v17  }
0x218: {  	v54 =	vmul.f32 v52, v19  }
0x219: {  	v18 =	vmul.f32 v52, v18;
	[tilespmem:s14+$0x1CB00] =	vst v20;
	v10 =	vadd.f32 v55, v10  }
0x21a: {  	v15 =	vmul.f32 v52, v15;
	[tilespmem:s14+$0x1CB10] =	vst v54  }
0x21b: {  	v12 =	vmul.f32 v52, v12;
	[tilespmem:s14+$0x1CB20] =	vst v18;
	v10 =	vmul.f32 $1.442695020e+00, v10  }
0x21c: {  	v56 =	vmul.f32 v52, v16;
	[tilespmem:s14+$0x1CB30] =	vst v15  }
0x21d: {  	[tilespmem:s14+$0x1CB40] =	vst v12;
	(erf) = vpow2.f32 v10;
	v10 =	vmul.f32 v52, v14  }
0x21e: {  	v57 =	vmul.f32 v52, v13;
	[tilespmem:s14+$0x1CB50] =	vst v56;
	v58 =	vpop (erf)  }
0x21f: {  	[tilespmem:s14+$0x1CB70] =	vst v10;
	v10 =	vmul.f32 v58, v22  }
0x220: {  	[tilespmem:s14+$0x1CB60] =	vst v57;
	v59 =	vmul.f32 v58, v21  }
0x221: {  	[tilespmem:s14+$0x1CB90] =	vst v10;
	v10 =	vmul.f32 v58, v25  }
0x222: {  	v9 =	vmul.f32 v58, v9;
	[tilespmem:s14+$0x1CB80] =	vst v59  }
0x223: {  	v61 =	vmul.f32 v58, v23;
	[tilespmem:s14+$0x1CBC0] =	vst v10;
	v10 =	vmul.f32 v58, v27  }
0x224: {  	[tilespmem:s14+$0x1CBB0] =	vst v9;
	v9 =	vmul.f32 v58, v26;
	v60 =	vld [tilespmem:s10+$0x16205]  }
0x225: {  	[tilespmem:s14+$0x1CBA0] =	vst v61  }
0x226: {  	[tilespmem:s14+$0x1CBD0] =	vst v9;
	v9 =	vmul.f32 v58, v28  }
0x227: {  	[tilespmem:s14+$0x1CBE0] =	vst v10;
	v10 =	vpop (erf)  }
0x228: {  	[tilespmem:s14+$0x1CBF0] =	vst v9;
	v9 =	vmul.f32 v10, v11  }
0x229: {  	[tilespmem:s14+$0x1DF00] =	vst v0;
	(v2sf) =	vpush v60, $0x0;
	v11 =	vmul.f32 v10, v29  }
0x22a: {  	[tilespmem:s14+$0x1CC00] =	vst v9  }
0x22b: {  	v9 =	vld [tilespmem:s10+$0x16206];
	[tilespmem:s14+$0x1CC10] =	vst v11;
	v11 =	vmul.f32 v10, v31  }
0x22c: {  	[tilespmem:s14+$0x1DF10] =	vst v0;
	v62 =	vmul.f32 v10, v30  }
0x22d: {  	[tilespmem:s14+$0x1CC30] =	vst v11;
	v11 =	vmul.f32 v10, v32  }
0x22e: {  	v63 =	vmul.f32 v10, v24;
	[tilespmem:s14+$0x1CC20] =	vst v62  }
0x22f: {  	[tilespmem:s14+$0x1CC50] =	vst v11;
	v11 =	vmul.f32 v10, v44  }
0x230: {  	[tilespmem:s14+$0x1CC40] =	vst v63;
	(v2sf) =	vpush v9, $0x0;
	v9 =	vmul.f32 v10, v43  }
0x231: {  	[tilespmem:s14+$0x1CC70] =	vst v11  }
0x232: {  	[tilespmem:s14+$0x1CC60] =	vst v9  }
0x233: {  	[tilespmem:s14+$0x1DF20] =	vst v0;
	v9 =	vld [tilespmem:s10+$0x16207]  }
0x234: {  	[tilespmem:s14+$0x1DF30] =	vst v0  }
0x235: {  	[tilespmem:s14+$0x1DF40] =	vst v0  }
0x236: {  	[tilespmem:s14+$0x1DF50] =	vst v0  }
0x237: {  	[tilespmem:s14+$0x1DF60] =	vst v0  }
0x238: {  	[tilespmem:s14+$0x1DF70] =	vst v0;
	s15 =	spop (v2sf);
	(v2sf) =	vpush v9, $0x0  }
0x239: {  	[tilespmem:s14+$0x1DF80] =	vst v0  }
0x23a: {  	[tilespmem:s14+$0x1DF90] =	vst v0  }
0x23b: {  	[tilespmem:s14+$0x1DFA0] =	vst v0  }
0x23c: {  	[tilespmem:s14+$0x1DFB0] =	vst v0  }
0x23d: {  	[tilespmem:s14+$0x1DFC0] =	vst v0  }
0x23e: {  	[tilespmem:s14+$0x1DFD0] =	vst v0  }
0x23f: {  	[tilespmem:s14+$0x1DFE0] =	vst v0  }
0x240: {  	[tilespmem:s14+$0x1DFF0] =	vst v0  }
0x241: {  	[tilespmem:s14+$0x1E000] =	vst v0  }
0x242: {  	[tilespmem:s14+$0x1E010] =	vst v0;
	s13 =	sshll.u32 s15, $0x4  }
0x243: {  	s25 =	sadd.s32 $0x1DF00, s14;
	[tilespmem:s14+$0x1E020] =	vst v0;
	s13 =	sand.u32 $0x70, s13  }
0x244: {  	[tilespmem:s14+$0x1E030] =	vst v0;
	s13 =	sor.u32 s13, s25;
	s15 =	spop (v2sf)  }
0x245: {  	[tilespmem:s13+$0x0] =	vst v52;
	s13 =	sshll.u32 s15, $0x4  }
0x246: {  	p0 =	slt.u32 s10, $0x20;
	[tilespmem:s14+$0x1E040] =	vst v0;
	s25 =	sadd.s32 $0x1DF80, s14;
	s13 =	sand.u32 $0x70, s13  }
.Ltmp3:
0x247: {  	[tilespmem:s14+$0x1E050] =	vst v0;
	s13 =	sor.u32 s13, s25;
	s15 =	spop (v2sf);
	(pc) =	sbr.rel @p0 .LBB2_9-.Ltmp3, $4  }
0x248: {  	[tilespmem:s13+$0x0] =	vst v58;
	s13 =	sshll.u32 s15, $0x4  }
0x249: {  	[tilespmem:s14+$0x1E060] =	vst v0;
	s25 =	sadd.s32 $0x1E000, s14;
	s13 =	sand.u32 $0x70, s13  }
0x24a: {  	[tilespmem:s14+$0x1E070] =	vst v0;
	s13 =	sor.u32 s13, s25;
	s25 =	sadd.s32 $0x8, s10  }
0x24b: {  	[tilespmem:s13+$0x0] =	vst v10;
	s10 =	smov.u32 s25  }
0x24c: {  	v9 =	vld [tilespmem:$0x16200]  }
0x24d: {  	v10 =	vld [tilespmem:$0x16210]  }
0x24e: {  	v11 =	vld [tilespmem:$0x16218];
	_ =	sdelay $0x2  }
0x24f: {  	[tilespmem:$0x16400] =	vst v9  }
0x250: {  	s9 =	sadd.s32 $0x1, s9;
	[tilespmem:$0x16410] =	vst v10  }
0x251: {  	p0 =	sne.s32 s9, $0x7D;
	[tilespmem:$0x16418] =	vst v11  }
0x252: {  	[spmem:s2] =	stream.indirect.scatter.add.f32 [tilespmem:s31], [sflag:$0x7], $0x80, s18, s20, $0xb8;
	[tilespmem:$0x1F100] =	vst v63  }
.Ltmp4:
0x253: {  	_ = 	snop;
	(pc) =	sbr.rel @p0 .LBB2_6-.Ltmp4, $4  }
0x254: {  	_ =	swait.ge [sflag:s17], $0x1400  }
0x255: {  	[sflag:s17] =	ssyncset.done $0x0  }
0x256: {  	[sflag:s17] =	ssyncadd.s32 $0xFFFFEC00  }
0x257: {  	[spmem:s2] =	stream.indirect.scatter.add.f32 [tilespmem:s6], [sflag:$0x6], $0x80, s19, s20, $0xb8;
	[tilespmem:$0x1F100] =	vst v63  }
0x258: {  	s9 =	simm.s32 $0x5  }
0x259: {  	_ =	swait.ge [sflag:s9], $0x1400  }
0x25a: {  	[sflag:s9] =	ssyncset.done $0x0  }
0x25b: {  	s14 =	simm.s32 $0x6;
	[sflag:s9] =	ssyncadd.s32 $0xFFFFEC00  }
0x25c: {  	s15 =	sadd.s32 $0x0, s4;
	_ =	swait.ge [sflag:s14], $0x1400  }
0x25d: {  	p0 =	sgt.u32 s15, $0x119;
	[sflag:s14] =	ssyncset.done $0x0  }
0x25e: {  	s13 =	simm.s32 @!p0 $0x8;
	[sflag:s14] =	ssyncadd.s32 $0xFFFFEC00  }
0x25f: {  	s9 =	simm.s32 @!p0 $0x16480;
	p0 =	por p0, p0;
	[bflag:$0x0] =	sbarrier.arrive $0xFFFF  }
0x260: {  	[tilespmem:s9], [sflag:$0x8] =	stream.linear.gather @!p0 [spmem:s26], $0x1400, $0x38;
	[tilespmem:$0x1F100] =	vst v63  }
0x261: {  	s10 =	simm.s32 $0x20;
	_ =	swait.ge @!p0 [sflag:s13], $0x1400  }
0x262: {  	s25 =	sadd.s32 $0x10, s4;
	s15 =	simm.s32 @!p0 $0x7;
	[sflag:s13] =	ssyncset.done @!p0 $0x0  }
0x263: {  	s14 =	rddreg [dreg:$0x8];
	[sflag:s13] =	ssyncadd.s32 @!p0 $0xFFFFEC00;
	s13 =	simm.s32 @!p0 $0x0  }
0x264: {  	[hbm4b:s14+s13] =	stream.linear.scatter @!p0 [tilespmem:s9], [sflag:$0x7], $0x1400, $0x38;
	[tilespmem:$0x1F100] =	vst v63  }
0x265: {  	s30 =	smov.u32 s26;
	p1 =	sgt.u32 s25, $0x119;
	_ =	swait.ge @!p0 [sflag:s15], $0x1400  }
0x266: {  	s9 =	sadd.s32 $0x2800, s14;
	s14 =	sadd.s32 $0x14000, s26;
	[sflag:s15] =	ssyncset.done @!p0 $0x0  }
.LBB2_12:
0x267: {  	s13 =	simm.s32 @!p1 $0x16480;
	s25 =	simm.s32 @!p1 $0x8;
	[sflag:s15] =	ssyncadd.s32 @!p0 $0xFFFFEC00  }
0x268: {  	s26 =	smov.u32 s10;
	p0 =	por p1, p1;
	s10 =	sadd.s32 $0x10, s10  }
0x269: {  	[tilespmem:s13], [sflag:$0x8] =	stream.linear.gather @!p0 [spmem:s14], $0x1400, $0x38;
	[tilespmem:$0x1F100] =	vst v63  }
0x26a: {  	p2 =	sne.s32 s10, $0x120;
	_ =	swait.ge @!p0 [sflag:s25], $0x1400  }
.Ltmp5:
0x26b: {  	[sflag:s25] =	ssyncset.done @!p0 $0x0;
	(pc) =	sbr.rel @p2 .LBB2_12-.Ltmp5, $4  }
0x26c: {  	s15 =	simm.s32 @!p0 $0x7;
	[sflag:s25] =	ssyncadd.s32 @!p0 $0xFFFFEC00;
	s25 =	simm.s32 @!p0 $0x0  }
0x26d: {  	[hbm4b:s9+s25] =	stream.linear.scatter @!p0 [tilespmem:s13], [sflag:$0x7], $0x1400, $0x38;
	[tilespmem:$0x1F100] =	vst v63  }
0x26e: {  	s13 =	sadd.s32 s26, s4;
	s9 =	sadd.s32 $0x2800, s9;
	_ =	swait.ge @!p0 [sflag:s15], $0x1400  }
0x26f: {  	s14 =	sadd.s32 $0x14000, s14;
	p1 =	sgt.u32 s13, $0x119;
	[sflag:s15] =	ssyncset.done @!p0 $0x0  }
0x270: {  	s10 =	simm.s32 @!p1 $0x16480  }
0x271: {  	s13 =	simm.s32 @!p1 $0x8;
	[sflag:s15] =	ssyncadd.s32 @!p0 $0xFFFFEC00;
	p0 =	por p1, p1  }
0x272: {  	[tilespmem:s10], [sflag:$0x8] =	stream.linear.gather @!p0 [spmem:s14], $0x1400, $0x38;
	[tilespmem:$0x1F100] =	vst v63  }
0x273: {  	_ =	swait.ge @!p0 [sflag:s13], $0x1400  }
0x274: {  	[sflag:s13] =	ssyncset.done @!p0 $0x0  }
0x275: {  	s14 =	simm.s32 @!p0 $0x7;
	[sflag:s13] =	ssyncadd.s32 @!p0 $0xFFFFEC00;
	s13 =	simm.s32 @!p0 $0x0  }
0x276: {  	[hbm4b:s9+s13] =	stream.linear.scatter @!p0 [tilespmem:s10], [sflag:$0x7], $0x1400, $0x38;
	[tilespmem:$0x1F100] =	vst v63  }
0x277: {  	_ =	swait.ge @!p0 [sflag:s14], $0x1400  }
0x278: {  	s25 =	rddreg [dreg:$0x9]  }
0x279: {  	s26 =	rddreg [dreg:$0x7];
	s10 =	sadd.s32 $0x1, s25  }
0x27a: {  	p1 =	sne.s32 s10, s26  }
.Ltmp6:
0x27b: {  	_ = 	snop;
	(pc) =	sbr.rel @p1 .LBB2_1-.Ltmp6, $3  }
0x27c: {  	_ =	sdelay $0x1  }
0x27d: {  	[sflag:s14] =	ssyncset.done @!p0 $0x0  }
0x27e: {  	[sflag:s14] =	ssyncadd.s32 @!p0 $0xFFFFEC00;
	s26 =	smov.u32 s30;
	s30 =	simm.s32 $0x17880  }
0x27f: {  	_ =	sfence.sel $0x180000  }
0x280: {  	[bflag:$0x0] =	sbarrier.arrive $0xFFFF  }
0x281: {  	_ =	strace $0x90000047  }
0x282: {  	[bflag:$0x2] =	sbarrier.arrive $0xFFFF  }
0x283: {  	p0 =	sne.s32 s4, $0x0;
	s0 =	rddreg [dreg:$0x3]  }
0x284: {  	s0 =	sadd.s32 @!p0 $0x100000, s0  }
0x285: {  	[sflag:s0] =	ssyncadd.tile.s32 @!p0 $0x1;
	_ =	shalt  }
.Lfunc_end2:
_tile_overlayer_lowered:
.L_overlay_start_2:
0x286: {  	(tag) =	ssettag $0x2  }
0x287: {  	s0 =	rddreg [dreg:$0x0];
	s2 =	stileid.u32  }
0x288: {  	s1 =	rddreg [dreg:$0x1];
	p0 =	sne.s32 s2, $0x0  }
0x289: {  	s3 =	rddreg [dreg:$0x2];
	[bflag:$0x3] =	sbarrier.arrive $0xFFFF;
	s2 =	simm.s32 @!p0 $0x1C07  }
0x28a: {  	[timem:s3], [sflag:s2] =	dma.local @!p0 [hbm:s0], s1  }
0x28b: {  	s0 =	simm.s32 @!p0 $0x7  }
0x28c: {  	_ =	swait.ge @!p0 [sflag:s0], s1  }
0x28d: {  	s1 =	ssub.s32 @!p0 $0x0, s1;
	[sflag:s0] =	ssyncset.done @!p0 $0x0  }
0x28e: {  	[sflag:s0] =	ssyncadd.s32 @!p0 s1  }
0x28f: {  	[bflag:$0x3] =	sbarrier.arrive $0xFFFF  }
0x290: {  	_ =	shalt  }

</sc_bundles>
